<compile_context>
chip_gen: v7x
topology: tpu7x:2x2x1
jax: 0.10.2.dev20260603
libtpu: 0.0.44.dev20260713+nightly
codegen_flags: <defaults>
</compile_context>

<pallas_src>
import functools

import jax
import jax.numpy as jnp
from jax import lax
from jax.experimental import pallas as pl
from jax.experimental.pallas import tpu as pltpu
from jax.experimental.pallas import tpu_sc as plsc

B = 128
N = 4096
K = 32
TAU_INV = 2.0
EPS = 1e-7
L = 16
NC, NS = 2, 16
NW = NC * NS
SC_ROWS = 64
TC_ROWS = B - SC_ROWS
RPW = SC_ROWS // NW
GROUP = 16
STEP = GROUP * L


def _tree(vals, op):
    while len(vals) > 1:
        vals = [op(vals[i], vals[i + 1]) for i in range(0, len(vals), 2)]
    return vals[0]


def _lane_allreduce(v, op):
    dnums = lax.GatherDimensionNumbers(
        offset_dims=(), collapsed_slice_dims=(0,), start_index_map=(0,))
    for shift in (8, 4, 2, 1):
        idx = (lax.iota(jnp.int32, L) + shift) & (L - 1)
        perm = lax.gather(v, idx[:, None], dnums, slice_sizes=(1,),
                          mode=lax.GatherScatterMode.PROMISE_IN_BOUNDS)
        v = op(v, perm)
    return v


def _sc_body(l_hbm, g_hbm, out_hbm, wbuf, sbuf, khot, sem_l, sem_g):
    cid = lax.axis_index("c")
    sid = lax.axis_index("s")
    wid = sid * NC + cid
    base = wid * RPW

    cp_l = pltpu.make_async_copy(l_hbm.at[pl.ds(base, RPW)], wbuf, sem_l)
    cp_g = pltpu.make_async_copy(g_hbm.at[pl.ds(base, RPW)], sbuf, sem_g)
    cp_l.start()
    cp_g.start()
    cp_l.wait()
    cp_g.wait()

    for r in range(RPW):
        def maxbody(j, acc, r=r):
            i = j * STEP
            ws = []
            for u in range(GROUP):
                ix = pl.ds(i + u * L, L)
                w = wbuf[r, ix] + sbuf[r, ix]
                sbuf[r, ix] = w
                ws.append(w)
            return jnp.maximum(acc, _tree(ws, jnp.maximum))

        acc = lax.fori_loop(0, N // STEP, maxbody,
                            jnp.full((L,), -jnp.inf, dtype=jnp.float32))
        rmax = _lane_allreduce(acc, jnp.maximum)

        def initbody(j, acc, r=r, rmax=rmax):
            i = j * STEP
            svs = []
            for u in range(GROUP):
                ix = pl.ds(i + u * L, L)
                sv = jnp.exp((sbuf[r, ix] - rmax) * TAU_INV)
                sbuf[r, ix] = sv
                svs.append(sv)
            return acc + _tree(svs, jnp.add)

        acc = lax.fori_loop(0, N // STEP, initbody,
                            jnp.zeros((L,), dtype=jnp.float32))
        denom0 = _lane_allreduce(acc, jnp.add)

        inv0 = 1.0 / denom0

        def round0(j, acc, r=r, inv0=inv0):
            i = j * STEP
            sns = []
            for u in range(GROUP):
                ix = pl.ds(i + u * L, L)
                p = sbuf[r, ix] * inv0
                khot[r, ix] = p
                m = jnp.maximum(1.0 - p, EPS)
                sn = p * (m * m)
                sbuf[r, ix] = sn
                sns.append(sn)
            return acc + _tree(sns, jnp.add)

        acc = lax.fori_loop(0, N // STEP, round0,
                            jnp.zeros((L,), dtype=jnp.float32))
        denom1 = _lane_allreduce(acc, jnp.add)

        def roundbody(t, denom, r=r):
            inv = 1.0 / denom

            def chunkbody(j, acc, inv=inv):
                i = j * STEP
                sns = []
                for u in range(GROUP):
                    ix = pl.ds(i + u * L, L)
                    p = sbuf[r, ix] * inv
                    plsc.addupdate(khot.at[r, ix], p)
                    m = jnp.maximum(1.0 - p, EPS)
                    sn = p * (m * m)
                    sbuf[r, ix] = sn
                    sns.append(sn)
                return acc + _tree(sns, jnp.add)

            acc = lax.fori_loop(0, N // STEP, chunkbody,
                                jnp.zeros((L,), dtype=jnp.float32))
            return _lane_allreduce(acc, jnp.add)

        denomF = lax.fori_loop(0, K - 2, roundbody, denom1)

        invF = 1.0 / denomF

        def lastround(j, _, r=r, invF=invF):
            i = j * STEP
            for u in range(GROUP):
                ix = pl.ds(i + u * L, L)
                plsc.addupdate(khot.at[r, ix], sbuf[r, ix] * invF)
            return 0

        lax.fori_loop(0, N // STEP, lastround, 0)

    pltpu.sync_copy(khot, out_hbm.at[pl.ds(base, RPW)])


@functools.partial(
    pl.kernel,
    out_type=jax.ShapeDtypeStruct((SC_ROWS, N), jnp.float32),
    mesh=plsc.VectorSubcoreMesh(core_axis_name="c", subcore_axis_name="s"),
    scratch_types=[
        pltpu.VMEM((RPW, N), jnp.float32),
        pltpu.VMEM((RPW, N), jnp.float32),
        pltpu.VMEM((RPW, N), jnp.float32),
        pltpu.SemaphoreType.DMA,
        pltpu.SemaphoreType.DMA,
    ],
)
def _sample_subset_sc(l_hbm, g_hbm, out_hbm, wbuf, sbuf, khot, sem_l, sem_g):
    _sc_body(l_hbm, g_hbm, out_hbm, wbuf, sbuf, khot, sem_l, sem_g)


import numpy as _np


def _np_rotl(x, d):
    return (x << _np.uint32(d)) | (x >> _np.uint32(32 - d))


def _np_threefry2x32(k1, k2, x0, x1):
    rot = ((13, 15, 26, 6), (17, 29, 16, 24))
    ks = (_np.uint32(k1), _np.uint32(k2),
          _np.uint32(k1) ^ _np.uint32(k2) ^ _np.uint32(0x1BD11BDA))
    x = [x0 + ks[0], x1 + ks[1]]
    for g in range(5):
        for r in rot[g % 2]:
            x[0] = x[0] + x[1]
            x[1] = x[0] ^ _np_rotl(x[1], r)
        x[0] = x[0] + ks[(g + 1) % 3]
        x[1] = x[1] + ks[(g + 2) % 3] + _np.uint32(g + 1)
    return x


def _np_gumbel_key42():
    flat = _np.arange(B * N, dtype=_np.uint64)
    c1 = (flat >> _np.uint64(32)).astype(_np.uint32)
    c2 = (flat & _np.uint64(0xFFFFFFFF)).astype(_np.uint32)
    b1, b2 = _np_threefry2x32(0, 42, c1, c2)
    fb = ((b1 ^ b2) >> _np.uint32(9)) | _np.uint32(0x3F800000)
    floats = fb.view(_np.float32) - _np.float32(1.0)
    u = _np.maximum(_np.float32(1e-20),
                    floats * (_np.float32(1.0) - _np.float32(1e-20))
                    + _np.float32(1e-20))
    return (-_np.log(-_np.log(u))).reshape(B, N)


_GUMBEL = _np_gumbel_key42()


def _tc_body(l_ref, g_ref, o_ref):
    w = l_ref[...] + g_ref[...]
    rmax = jnp.max(w, axis=1, keepdims=True)
    s = jnp.exp((w - rmax) * TAU_INV)
    d = jnp.sum(s, axis=1, keepdims=True)
    p = s * (1.0 / d)

    def body(t, carry):
        p, khot = carry
        m = jnp.maximum(1.0 - p, EPS)
        sn = p * (m * m)
        d = jnp.sum(sn, axis=1, keepdims=True)
        p2 = sn * (1.0 / d)
        return (p2, khot + p2)

    _, khot = lax.fori_loop(0, K - 1, body, (p, p))
    o_ref[...] = khot


_sample_subset_tc = pl.pallas_call(
    _tc_body,
    out_shape=jax.ShapeDtypeStruct((TC_ROWS, N), jnp.float32),
)


def kernel(logits):
    l = jnp.reshape(logits, (B, N))
    g = jnp.asarray(_GUMBEL)
    out_sc = _sample_subset_sc(l[:SC_ROWS], g[:SC_ROWS])
    out_tc = _sample_subset_tc(l[SC_ROWS:], g[SC_ROWS:])
    out = jnp.concatenate([out_sc, out_tc], axis=0)
    return jnp.reshape(out, (B, N, 1))

# --- scband reference (transcript-rebuilt; emitter-appended) ---
"""Pipeline reference for scband-sample-subset-24137716204253 (READ-ONLY COPY).

The authoritative reference and input builder live on the scoring server;
editing this copy changes nothing except your own understanding.
"""

import jax, jax.numpy as jnp
import numpy as np

TAU0 = 0.5
K_SUBSET = 32
EPSILON = 1e-7

def sample_subset(logits, k, tau, key):
    # Relaxed subset sampling (Xie & Ermon style), as used in L2X-type models.
    u = jax.random.uniform(key, logits.shape, minval=1e-20, maxval=1.0, dtype=logits.dtype)
    gumbel = -jnp.log(-jnp.log(u))
    w = logits + gumbel
    khot = jnp.zeros_like(w)
    onehot_approx = jnp.zeros_like(w)
    for _ in range(k):
        khot_mask = jnp.maximum(1.0 - onehot_approx, EPSILON)
        w = w + jnp.log(khot_mask)
        onehot_approx = jax.nn.softmax(w / tau, axis=-1)
        khot = khot + onehot_approx
    return khot

def setup_inputs(seed: int = 0) -> dict:
    key = jax.random.key(seed)
    logits = jax.random.normal(key, (128, 4096, 1), dtype=jnp.float32)
    return {"logits": logits}

def reference(logits):
    l = jnp.squeeze(logits, 2)  # [B, N]
    noise_key = jax.random.key(42)
    samples = sample_subset(l, K_SUBSET, TAU0, noise_key)
    # Inference-branch (hard top-k mask) is also part of the original graph:
    topk_vals = jax.lax.top_k(l, K_SUBSET)[0]
    threshold = jnp.expand_dims(topk_vals[:, -1], -1)
    discrete_logits = (l >= threshold).astype(jnp.float32)
    # K.in_train_phase(samples, discrete_logits): training branch selected
    output = samples
    _ = discrete_logits  # inference branch, unused in train phase
    return jnp.expand_dims(output, -1)

if __name__ == "__main__":
    import jax
    _d = setup_inputs()
    print(jax.jit(kernel)(*tuple(_d.values())))

</pallas_src>

<mosaic_0001>
#map = affine_map<(d0, d1) -> (0, 0)>
module attributes {stable_mosaic.version = 14 : i64} {
  func.func @_sample_subset_sc(%arg0: i32, %arg1: i32, %arg2: memref<64x4096xf32, #tpu.memory_space<hbm>>, %arg3: memref<64x4096xf32, #tpu.memory_space<hbm>>, %arg4: memref<64x4096xf32, #tpu.memory_space<hbm>>, %arg5: memref<2x4096xf32, #tpu.memory_space<vmem>>, %arg6: memref<2x4096xf32, #tpu.memory_space<vmem>>, %arg7: memref<2x4096xf32, #tpu.memory_space<vmem>>, %arg8: memref<!tpu.dma_semaphore, #tpu.memory_space<semaphore_mem>>, %arg9: memref<!tpu.dma_semaphore, #tpu.memory_space<semaphore_mem>>) attributes {dimension_semantics = [#tpu.dimension_semantics<core_parallel>, #tpu.dimension_semantics<subcore_parallel>], iteration_bounds = array<i64: 2, 16>, scalar_prefetch = 0 : i64, scratch_operands = 5 : i64, tpu.core_type = #tpu.core_type<sc_vector_subcore>, window_params = [{transform_indices = #map}, {transform_indices = #map}, {transform_indices = #map}]} {
    %mul3A = arith.constant 2 : i32
    %mul3A_0 = arith.muli %arg1, %mul3A : i32
    %add3A = arith.addi %mul3A_0, %arg0 : i32
    %mul3A_1 = arith.constant 2 : i32
    %mul3A_2 = arith.muli %add3A, %mul3A_1 : i32
    %dma_start3A = arith.constant 0 : i32
    %dma_start3A_3 = tpu.memref_slice %arg2[%mul3A_2, %dma_start3A] : memref<64x4096xf32, #tpu.memory_space<hbm>> -> memref<2x4096xf32, #tpu.memory_space<hbm>>
    %dma_start3A_4 = arith.constant 0 : i32
    %dma_start3A_5 = tpu.memref_slice %arg2[%mul3A_2, %dma_start3A_4] : memref<64x4096xf32, #tpu.memory_space<hbm>> -> memref<2x4096xf32, #tpu.memory_space<hbm>>
    tpu.enqueue_dma source(%dma_start3A_5 : memref<2x4096xf32, #tpu.memory_space<hbm>>) target(%arg5 : memref<2x4096xf32, #tpu.memory_space<vmem>>) target_semaphore(%arg8 : memref<!tpu.dma_semaphore, #tpu.memory_space<semaphore_mem>>)
    %dma_start3A_6 = arith.constant 0 : i32
    %dma_start3A_7 = tpu.memref_slice %arg3[%mul3A_2, %dma_start3A_6] : memref<64x4096xf32, #tpu.memory_space<hbm>> -> memref<2x4096xf32, #tpu.memory_space<hbm>>
    %dma_start3A_8 = arith.constant 0 : i32
    %dma_start3A_9 = tpu.memref_slice %arg3[%mul3A_2, %dma_start3A_8] : memref<64x4096xf32, #tpu.memory_space<hbm>> -> memref<2x4096xf32, #tpu.memory_space<hbm>>
    tpu.enqueue_dma source(%dma_start3A_9 : memref<2x4096xf32, #tpu.memory_space<hbm>>) target(%arg6 : memref<2x4096xf32, #tpu.memory_space<vmem>>) target_semaphore(%arg9 : memref<!tpu.dma_semaphore, #tpu.memory_space<semaphore_mem>>)
    %dma_wait3A = arith.constant 0 : i32
    %dma_wait3A_10 = tpu.memref_slice %arg2[%mul3A_2, %dma_wait3A] : memref<64x4096xf32, #tpu.memory_space<hbm>> -> memref<2x4096xf32, #tpu.memory_space<hbm>>
    %dma_wait3A_11 = arith.constant 0 : i32
    %dma_wait3A_12 = tpu.memref_slice %arg2[%mul3A_2, %dma_wait3A_11] : memref<64x4096xf32, #tpu.memory_space<hbm>> -> memref<2x4096xf32, #tpu.memory_space<hbm>>
    tpu.wait_dma2 semaphore(%arg8 : memref<!tpu.dma_semaphore, #tpu.memory_space<semaphore_mem>>) src(%dma_wait3A_12 : memref<2x4096xf32, #tpu.memory_space<hbm>>) dst(%arg5 : memref<2x4096xf32, #tpu.memory_space<vmem>>)
    %dma_wait3A_13 = arith.constant 0 : i32
    %dma_wait3A_14 = tpu.memref_slice %arg3[%mul3A_2, %dma_wait3A_13] : memref<64x4096xf32, #tpu.memory_space<hbm>> -> memref<2x4096xf32, #tpu.memory_space<hbm>>
    %dma_wait3A_15 = arith.constant 0 : i32
    %dma_wait3A_16 = tpu.memref_slice %arg3[%mul3A_2, %dma_wait3A_15] : memref<64x4096xf32, #tpu.memory_space<hbm>> -> memref<2x4096xf32, #tpu.memory_space<hbm>>
    tpu.wait_dma2 semaphore(%arg9 : memref<!tpu.dma_semaphore, #tpu.memory_space<semaphore_mem>>) src(%dma_wait3A_16 : memref<2x4096xf32, #tpu.memory_space<hbm>>) dst(%arg6 : memref<2x4096xf32, #tpu.memory_space<vmem>>)
    %broadcast_in_dim3A = arith.constant 0xFF800000 : f32
    %broadcast_in_dim3A_17 = vector.broadcast %broadcast_in_dim3A : f32 to vector<16xf32>
    %scan3A = arith.constant 0 : i32
    %scan3A_18 = arith.constant 16 : i32
    %scan3A_19 = arith.addi %scan3A, %scan3A_18 : i32
    %scan3A_20 = arith.constant 1 : i32
    %scan3A_21 = scf.for %scan3A_360 = %scan3A to %scan3A_19 step %scan3A_20 iter_args(%scan3A_361 = %broadcast_in_dim3A_17) -> (vector<16xf32>)  : i32 {
      %mul3A_362 = arith.constant 256 : i32
      %mul3A_363 = arith.muli %scan3A_360, %mul3A_362 : i32
      %add3A_364 = arith.constant 0 : i32
      %add3A_365 = arith.addi %mul3A_363, %add3A_364 : i32
      %get3A = arith.constant 0 : i32
      %get3A_366 = arith.index_cast %get3A : i32 to index
      %get3A_367 = arith.index_cast %add3A_365 : i32 to index
      %get3A_368 = tpu.vector_load %arg5[%get3A_366, %get3A_367] {strides = array<i32>} : memref<2x4096xf32, #tpu.memory_space<vmem>>, vector<1x16xf32>,
      %get3A_369 = vector.shape_cast %get3A_368 : vector<1x16xf32> to vector<16xf32>
      %get3A_370 = arith.constant 0 : i32
      %get3A_371 = arith.index_cast %get3A_370 : i32 to index
      %get3A_372 = arith.index_cast %add3A_365 : i32 to index
      %get3A_373 = tpu.vector_load %arg6[%get3A_371, %get3A_372] {strides = array<i32>} : memref<2x4096xf32, #tpu.memory_space<vmem>>, vector<1x16xf32>,
      %get3A_374 = vector.shape_cast %get3A_373 : vector<1x16xf32> to vector<16xf32>
      %add3A_375 = arith.addf %get3A_369, %get3A_374 : vector<16xf32>
      %swap3A = arith.constant 0 : i32
      %swap3A_376 = arith.index_cast %swap3A : i32 to index
      %swap3A_377 = arith.index_cast %add3A_365 : i32 to index
      %swap3A_378 = tpu.vector_load %arg6[%swap3A_376, %swap3A_377] {strides = array<i32>} : memref<2x4096xf32, #tpu.memory_space<vmem>>, vector<1x16xf32>,
      %swap3A_379 = vector.shape_cast %swap3A_378 : vector<1x16xf32> to vector<16xf32>
      %swap3A_380 = vector.shape_cast %add3A_375 : vector<16xf32> to vector<1x16xf32>
      tpu.vector_store %arg6[%swap3A_376, %swap3A_377], %swap3A_380 {strides = array<i32>} : memref<2x4096xf32, #tpu.memory_space<vmem>>, vector<1x16xf32>,
      %add3A_381 = arith.constant 16 : i32
      %add3A_382 = arith.addi %mul3A_363, %add3A_381 : i32
      %get3A_383 = arith.constant 0 : i32
      %get3A_384 = arith.index_cast %get3A_383 : i32 to index
      %get3A_385 = arith.index_cast %add3A_382 : i32 to index
      %get3A_386 = tpu.vector_load %arg5[%get3A_384, %get3A_385] {strides = array<i32>} : memref<2x4096xf32, #tpu.memory_space<vmem>>, vector<1x16xf32>,
      %get3A_387 = vector.shape_cast %get3A_386 : vector<1x16xf32> to vector<16xf32>
      %get3A_388 = arith.constant 0 : i32
      %get3A_389 = arith.index_cast %get3A_388 : i32 to index
      %get3A_390 = arith.index_cast %add3A_382 : i32 to index
      %get3A_391 = tpu.vector_load %arg6[%get3A_389, %get3A_390] {strides = array<i32>} : memref<2x4096xf32, #tpu.memory_space<vmem>>, vector<1x16xf32>,
      %get3A_392 = vector.shape_cast %get3A_391 : vector<1x16xf32> to vector<16xf32>
      %add3A_393 = arith.addf %get3A_387, %get3A_392 : vector<16xf32>
      %swap3A_394 = arith.constant 0 : i32
      %swap3A_395 = arith.index_cast %swap3A_394 : i32 to index
      %swap3A_396 = arith.index_cast %add3A_382 : i32 to index
      %swap3A_397 = tpu.vector_load %arg6[%swap3A_395, %swap3A_396] {strides = array<i32>} : memref<2x4096xf32, #tpu.memory_space<vmem>>, vector<1x16xf32>,
      %swap3A_398 = vector.shape_cast %swap3A_397 : vector<1x16xf32> to vector<16xf32>
      %swap3A_399 = vector.shape_cast %add3A_393 : vector<16xf32> to vector<1x16xf32>
      tpu.vector_store %arg6[%swap3A_395, %swap3A_396], %swap3A_399 {strides = array<i32>} : memref<2x4096xf32, #tpu.memory_space<vmem>>, vector<1x16xf32>,
      %add3A_400 = arith.constant 32 : i32
      %add3A_401 = arith.addi %mul3A_363, %add3A_400 : i32
      %get3A_402 = arith.constant 0 : i32
      %get3A_403 = arith.index_cast %get3A_402 : i32 to index
      %get3A_404 = arith.index_cast %add3A_401 : i32 to index
      %get3A_405 = tpu.vector_load %arg5[%get3A_403, %get3A_404] {strides = array<i32>} : memref<2x4096xf32, #tpu.memory_space<vmem>>, vector<1x16xf32>,
      %get3A_406 = vector.shape_cast %get3A_405 : vector<1x16xf32> to vector<16xf32>
      %get3A_407 = arith.constant 0 : i32
      %get3A_408 = arith.index_cast %get3A_407 : i32 to index
      %get3A_409 = arith.index_cast %add3A_401 : i32 to index
      %get3A_410 = tpu.vector_load %arg6[%get3A_408, %get3A_409] {strides = array<i32>} : memref<2x4096xf32, #tpu.memory_space<vmem>>, vector<1x16xf32>,
      %get3A_411 = vector.shape_cast %get3A_410 : vector<1x16xf32> to vector<16xf32>
      %add3A_412 = arith.addf %get3A_406, %get3A_411 : vector<16xf32>
      %swap3A_413 = arith.constant 0 : i32
      %swap3A_414 = arith.index_cast %swap3A_413 : i32 to index
      %swap3A_415 = arith.index_cast %add3A_401 : i32 to index
      %swap3A_416 = tpu.vector_load %arg6[%swap3A_414, %swap3A_415] {strides = array<i32>} : memref<2x4096xf32, #tpu.memory_space<vmem>>, vector<1x16xf32>,
      %swap3A_417 = vector.shape_cast %swap3A_416 : vector<1x16xf32> to vector<16xf32>
      %swap3A_418 = vector.shape_cast %add3A_412 : vector<16xf32> to vector<1x16xf32>
      tpu.vector_store %arg6[%swap3A_414, %swap3A_415], %swap3A_418 {strides = array<i32>} : memref<2x4096xf32, #tpu.memory_space<vmem>>, vector<1x16xf32>,
      %add3A_419 = arith.constant 48 : i32
      %add3A_420 = arith.addi %mul3A_363, %add3A_419 : i32
      %get3A_421 = arith.constant 0 : i32
      %get3A_422 = arith.index_cast %get3A_421 : i32 to index
      %get3A_423 = arith.index_cast %add3A_420 : i32 to index
      %get3A_424 = tpu.vector_load %arg5[%get3A_422, %get3A_423] {strides = array<i32>} : memref<2x4096xf32, #tpu.memory_space<vmem>>, vector<1x16xf32>,
      %get3A_425 = vector.shape_cast %get3A_424 : vector<1x16xf32> to vector<16xf32>
      %get3A_426 = arith.constant 0 : i32
      %get3A_427 = arith.index_cast %get3A_426 : i32 to index
      %get3A_428 = arith.index_cast %add3A_420 : i32 to index
      %get3A_429 = tpu.vector_load %arg6[%get3A_427, %get3A_428] {strides = array<i32>} : memref<2x4096xf32, #tpu.memory_space<vmem>>, vector<1x16xf32>,
      %get3A_430 = vector.shape_cast %get3A_429 : vector<1x16xf32> to vector<16xf32>
      %add3A_431 = arith.addf %get3A_425, %get3A_430 : vector<16xf32>
      %swap3A_432 = arith.constant 0 : i32
      %swap3A_433 = arith.index_cast %swap3A_432 : i32 to index
      %swap3A_434 = arith.index_cast %add3A_420 : i32 to index
      %swap3A_435 = tpu.vector_load %arg6[%swap3A_433, %swap3A_434] {strides = array<i32>} : memref<2x4096xf32, #tpu.memory_space<vmem>>, vector<1x16xf32>,
      %swap3A_436 = vector.shape_cast %swap3A_435 : vector<1x16xf32> to vector<16xf32>
      %swap3A_437 = vector.shape_cast %add3A_431 : vector<16xf32> to vector<1x16xf32>
      tpu.vector_store %arg6[%swap3A_433, %swap3A_434], %swap3A_437 {strides = array<i32>} : memref<2x4096xf32, #tpu.memory_space<vmem>>, vector<1x16xf32>,
      %add3A_438 = arith.constant 64 : i32
      %add3A_439 = arith.addi %mul3A_363, %add3A_438 : i32
      %get3A_440 = arith.constant 0 : i32
      %get3A_441 = arith.index_cast %get3A_440 : i32 to index
      %get3A_442 = arith.index_cast %add3A_439 : i32 to index
      %get3A_443 = tpu.vector_load %arg5[%get3A_441, %get3A_442] {strides = array<i32>} : memref<2x4096xf32, #tpu.memory_space<vmem>>, vector<1x16xf32>,
      %get3A_444 = vector.shape_cast %get3A_443 : vector<1x16xf32> to vector<16xf32>
      %get3A_445 = arith.constant 0 : i32
      %get3A_446 = arith.index_cast %get3A_445 : i32 to index
      %get3A_447 = arith.index_cast %add3A_439 : i32 to index
      %get3A_448 = tpu.vector_load %arg6[%get3A_446, %get3A_447] {strides = array<i32>} : memref<2x4096xf32, #tpu.memory_space<vmem>>, vector<1x16xf32>,
      %get3A_449 = vector.shape_cast %get3A_448 : vector<1x16xf32> to vector<16xf32>
      %add3A_450 = arith.addf %get3A_444, %get3A_449 : vector<16xf32>
      %swap3A_451 = arith.constant 0 : i32
      %swap3A_452 = arith.index_cast %swap3A_451 : i32 to index
      %swap3A_453 = arith.index_cast %add3A_439 : i32 to index
      %swap3A_454 = tpu.vector_load %arg6[%swap3A_452, %swap3A_453] {strides = array<i32>} : memref<2x4096xf32, #tpu.memory_space<vmem>>, vector<1x16xf32>,
      %swap3A_455 = vector.shape_cast %swap3A_454 : vector<1x16xf32> to vector<16xf32>
      %swap3A_456 = vector.shape_cast %add3A_450 : vector<16xf32> to vector<1x16xf32>
      tpu.vector_store %arg6[%swap3A_452, %swap3A_453], %swap3A_456 {strides = array<i32>} : memref<2x4096xf32, #tpu.memory_space<vmem>>, vector<1x16xf32>,
      %add3A_457 = arith.constant 80 : i32
      %add3A_458 = arith.addi %mul3A_363, %add3A_457 : i32
      %get3A_459 = arith.constant 0 : i32
      %get3A_460 = arith.index_cast %get3A_459 : i32 to index
      %get3A_461 = arith.index_cast %add3A_458 : i32 to index
      %get3A_462 = tpu.vector_load %arg5[%get3A_460, %get3A_461] {strides = array<i32>} : memref<2x4096xf32, #tpu.memory_space<vmem>>, vector<1x16xf32>,
      %get3A_463 = vector.shape_cast %get3A_462 : vector<1x16xf32> to vector<16xf32>
      %get3A_464 = arith.constant 0 : i32
      %get3A_465 = arith.index_cast %get3A_464 : i32 to index
      %get3A_466 = arith.index_cast %add3A_458 : i32 to index
      %get3A_467 = tpu.vector_load %arg6[%get3A_465, %get3A_466] {strides = array<i32>} : memref<2x4096xf32, #tpu.memory_space<vmem>>, vector<1x16xf32>,
      %get3A_468 = vector.shape_cast %get3A_467 : vector<1x16xf32> to vector<16xf32>
      %add3A_469 = arith.addf %get3A_463, %get3A_468 : vector<16xf32>
      %swap3A_470 = arith.constant 0 : i32
      %swap3A_471 = arith.index_cast %swap3A_470 : i32 to index
      %swap3A_472 = arith.index_cast %add3A_458 : i32 to index
      %swap3A_473 = tpu.vector_load %arg6[%swap3A_471, %swap3A_472] {strides = array<i32>} : memref<2x4096xf32, #tpu.memory_space<vmem>>, vector<1x16xf32>,
      %swap3A_474 = vector.shape_cast %swap3A_473 : vector<1x16xf32> to vector<16xf32>
      %swap3A_475 = vector.shape_cast %add3A_469 : vector<16xf32> to vector<1x16xf32>
      tpu.vector_store %arg6[%swap3A_471, %swap3A_472], %swap3A_475 {strides = array<i32>} : memref<2x4096xf32, #tpu.memory_space<vmem>>, vector<1x16xf32>,
      %add3A_476 = arith.constant 96 : i32
      %add3A_477 = arith.addi %mul3A_363, %add3A_476 : i32
      %get3A_478 = arith.constant 0 : i32
      %get3A_479 = arith.index_cast %get3A_478 : i32 to index
      %get3A_480 = arith.index_cast %add3A_477 : i32 to index
      %get3A_481 = tpu.vector_load %arg5[%get3A_479, %get3A_480] {strides = array<i32>} : memref<2x4096xf32, #tpu.memory_space<vmem>>, vector<1x16xf32>,
      %get3A_482 = vector.shape_cast %get3A_481 : vector<1x16xf32> to vector<16xf32>
      %get3A_483 = arith.constant 0 : i32
      %get3A_484 = arith.index_cast %get3A_483 : i32 to index
      %get3A_485 = arith.index_cast %add3A_477 : i32 to index
      %get3A_486 = tpu.vector_load %arg6[%get3A_484, %get3A_485] {strides = array<i32>} : memref<2x4096xf32, #tpu.memory_space<vmem>>, vector<1x16xf32>,
      %get3A_487 = vector.shape_cast %get3A_486 : vector<1x16xf32> to vector<16xf32>
      %add3A_488 = arith.addf %get3A_482, %get3A_487 : vector<16xf32>
      %swap3A_489 = arith.constant 0 : i32
      %swap3A_490 = arith.index_cast %swap3A_489 : i32 to index
      %swap3A_491 = arith.index_cast %add3A_477 : i32 to index
      %swap3A_492 = tpu.vector_load %arg6[%swap3A_490, %swap3A_491] {strides = array<i32>} : memref<2x4096xf32, #tpu.memory_space<vmem>>, vector<1x16xf32>,
      %swap3A_493 = vector.shape_cast %swap3A_492 : vector<1x16xf32> to vector<16xf32>
      %swap3A_494 = vector.shape_cast %add3A_488 : vector<16xf32> to vector<1x16xf32>
      tpu.vector_store %arg6[%swap3A_490, %swap3A_491], %swap3A_494 {strides = array<i32>} : memref<2x4096xf32, #tpu.memory_space<vmem>>, vector<1x16xf32>,
      %add3A_495 = arith.constant 112 : i32
      %add3A_496 = arith.addi %mul3A_363, %add3A_495 : i32
      %get3A_497 = arith.constant 0 : i32
      %get3A_498 = arith.index_cast %get3A_497 : i32 to index
      %get3A_499 = arith.index_cast %add3A_496 : i32 to index
      %get3A_500 = tpu.vector_load %arg5[%get3A_498, %get3A_499] {strides = array<i32>} : memref<2x4096xf32, #tpu.memory_space<vmem>>, vector<1x16xf32>,
      %get3A_501 = vector.shape_cast %get3A_500 : vector<1x16xf32> to vector<16xf32>
      %get3A_502 = arith.constant 0 : i32
      %get3A_503 = arith.index_cast %get3A_502 : i32 to index
      %get3A_504 = arith.index_cast %add3A_496 : i32 to index
      %get3A_505 = tpu.vector_load %arg6[%get3A_503, %get3A_504] {strides = array<i32>} : memref<2x4096xf32, #tpu.memory_space<vmem>>, vector<1x16xf32>,
      %get3A_506 = vector.shape_cast %get3A_505 : vector<1x16xf32> to vector<16xf32>
      %add3A_507 = arith.addf %get3A_501, %get3A_506 : vector<16xf32>
      %swap3A_508 = arith.constant 0 : i32
      %swap3A_509 = arith.index_cast %swap3A_508 : i32 to index
      %swap3A_510 = arith.index_cast %add3A_496 : i32 to index
      %swap3A_511 = tpu.vector_load %arg6[%swap3A_509, %swap3A_510] {strides = array<i32>} : memref<2x4096xf32, #tpu.memory_space<vmem>>, vector<1x16xf32>,
      %swap3A_512 = vector.shape_cast %swap3A_511 : vector<1x16xf32> to vector<16xf32>
      %swap3A_513 = vector.shape_cast %add3A_507 : vector<16xf32> to vector<1x16xf32>
      tpu.vector_store %arg6[%swap3A_509, %swap3A_510], %swap3A_513 {strides = array<i32>} : memref<2x4096xf32, #tpu.memory_space<vmem>>, vector<1x16xf32>,
      %add3A_514 = arith.constant 128 : i32
      %add3A_515 = arith.addi %mul3A_363, %add3A_514 : i32
      %get3A_516 = arith.constant 0 : i32
      %get3A_517 = arith.index_cast %get3A_516 : i32 to index
      %get3A_518 = arith.index_cast %add3A_515 : i32 to index
      %get3A_519 = tpu.vector_load %arg5[%get3A_517, %get3A_518] {strides = array<i32>} : memref<2x4096xf32, #tpu.memory_space<vmem>>, vector<1x16xf32>,
      %get3A_520 = vector.shape_cast %get3A_519 : vector<1x16xf32> to vector<16xf32>
      %get3A_521 = arith.constant 0 : i32
      %get3A_522 = arith.index_cast %get3A_521 : i32 to index
      %get3A_523 = arith.index_cast %add3A_515 : i32 to index
      %get3A_524 = tpu.vector_load %arg6[%get3A_522, %get3A_523] {strides = array<i32>} : memref<2x4096xf32, #tpu.memory_space<vmem>>, vector<1x16xf32>,
      %get3A_525 = vector.shape_cast %get3A_524 : vector<1x16xf32> to vector<16xf32>
      %add3A_526 = arith.addf %get3A_520, %get3A_525 : vector<16xf32>
      %swap3A_527 = arith.constant 0 : i32
      %swap3A_528 = arith.index_cast %swap3A_527 : i32 to index
      %swap3A_529 = arith.index_cast %add3A_515 : i32 to index
      %swap3A_530 = tpu.vector_load %arg6[%swap3A_528, %swap3A_529] {strides = array<i32>} : memref<2x4096xf32, #tpu.memory_space<vmem>>, vector<1x16xf32>,
      %swap3A_531 = vector.shape_cast %swap3A_530 : vector<1x16xf32> to vector<16xf32>
      %swap3A_532 = vector.shape_cast %add3A_526 : vector<16xf32> to vector<1x16xf32>
      tpu.vector_store %arg6[%swap3A_528, %swap3A_529], %swap3A_532 {strides = array<i32>} : memref<2x4096xf32, #tpu.memory_space<vmem>>, vector<1x16xf32>,
      %add3A_533 = arith.constant 144 : i32
      %add3A_534 = arith.addi %mul3A_363, %add3A_533 : i32
      %get3A_535 = arith.constant 0 : i32
      %get3A_536 = arith.index_cast %get3A_535 : i32 to index
      %get3A_537 = arith.index_cast %add3A_534 : i32 to index
      %get3A_538 = tpu.vector_load %arg5[%get3A_536, %get3A_537] {strides = array<i32>} : memref<2x4096xf32, #tpu.memory_space<vmem>>, vector<1x16xf32>,
      %get3A_539 = vector.shape_cast %get3A_538 : vector<1x16xf32> to vector<16xf32>
      %get3A_540 = arith.constant 0 : i32
      %get3A_541 = arith.index_cast %get3A_540 : i32 to index
      %get3A_542 = arith.index_cast %add3A_534 : i32 to index
      %get3A_543 = tpu.vector_load %arg6[%get3A_541, %get3A_542] {strides = array<i32>} : memref<2x4096xf32, #tpu.memory_space<vmem>>, vector<1x16xf32>,
      %get3A_544 = vector.shape_cast %get3A_543 : vector<1x16xf32> to vector<16xf32>
      %add3A_545 = arith.addf %get3A_539, %get3A_544 : vector<16xf32>
      %swap3A_546 = arith.constant 0 : i32
      %swap3A_547 = arith.index_cast %swap3A_546 : i32 to index
      %swap3A_548 = arith.index_cast %add3A_534 : i32 to index
      %swap3A_549 = tpu.vector_load %arg6[%swap3A_547, %swap3A_548] {strides = array<i32>} : memref<2x4096xf32, #tpu.memory_space<vmem>>, vector<1x16xf32>,
      %swap3A_550 = vector.shape_cast %swap3A_549 : vector<1x16xf32> to vector<16xf32>
      %swap3A_551 = vector.shape_cast %add3A_545 : vector<16xf32> to vector<1x16xf32>
      tpu.vector_store %arg6[%swap3A_547, %swap3A_548], %swap3A_551 {strides = array<i32>} : memref<2x4096xf32, #tpu.memory_space<vmem>>, vector<1x16xf32>,
      %add3A_552 = arith.constant 160 : i32
      %add3A_553 = arith.addi %mul3A_363, %add3A_552 : i32
      %get3A_554 = arith.constant 0 : i32
      %get3A_555 = arith.index_cast %get3A_554 : i32 to index
      %get3A_556 = arith.index_cast %add3A_553 : i32 to index
      %get3A_557 = tpu.vector_load %arg5[%get3A_555, %get3A_556] {strides = array<i32>} : memref<2x4096xf32, #tpu.memory_space<vmem>>, vector<1x16xf32>,
      %get3A_558 = vector.shape_cast %get3A_557 : vector<1x16xf32> to vector<16xf32>
      %get3A_559 = arith.constant 0 : i32
      %get3A_560 = arith.index_cast %get3A_559 : i32 to index
      %get3A_561 = arith.index_cast %add3A_553 : i32 to index
      %get3A_562 = tpu.vector_load %arg6[%get3A_560, %get3A_561] {strides = array<i32>} : memref<2x4096xf32, #tpu.memory_space<vmem>>, vector<1x16xf32>,
      %get3A_563 = vector.shape_cast %get3A_562 : vector<1x16xf32> to vector<16xf32>
      %add3A_564 = arith.addf %get3A_558, %get3A_563 : vector<16xf32>
      %swap3A_565 = arith.constant 0 : i32
      %swap3A_566 = arith.index_cast %swap3A_565 : i32 to index
      %swap3A_567 = arith.index_cast %add3A_553 : i32 to index
      %swap3A_568 = tpu.vector_load %arg6[%swap3A_566, %swap3A_567] {strides = array<i32>} : memref<2x4096xf32, #tpu.memory_space<vmem>>, vector<1x16xf32>,
      %swap3A_569 = vector.shape_cast %swap3A_568 : vector<1x16xf32> to vector<16xf32>
      %swap3A_570 = vector.shape_cast %add3A_564 : vector<16xf32> to vector<1x16xf32>
      tpu.vector_store %arg6[%swap3A_566, %swap3A_567], %swap3A_570 {strides = array<i32>} : memref<2x4096xf32, #tpu.memory_space<vmem>>, vector<1x16xf32>,
      %add3A_571 = arith.constant 176 : i32
      %add3A_572 = arith.addi %mul3A_363, %add3A_571 : i32
      %get3A_573 = arith.constant 0 : i32
      %get3A_574 = arith.index_cast %get3A_573 : i32 to index
      %get3A_575 = arith.index_cast %add3A_572 : i32 to index
      %get3A_576 = tpu.vector_load %arg5[%get3A_574, %get3A_575] {strides = array<i32>} : memref<2x4096xf32, #tpu.memory_space<vmem>>, vector<1x16xf32>,
      %get3A_577 = vector.shape_cast %get3A_576 : vector<1x16xf32> to vector<16xf32>
      %get3A_578 = arith.constant 0 : i32
      %get3A_579 = arith.index_cast %get3A_578 : i32 to index
      %get3A_580 = arith.index_cast %add3A_572 : i32 to index
      %get3A_581 = tpu.vector_load %arg6[%get3A_579, %get3A_580] {strides = array<i32>} : memref<2x4096xf32, #tpu.memory_space<vmem>>, vector<1x16xf32>,
      %get3A_582 = vector.shape_cast %get3A_581 : vector<1x16xf32> to vector<16xf32>
      %add3A_583 = arith.addf %get3A_577, %get3A_582 : vector<16xf32>
      %swap3A_584 = arith.constant 0 : i32
      %swap3A_585 = arith.index_cast %swap3A_584 : i32 to index
      %swap3A_586 = arith.index_cast %add3A_572 : i32 to index
      %swap3A_587 = tpu.vector_load %arg6[%swap3A_585, %swap3A_586] {strides = array<i32>} : memref<2x4096xf32, #tpu.memory_space<vmem>>, vector<1x16xf32>,
      %swap3A_588 = vector.shape_cast %swap3A_587 : vector<1x16xf32> to vector<16xf32>
      %swap3A_589 = vector.shape_cast %add3A_583 : vector<16xf32> to vector<1x16xf32>
      tpu.vector_store %arg6[%swap3A_585, %swap3A_586], %swap3A_589 {strides = array<i32>} : memref<2x4096xf32, #tpu.memory_space<vmem>>, vector<1x16xf32>,
      %add3A_590 = arith.constant 192 : i32
      %add3A_591 = arith.addi %mul3A_363, %add3A_590 : i32
      %get3A_592 = arith.constant 0 : i32
      %get3A_593 = arith.index_cast %get3A_592 : i32 to index
      %get3A_594 = arith.index_cast %add3A_591 : i32 to index
      %get3A_595 = tpu.vector_load %arg5[%get3A_593, %get3A_594] {strides = array<i32>} : memref<2x4096xf32, #tpu.memory_space<vmem>>, vector<1x16xf32>,
      %get3A_596 = vector.shape_cast %get3A_595 : vector<1x16xf32> to vector<16xf32>
      %get3A_597 = arith.constant 0 : i32
      %get3A_598 = arith.index_cast %get3A_597 : i32 to index
      %get3A_599 = arith.index_cast %add3A_591 : i32 to index
      %get3A_600 = tpu.vector_load %arg6[%get3A_598, %get3A_599] {strides = array<i32>} : memref<2x4096xf32, #tpu.memory_space<vmem>>, vector<1x16xf32>,
      %get3A_601 = vector.shape_cast %get3A_600 : vector<1x16xf32> to vector<16xf32>
      %add3A_602 = arith.addf %get3A_596, %get3A_601 : vector<16xf32>
      %swap3A_603 = arith.constant 0 : i32
      %swap3A_604 = arith.index_cast %swap3A_603 : i32 to index
      %swap3A_605 = arith.index_cast %add3A_591 : i32 to index
      %swap3A_606 = tpu.vector_load %arg6[%swap3A_604, %swap3A_605] {strides = array<i32>} : memref<2x4096xf32, #tpu.memory_space<vmem>>, vector<1x16xf32>,
      %swap3A_607 = vector.shape_cast %swap3A_606 : vector<1x16xf32> to vector<16xf32>
      %swap3A_608 = vector.shape_cast %add3A_602 : vector<16xf32> to vector<1x16xf32>
      tpu.vector_store %arg6[%swap3A_604, %swap3A_605], %swap3A_608 {strides = array<i32>} : memref<2x4096xf32, #tpu.memory_space<vmem>>, vector<1x16xf32>,
      %add3A_609 = arith.constant 208 : i32
      %add3A_610 = arith.addi %mul3A_363, %add3A_609 : i32
      %get3A_611 = arith.constant 0 : i32
      %get3A_612 = arith.index_cast %get3A_611 : i32 to index
      %get3A_613 = arith.index_cast %add3A_610 : i32 to index
      %get3A_614 = tpu.vector_load %arg5[%get3A_612, %get3A_613] {strides = array<i32>} : memref<2x4096xf32, #tpu.memory_space<vmem>>, vector<1x16xf32>,
      %get3A_615 = vector.shape_cast %get3A_614 : vector<1x16xf32> to vector<16xf32>
      %get3A_616 = arith.constant 0 : i32
      %get3A_617 = arith.index_cast %get3A_616 : i32 to index
      %get3A_618 = arith.index_cast %add3A_610 : i32 to index
      %get3A_619 = tpu.vector_load %arg6[%get3A_617, %get3A_618] {strides = array<i32>} : memref<2x4096xf32, #tpu.memory_space<vmem>>, vector<1x16xf32>,
      %get3A_620 = vector.shape_cast %get3A_619 : vector<1x16xf32> to vector<16xf32>
      %add3A_621 = arith.addf %get3A_615, %get3A_620 : vector<16xf32>
      %swap3A_622 = arith.constant 0 : i32
      %swap3A_623 = arith.index_cast %swap3A_622 : i32 to index
      %swap3A_624 = arith.index_cast %add3A_610 : i32 to index
      %swap3A_625 = tpu.vector_load %arg6[%swap3A_623, %swap3A_624] {strides = array<i32>} : memref<2x4096xf32, #tpu.memory_space<vmem>>, vector<1x16xf32>,
      %swap3A_626 = vector.shape_cast %swap3A_625 : vector<1x16xf32> to vector<16xf32>
      %swap3A_627 = vector.shape_cast %add3A_621 : vector<16xf32> to vector<1x16xf32>
      tpu.vector_store %arg6[%swap3A_623, %swap3A_624], %swap3A_627 {strides = array<i32>} : memref<2x4096xf32, #tpu.memory_space<vmem>>, vector<1x16xf32>,
      %add3A_628 = arith.constant 224 : i32
      %add3A_629 = arith.addi %mul3A_363, %add3A_628 : i32
      %get3A_630 = arith.constant 0 : i32
      %get3A_631 = arith.index_cast %get3A_630 : i32 to index
      %get3A_632 = arith.index_cast %add3A_629 : i32 to index
      %get3A_633 = tpu.vector_load %arg5[%get3A_631, %get3A_632] {strides = array<i32>} : memref<2x4096xf32, #tpu.memory_space<vmem>>, vector<1x16xf32>,
      %get3A_634 = vector.shape_cast %get3A_633 : vector<1x16xf32> to vector<16xf32>
      %get3A_635 = arith.constant 0 : i32
      %get3A_636 = arith.index_cast %get3A_635 : i32 to index
      %get3A_637 = arith.index_cast %add3A_629 : i32 to index
      %get3A_638 = tpu.vector_load %arg6[%get3A_636, %get3A_637] {strides = array<i32>} : memref<2x4096xf32, #tpu.memory_space<vmem>>, vector<1x16xf32>,
      %get3A_639 = vector.shape_cast %get3A_638 : vector<1x16xf32> to vector<16xf32>
      %add3A_640 = arith.addf %get3A_634, %get3A_639 : vector<16xf32>
      %swap3A_641 = arith.constant 0 : i32
      %swap3A_642 = arith.index_cast %swap3A_641 : i32 to index
      %swap3A_643 = arith.index_cast %add3A_629 : i32 to index
      %swap3A_644 = tpu.vector_load %arg6[%swap3A_642, %swap3A_643] {strides = array<i32>} : memref<2x4096xf32, #tpu.memory_space<vmem>>, vector<1x16xf32>,
      %swap3A_645 = vector.shape_cast %swap3A_644 : vector<1x16xf32> to vector<16xf32>
      %swap3A_646 = vector.shape_cast %add3A_640 : vector<16xf32> to vector<1x16xf32>
      tpu.vector_store %arg6[%swap3A_642, %swap3A_643], %swap3A_646 {strides = array<i32>} : memref<2x4096xf32, #tpu.memory_space<vmem>>, vector<1x16xf32>,
      %add3A_647 = arith.constant 240 : i32
      %add3A_648 = arith.addi %mul3A_363, %add3A_647 : i32
      %get3A_649 = arith.constant 0 : i32
      %get3A_650 = arith.index_cast %get3A_649 : i32 to index
      %get3A_651 = arith.index_cast %add3A_648 : i32 to index
      %get3A_652 = tpu.vector_load %arg5[%get3A_650, %get3A_651] {strides = array<i32>} : memref<2x4096xf32, #tpu.memory_space<vmem>>, vector<1x16xf32>,
      %get3A_653 = vector.shape_cast %get3A_652 : vector<1x16xf32> to vector<16xf32>
      %get3A_654 = arith.constant 0 : i32
      %get3A_655 = arith.index_cast %get3A_654 : i32 to index
      %get3A_656 = arith.index_cast %add3A_648 : i32 to index
      %get3A_657 = tpu.vector_load %arg6[%get3A_655, %get3A_656] {strides = array<i32>} : memref<2x4096xf32, #tpu.memory_space<vmem>>, vector<1x16xf32>,
      %get3A_658 = vector.shape_cast %get3A_657 : vector<1x16xf32> to vector<16xf32>
      %add3A_659 = arith.addf %get3A_653, %get3A_658 : vector<16xf32>
      %swap3A_660 = arith.constant 0 : i32
      %swap3A_661 = arith.index_cast %swap3A_660 : i32 to index
      %swap3A_662 = arith.index_cast %add3A_648 : i32 to index
      %swap3A_663 = tpu.vector_load %arg6[%swap3A_661, %swap3A_662] {strides = array<i32>} : memref<2x4096xf32, #tpu.memory_space<vmem>>, vector<1x16xf32>,
      %swap3A_664 = vector.shape_cast %swap3A_663 : vector<1x16xf32> to vector<16xf32>
      %swap3A_665 = vector.shape_cast %add3A_659 : vector<16xf32> to vector<1x16xf32>
      tpu.vector_store %arg6[%swap3A_661, %swap3A_662], %swap3A_665 {strides = array<i32>} : memref<2x4096xf32, #tpu.memory_space<vmem>>, vector<1x16xf32>,
      %max3A_666 = arith.maximumf %add3A_375, %add3A_393 : vector<16xf32>
      %max3A_667 = arith.maximumf %add3A_412, %add3A_431 : vector<16xf32>
      %max3A_668 = arith.maximumf %add3A_450, %add3A_469 : vector<16xf32>
      %max3A_669 = arith.maximumf %add3A_488, %add3A_507 : vector<16xf32>
      %max3A_670 = arith.maximumf %add3A_526, %add3A_545 : vector<16xf32>
      %max3A_671 = arith.maximumf %add3A_564, %add3A_583 : vector<16xf32>
      %max3A_672 = arith.maximumf %add3A_602, %add3A_621 : vector<16xf32>
      %max3A_673 = arith.maximumf %add3A_640, %add3A_659 : vector<16xf32>
      %max3A_674 = arith.maximumf %max3A_666, %max3A_667 : vector<16xf32>
      %max3A_675 = arith.maximumf %max3A_668, %max3A_669 : vector<16xf32>
      %max3A_676 = arith.maximumf %max3A_670, %max3A_671 : vector<16xf32>
      %max3A_677 = arith.maximumf %max3A_672, %max3A_673 : vector<16xf32>
      %max3A_678 = arith.maximumf %max3A_674, %max3A_675 : vector<16xf32>
      %max3A_679 = arith.maximumf %max3A_676, %max3A_677 : vector<16xf32>
      %max3A_680 = arith.maximumf %max3A_678, %max3A_679 : vector<16xf32>
      %max3A_681 = arith.maximumf %scan3A_361, %max3A_680 : vector<16xf32>
      scf.yield %max3A_681 : vector<16xf32>
    }
    %scan3A_22 = arith.constant 16 : i32
    %iota3A = tpu.iota {dimensions = array<i32: 0>} : vector<16xi32>
    %add3A_23 = arith.constant 8 : i32
    %add3A_24 = vector.broadcast %add3A_23 : i32 to vector<16xi32>
    %add3A_25 = arith.addi %iota3A, %add3A_24 : vector<16xi32>
    %and3A = arith.constant 15 : i32
    %and3A_26 = vector.broadcast %and3A : i32 to vector<16xi32>
    %and3A_27 = arith.andi %add3A_25, %and3A_26 : vector<16xi32>
    %broadcast_in_dim3A_28 = vector.shape_cast %and3A_27 : vector<16xi32> to vector<16x1xi32>
    %gather3A = vector.shape_cast %broadcast_in_dim3A_28 : vector<16x1xi32> to vector<16xi32>
    %gather3A_29 = tpu.dynamic_gather %scan3A_21[%gather3A] in [0] : vector<16xf32>, vector<16xi32> -> vector<16xf32>
    %max3A = arith.maximumf %scan3A_21, %gather3A_29 : vector<16xf32>
    %iota3A_30 = tpu.iota {dimensions = array<i32: 0>} : vector<16xi32>
    %add3A_31 = arith.constant 4 : i32
    %add3A_32 = vector.broadcast %add3A_31 : i32 to vector<16xi32>
    %add3A_33 = arith.addi %iota3A_30, %add3A_32 : vector<16xi32>
    %and3A_34 = arith.constant 15 : i32
    %and3A_35 = vector.broadcast %and3A_34 : i32 to vector<16xi32>
    %and3A_36 = arith.andi %add3A_33, %and3A_35 : vector<16xi32>
    %broadcast_in_dim3A_37 = vector.shape_cast %and3A_36 : vector<16xi32> to vector<16x1xi32>
    %gather3A_38 = vector.shape_cast %broadcast_in_dim3A_37 : vector<16x1xi32> to vector<16xi32>
    %gather3A_39 = tpu.dynamic_gather %max3A[%gather3A_38] in [0] : vector<16xf32>, vector<16xi32> -> vector<16xf32>
    %max3A_40 = arith.maximumf %max3A, %gather3A_39 : vector<16xf32>
    %iota3A_41 = tpu.iota {dimensions = array<i32: 0>} : vector<16xi32>
    %add3A_42 = arith.constant 2 : i32
    %add3A_43 = vector.broadcast %add3A_42 : i32 to vector<16xi32>
    %add3A_44 = arith.addi %iota3A_41, %add3A_43 : vector<16xi32>
    %and3A_45 = arith.constant 15 : i32
    %and3A_46 = vector.broadcast %and3A_45 : i32 to vector<16xi32>
    %and3A_47 = arith.andi %add3A_44, %and3A_46 : vector<16xi32>
    %broadcast_in_dim3A_48 = vector.shape_cast %and3A_47 : vector<16xi32> to vector<16x1xi32>
    %gather3A_49 = vector.shape_cast %broadcast_in_dim3A_48 : vector<16x1xi32> to vector<16xi32>
    %gather3A_50 = tpu.dynamic_gather %max3A_40[%gather3A_49] in [0] : vector<16xf32>, vector<16xi32> -> vector<16xf32>
    %max3A_51 = arith.maximumf %max3A_40, %gather3A_50 : vector<16xf32>
    %iota3A_52 = tpu.iota {dimensions = array<i32: 0>} : vector<16xi32>
    %add3A_53 = arith.constant 1 : i32
    %add3A_54 = vector.broadcast %add3A_53 : i32 to vector<16xi32>
    %add3A_55 = arith.addi %iota3A_52, %add3A_54 : vector<16xi32>
    %and3A_56 = arith.constant 15 : i32
    %and3A_57 = vector.broadcast %and3A_56 : i32 to vector<16xi32>
    %and3A_58 = arith.andi %add3A_55, %and3A_57 : vector<16xi32>
    %broadcast_in_dim3A_59 = vector.shape_cast %and3A_58 : vector<16xi32> to vector<16x1xi32>
    %gather3A_60 = vector.shape_cast %broadcast_in_dim3A_59 : vector<16x1xi32> to vector<16xi32>
    %gather3A_61 = tpu.dynamic_gather %max3A_51[%gather3A_60] in [0] : vector<16xf32>, vector<16xi32> -> vector<16xf32>
    %max3A_62 = arith.maximumf %max3A_51, %gather3A_61 : vector<16xf32>
    %broadcast_in_dim3A_63 = arith.constant 0.000000e+00 : f32
    %broadcast_in_dim3A_64 = vector.broadcast %broadcast_in_dim3A_63 : f32 to vector<16xf32>
    %scan3A_65 = arith.constant 0 : i32
    %scan3A_66 = arith.constant 16 : i32
    %scan3A_67 = arith.addi %scan3A_65, %scan3A_66 : i32
    %scan3A_68 = arith.constant 1 : i32
    %scan3A_69 = scf.for %scan3A_360 = %scan3A_65 to %scan3A_67 step %scan3A_68 iter_args(%scan3A_361 = %broadcast_in_dim3A_64) -> (vector<16xf32>)  : i32 {
      %mul3A_362 = arith.constant 256 : i32
      %mul3A_363 = arith.muli %scan3A_360, %mul3A_362 : i32
      %add3A_364 = arith.constant 0 : i32
      %add3A_365 = arith.addi %mul3A_363, %add3A_364 : i32
      %get3A = arith.constant 0 : i32
      %get3A_366 = arith.index_cast %get3A : i32 to index
      %get3A_367 = arith.index_cast %add3A_365 : i32 to index
      %get3A_368 = tpu.vector_load %arg6[%get3A_366, %get3A_367] {strides = array<i32>} : memref<2x4096xf32, #tpu.memory_space<vmem>>, vector<1x16xf32>,
      %get3A_369 = vector.shape_cast %get3A_368 : vector<1x16xf32> to vector<16xf32>
      %sub3A = arith.subf %get3A_369, %max3A_62 : vector<16xf32>
      %mul3A_370 = arith.constant 2.000000e+00 : f32
      %mul3A_371 = vector.broadcast %mul3A_370 : f32 to vector<16xf32>
      %mul3A_372 = arith.mulf %sub3A, %mul3A_371 : vector<16xf32>
      %exp3A = math.exp %mul3A_372 : vector<16xf32>
      %swap3A = arith.constant 0 : i32
      %swap3A_373 = arith.index_cast %swap3A : i32 to index
      %swap3A_374 = arith.index_cast %add3A_365 : i32 to index
      %swap3A_375 = tpu.vector_load %arg6[%swap3A_373, %swap3A_374] {strides = array<i32>} : memref<2x4096xf32, #tpu.memory_space<vmem>>, vector<1x16xf32>,
      %swap3A_376 = vector.shape_cast %swap3A_375 : vector<1x16xf32> to vector<16xf32>
      %swap3A_377 = vector.shape_cast %exp3A : vector<16xf32> to vector<1x16xf32>
      tpu.vector_store %arg6[%swap3A_373, %swap3A_374], %swap3A_377 {strides = array<i32>} : memref<2x4096xf32, #tpu.memory_space<vmem>>, vector<1x16xf32>,
      %add3A_378 = arith.constant 16 : i32
      %add3A_379 = arith.addi %mul3A_363, %add3A_378 : i32
      %get3A_380 = arith.constant 0 : i32
      %get3A_381 = arith.index_cast %get3A_380 : i32 to index
      %get3A_382 = arith.index_cast %add3A_379 : i32 to index
      %get3A_383 = tpu.vector_load %arg6[%get3A_381, %get3A_382] {strides = array<i32>} : memref<2x4096xf32, #tpu.memory_space<vmem>>, vector<1x16xf32>,
      %get3A_384 = vector.shape_cast %get3A_383 : vector<1x16xf32> to vector<16xf32>
      %sub3A_385 = arith.subf %get3A_384, %max3A_62 : vector<16xf32>
      %mul3A_386 = arith.constant 2.000000e+00 : f32
      %mul3A_387 = vector.broadcast %mul3A_386 : f32 to vector<16xf32>
      %mul3A_388 = arith.mulf %sub3A_385, %mul3A_387 : vector<16xf32>
      %exp3A_389 = math.exp %mul3A_388 : vector<16xf32>
      %swap3A_390 = arith.constant 0 : i32
      %swap3A_391 = arith.index_cast %swap3A_390 : i32 to index
      %swap3A_392 = arith.index_cast %add3A_379 : i32 to index
      %swap3A_393 = tpu.vector_load %arg6[%swap3A_391, %swap3A_392] {strides = array<i32>} : memref<2x4096xf32, #tpu.memory_space<vmem>>, vector<1x16xf32>,
      %swap3A_394 = vector.shape_cast %swap3A_393 : vector<1x16xf32> to vector<16xf32>
      %swap3A_395 = vector.shape_cast %exp3A_389 : vector<16xf32> to vector<1x16xf32>
      tpu.vector_store %arg6[%swap3A_391, %swap3A_392], %swap3A_395 {strides = array<i32>} : memref<2x4096xf32, #tpu.memory_space<vmem>>, vector<1x16xf32>,
      %add3A_396 = arith.constant 32 : i32
      %add3A_397 = arith.addi %mul3A_363, %add3A_396 : i32
      %get3A_398 = arith.constant 0 : i32
      %get3A_399 = arith.index_cast %get3A_398 : i32 to index
      %get3A_400 = arith.index_cast %add3A_397 : i32 to index
      %get3A_401 = tpu.vector_load %arg6[%get3A_399, %get3A_400] {strides = array<i32>} : memref<2x4096xf32, #tpu.memory_space<vmem>>, vector<1x16xf32>,
      %get3A_402 = vector.shape_cast %get3A_401 : vector<1x16xf32> to vector<16xf32>
      %sub3A_403 = arith.subf %get3A_402, %max3A_62 : vector<16xf32>
      %mul3A_404 = arith.constant 2.000000e+00 : f32
      %mul3A_405 = vector.broadcast %mul3A_404 : f32 to vector<16xf32>
      %mul3A_406 = arith.mulf %sub3A_403, %mul3A_405 : vector<16xf32>
      %exp3A_407 = math.exp %mul3A_406 : vector<16xf32>
      %swap3A_408 = arith.constant 0 : i32
      %swap3A_409 = arith.index_cast %swap3A_408 : i32 to index
      %swap3A_410 = arith.index_cast %add3A_397 : i32 to index
      %swap3A_411 = tpu.vector_load %arg6[%swap3A_409, %swap3A_410] {strides = array<i32>} : memref<2x4096xf32, #tpu.memory_space<vmem>>, vector<1x16xf32>,
      %swap3A_412 = vector.shape_cast %swap3A_411 : vector<1x16xf32> to vector<16xf32>
      %swap3A_413 = vector.shape_cast %exp3A_407 : vector<16xf32> to vector<1x16xf32>
      tpu.vector_store %arg6[%swap3A_409, %swap3A_410], %swap3A_413 {strides = array<i32>} : memref<2x4096xf32, #tpu.memory_space<vmem>>, vector<1x16xf32>,
      %add3A_414 = arith.constant 48 : i32
      %add3A_415 = arith.addi %mul3A_363, %add3A_414 : i32
      %get3A_416 = arith.constant 0 : i32
      %get3A_417 = arith.index_cast %get3A_416 : i32 to index
      %get3A_418 = arith.index_cast %add3A_415 : i32 to index
      %get3A_419 = tpu.vector_load %arg6[%get3A_417, %get3A_418] {strides = array<i32>} : memref<2x4096xf32, #tpu.memory_space<vmem>>, vector<1x16xf32>,
      %get3A_420 = vector.shape_cast %get3A_419 : vector<1x16xf32> to vector<16xf32>
      %sub3A_421 = arith.subf %get3A_420, %max3A_62 : vector<16xf32>
      %mul3A_422 = arith.constant 2.000000e+00 : f32
      %mul3A_423 = vector.broadcast %mul3A_422 : f32 to vector<16xf32>
      %mul3A_424 = arith.mulf %sub3A_421, %mul3A_423 : vector<16xf32>
      %exp3A_425 = math.exp %mul3A_424 : vector<16xf32>
      %swap3A_426 = arith.constant 0 : i32
      %swap3A_427 = arith.index_cast %swap3A_426 : i32 to index
      %swap3A_428 = arith.index_cast %add3A_415 : i32 to index
      %swap3A_429 = tpu.vector_load %arg6[%swap3A_427, %swap3A_428] {strides = array<i32>} : memref<2x4096xf32, #tpu.memory_space<vmem>>, vector<1x16xf32>,
      %swap3A_430 = vector.shape_cast %swap3A_429 : vector<1x16xf32> to vector<16xf32>
      %swap3A_431 = vector.shape_cast %exp3A_425 : vector<16xf32> to vector<1x16xf32>
      tpu.vector_store %arg6[%swap3A_427, %swap3A_428], %swap3A_431 {strides = array<i32>} : memref<2x4096xf32, #tpu.memory_space<vmem>>, vector<1x16xf32>,
      %add3A_432 = arith.constant 64 : i32
      %add3A_433 = arith.addi %mul3A_363, %add3A_432 : i32
      %get3A_434 = arith.constant 0 : i32
      %get3A_435 = arith.index_cast %get3A_434 : i32 to index
      %get3A_436 = arith.index_cast %add3A_433 : i32 to index
      %get3A_437 = tpu.vector_load %arg6[%get3A_435, %get3A_436] {strides = array<i32>} : memref<2x4096xf32, #tpu.memory_space<vmem>>, vector<1x16xf32>,
      %get3A_438 = vector.shape_cast %get3A_437 : vector<1x16xf32> to vector<16xf32>
      %sub3A_439 = arith.subf %get3A_438, %max3A_62 : vector<16xf32>
      %mul3A_440 = arith.constant 2.000000e+00 : f32
      %mul3A_441 = vector.broadcast %mul3A_440 : f32 to vector<16xf32>
      %mul3A_442 = arith.mulf %sub3A_439, %mul3A_441 : vector<16xf32>
      %exp3A_443 = math.exp %mul3A_442 : vector<16xf32>
      %swap3A_444 = arith.constant 0 : i32
      %swap3A_445 = arith.index_cast %swap3A_444 : i32 to index
      %swap3A_446 = arith.index_cast %add3A_433 : i32 to index
      %swap3A_447 = tpu.vector_load %arg6[%swap3A_445, %swap3A_446] {strides = array<i32>} : memref<2x4096xf32, #tpu.memory_space<vmem>>, vector<1x16xf32>,
      %swap3A_448 = vector.shape_cast %swap3A_447 : vector<1x16xf32> to vector<16xf32>
      %swap3A_449 = vector.shape_cast %exp3A_443 : vector<16xf32> to vector<1x16xf32>
      tpu.vector_store %arg6[%swap3A_445, %swap3A_446], %swap3A_449 {strides = array<i32>} : memref<2x4096xf32, #tpu.memory_space<vmem>>, vector<1x16xf32>,
      %add3A_450 = arith.constant 80 : i32
      %add3A_451 = arith.addi %mul3A_363, %add3A_450 : i32
      %get3A_452 = arith.constant 0 : i32
      %get3A_453 = arith.index_cast %get3A_452 : i32 to index
      %get3A_454 = arith.index_cast %add3A_451 : i32 to index
      %get3A_455 = tpu.vector_load %arg6[%get3A_453, %get3A_454] {strides = array<i32>} : memref<2x4096xf32, #tpu.memory_space<vmem>>, vector<1x16xf32>,
      %get3A_456 = vector.shape_cast %get3A_455 : vector<1x16xf32> to vector<16xf32>
      %sub3A_457 = arith.subf %get3A_456, %max3A_62 : vector<16xf32>
      %mul3A_458 = arith.constant 2.000000e+00 : f32
      %mul3A_459 = vector.broadcast %mul3A_458 : f32 to vector<16xf32>
      %mul3A_460 = arith.mulf %sub3A_457, %mul3A_459 : vector<16xf32>
      %exp3A_461 = math.exp %mul3A_460 : vector<16xf32>
      %swap3A_462 = arith.constant 0 : i32
      %swap3A_463 = arith.index_cast %swap3A_462 : i32 to index
      %swap3A_464 = arith.index_cast %add3A_451 : i32 to index
      %swap3A_465 = tpu.vector_load %arg6[%swap3A_463, %swap3A_464] {strides = array<i32>} : memref<2x4096xf32, #tpu.memory_space<vmem>>, vector<1x16xf32>,
      %swap3A_466 = vector.shape_cast %swap3A_465 : vector<1x16xf32> to vector<16xf32>
      %swap3A_467 = vector.shape_cast %exp3A_461 : vector<16xf32> to vector<1x16xf32>
      tpu.vector_store %arg6[%swap3A_463, %swap3A_464], %swap3A_467 {strides = array<i32>} : memref<2x4096xf32, #tpu.memory_space<vmem>>, vector<1x16xf32>,
      %add3A_468 = arith.constant 96 : i32
      %add3A_469 = arith.addi %mul3A_363, %add3A_468 : i32
      %get3A_470 = arith.constant 0 : i32
      %get3A_471 = arith.index_cast %get3A_470 : i32 to index
      %get3A_472 = arith.index_cast %add3A_469 : i32 to index
      %get3A_473 = tpu.vector_load %arg6[%get3A_471, %get3A_472] {strides = array<i32>} : memref<2x4096xf32, #tpu.memory_space<vmem>>, vector<1x16xf32>,
      %get3A_474 = vector.shape_cast %get3A_473 : vector<1x16xf32> to vector<16xf32>
      %sub3A_475 = arith.subf %get3A_474, %max3A_62 : vector<16xf32>
      %mul3A_476 = arith.constant 2.000000e+00 : f32
      %mul3A_477 = vector.broadcast %mul3A_476 : f32 to vector<16xf32>
      %mul3A_478 = arith.mulf %sub3A_475, %mul3A_477 : vector<16xf32>
      %exp3A_479 = math.exp %mul3A_478 : vector<16xf32>
      %swap3A_480 = arith.constant 0 : i32
      %swap3A_481 = arith.index_cast %swap3A_480 : i32 to index
      %swap3A_482 = arith.index_cast %add3A_469 : i32 to index
      %swap3A_483 = tpu.vector_load %arg6[%swap3A_481, %swap3A_482] {strides = array<i32>} : memref<2x4096xf32, #tpu.memory_space<vmem>>, vector<1x16xf32>,
      %swap3A_484 = vector.shape_cast %swap3A_483 : vector<1x16xf32> to vector<16xf32>
      %swap3A_485 = vector.shape_cast %exp3A_479 : vector<16xf32> to vector<1x16xf32>
      tpu.vector_store %arg6[%swap3A_481, %swap3A_482], %swap3A_485 {strides = array<i32>} : memref<2x4096xf32, #tpu.memory_space<vmem>>, vector<1x16xf32>,
      %add3A_486 = arith.constant 112 : i32
      %add3A_487 = arith.addi %mul3A_363, %add3A_486 : i32
      %get3A_488 = arith.constant 0 : i32
      %get3A_489 = arith.index_cast %get3A_488 : i32 to index
      %get3A_490 = arith.index_cast %add3A_487 : i32 to index
      %get3A_491 = tpu.vector_load %arg6[%get3A_489, %get3A_490] {strides = array<i32>} : memref<2x4096xf32, #tpu.memory_space<vmem>>, vector<1x16xf32>,
      %get3A_492 = vector.shape_cast %get3A_491 : vector<1x16xf32> to vector<16xf32>
      %sub3A_493 = arith.subf %get3A_492, %max3A_62 : vector<16xf32>
      %mul3A_494 = arith.constant 2.000000e+00 : f32
      %mul3A_495 = vector.broadcast %mul3A_494 : f32 to vector<16xf32>
      %mul3A_496 = arith.mulf %sub3A_493, %mul3A_495 : vector<16xf32>
      %exp3A_497 = math.exp %mul3A_496 : vector<16xf32>
      %swap3A_498 = arith.constant 0 : i32
      %swap3A_499 = arith.index_cast %swap3A_498 : i32 to index
      %swap3A_500 = arith.index_cast %add3A_487 : i32 to index
      %swap3A_501 = tpu.vector_load %arg6[%swap3A_499, %swap3A_500] {strides = array<i32>} : memref<2x4096xf32, #tpu.memory_space<vmem>>, vector<1x16xf32>,
      %swap3A_502 = vector.shape_cast %swap3A_501 : vector<1x16xf32> to vector<16xf32>
      %swap3A_503 = vector.shape_cast %exp3A_497 : vector<16xf32> to vector<1x16xf32>
      tpu.vector_store %arg6[%swap3A_499, %swap3A_500], %swap3A_503 {strides = array<i32>} : memref<2x4096xf32, #tpu.memory_space<vmem>>, vector<1x16xf32>,
      %add3A_504 = arith.constant 128 : i32
      %add3A_505 = arith.addi %mul3A_363, %add3A_504 : i32
      %get3A_506 = arith.constant 0 : i32
      %get3A_507 = arith.index_cast %get3A_506 : i32 to index
      %get3A_508 = arith.index_cast %add3A_505 : i32 to index
      %get3A_509 = tpu.vector_load %arg6[%get3A_507, %get3A_508] {strides = array<i32>} : memref<2x4096xf32, #tpu.memory_space<vmem>>, vector<1x16xf32>,
      %get3A_510 = vector.shape_cast %get3A_509 : vector<1x16xf32> to vector<16xf32>
      %sub3A_511 = arith.subf %get3A_510, %max3A_62 : vector<16xf32>
      %mul3A_512 = arith.constant 2.000000e+00 : f32
      %mul3A_513 = vector.broadcast %mul3A_512 : f32 to vector<16xf32>
      %mul3A_514 = arith.mulf %sub3A_511, %mul3A_513 : vector<16xf32>
      %exp3A_515 = math.exp %mul3A_514 : vector<16xf32>
      %swap3A_516 = arith.constant 0 : i32
      %swap3A_517 = arith.index_cast %swap3A_516 : i32 to index
      %swap3A_518 = arith.index_cast %add3A_505 : i32 to index
      %swap3A_519 = tpu.vector_load %arg6[%swap3A_517, %swap3A_518] {strides = array<i32>} : memref<2x4096xf32, #tpu.memory_space<vmem>>, vector<1x16xf32>,
      %swap3A_520 = vector.shape_cast %swap3A_519 : vector<1x16xf32> to vector<16xf32>
      %swap3A_521 = vector.shape_cast %exp3A_515 : vector<16xf32> to vector<1x16xf32>
      tpu.vector_store %arg6[%swap3A_517, %swap3A_518], %swap3A_521 {strides = array<i32>} : memref<2x4096xf32, #tpu.memory_space<vmem>>, vector<1x16xf32>,
      %add3A_522 = arith.constant 144 : i32
      %add3A_523 = arith.addi %mul3A_363, %add3A_522 : i32
      %get3A_524 = arith.constant 0 : i32
      %get3A_525 = arith.index_cast %get3A_524 : i32 to index
      %get3A_526 = arith.index_cast %add3A_523 : i32 to index
      %get3A_527 = tpu.vector_load %arg6[%get3A_525, %get3A_526] {strides = array<i32>} : memref<2x4096xf32, #tpu.memory_space<vmem>>, vector<1x16xf32>,
      %get3A_528 = vector.shape_cast %get3A_527 : vector<1x16xf32> to vector<16xf32>
      %sub3A_529 = arith.subf %get3A_528, %max3A_62 : vector<16xf32>
      %mul3A_530 = arith.constant 2.000000e+00 : f32
      %mul3A_531 = vector.broadcast %mul3A_530 : f32 to vector<16xf32>
      %mul3A_532 = arith.mulf %sub3A_529, %mul3A_531 : vector<16xf32>
      %exp3A_533 = math.exp %mul3A_532 : vector<16xf32>
      %swap3A_534 = arith.constant 0 : i32
      %swap3A_535 = arith.index_cast %swap3A_534 : i32 to index
      %swap3A_536 = arith.index_cast %add3A_523 : i32 to index
      %swap3A_537 = tpu.vector_load %arg6[%swap3A_535, %swap3A_536] {strides = array<i32>} : memref<2x4096xf32, #tpu.memory_space<vmem>>, vector<1x16xf32>,
      %swap3A_538 = vector.shape_cast %swap3A_537 : vector<1x16xf32> to vector<16xf32>
      %swap3A_539 = vector.shape_cast %exp3A_533 : vector<16xf32> to vector<1x16xf32>
      tpu.vector_store %arg6[%swap3A_535, %swap3A_536], %swap3A_539 {strides = array<i32>} : memref<2x4096xf32, #tpu.memory_space<vmem>>, vector<1x16xf32>,
      %add3A_540 = arith.constant 160 : i32
      %add3A_541 = arith.addi %mul3A_363, %add3A_540 : i32
      %get3A_542 = arith.constant 0 : i32
      %get3A_543 = arith.index_cast %get3A_542 : i32 to index
      %get3A_544 = arith.index_cast %add3A_541 : i32 to index
      %get3A_545 = tpu.vector_load %arg6[%get3A_543, %get3A_544] {strides = array<i32>} : memref<2x4096xf32, #tpu.memory_space<vmem>>, vector<1x16xf32>,
      %get3A_546 = vector.shape_cast %get3A_545 : vector<1x16xf32> to vector<16xf32>
      %sub3A_547 = arith.subf %get3A_546, %max3A_62 : vector<16xf32>
      %mul3A_548 = arith.constant 2.000000e+00 : f32
      %mul3A_549 = vector.broadcast %mul3A_548 : f32 to vector<16xf32>
      %mul3A_550 = arith.mulf %sub3A_547, %mul3A_549 : vector<16xf32>
      %exp3A_551 = math.exp %mul3A_550 : vector<16xf32>
      %swap3A_552 = arith.constant 0 : i32
      %swap3A_553 = arith.index_cast %swap3A_552 : i32 to index
      %swap3A_554 = arith.index_cast %add3A_541 : i32 to index
      %swap3A_555 = tpu.vector_load %arg6[%swap3A_553, %swap3A_554] {strides = array<i32>} : memref<2x4096xf32, #tpu.memory_space<vmem>>, vector<1x16xf32>,
      %swap3A_556 = vector.shape_cast %swap3A_555 : vector<1x16xf32> to vector<16xf32>
      %swap3A_557 = vector.shape_cast %exp3A_551 : vector<16xf32> to vector<1x16xf32>
      tpu.vector_store %arg6[%swap3A_553, %swap3A_554], %swap3A_557 {strides = array<i32>} : memref<2x4096xf32, #tpu.memory_space<vmem>>, vector<1x16xf32>,
      %add3A_558 = arith.constant 176 : i32
      %add3A_559 = arith.addi %mul3A_363, %add3A_558 : i32
      %get3A_560 = arith.constant 0 : i32
      %get3A_561 = arith.index_cast %get3A_560 : i32 to index
      %get3A_562 = arith.index_cast %add3A_559 : i32 to index
      %get3A_563 = tpu.vector_load %arg6[%get3A_561, %get3A_562] {strides = array<i32>} : memref<2x4096xf32, #tpu.memory_space<vmem>>, vector<1x16xf32>,
      %get3A_564 = vector.shape_cast %get3A_563 : vector<1x16xf32> to vector<16xf32>
      %sub3A_565 = arith.subf %get3A_564, %max3A_62 : vector<16xf32>
      %mul3A_566 = arith.constant 2.000000e+00 : f32
      %mul3A_567 = vector.broadcast %mul3A_566 : f32 to vector<16xf32>
      %mul3A_568 = arith.mulf %sub3A_565, %mul3A_567 : vector<16xf32>
      %exp3A_569 = math.exp %mul3A_568 : vector<16xf32>
      %swap3A_570 = arith.constant 0 : i32
      %swap3A_571 = arith.index_cast %swap3A_570 : i32 to index
      %swap3A_572 = arith.index_cast %add3A_559 : i32 to index
      %swap3A_573 = tpu.vector_load %arg6[%swap3A_571, %swap3A_572] {strides = array<i32>} : memref<2x4096xf32, #tpu.memory_space<vmem>>, vector<1x16xf32>,
      %swap3A_574 = vector.shape_cast %swap3A_573 : vector<1x16xf32> to vector<16xf32>
      %swap3A_575 = vector.shape_cast %exp3A_569 : vector<16xf32> to vector<1x16xf32>
      tpu.vector_store %arg6[%swap3A_571, %swap3A_572], %swap3A_575 {strides = array<i32>} : memref<2x4096xf32, #tpu.memory_space<vmem>>, vector<1x16xf32>,
      %add3A_576 = arith.constant 192 : i32
      %add3A_577 = arith.addi %mul3A_363, %add3A_576 : i32
      %get3A_578 = arith.constant 0 : i32
      %get3A_579 = arith.index_cast %get3A_578 : i32 to index
      %get3A_580 = arith.index_cast %add3A_577 : i32 to index
      %get3A_581 = tpu.vector_load %arg6[%get3A_579, %get3A_580] {strides = array<i32>} : memref<2x4096xf32, #tpu.memory_space<vmem>>, vector<1x16xf32>,
      %get3A_582 = vector.shape_cast %get3A_581 : vector<1x16xf32> to vector<16xf32>
      %sub3A_583 = arith.subf %get3A_582, %max3A_62 : vector<16xf32>
      %mul3A_584 = arith.constant 2.000000e+00 : f32
      %mul3A_585 = vector.broadcast %mul3A_584 : f32 to vector<16xf32>
      %mul3A_586 = arith.mulf %sub3A_583, %mul3A_585 : vector<16xf32>
      %exp3A_587 = math.exp %mul3A_586 : vector<16xf32>
      %swap3A_588 = arith.constant 0 : i32
      %swap3A_589 = arith.index_cast %swap3A_588 : i32 to index
      %swap3A_590 = arith.index_cast %add3A_577 : i32 to index
      %swap3A_591 = tpu.vector_load %arg6[%swap3A_589, %swap3A_590] {strides = array<i32>} : memref<2x4096xf32, #tpu.memory_space<vmem>>, vector<1x16xf32>,
      %swap3A_592 = vector.shape_cast %swap3A_591 : vector<1x16xf32> to vector<16xf32>
      %swap3A_593 = vector.shape_cast %exp3A_587 : vector<16xf32> to vector<1x16xf32>
      tpu.vector_store %arg6[%swap3A_589, %swap3A_590], %swap3A_593 {strides = array<i32>} : memref<2x4096xf32, #tpu.memory_space<vmem>>, vector<1x16xf32>,
      %add3A_594 = arith.constant 208 : i32
      %add3A_595 = arith.addi %mul3A_363, %add3A_594 : i32
      %get3A_596 = arith.constant 0 : i32
      %get3A_597 = arith.index_cast %get3A_596 : i32 to index
      %get3A_598 = arith.index_cast %add3A_595 : i32 to index
      %get3A_599 = tpu.vector_load %arg6[%get3A_597, %get3A_598] {strides = array<i32>} : memref<2x4096xf32, #tpu.memory_space<vmem>>, vector<1x16xf32>,
      %get3A_600 = vector.shape_cast %get3A_599 : vector<1x16xf32> to vector<16xf32>
      %sub3A_601 = arith.subf %get3A_600, %max3A_62 : vector<16xf32>
      %mul3A_602 = arith.constant 2.000000e+00 : f32
      %mul3A_603 = vector.broadcast %mul3A_602 : f32 to vector<16xf32>
      %mul3A_604 = arith.mulf %sub3A_601, %mul3A_603 : vector<16xf32>
      %exp3A_605 = math.exp %mul3A_604 : vector<16xf32>
      %swap3A_606 = arith.constant 0 : i32
      %swap3A_607 = arith.index_cast %swap3A_606 : i32 to index
      %swap3A_608 = arith.index_cast %add3A_595 : i32 to index
      %swap3A_609 = tpu.vector_load %arg6[%swap3A_607, %swap3A_608] {strides = array<i32>} : memref<2x4096xf32, #tpu.memory_space<vmem>>, vector<1x16xf32>,
      %swap3A_610 = vector.shape_cast %swap3A_609 : vector<1x16xf32> to vector<16xf32>
      %swap3A_611 = vector.shape_cast %exp3A_605 : vector<16xf32> to vector<1x16xf32>
      tpu.vector_store %arg6[%swap3A_607, %swap3A_608], %swap3A_611 {strides = array<i32>} : memref<2x4096xf32, #tpu.memory_space<vmem>>, vector<1x16xf32>,
      %add3A_612 = arith.constant 224 : i32
      %add3A_613 = arith.addi %mul3A_363, %add3A_612 : i32
      %get3A_614 = arith.constant 0 : i32
      %get3A_615 = arith.index_cast %get3A_614 : i32 to index
      %get3A_616 = arith.index_cast %add3A_613 : i32 to index
      %get3A_617 = tpu.vector_load %arg6[%get3A_615, %get3A_616] {strides = array<i32>} : memref<2x4096xf32, #tpu.memory_space<vmem>>, vector<1x16xf32>,
      %get3A_618 = vector.shape_cast %get3A_617 : vector<1x16xf32> to vector<16xf32>
      %sub3A_619 = arith.subf %get3A_618, %max3A_62 : vector<16xf32>
      %mul3A_620 = arith.constant 2.000000e+00 : f32
      %mul3A_621 = vector.broadcast %mul3A_620 : f32 to vector<16xf32>
      %mul3A_622 = arith.mulf %sub3A_619, %mul3A_621 : vector<16xf32>
      %exp3A_623 = math.exp %mul3A_622 : vector<16xf32>
      %swap3A_624 = arith.constant 0 : i32
      %swap3A_625 = arith.index_cast %swap3A_624 : i32 to index
      %swap3A_626 = arith.index_cast %add3A_613 : i32 to index
      %swap3A_627 = tpu.vector_load %arg6[%swap3A_625, %swap3A_626] {strides = array<i32>} : memref<2x4096xf32, #tpu.memory_space<vmem>>, vector<1x16xf32>,
      %swap3A_628 = vector.shape_cast %swap3A_627 : vector<1x16xf32> to vector<16xf32>
      %swap3A_629 = vector.shape_cast %exp3A_623 : vector<16xf32> to vector<1x16xf32>
      tpu.vector_store %arg6[%swap3A_625, %swap3A_626], %swap3A_629 {strides = array<i32>} : memref<2x4096xf32, #tpu.memory_space<vmem>>, vector<1x16xf32>,
      %add3A_630 = arith.constant 240 : i32
      %add3A_631 = arith.addi %mul3A_363, %add3A_630 : i32
      %get3A_632 = arith.constant 0 : i32
      %get3A_633 = arith.index_cast %get3A_632 : i32 to index
      %get3A_634 = arith.index_cast %add3A_631 : i32 to index
      %get3A_635 = tpu.vector_load %arg6[%get3A_633, %get3A_634] {strides = array<i32>} : memref<2x4096xf32, #tpu.memory_space<vmem>>, vector<1x16xf32>,
      %get3A_636 = vector.shape_cast %get3A_635 : vector<1x16xf32> to vector<16xf32>
      %sub3A_637 = arith.subf %get3A_636, %max3A_62 : vector<16xf32>
      %mul3A_638 = arith.constant 2.000000e+00 : f32
      %mul3A_639 = vector.broadcast %mul3A_638 : f32 to vector<16xf32>
      %mul3A_640 = arith.mulf %sub3A_637, %mul3A_639 : vector<16xf32>
      %exp3A_641 = math.exp %mul3A_640 : vector<16xf32>
      %swap3A_642 = arith.constant 0 : i32
      %swap3A_643 = arith.index_cast %swap3A_642 : i32 to index
      %swap3A_644 = arith.index_cast %add3A_631 : i32 to index
      %swap3A_645 = tpu.vector_load %arg6[%swap3A_643, %swap3A_644] {strides = array<i32>} : memref<2x4096xf32, #tpu.memory_space<vmem>>, vector<1x16xf32>,
      %swap3A_646 = vector.shape_cast %swap3A_645 : vector<1x16xf32> to vector<16xf32>
      %swap3A_647 = vector.shape_cast %exp3A_641 : vector<16xf32> to vector<1x16xf32>
      tpu.vector_store %arg6[%swap3A_643, %swap3A_644], %swap3A_647 {strides = array<i32>} : memref<2x4096xf32, #tpu.memory_space<vmem>>, vector<1x16xf32>,
      %add3A_648 = arith.addf %exp3A, %exp3A_389 : vector<16xf32>
      %add3A_649 = arith.addf %exp3A_407, %exp3A_425 : vector<16xf32>
      %add3A_650 = arith.addf %exp3A_443, %exp3A_461 : vector<16xf32>
      %add3A_651 = arith.addf %exp3A_479, %exp3A_497 : vector<16xf32>
      %add3A_652 = arith.addf %exp3A_515, %exp3A_533 : vector<16xf32>
      %add3A_653 = arith.addf %exp3A_551, %exp3A_569 : vector<16xf32>
      %add3A_654 = arith.addf %exp3A_587, %exp3A_605 : vector<16xf32>
      %add3A_655 = arith.addf %exp3A_623, %exp3A_641 : vector<16xf32>
      %add3A_656 = arith.addf %add3A_648, %add3A_649 : vector<16xf32>
      %add3A_657 = arith.addf %add3A_650, %add3A_651 : vector<16xf32>
      %add3A_658 = arith.addf %add3A_652, %add3A_653 : vector<16xf32>
      %add3A_659 = arith.addf %add3A_654, %add3A_655 : vector<16xf32>
      %add3A_660 = arith.addf %add3A_656, %add3A_657 : vector<16xf32>
      %add3A_661 = arith.addf %add3A_658, %add3A_659 : vector<16xf32>
      %add3A_662 = arith.addf %add3A_660, %add3A_661 : vector<16xf32>
      %add3A_663 = arith.addf %scan3A_361, %add3A_662 : vector<16xf32>
      scf.yield %add3A_663 : vector<16xf32>
    }
    %scan3A_70 = arith.constant 16 : i32
    %iota3A_71 = tpu.iota {dimensions = array<i32: 0>} : vector<16xi32>
    %add3A_72 = arith.constant 8 : i32
    %add3A_73 = vector.broadcast %add3A_72 : i32 to vector<16xi32>
    %add3A_74 = arith.addi %iota3A_71, %add3A_73 : vector<16xi32>
    %and3A_75 = arith.constant 15 : i32
    %and3A_76 = vector.broadcast %and3A_75 : i32 to vector<16xi32>
    %and3A_77 = arith.andi %add3A_74, %and3A_76 : vector<16xi32>
    %broadcast_in_dim3A_78 = vector.shape_cast %and3A_77 : vector<16xi32> to vector<16x1xi32>
    %gather3A_79 = vector.shape_cast %broadcast_in_dim3A_78 : vector<16x1xi32> to vector<16xi32>
    %gather3A_80 = tpu.dynamic_gather %scan3A_69[%gather3A_79] in [0] : vector<16xf32>, vector<16xi32> -> vector<16xf32>
    %add3A_81 = arith.addf %scan3A_69, %gather3A_80 : vector<16xf32>
    %iota3A_82 = tpu.iota {dimensions = array<i32: 0>} : vector<16xi32>
    %add3A_83 = arith.constant 4 : i32
    %add3A_84 = vector.broadcast %add3A_83 : i32 to vector<16xi32>
    %add3A_85 = arith.addi %iota3A_82, %add3A_84 : vector<16xi32>
    %and3A_86 = arith.constant 15 : i32
    %and3A_87 = vector.broadcast %and3A_86 : i32 to vector<16xi32>
    %and3A_88 = arith.andi %add3A_85, %and3A_87 : vector<16xi32>
    %broadcast_in_dim3A_89 = vector.shape_cast %and3A_88 : vector<16xi32> to vector<16x1xi32>
    %gather3A_90 = vector.shape_cast %broadcast_in_dim3A_89 : vector<16x1xi32> to vector<16xi32>
    %gather3A_91 = tpu.dynamic_gather %add3A_81[%gather3A_90] in [0] : vector<16xf32>, vector<16xi32> -> vector<16xf32>
    %add3A_92 = arith.addf %add3A_81, %gather3A_91 : vector<16xf32>
    %iota3A_93 = tpu.iota {dimensions = array<i32: 0>} : vector<16xi32>
    %add3A_94 = arith.constant 2 : i32
    %add3A_95 = vector.broadcast %add3A_94 : i32 to vector<16xi32>
    %add3A_96 = arith.addi %iota3A_93, %add3A_95 : vector<16xi32>
    %and3A_97 = arith.constant 15 : i32
    %and3A_98 = vector.broadcast %and3A_97 : i32 to vector<16xi32>
    %and3A_99 = arith.andi %add3A_96, %and3A_98 : vector<16xi32>
    %broadcast_in_dim3A_100 = vector.shape_cast %and3A_99 : vector<16xi32> to vector<16x1xi32>
    %gather3A_101 = vector.shape_cast %broadcast_in_dim3A_100 : vector<16x1xi32> to vector<16xi32>
    %gather3A_102 = tpu.dynamic_gather %add3A_92[%gather3A_101] in [0] : vector<16xf32>, vector<16xi32> -> vector<16xf32>
    %add3A_103 = arith.addf %add3A_92, %gather3A_102 : vector<16xf32>
    %iota3A_104 = tpu.iota {dimensions = array<i32: 0>} : vector<16xi32>
    %add3A_105 = arith.constant 1 : i32
    %add3A_106 = vector.broadcast %add3A_105 : i32 to vector<16xi32>
    %add3A_107 = arith.addi %iota3A_104, %add3A_106 : vector<16xi32>
    %and3A_108 = arith.constant 15 : i32
    %and3A_109 = vector.broadcast %and3A_108 : i32 to vector<16xi32>
    %and3A_110 = arith.andi %add3A_107, %and3A_109 : vector<16xi32>
    %broadcast_in_dim3A_111 = vector.shape_cast %and3A_110 : vector<16xi32> to vector<16x1xi32>
    %gather3A_112 = vector.shape_cast %broadcast_in_dim3A_111 : vector<16x1xi32> to vector<16xi32>
    %gather3A_113 = tpu.dynamic_gather %add3A_103[%gather3A_112] in [0] : vector<16xf32>, vector<16xi32> -> vector<16xf32>
    %add3A_114 = arith.addf %add3A_103, %gather3A_113 : vector<16xf32>
    %div3A = arith.constant 1.000000e+00 : f32
    %div3A_115 = vector.broadcast %div3A : f32 to vector<16xf32>
    %div3A_116 = arith.divf %div3A_115, %add3A_114 : vector<16xf32>
    %broadcast_in_dim3A_117 = arith.constant 0.000000e+00 : f32
    %broadcast_in_dim3A_118 = vector.broadcast %broadcast_in_dim3A_117 : f32 to vector<16xf32>
    %scan3A_119 = arith.constant 0 : i32
    %scan3A_120 = arith.constant 16 : i32
    %scan3A_121 = arith.addi %scan3A_119, %scan3A_120 : i32
    %scan3A_122 = arith.constant 1 : i32
    %scan3A_123 = scf.for %scan3A_360 = %scan3A_119 to %scan3A_121 step %scan3A_122 iter_args(%scan3A_361 = %broadcast_in_dim3A_118) -> (vector<16xf32>)  : i32 {
      %mul3A_362 = arith.constant 256 : i32
      %mul3A_363 = arith.muli %scan3A_360, %mul3A_362 : i32
      %add3A_364 = arith.constant 0 : i32
      %add3A_365 = arith.addi %mul3A_363, %add3A_364 : i32
      %get3A = arith.constant 0 : i32
      %get3A_366 = arith.index_cast %get3A : i32 to index
      %get3A_367 = arith.index_cast %add3A_365 : i32 to index
      %get3A_368 = tpu.vector_load %arg6[%get3A_366, %get3A_367] {strides = array<i32>} : memref<2x4096xf32, #tpu.memory_space<vmem>>, vector<1x16xf32>,
      %get3A_369 = vector.shape_cast %get3A_368 : vector<1x16xf32> to vector<16xf32>
      %mul3A_370 = arith.mulf %get3A_369, %div3A_116 : vector<16xf32>
      %swap3A = arith.constant 0 : i32
      %swap3A_371 = arith.index_cast %swap3A : i32 to index
      %swap3A_372 = arith.index_cast %add3A_365 : i32 to index
      %swap3A_373 = tpu.vector_load %arg7[%swap3A_371, %swap3A_372] {strides = array<i32>} : memref<2x4096xf32, #tpu.memory_space<vmem>>, vector<1x16xf32>,
      %swap3A_374 = vector.shape_cast %swap3A_373 : vector<1x16xf32> to vector<16xf32>
      %swap3A_375 = vector.shape_cast %mul3A_370 : vector<16xf32> to vector<1x16xf32>
      tpu.vector_store %arg7[%swap3A_371, %swap3A_372], %swap3A_375 {strides = array<i32>} : memref<2x4096xf32, #tpu.memory_space<vmem>>, vector<1x16xf32>,
      %sub3A = arith.constant 1.000000e+00 : f32
      %sub3A_376 = vector.broadcast %sub3A : f32 to vector<16xf32>
      %sub3A_377 = arith.subf %sub3A_376, %mul3A_370 : vector<16xf32>
      %max3A_378 = arith.constant 1.000000e-07 : f32
      %max3A_379 = vector.broadcast %max3A_378 : f32 to vector<16xf32>
      %max3A_380 = arith.maximumf %sub3A_377, %max3A_379 : vector<16xf32>
      %mul3A_381 = arith.mulf %max3A_380, %max3A_380 : vector<16xf32>
      %mul3A_382 = arith.mulf %mul3A_370, %mul3A_381 : vector<16xf32>
      %swap3A_383 = arith.constant 0 : i32
      %swap3A_384 = arith.index_cast %swap3A_383 : i32 to index
      %swap3A_385 = arith.index_cast %add3A_365 : i32 to index
      %swap3A_386 = tpu.vector_load %arg6[%swap3A_384, %swap3A_385] {strides = array<i32>} : memref<2x4096xf32, #tpu.memory_space<vmem>>, vector<1x16xf32>,
      %swap3A_387 = vector.shape_cast %swap3A_386 : vector<1x16xf32> to vector<16xf32>
      %swap3A_388 = vector.shape_cast %mul3A_382 : vector<16xf32> to vector<1x16xf32>
      tpu.vector_store %arg6[%swap3A_384, %swap3A_385], %swap3A_388 {strides = array<i32>} : memref<2x4096xf32, #tpu.memory_space<vmem>>, vector<1x16xf32>,
      %add3A_389 = arith.constant 16 : i32
      %add3A_390 = arith.addi %mul3A_363, %add3A_389 : i32
      %get3A_391 = arith.constant 0 : i32
      %get3A_392 = arith.index_cast %get3A_391 : i32 to index
      %get3A_393 = arith.index_cast %add3A_390 : i32 to index
      %get3A_394 = tpu.vector_load %arg6[%get3A_392, %get3A_393] {strides = array<i32>} : memref<2x4096xf32, #tpu.memory_space<vmem>>, vector<1x16xf32>,
      %get3A_395 = vector.shape_cast %get3A_394 : vector<1x16xf32> to vector<16xf32>
      %mul3A_396 = arith.mulf %get3A_395, %div3A_116 : vector<16xf32>
      %swap3A_397 = arith.constant 0 : i32
      %swap3A_398 = arith.index_cast %swap3A_397 : i32 to index
      %swap3A_399 = arith.index_cast %add3A_390 : i32 to index
      %swap3A_400 = tpu.vector_load %arg7[%swap3A_398, %swap3A_399] {strides = array<i32>} : memref<2x4096xf32, #tpu.memory_space<vmem>>, vector<1x16xf32>,
      %swap3A_401 = vector.shape_cast %swap3A_400 : vector<1x16xf32> to vector<16xf32>
      %swap3A_402 = vector.shape_cast %mul3A_396 : vector<16xf32> to vector<1x16xf32>
      tpu.vector_store %arg7[%swap3A_398, %swap3A_399], %swap3A_402 {strides = array<i32>} : memref<2x4096xf32, #tpu.memory_space<vmem>>, vector<1x16xf32>,
      %sub3A_403 = arith.constant 1.000000e+00 : f32
      %sub3A_404 = vector.broadcast %sub3A_403 : f32 to vector<16xf32>
      %sub3A_405 = arith.subf %sub3A_404, %mul3A_396 : vector<16xf32>
      %max3A_406 = arith.constant 1.000000e-07 : f32
      %max3A_407 = vector.broadcast %max3A_406 : f32 to vector<16xf32>
      %max3A_408 = arith.maximumf %sub3A_405, %max3A_407 : vector<16xf32>
      %mul3A_409 = arith.mulf %max3A_408, %max3A_408 : vector<16xf32>
      %mul3A_410 = arith.mulf %mul3A_396, %mul3A_409 : vector<16xf32>
      %swap3A_411 = arith.constant 0 : i32
      %swap3A_412 = arith.index_cast %swap3A_411 : i32 to index
      %swap3A_413 = arith.index_cast %add3A_390 : i32 to index
      %swap3A_414 = tpu.vector_load %arg6[%swap3A_412, %swap3A_413] {strides = array<i32>} : memref<2x4096xf32, #tpu.memory_space<vmem>>, vector<1x16xf32>,
      %swap3A_415 = vector.shape_cast %swap3A_414 : vector<1x16xf32> to vector<16xf32>
      %swap3A_416 = vector.shape_cast %mul3A_410 : vector<16xf32> to vector<1x16xf32>
      tpu.vector_store %arg6[%swap3A_412, %swap3A_413], %swap3A_416 {strides = array<i32>} : memref<2x4096xf32, #tpu.memory_space<vmem>>, vector<1x16xf32>,
      %add3A_417 = arith.constant 32 : i32
      %add3A_418 = arith.addi %mul3A_363, %add3A_417 : i32
      %get3A_419 = arith.constant 0 : i32
      %get3A_420 = arith.index_cast %get3A_419 : i32 to index
      %get3A_421 = arith.index_cast %add3A_418 : i32 to index
      %get3A_422 = tpu.vector_load %arg6[%get3A_420, %get3A_421] {strides = array<i32>} : memref<2x4096xf32, #tpu.memory_space<vmem>>, vector<1x16xf32>,
      %get3A_423 = vector.shape_cast %get3A_422 : vector<1x16xf32> to vector<16xf32>
      %mul3A_424 = arith.mulf %get3A_423, %div3A_116 : vector<16xf32>
      %swap3A_425 = arith.constant 0 : i32
      %swap3A_426 = arith.index_cast %swap3A_425 : i32 to index
      %swap3A_427 = arith.index_cast %add3A_418 : i32 to index
      %swap3A_428 = tpu.vector_load %arg7[%swap3A_426, %swap3A_427] {strides = array<i32>} : memref<2x4096xf32, #tpu.memory_space<vmem>>, vector<1x16xf32>,
      %swap3A_429 = vector.shape_cast %swap3A_428 : vector<1x16xf32> to vector<16xf32>
      %swap3A_430 = vector.shape_cast %mul3A_424 : vector<16xf32> to vector<1x16xf32>
      tpu.vector_store %arg7[%swap3A_426, %swap3A_427], %swap3A_430 {strides = array<i32>} : memref<2x4096xf32, #tpu.memory_space<vmem>>, vector<1x16xf32>,
      %sub3A_431 = arith.constant 1.000000e+00 : f32
      %sub3A_432 = vector.broadcast %sub3A_431 : f32 to vector<16xf32>
      %sub3A_433 = arith.subf %sub3A_432, %mul3A_424 : vector<16xf32>
      %max3A_434 = arith.constant 1.000000e-07 : f32
      %max3A_435 = vector.broadcast %max3A_434 : f32 to vector<16xf32>
      %max3A_436 = arith.maximumf %sub3A_433, %max3A_435 : vector<16xf32>
      %mul3A_437 = arith.mulf %max3A_436, %max3A_436 : vector<16xf32>
      %mul3A_438 = arith.mulf %mul3A_424, %mul3A_437 : vector<16xf32>
      %swap3A_439 = arith.constant 0 : i32
      %swap3A_440 = arith.index_cast %swap3A_439 : i32 to index
      %swap3A_441 = arith.index_cast %add3A_418 : i32 to index
      %swap3A_442 = tpu.vector_load %arg6[%swap3A_440, %swap3A_441] {strides = array<i32>} : memref<2x4096xf32, #tpu.memory_space<vmem>>, vector<1x16xf32>,
      %swap3A_443 = vector.shape_cast %swap3A_442 : vector<1x16xf32> to vector<16xf32>
      %swap3A_444 = vector.shape_cast %mul3A_438 : vector<16xf32> to vector<1x16xf32>
      tpu.vector_store %arg6[%swap3A_440, %swap3A_441], %swap3A_444 {strides = array<i32>} : memref<2x4096xf32, #tpu.memory_space<vmem>>, vector<1x16xf32>,
      %add3A_445 = arith.constant 48 : i32
      %add3A_446 = arith.addi %mul3A_363, %add3A_445 : i32
      %get3A_447 = arith.constant 0 : i32
      %get3A_448 = arith.index_cast %get3A_447 : i32 to index
      %get3A_449 = arith.index_cast %add3A_446 : i32 to index
      %get3A_450 = tpu.vector_load %arg6[%get3A_448, %get3A_449] {strides = array<i32>} : memref<2x4096xf32, #tpu.memory_space<vmem>>, vector<1x16xf32>,
      %get3A_451 = vector.shape_cast %get3A_450 : vector<1x16xf32> to vector<16xf32>
      %mul3A_452 = arith.mulf %get3A_451, %div3A_116 : vector<16xf32>
      %swap3A_453 = arith.constant 0 : i32
      %swap3A_454 = arith.index_cast %swap3A_453 : i32 to index
      %swap3A_455 = arith.index_cast %add3A_446 : i32 to index
      %swap3A_456 = tpu.vector_load %arg7[%swap3A_454, %swap3A_455] {strides = array<i32>} : memref<2x4096xf32, #tpu.memory_space<vmem>>, vector<1x16xf32>,
      %swap3A_457 = vector.shape_cast %swap3A_456 : vector<1x16xf32> to vector<16xf32>
      %swap3A_458 = vector.shape_cast %mul3A_452 : vector<16xf32> to vector<1x16xf32>
      tpu.vector_store %arg7[%swap3A_454, %swap3A_455], %swap3A_458 {strides = array<i32>} : memref<2x4096xf32, #tpu.memory_space<vmem>>, vector<1x16xf32>,
      %sub3A_459 = arith.constant 1.000000e+00 : f32
      %sub3A_460 = vector.broadcast %sub3A_459 : f32 to vector<16xf32>
      %sub3A_461 = arith.subf %sub3A_460, %mul3A_452 : vector<16xf32>
      %max3A_462 = arith.constant 1.000000e-07 : f32
      %max3A_463 = vector.broadcast %max3A_462 : f32 to vector<16xf32>
      %max3A_464 = arith.maximumf %sub3A_461, %max3A_463 : vector<16xf32>
      %mul3A_465 = arith.mulf %max3A_464, %max3A_464 : vector<16xf32>
      %mul3A_466 = arith.mulf %mul3A_452, %mul3A_465 : vector<16xf32>
      %swap3A_467 = arith.constant 0 : i32
      %swap3A_468 = arith.index_cast %swap3A_467 : i32 to index
      %swap3A_469 = arith.index_cast %add3A_446 : i32 to index
      %swap3A_470 = tpu.vector_load %arg6[%swap3A_468, %swap3A_469] {strides = array<i32>} : memref<2x4096xf32, #tpu.memory_space<vmem>>, vector<1x16xf32>,
      %swap3A_471 = vector.shape_cast %swap3A_470 : vector<1x16xf32> to vector<16xf32>
      %swap3A_472 = vector.shape_cast %mul3A_466 : vector<16xf32> to vector<1x16xf32>
      tpu.vector_store %arg6[%swap3A_468, %swap3A_469], %swap3A_472 {strides = array<i32>} : memref<2x4096xf32, #tpu.memory_space<vmem>>, vector<1x16xf32>,
      %add3A_473 = arith.constant 64 : i32
      %add3A_474 = arith.addi %mul3A_363, %add3A_473 : i32
      %get3A_475 = arith.constant 0 : i32
      %get3A_476 = arith.index_cast %get3A_475 : i32 to index
      %get3A_477 = arith.index_cast %add3A_474 : i32 to index
      %get3A_478 = tpu.vector_load %arg6[%get3A_476, %get3A_477] {strides = array<i32>} : memref<2x4096xf32, #tpu.memory_space<vmem>>, vector<1x16xf32>,
      %get3A_479 = vector.shape_cast %get3A_478 : vector<1x16xf32> to vector<16xf32>
      %mul3A_480 = arith.mulf %get3A_479, %div3A_116 : vector<16xf32>
      %swap3A_481 = arith.constant 0 : i32
      %swap3A_482 = arith.index_cast %swap3A_481 : i32 to index
      %swap3A_483 = arith.index_cast %add3A_474 : i32 to index
      %swap3A_484 = tpu.vector_load %arg7[%swap3A_482, %swap3A_483] {strides = array<i32>} : memref<2x4096xf32, #tpu.memory_space<vmem>>, vector<1x16xf32>,
      %swap3A_485 = vector.shape_cast %swap3A_484 : vector<1x16xf32> to vector<16xf32>
      %swap3A_486 = vector.shape_cast %mul3A_480 : vector<16xf32> to vector<1x16xf32>
      tpu.vector_store %arg7[%swap3A_482, %swap3A_483], %swap3A_486 {strides = array<i32>} : memref<2x4096xf32, #tpu.memory_space<vmem>>, vector<1x16xf32>,
      %sub3A_487 = arith.constant 1.000000e+00 : f32
      %sub3A_488 = vector.broadcast %sub3A_487 : f32 to vector<16xf32>
      %sub3A_489 = arith.subf %sub3A_488, %mul3A_480 : vector<16xf32>
      %max3A_490 = arith.constant 1.000000e-07 : f32
      %max3A_491 = vector.broadcast %max3A_490 : f32 to vector<16xf32>
      %max3A_492 = arith.maximumf %sub3A_489, %max3A_491 : vector<16xf32>
      %mul3A_493 = arith.mulf %max3A_492, %max3A_492 : vector<16xf32>
      %mul3A_494 = arith.mulf %mul3A_480, %mul3A_493 : vector<16xf32>
      %swap3A_495 = arith.constant 0 : i32
      %swap3A_496 = arith.index_cast %swap3A_495 : i32 to index
      %swap3A_497 = arith.index_cast %add3A_474 : i32 to index
      %swap3A_498 = tpu.vector_load %arg6[%swap3A_496, %swap3A_497] {strides = array<i32>} : memref<2x4096xf32, #tpu.memory_space<vmem>>, vector<1x16xf32>,
      %swap3A_499 = vector.shape_cast %swap3A_498 : vector<1x16xf32> to vector<16xf32>
      %swap3A_500 = vector.shape_cast %mul3A_494 : vector<16xf32> to vector<1x16xf32>
      tpu.vector_store %arg6[%swap3A_496, %swap3A_497], %swap3A_500 {strides = array<i32>} : memref<2x4096xf32, #tpu.memory_space<vmem>>, vector<1x16xf32>,
      %add3A_501 = arith.constant 80 : i32
      %add3A_502 = arith.addi %mul3A_363, %add3A_501 : i32
      %get3A_503 = arith.constant 0 : i32
      %get3A_504 = arith.index_cast %get3A_503 : i32 to index
      %get3A_505 = arith.index_cast %add3A_502 : i32 to index
      %get3A_506 = tpu.vector_load %arg6[%get3A_504, %get3A_505] {strides = array<i32>} : memref<2x4096xf32, #tpu.memory_space<vmem>>, vector<1x16xf32>,
      %get3A_507 = vector.shape_cast %get3A_506 : vector<1x16xf32> to vector<16xf32>
      %mul3A_508 = arith.mulf %get3A_507, %div3A_116 : vector<16xf32>
      %swap3A_509 = arith.constant 0 : i32
      %swap3A_510 = arith.index_cast %swap3A_509 : i32 to index
      %swap3A_511 = arith.index_cast %add3A_502 : i32 to index
      %swap3A_512 = tpu.vector_load %arg7[%swap3A_510, %swap3A_511] {strides = array<i32>} : memref<2x4096xf32, #tpu.memory_space<vmem>>, vector<1x16xf32>,
      %swap3A_513 = vector.shape_cast %swap3A_512 : vector<1x16xf32> to vector<16xf32>
      %swap3A_514 = vector.shape_cast %mul3A_508 : vector<16xf32> to vector<1x16xf32>
      tpu.vector_store %arg7[%swap3A_510, %swap3A_511], %swap3A_514 {strides = array<i32>} : memref<2x4096xf32, #tpu.memory_space<vmem>>, vector<1x16xf32>,
      %sub3A_515 = arith.constant 1.000000e+00 : f32
      %sub3A_516 = vector.broadcast %sub3A_515 : f32 to vector<16xf32>
      %sub3A_517 = arith.subf %sub3A_516, %mul3A_508 : vector<16xf32>
      %max3A_518 = arith.constant 1.000000e-07 : f32
      %max3A_519 = vector.broadcast %max3A_518 : f32 to vector<16xf32>
      %max3A_520 = arith.maximumf %sub3A_517, %max3A_519 : vector<16xf32>
      %mul3A_521 = arith.mulf %max3A_520, %max3A_520 : vector<16xf32>
      %mul3A_522 = arith.mulf %mul3A_508, %mul3A_521 : vector<16xf32>
      %swap3A_523 = arith.constant 0 : i32
      %swap3A_524 = arith.index_cast %swap3A_523 : i32 to index
      %swap3A_525 = arith.index_cast %add3A_502 : i32 to index
      %swap3A_526 = tpu.vector_load %arg6[%swap3A_524, %swap3A_525] {strides = array<i32>} : memref<2x4096xf32, #tpu.memory_space<vmem>>, vector<1x16xf32>,
      %swap3A_527 = vector.shape_cast %swap3A_526 : vector<1x16xf32> to vector<16xf32>
      %swap3A_528 = vector.shape_cast %mul3A_522 : vector<16xf32> to vector<1x16xf32>
      tpu.vector_store %arg6[%swap3A_524, %swap3A_525], %swap3A_528 {strides = array<i32>} : memref<2x4096xf32, #tpu.memory_space<vmem>>, vector<1x16xf32>,
      %add3A_529 = arith.constant 96 : i32
      %add3A_530 = arith.addi %mul3A_363, %add3A_529 : i32
      %get3A_531 = arith.constant 0 : i32
      %get3A_532 = arith.index_cast %get3A_531 : i32 to index
      %get3A_533 = arith.index_cast %add3A_530 : i32 to index
      %get3A_534 = tpu.vector_load %arg6[%get3A_532, %get3A_533] {strides = array<i32>} : memref<2x4096xf32, #tpu.memory_space<vmem>>, vector<1x16xf32>,
      %get3A_535 = vector.shape_cast %get3A_534 : vector<1x16xf32> to vector<16xf32>
      %mul3A_536 = arith.mulf %get3A_535, %div3A_116 : vector<16xf32>
      %swap3A_537 = arith.constant 0 : i32
      %swap3A_538 = arith.index_cast %swap3A_537 : i32 to index
      %swap3A_539 = arith.index_cast %add3A_530 : i32 to index
      %swap3A_540 = tpu.vector_load %arg7[%swap3A_538, %swap3A_539] {strides = array<i32>} : memref<2x4096xf32, #tpu.memory_space<vmem>>, vector<1x16xf32>,
      %swap3A_541 = vector.shape_cast %swap3A_540 : vector<1x16xf32> to vector<16xf32>
      %swap3A_542 = vector.shape_cast %mul3A_536 : vector<16xf32> to vector<1x16xf32>
      tpu.vector_store %arg7[%swap3A_538, %swap3A_539], %swap3A_542 {strides = array<i32>} : memref<2x4096xf32, #tpu.memory_space<vmem>>, vector<1x16xf32>,
      %sub3A_543 = arith.constant 1.000000e+00 : f32
      %sub3A_544 = vector.broadcast %sub3A_543 : f32 to vector<16xf32>
      %sub3A_545 = arith.subf %sub3A_544, %mul3A_536 : vector<16xf32>
      %max3A_546 = arith.constant 1.000000e-07 : f32
      %max3A_547 = vector.broadcast %max3A_546 : f32 to vector<16xf32>
      %max3A_548 = arith.maximumf %sub3A_545, %max3A_547 : vector<16xf32>
      %mul3A_549 = arith.mulf %max3A_548, %max3A_548 : vector<16xf32>
      %mul3A_550 = arith.mulf %mul3A_536, %mul3A_549 : vector<16xf32>
      %swap3A_551 = arith.constant 0 : i32
      %swap3A_552 = arith.index_cast %swap3A_551 : i32 to index
      %swap3A_553 = arith.index_cast %add3A_530 : i32 to index
      %swap3A_554 = tpu.vector_load %arg6[%swap3A_552, %swap3A_553] {strides = array<i32>} : memref<2x4096xf32, #tpu.memory_space<vmem>>, vector<1x16xf32>,
      %swap3A_555 = vector.shape_cast %swap3A_554 : vector<1x16xf32> to vector<16xf32>
      %swap3A_556 = vector.shape_cast %mul3A_550 : vector<16xf32> to vector<1x16xf32>
      tpu.vector_store %arg6[%swap3A_552, %swap3A_553], %swap3A_556 {strides = array<i32>} : memref<2x4096xf32, #tpu.memory_space<vmem>>, vector<1x16xf32>,
      %add3A_557 = arith.constant 112 : i32
      %add3A_558 = arith.addi %mul3A_363, %add3A_557 : i32
      %get3A_559 = arith.constant 0 : i32
      %get3A_560 = arith.index_cast %get3A_559 : i32 to index
      %get3A_561 = arith.index_cast %add3A_558 : i32 to index
      %get3A_562 = tpu.vector_load %arg6[%get3A_560, %get3A_561] {strides = array<i32>} : memref<2x4096xf32, #tpu.memory_space<vmem>>, vector<1x16xf32>,
      %get3A_563 = vector.shape_cast %get3A_562 : vector<1x16xf32> to vector<16xf32>
      %mul3A_564 = arith.mulf %get3A_563, %div3A_116 : vector<16xf32>
      %swap3A_565 = arith.constant 0 : i32
      %swap3A_566 = arith.index_cast %swap3A_565 : i32 to index
      %swap3A_567 = arith.index_cast %add3A_558 : i32 to index
      %swap3A_568 = tpu.vector_load %arg7[%swap3A_566, %swap3A_567] {strides = array<i32>} : memref<2x4096xf32, #tpu.memory_space<vmem>>, vector<1x16xf32>,
      %swap3A_569 = vector.shape_cast %swap3A_568 : vector<1x16xf32> to vector<16xf32>
      %swap3A_570 = vector.shape_cast %mul3A_564 : vector<16xf32> to vector<1x16xf32>
      tpu.vector_store %arg7[%swap3A_566, %swap3A_567], %swap3A_570 {strides = array<i32>} : memref<2x4096xf32, #tpu.memory_space<vmem>>, vector<1x16xf32>,
      %sub3A_571 = arith.constant 1.000000e+00 : f32
      %sub3A_572 = vector.broadcast %sub3A_571 : f32 to vector<16xf32>
      %sub3A_573 = arith.subf %sub3A_572, %mul3A_564 : vector<16xf32>
      %max3A_574 = arith.constant 1.000000e-07 : f32
      %max3A_575 = vector.broadcast %max3A_574 : f32 to vector<16xf32>
      %max3A_576 = arith.maximumf %sub3A_573, %max3A_575 : vector<16xf32>
      %mul3A_577 = arith.mulf %max3A_576, %max3A_576 : vector<16xf32>
      %mul3A_578 = arith.mulf %mul3A_564, %mul3A_577 : vector<16xf32>
      %swap3A_579 = arith.constant 0 : i32
      %swap3A_580 = arith.index_cast %swap3A_579 : i32 to index
      %swap3A_581 = arith.index_cast %add3A_558 : i32 to index
      %swap3A_582 = tpu.vector_load %arg6[%swap3A_580, %swap3A_581] {strides = array<i32>} : memref<2x4096xf32, #tpu.memory_space<vmem>>, vector<1x16xf32>,
      %swap3A_583 = vector.shape_cast %swap3A_582 : vector<1x16xf32> to vector<16xf32>
      %swap3A_584 = vector.shape_cast %mul3A_578 : vector<16xf32> to vector<1x16xf32>
      tpu.vector_store %arg6[%swap3A_580, %swap3A_581], %swap3A_584 {strides = array<i32>} : memref<2x4096xf32, #tpu.memory_space<vmem>>, vector<1x16xf32>,
      %add3A_585 = arith.constant 128 : i32
      %add3A_586 = arith.addi %mul3A_363, %add3A_585 : i32
      %get3A_587 = arith.constant 0 : i32
      %get3A_588 = arith.index_cast %get3A_587 : i32 to index
      %get3A_589 = arith.index_cast %add3A_586 : i32 to index
      %get3A_590 = tpu.vector_load %arg6[%get3A_588, %get3A_589] {strides = array<i32>} : memref<2x4096xf32, #tpu.memory_space<vmem>>, vector<1x16xf32>,
      %get3A_591 = vector.shape_cast %get3A_590 : vector<1x16xf32> to vector<16xf32>
      %mul3A_592 = arith.mulf %get3A_591, %div3A_116 : vector<16xf32>
      %swap3A_593 = arith.constant 0 : i32
      %swap3A_594 = arith.index_cast %swap3A_593 : i32 to index
      %swap3A_595 = arith.index_cast %add3A_586 : i32 to index
      %swap3A_596 = tpu.vector_load %arg7[%swap3A_594, %swap3A_595] {strides = array<i32>} : memref<2x4096xf32, #tpu.memory_space<vmem>>, vector<1x16xf32>,
      %swap3A_597 = vector.shape_cast %swap3A_596 : vector<1x16xf32> to vector<16xf32>
      %swap3A_598 = vector.shape_cast %mul3A_592 : vector<16xf32> to vector<1x16xf32>
      tpu.vector_store %arg7[%swap3A_594, %swap3A_595], %swap3A_598 {strides = array<i32>} : memref<2x4096xf32, #tpu.memory_space<vmem>>, vector<1x16xf32>,
      %sub3A_599 = arith.constant 1.000000e+00 : f32
      %sub3A_600 = vector.broadcast %sub3A_599 : f32 to vector<16xf32>
      %sub3A_601 = arith.subf %sub3A_600, %mul3A_592 : vector<16xf32>
      %max3A_602 = arith.constant 1.000000e-07 : f32
      %max3A_603 = vector.broadcast %max3A_602 : f32 to vector<16xf32>
      %max3A_604 = arith.maximumf %sub3A_601, %max3A_603 : vector<16xf32>
      %mul3A_605 = arith.mulf %max3A_604, %max3A_604 : vector<16xf32>
      %mul3A_606 = arith.mulf %mul3A_592, %mul3A_605 : vector<16xf32>
      %swap3A_607 = arith.constant 0 : i32
      %swap3A_608 = arith.index_cast %swap3A_607 : i32 to index
      %swap3A_609 = arith.index_cast %add3A_586 : i32 to index
      %swap3A_610 = tpu.vector_load %arg6[%swap3A_608, %swap3A_609] {strides = array<i32>} : memref<2x4096xf32, #tpu.memory_space<vmem>>, vector<1x16xf32>,
      %swap3A_611 = vector.shape_cast %swap3A_610 : vector<1x16xf32> to vector<16xf32>
      %swap3A_612 = vector.shape_cast %mul3A_606 : vector<16xf32> to vector<1x16xf32>
      tpu.vector_store %arg6[%swap3A_608, %swap3A_609], %swap3A_612 {strides = array<i32>} : memref<2x4096xf32, #tpu.memory_space<vmem>>, vector<1x16xf32>,
      %add3A_613 = arith.constant 144 : i32
      %add3A_614 = arith.addi %mul3A_363, %add3A_613 : i32
      %get3A_615 = arith.constant 0 : i32
      %get3A_616 = arith.index_cast %get3A_615 : i32 to index
      %get3A_617 = arith.index_cast %add3A_614 : i32 to index
      %get3A_618 = tpu.vector_load %arg6[%get3A_616, %get3A_617] {strides = array<i32>} : memref<2x4096xf32, #tpu.memory_space<vmem>>, vector<1x16xf32>,
      %get3A_619 = vector.shape_cast %get3A_618 : vector<1x16xf32> to vector<16xf32>
      %mul3A_620 = arith.mulf %get3A_619, %div3A_116 : vector<16xf32>
      %swap3A_621 = arith.constant 0 : i32
      %swap3A_622 = arith.index_cast %swap3A_621 : i32 to index
      %swap3A_623 = arith.index_cast %add3A_614 : i32 to index
      %swap3A_624 = tpu.vector_load %arg7[%swap3A_622, %swap3A_623] {strides = array<i32>} : memref<2x4096xf32, #tpu.memory_space<vmem>>, vector<1x16xf32>,
      %swap3A_625 = vector.shape_cast %swap3A_624 : vector<1x16xf32> to vector<16xf32>
      %swap3A_626 = vector.shape_cast %mul3A_620 : vector<16xf32> to vector<1x16xf32>
      tpu.vector_store %arg7[%swap3A_622, %swap3A_623], %swap3A_626 {strides = array<i32>} : memref<2x4096xf32, #tpu.memory_space<vmem>>, vector<1x16xf32>,
      %sub3A_627 = arith.constant 1.000000e+00 : f32
      %sub3A_628 = vector.broadcast %sub3A_627 : f32 to vector<16xf32>
      %sub3A_629 = arith.subf %sub3A_628, %mul3A_620 : vector<16xf32>
      %max3A_630 = arith.constant 1.000000e-07 : f32
      %max3A_631 = vector.broadcast %max3A_630 : f32 to vector<16xf32>
      %max3A_632 = arith.maximumf %sub3A_629, %max3A_631 : vector<16xf32>
      %mul3A_633 = arith.mulf %max3A_632, %max3A_632 : vector<16xf32>
      %mul3A_634 = arith.mulf %mul3A_620, %mul3A_633 : vector<16xf32>
      %swap3A_635 = arith.constant 0 : i32
      %swap3A_636 = arith.index_cast %swap3A_635 : i32 to index
      %swap3A_637 = arith.index_cast %add3A_614 : i32 to index
      %swap3A_638 = tpu.vector_load %arg6[%swap3A_636, %swap3A_637] {strides = array<i32>} : memref<2x4096xf32, #tpu.memory_space<vmem>>, vector<1x16xf32>,
      %swap3A_639 = vector.shape_cast %swap3A_638 : vector<1x16xf32> to vector<16xf32>
      %swap3A_640 = vector.shape_cast %mul3A_634 : vector<16xf32> to vector<1x16xf32>
      tpu.vector_store %arg6[%swap3A_636, %swap3A_637], %swap3A_640 {strides = array<i32>} : memref<2x4096xf32, #tpu.memory_space<vmem>>, vector<1x16xf32>,
      %add3A_641 = arith.constant 160 : i32
      %add3A_642 = arith.addi %mul3A_363, %add3A_641 : i32
      %get3A_643 = arith.constant 0 : i32
      %get3A_644 = arith.index_cast %get3A_643 : i32 to index
      %get3A_645 = arith.index_cast %add3A_642 : i32 to index
      %get3A_646 = tpu.vector_load %arg6[%get3A_644, %get3A_645] {strides = array<i32>} : memref<2x4096xf32, #tpu.memory_space<vmem>>, vector<1x16xf32>,
      %get3A_647 = vector.shape_cast %get3A_646 : vector<1x16xf32> to vector<16xf32>
      %mul3A_648 = arith.mulf %get3A_647, %div3A_116 : vector<16xf32>
      %swap3A_649 = arith.constant 0 : i32
      %swap3A_650 = arith.index_cast %swap3A_649 : i32 to index
      %swap3A_651 = arith.index_cast %add3A_642 : i32 to index
      %swap3A_652 = tpu.vector_load %arg7[%swap3A_650, %swap3A_651] {strides = array<i32>} : memref<2x4096xf32, #tpu.memory_space<vmem>>, vector<1x16xf32>,
      %swap3A_653 = vector.shape_cast %swap3A_652 : vector<1x16xf32> to vector<16xf32>
      %swap3A_654 = vector.shape_cast %mul3A_648 : vector<16xf32> to vector<1x16xf32>
      tpu.vector_store %arg7[%swap3A_650, %swap3A_651], %swap3A_654 {strides = array<i32>} : memref<2x4096xf32, #tpu.memory_space<vmem>>, vector<1x16xf32>,
      %sub3A_655 = arith.constant 1.000000e+00 : f32
      %sub3A_656 = vector.broadcast %sub3A_655 : f32 to vector<16xf32>
      %sub3A_657 = arith.subf %sub3A_656, %mul3A_648 : vector<16xf32>
      %max3A_658 = arith.constant 1.000000e-07 : f32
      %max3A_659 = vector.broadcast %max3A_658 : f32 to vector<16xf32>
      %max3A_660 = arith.maximumf %sub3A_657, %max3A_659 : vector<16xf32>
      %mul3A_661 = arith.mulf %max3A_660, %max3A_660 : vector<16xf32>
      %mul3A_662 = arith.mulf %mul3A_648, %mul3A_661 : vector<16xf32>
      %swap3A_663 = arith.constant 0 : i32
      %swap3A_664 = arith.index_cast %swap3A_663 : i32 to index
      %swap3A_665 = arith.index_cast %add3A_642 : i32 to index
      %swap3A_666 = tpu.vector_load %arg6[%swap3A_664, %swap3A_665] {strides = array<i32>} : memref<2x4096xf32, #tpu.memory_space<vmem>>, vector<1x16xf32>,
      %swap3A_667 = vector.shape_cast %swap3A_666 : vector<1x16xf32> to vector<16xf32>
      %swap3A_668 = vector.shape_cast %mul3A_662 : vector<16xf32> to vector<1x16xf32>
      tpu.vector_store %arg6[%swap3A_664, %swap3A_665], %swap3A_668 {strides = array<i32>} : memref<2x4096xf32, #tpu.memory_space<vmem>>, vector<1x16xf32>,
      %add3A_669 = arith.constant 176 : i32
      %add3A_670 = arith.addi %mul3A_363, %add3A_669 : i32
      %get3A_671 = arith.constant 0 : i32
      %get3A_672 = arith.index_cast %get3A_671 : i32 to index
      %get3A_673 = arith.index_cast %add3A_670 : i32 to index
      %get3A_674 = tpu.vector_load %arg6[%get3A_672, %get3A_673] {strides = array<i32>} : memref<2x4096xf32, #tpu.memory_space<vmem>>, vector<1x16xf32>,
      %get3A_675 = vector.shape_cast %get3A_674 : vector<1x16xf32> to vector<16xf32>
      %mul3A_676 = arith.mulf %get3A_675, %div3A_116 : vector<16xf32>
      %swap3A_677 = arith.constant 0 : i32
      %swap3A_678 = arith.index_cast %swap3A_677 : i32 to index
      %swap3A_679 = arith.index_cast %add3A_670 : i32 to index
      %swap3A_680 = tpu.vector_load %arg7[%swap3A_678, %swap3A_679] {strides = array<i32>} : memref<2x4096xf32, #tpu.memory_space<vmem>>, vector<1x16xf32>,
      %swap3A_681 = vector.shape_cast %swap3A_680 : vector<1x16xf32> to vector<16xf32>
      %swap3A_682 = vector.shape_cast %mul3A_676 : vector<16xf32> to vector<1x16xf32>
      tpu.vector_store %arg7[%swap3A_678, %swap3A_679], %swap3A_682 {strides = array<i32>} : memref<2x4096xf32, #tpu.memory_space<vmem>>, vector<1x16xf32>,
      %sub3A_683 = arith.constant 1.000000e+00 : f32
      %sub3A_684 = vector.broadcast %sub3A_683 : f32 to vector<16xf32>
      %sub3A_685 = arith.subf %sub3A_684, %mul3A_676 : vector<16xf32>
      %max3A_686 = arith.constant 1.000000e-07 : f32
      %max3A_687 = vector.broadcast %max3A_686 : f32 to vector<16xf32>
      %max3A_688 = arith.maximumf %sub3A_685, %max3A_687 : vector<16xf32>
      %mul3A_689 = arith.mulf %max3A_688, %max3A_688 : vector<16xf32>
      %mul3A_690 = arith.mulf %mul3A_676, %mul3A_689 : vector<16xf32>
      %swap3A_691 = arith.constant 0 : i32
      %swap3A_692 = arith.index_cast %swap3A_691 : i32 to index
      %swap3A_693 = arith.index_cast %add3A_670 : i32 to index
      %swap3A_694 = tpu.vector_load %arg6[%swap3A_692, %swap3A_693] {strides = array<i32>} : memref<2x4096xf32, #tpu.memory_space<vmem>>, vector<1x16xf32>,
      %swap3A_695 = vector.shape_cast %swap3A_694 : vector<1x16xf32> to vector<16xf32>
      %swap3A_696 = vector.shape_cast %mul3A_690 : vector<16xf32> to vector<1x16xf32>
      tpu.vector_store %arg6[%swap3A_692, %swap3A_693], %swap3A_696 {strides = array<i32>} : memref<2x4096xf32, #tpu.memory_space<vmem>>, vector<1x16xf32>,
      %add3A_697 = arith.constant 192 : i32
      %add3A_698 = arith.addi %mul3A_363, %add3A_697 : i32
      %get3A_699 = arith.constant 0 : i32
      %get3A_700 = arith.index_cast %get3A_699 : i32 to index
      %get3A_701 = arith.index_cast %add3A_698 : i32 to index
      %get3A_702 = tpu.vector_load %arg6[%get3A_700, %get3A_701] {strides = array<i32>} : memref<2x4096xf32, #tpu.memory_space<vmem>>, vector<1x16xf32>,
      %get3A_703 = vector.shape_cast %get3A_702 : vector<1x16xf32> to vector<16xf32>
      %mul3A_704 = arith.mulf %get3A_703, %div3A_116 : vector<16xf32>
      %swap3A_705 = arith.constant 0 : i32
      %swap3A_706 = arith.index_cast %swap3A_705 : i32 to index
      %swap3A_707 = arith.index_cast %add3A_698 : i32 to index
      %swap3A_708 = tpu.vector_load %arg7[%swap3A_706, %swap3A_707] {strides = array<i32>} : memref<2x4096xf32, #tpu.memory_space<vmem>>, vector<1x16xf32>,
      %swap3A_709 = vector.shape_cast %swap3A_708 : vector<1x16xf32> to vector<16xf32>
      %swap3A_710 = vector.shape_cast %mul3A_704 : vector<16xf32> to vector<1x16xf32>
      tpu.vector_store %arg7[%swap3A_706, %swap3A_707], %swap3A_710 {strides = array<i32>} : memref<2x4096xf32, #tpu.memory_space<vmem>>, vector<1x16xf32>,
      %sub3A_711 = arith.constant 1.000000e+00 : f32
      %sub3A_712 = vector.broadcast %sub3A_711 : f32 to vector<16xf32>
      %sub3A_713 = arith.subf %sub3A_712, %mul3A_704 : vector<16xf32>
      %max3A_714 = arith.constant 1.000000e-07 : f32
      %max3A_715 = vector.broadcast %max3A_714 : f32 to vector<16xf32>
      %max3A_716 = arith.maximumf %sub3A_713, %max3A_715 : vector<16xf32>
      %mul3A_717 = arith.mulf %max3A_716, %max3A_716 : vector<16xf32>
      %mul3A_718 = arith.mulf %mul3A_704, %mul3A_717 : vector<16xf32>
      %swap3A_719 = arith.constant 0 : i32
      %swap3A_720 = arith.index_cast %swap3A_719 : i32 to index
      %swap3A_721 = arith.index_cast %add3A_698 : i32 to index
      %swap3A_722 = tpu.vector_load %arg6[%swap3A_720, %swap3A_721] {strides = array<i32>} : memref<2x4096xf32, #tpu.memory_space<vmem>>, vector<1x16xf32>,
      %swap3A_723 = vector.shape_cast %swap3A_722 : vector<1x16xf32> to vector<16xf32>
      %swap3A_724 = vector.shape_cast %mul3A_718 : vector<16xf32> to vector<1x16xf32>
      tpu.vector_store %arg6[%swap3A_720, %swap3A_721], %swap3A_724 {strides = array<i32>} : memref<2x4096xf32, #tpu.memory_space<vmem>>, vector<1x16xf32>,
      %add3A_725 = arith.constant 208 : i32
      %add3A_726 = arith.addi %mul3A_363, %add3A_725 : i32
      %get3A_727 = arith.constant 0 : i32
      %get3A_728 = arith.index_cast %get3A_727 : i32 to index
      %get3A_729 = arith.index_cast %add3A_726 : i32 to index
      %get3A_730 = tpu.vector_load %arg6[%get3A_728, %get3A_729] {strides = array<i32>} : memref<2x4096xf32, #tpu.memory_space<vmem>>, vector<1x16xf32>,
      %get3A_731 = vector.shape_cast %get3A_730 : vector<1x16xf32> to vector<16xf32>
      %mul3A_732 = arith.mulf %get3A_731, %div3A_116 : vector<16xf32>
      %swap3A_733 = arith.constant 0 : i32
      %swap3A_734 = arith.index_cast %swap3A_733 : i32 to index
      %swap3A_735 = arith.index_cast %add3A_726 : i32 to index
      %swap3A_736 = tpu.vector_load %arg7[%swap3A_734, %swap3A_735] {strides = array<i32>} : memref<2x4096xf32, #tpu.memory_space<vmem>>, vector<1x16xf32>,
      %swap3A_737 = vector.shape_cast %swap3A_736 : vector<1x16xf32> to vector<16xf32>
      %swap3A_738 = vector.shape_cast %mul3A_732 : vector<16xf32> to vector<1x16xf32>
      tpu.vector_store %arg7[%swap3A_734, %swap3A_735], %swap3A_738 {strides = array<i32>} : memref<2x4096xf32, #tpu.memory_space<vmem>>, vector<1x16xf32>,
      %sub3A_739 = arith.constant 1.000000e+00 : f32
      %sub3A_740 = vector.broadcast %sub3A_739 : f32 to vector<16xf32>
      %sub3A_741 = arith.subf %sub3A_740, %mul3A_732 : vector<16xf32>
      %max3A_742 = arith.constant 1.000000e-07 : f32
      %max3A_743 = vector.broadcast %max3A_742 : f32 to vector<16xf32>
      %max3A_744 = arith.maximumf %sub3A_741, %max3A_743 : vector<16xf32>
      %mul3A_745 = arith.mulf %max3A_744, %max3A_744 : vector<16xf32>
      %mul3A_746 = arith.mulf %mul3A_732, %mul3A_745 : vector<16xf32>
      %swap3A_747 = arith.constant 0 : i32
      %swap3A_748 = arith.index_cast %swap3A_747 : i32 to index
      %swap3A_749 = arith.index_cast %add3A_726 : i32 to index
      %swap3A_750 = tpu.vector_load %arg6[%swap3A_748, %swap3A_749] {strides = array<i32>} : memref<2x4096xf32, #tpu.memory_space<vmem>>, vector<1x16xf32>,
      %swap3A_751 = vector.shape_cast %swap3A_750 : vector<1x16xf32> to vector<16xf32>
      %swap3A_752 = vector.shape_cast %mul3A_746 : vector<16xf32> to vector<1x16xf32>
      tpu.vector_store %arg6[%swap3A_748, %swap3A_749], %swap3A_752 {strides = array<i32>} : memref<2x4096xf32, #tpu.memory_space<vmem>>, vector<1x16xf32>,
      %add3A_753 = arith.constant 224 : i32
      %add3A_754 = arith.addi %mul3A_363, %add3A_753 : i32
      %get3A_755 = arith.constant 0 : i32
      %get3A_756 = arith.index_cast %get3A_755 : i32 to index
      %get3A_757 = arith.index_cast %add3A_754 : i32 to index
      %get3A_758 = tpu.vector_load %arg6[%get3A_756, %get3A_757] {strides = array<i32>} : memref<2x4096xf32, #tpu.memory_space<vmem>>, vector<1x16xf32>,
      %get3A_759 = vector.shape_cast %get3A_758 : vector<1x16xf32> to vector<16xf32>
      %mul3A_760 = arith.mulf %get3A_759, %div3A_116 : vector<16xf32>
      %swap3A_761 = arith.constant 0 : i32
      %swap3A_762 = arith.index_cast %swap3A_761 : i32 to index
      %swap3A_763 = arith.index_cast %add3A_754 : i32 to index
      %swap3A_764 = tpu.vector_load %arg7[%swap3A_762, %swap3A_763] {strides = array<i32>} : memref<2x4096xf32, #tpu.memory_space<vmem>>, vector<1x16xf32>,
      %swap3A_765 = vector.shape_cast %swap3A_764 : vector<1x16xf32> to vector<16xf32>
      %swap3A_766 = vector.shape_cast %mul3A_760 : vector<16xf32> to vector<1x16xf32>
      tpu.vector_store %arg7[%swap3A_762, %swap3A_763], %swap3A_766 {strides = array<i32>} : memref<2x4096xf32, #tpu.memory_space<vmem>>, vector<1x16xf32>,
      %sub3A_767 = arith.constant 1.000000e+00 : f32
      %sub3A_768 = vector.broadcast %sub3A_767 : f32 to vector<16xf32>
      %sub3A_769 = arith.subf %sub3A_768, %mul3A_760 : vector<16xf32>
      %max3A_770 = arith.constant 1.000000e-07 : f32
      %max3A_771 = vector.broadcast %max3A_770 : f32 to vector<16xf32>
      %max3A_772 = arith.maximumf %sub3A_769, %max3A_771 : vector<16xf32>
      %mul3A_773 = arith.mulf %max3A_772, %max3A_772 : vector<16xf32>
      %mul3A_774 = arith.mulf %mul3A_760, %mul3A_773 : vector<16xf32>
      %swap3A_775 = arith.constant 0 : i32
      %swap3A_776 = arith.index_cast %swap3A_775 : i32 to index
      %swap3A_777 = arith.index_cast %add3A_754 : i32 to index
      %swap3A_778 = tpu.vector_load %arg6[%swap3A_776, %swap3A_777] {strides = array<i32>} : memref<2x4096xf32, #tpu.memory_space<vmem>>, vector<1x16xf32>,
      %swap3A_779 = vector.shape_cast %swap3A_778 : vector<1x16xf32> to vector<16xf32>
      %swap3A_780 = vector.shape_cast %mul3A_774 : vector<16xf32> to vector<1x16xf32>
      tpu.vector_store %arg6[%swap3A_776, %swap3A_777], %swap3A_780 {strides = array<i32>} : memref<2x4096xf32, #tpu.memory_space<vmem>>, vector<1x16xf32>,
      %add3A_781 = arith.constant 240 : i32
      %add3A_782 = arith.addi %mul3A_363, %add3A_781 : i32
      %get3A_783 = arith.constant 0 : i32
      %get3A_784 = arith.index_cast %get3A_783 : i32 to index
      %get3A_785 = arith.index_cast %add3A_782 : i32 to index
      %get3A_786 = tpu.vector_load %arg6[%get3A_784, %get3A_785] {strides = array<i32>} : memref<2x4096xf32, #tpu.memory_space<vmem>>, vector<1x16xf32>,
      %get3A_787 = vector.shape_cast %get3A_786 : vector<1x16xf32> to vector<16xf32>
      %mul3A_788 = arith.mulf %get3A_787, %div3A_116 : vector<16xf32>
      %swap3A_789 = arith.constant 0 : i32
      %swap3A_790 = arith.index_cast %swap3A_789 : i32 to index
      %swap3A_791 = arith.index_cast %add3A_782 : i32 to index
      %swap3A_792 = tpu.vector_load %arg7[%swap3A_790, %swap3A_791] {strides = array<i32>} : memref<2x4096xf32, #tpu.memory_space<vmem>>, vector<1x16xf32>,
      %swap3A_793 = vector.shape_cast %swap3A_792 : vector<1x16xf32> to vector<16xf32>
      %swap3A_794 = vector.shape_cast %mul3A_788 : vector<16xf32> to vector<1x16xf32>
      tpu.vector_store %arg7[%swap3A_790, %swap3A_791], %swap3A_794 {strides = array<i32>} : memref<2x4096xf32, #tpu.memory_space<vmem>>, vector<1x16xf32>,
      %sub3A_795 = arith.constant 1.000000e+00 : f32
      %sub3A_796 = vector.broadcast %sub3A_795 : f32 to vector<16xf32>
      %sub3A_797 = arith.subf %sub3A_796, %mul3A_788 : vector<16xf32>
      %max3A_798 = arith.constant 1.000000e-07 : f32
      %max3A_799 = vector.broadcast %max3A_798 : f32 to vector<16xf32>
      %max3A_800 = arith.maximumf %sub3A_797, %max3A_799 : vector<16xf32>
      %mul3A_801 = arith.mulf %max3A_800, %max3A_800 : vector<16xf32>
      %mul3A_802 = arith.mulf %mul3A_788, %mul3A_801 : vector<16xf32>
      %swap3A_803 = arith.constant 0 : i32
      %swap3A_804 = arith.index_cast %swap3A_803 : i32 to index
      %swap3A_805 = arith.index_cast %add3A_782 : i32 to index
      %swap3A_806 = tpu.vector_load %arg6[%swap3A_804, %swap3A_805] {strides = array<i32>} : memref<2x4096xf32, #tpu.memory_space<vmem>>, vector<1x16xf32>,
      %swap3A_807 = vector.shape_cast %swap3A_806 : vector<1x16xf32> to vector<16xf32>
      %swap3A_808 = vector.shape_cast %mul3A_802 : vector<16xf32> to vector<1x16xf32>
      tpu.vector_store %arg6[%swap3A_804, %swap3A_805], %swap3A_808 {strides = array<i32>} : memref<2x4096xf32, #tpu.memory_space<vmem>>, vector<1x16xf32>,
      %add3A_809 = arith.addf %mul3A_382, %mul3A_410 : vector<16xf32>
      %add3A_810 = arith.addf %mul3A_438, %mul3A_466 : vector<16xf32>
      %add3A_811 = arith.addf %mul3A_494, %mul3A_522 : vector<16xf32>
      %add3A_812 = arith.addf %mul3A_550, %mul3A_578 : vector<16xf32>
      %add3A_813 = arith.addf %mul3A_606, %mul3A_634 : vector<16xf32>
      %add3A_814 = arith.addf %mul3A_662, %mul3A_690 : vector<16xf32>
      %add3A_815 = arith.addf %mul3A_718, %mul3A_746 : vector<16xf32>
      %add3A_816 = arith.addf %mul3A_774, %mul3A_802 : vector<16xf32>
      %add3A_817 = arith.addf %add3A_809, %add3A_810 : vector<16xf32>
      %add3A_818 = arith.addf %add3A_811, %add3A_812 : vector<16xf32>
      %add3A_819 = arith.addf %add3A_813, %add3A_814 : vector<16xf32>
      %add3A_820 = arith.addf %add3A_815, %add3A_816 : vector<16xf32>
      %add3A_821 = arith.addf %add3A_817, %add3A_818 : vector<16xf32>
      %add3A_822 = arith.addf %add3A_819, %add3A_820 : vector<16xf32>
      %add3A_823 = arith.addf %add3A_821, %add3A_822 : vector<16xf32>
      %add3A_824 = arith.addf %scan3A_361, %add3A_823 : vector<16xf32>
      scf.yield %add3A_824 : vector<16xf32>
    }
    %scan3A_124 = arith.constant 16 : i32
    %iota3A_125 = tpu.iota {dimensions = array<i32: 0>} : vector<16xi32>
    %add3A_126 = arith.constant 8 : i32
    %add3A_127 = vector.broadcast %add3A_126 : i32 to vector<16xi32>
    %add3A_128 = arith.addi %iota3A_125, %add3A_127 : vector<16xi32>
    %and3A_129 = arith.constant 15 : i32
    %and3A_130 = vector.broadcast %and3A_129 : i32 to vector<16xi32>
    %and3A_131 = arith.andi %add3A_128, %and3A_130 : vector<16xi32>
    %broadcast_in_dim3A_132 = vector.shape_cast %and3A_131 : vector<16xi32> to vector<16x1xi32>
    %gather3A_133 = vector.shape_cast %broadcast_in_dim3A_132 : vector<16x1xi32> to vector<16xi32>
    %gather3A_134 = tpu.dynamic_gather %scan3A_123[%gather3A_133] in [0] : vector<16xf32>, vector<16xi32> -> vector<16xf32>
    %add3A_135 = arith.addf %scan3A_123, %gather3A_134 : vector<16xf32>
    %iota3A_136 = tpu.iota {dimensions = array<i32: 0>} : vector<16xi32>
    %add3A_137 = arith.constant 4 : i32
    %add3A_138 = vector.broadcast %add3A_137 : i32 to vector<16xi32>
    %add3A_139 = arith.addi %iota3A_136, %add3A_138 : vector<16xi32>
    %and3A_140 = arith.constant 15 : i32
    %and3A_141 = vector.broadcast %and3A_140 : i32 to vector<16xi32>
    %and3A_142 = arith.andi %add3A_139, %and3A_141 : vector<16xi32>
    %broadcast_in_dim3A_143 = vector.shape_cast %and3A_142 : vector<16xi32> to vector<16x1xi32>
    %gather3A_144 = vector.shape_cast %broadcast_in_dim3A_143 : vector<16x1xi32> to vector<16xi32>
    %gather3A_145 = tpu.dynamic_gather %add3A_135[%gather3A_144] in [0] : vector<16xf32>, vector<16xi32> -> vector<16xf32>
    %add3A_146 = arith.addf %add3A_135, %gather3A_145 : vector<16xf32>
    %iota3A_147 = tpu.iota {dimensions = array<i32: 0>} : vector<16xi32>
    %add3A_148 = arith.constant 2 : i32
    %add3A_149 = vector.broadcast %add3A_148 : i32 to vector<16xi32>
    %add3A_150 = arith.addi %iota3A_147, %add3A_149 : vector<16xi32>
    %and3A_151 = arith.constant 15 : i32
    %and3A_152 = vector.broadcast %and3A_151 : i32 to vector<16xi32>
    %and3A_153 = arith.andi %add3A_150, %and3A_152 : vector<16xi32>
    %broadcast_in_dim3A_154 = vector.shape_cast %and3A_153 : vector<16xi32> to vector<16x1xi32>
    %gather3A_155 = vector.shape_cast %broadcast_in_dim3A_154 : vector<16x1xi32> to vector<16xi32>
    %gather3A_156 = tpu.dynamic_gather %add3A_146[%gather3A_155] in [0] : vector<16xf32>, vector<16xi32> -> vector<16xf32>
    %add3A_157 = arith.addf %add3A_146, %gather3A_156 : vector<16xf32>
    %iota3A_158 = tpu.iota {dimensions = array<i32: 0>} : vector<16xi32>
    %add3A_159 = arith.constant 1 : i32
    %add3A_160 = vector.broadcast %add3A_159 : i32 to vector<16xi32>
    %add3A_161 = arith.addi %iota3A_158, %add3A_160 : vector<16xi32>
    %and3A_162 = arith.constant 15 : i32
    %and3A_163 = vector.broadcast %and3A_162 : i32 to vector<16xi32>
    %and3A_164 = arith.andi %add3A_161, %and3A_163 : vector<16xi32>
    %broadcast_in_dim3A_165 = vector.shape_cast %and3A_164 : vector<16xi32> to vector<16x1xi32>
    %gather3A_166 = vector.shape_cast %broadcast_in_dim3A_165 : vector<16x1xi32> to vector<16xi32>
    %gather3A_167 = tpu.dynamic_gather %add3A_157[%gather3A_166] in [0] : vector<16xf32>, vector<16xi32> -> vector<16xf32>
    %add3A_168 = arith.addf %add3A_157, %gather3A_167 : vector<16xf32>
    %scan3A_169 = arith.constant 0 : i32
    %scan3A_170 = arith.constant 30 : i32
    %scan3A_171 = arith.addi %scan3A_169, %scan3A_170 : i32
    %scan3A_172 = arith.constant 1 : i32
    %scan3A_173 = scf.for %scan3A_360 = %scan3A_169 to %scan3A_171 step %scan3A_172 iter_args(%scan3A_361 = %add3A_168) -> (vector<16xf32>)  : i32 {
      %div3A_362 = arith.constant 1.000000e+00 : f32
      %div3A_363 = vector.broadcast %div3A_362 : f32 to vector<16xf32>
      %div3A_364 = arith.divf %div3A_363, %scan3A_361 : vector<16xf32>
      %broadcast_in_dim3A_365 = arith.constant 0.000000e+00 : f32
      %broadcast_in_dim3A_366 = vector.broadcast %broadcast_in_dim3A_365 : f32 to vector<16xf32>
      %scan3A_367 = arith.constant 0 : i32
      %scan3A_368 = arith.constant 16 : i32
      %scan3A_369 = arith.addi %scan3A_367, %scan3A_368 : i32
      %scan3A_370 = arith.constant 1 : i32
      %scan3A_371 = scf.for %scan3A_417 = %scan3A_367 to %scan3A_369 step %scan3A_370 iter_args(%scan3A_418 = %broadcast_in_dim3A_366) -> (vector<16xf32>)  : i32 {
        %mul3A_419 = arith.constant 256 : i32
        %mul3A_420 = arith.muli %scan3A_417, %mul3A_419 : i32
        %add3A_421 = arith.constant 0 : i32
        %add3A_422 = arith.addi %mul3A_420, %add3A_421 : i32
        %get3A = arith.constant 0 : i32
        %get3A_423 = arith.index_cast %get3A : i32 to index
        %get3A_424 = arith.index_cast %add3A_422 : i32 to index
        %get3A_425 = tpu.vector_load %arg6[%get3A_423, %get3A_424] {strides = array<i32>} : memref<2x4096xf32, #tpu.memory_space<vmem>>, vector<1x16xf32>,
        %get3A_426 = vector.shape_cast %get3A_425 : vector<1x16xf32> to vector<16xf32>
        %mul3A_427 = arith.mulf %get3A_426, %div3A_364 : vector<16xf32>
        %swap3A = arith.constant 0 : i32
        %swap3A_428 = arith.index_cast %swap3A : i32 to index
        %swap3A_429 = arith.index_cast %add3A_422 : i32 to index
        %swap3A_430 = tpu.vector_load %arg7[%swap3A_428, %swap3A_429] {strides = array<i32>} : memref<2x4096xf32, #tpu.memory_space<vmem>>, vector<1x16xf32>,
        %swap3A_431 = vector.shape_cast %swap3A_430 : vector<1x16xf32> to vector<16xf32>
        %swap3A_432 = vector.shape_cast %mul3A_427 : vector<16xf32> to vector<1x16xf32>
        tpu.vector_store %arg7[%swap3A_428, %swap3A_429], %swap3A_432 {add = true, strides = array<i32>} : memref<2x4096xf32, #tpu.memory_space<vmem>>, vector<1x16xf32>,
        %sub3A = arith.constant 1.000000e+00 : f32
        %sub3A_433 = vector.broadcast %sub3A : f32 to vector<16xf32>
        %sub3A_434 = arith.subf %sub3A_433, %mul3A_427 : vector<16xf32>
        %max3A_435 = arith.constant 1.000000e-07 : f32
        %max3A_436 = vector.broadcast %max3A_435 : f32 to vector<16xf32>
        %max3A_437 = arith.maximumf %sub3A_434, %max3A_436 : vector<16xf32>
        %mul3A_438 = arith.mulf %max3A_437, %max3A_437 : vector<16xf32>
        %mul3A_439 = arith.mulf %mul3A_427, %mul3A_438 : vector<16xf32>
        %swap3A_440 = arith.constant 0 : i32
        %swap3A_441 = arith.index_cast %swap3A_440 : i32 to index
        %swap3A_442 = arith.index_cast %add3A_422 : i32 to index
        %swap3A_443 = tpu.vector_load %arg6[%swap3A_441, %swap3A_442] {strides = array<i32>} : memref<2x4096xf32, #tpu.memory_space<vmem>>, vector<1x16xf32>,
        %swap3A_444 = vector.shape_cast %swap3A_443 : vector<1x16xf32> to vector<16xf32>
        %swap3A_445 = vector.shape_cast %mul3A_439 : vector<16xf32> to vector<1x16xf32>
        tpu.vector_store %arg6[%swap3A_441, %swap3A_442], %swap3A_445 {strides = array<i32>} : memref<2x4096xf32, #tpu.memory_space<vmem>>, vector<1x16xf32>,
        %add3A_446 = arith.constant 16 : i32
        %add3A_447 = arith.addi %mul3A_420, %add3A_446 : i32
        %get3A_448 = arith.constant 0 : i32
        %get3A_449 = arith.index_cast %get3A_448 : i32 to index
        %get3A_450 = arith.index_cast %add3A_447 : i32 to index
        %get3A_451 = tpu.vector_load %arg6[%get3A_449, %get3A_450] {strides = array<i32>} : memref<2x4096xf32, #tpu.memory_space<vmem>>, vector<1x16xf32>,
        %get3A_452 = vector.shape_cast %get3A_451 : vector<1x16xf32> to vector<16xf32>
        %mul3A_453 = arith.mulf %get3A_452, %div3A_364 : vector<16xf32>
        %swap3A_454 = arith.constant 0 : i32
        %swap3A_455 = arith.index_cast %swap3A_454 : i32 to index
        %swap3A_456 = arith.index_cast %add3A_447 : i32 to index
        %swap3A_457 = tpu.vector_load %arg7[%swap3A_455, %swap3A_456] {strides = array<i32>} : memref<2x4096xf32, #tpu.memory_space<vmem>>, vector<1x16xf32>,
        %swap3A_458 = vector.shape_cast %swap3A_457 : vector<1x16xf32> to vector<16xf32>
        %swap3A_459 = vector.shape_cast %mul3A_453 : vector<16xf32> to vector<1x16xf32>
        tpu.vector_store %arg7[%swap3A_455, %swap3A_456], %swap3A_459 {add = true, strides = array<i32>} : memref<2x4096xf32, #tpu.memory_space<vmem>>, vector<1x16xf32>,
        %sub3A_460 = arith.constant 1.000000e+00 : f32
        %sub3A_461 = vector.broadcast %sub3A_460 : f32 to vector<16xf32>
        %sub3A_462 = arith.subf %sub3A_461, %mul3A_453 : vector<16xf32>
        %max3A_463 = arith.constant 1.000000e-07 : f32
        %max3A_464 = vector.broadcast %max3A_463 : f32 to vector<16xf32>
        %max3A_465 = arith.maximumf %sub3A_462, %max3A_464 : vector<16xf32>
        %mul3A_466 = arith.mulf %max3A_465, %max3A_465 : vector<16xf32>
        %mul3A_467 = arith.mulf %mul3A_453, %mul3A_466 : vector<16xf32>
        %swap3A_468 = arith.constant 0 : i32
        %swap3A_469 = arith.index_cast %swap3A_468 : i32 to index
        %swap3A_470 = arith.index_cast %add3A_447 : i32 to index
        %swap3A_471 = tpu.vector_load %arg6[%swap3A_469, %swap3A_470] {strides = array<i32>} : memref<2x4096xf32, #tpu.memory_space<vmem>>, vector<1x16xf32>,
        %swap3A_472 = vector.shape_cast %swap3A_471 : vector<1x16xf32> to vector<16xf32>
        %swap3A_473 = vector.shape_cast %mul3A_467 : vector<16xf32> to vector<1x16xf32>
        tpu.vector_store %arg6[%swap3A_469, %swap3A_470], %swap3A_473 {strides = array<i32>} : memref<2x4096xf32, #tpu.memory_space<vmem>>, vector<1x16xf32>,
        %add3A_474 = arith.constant 32 : i32
        %add3A_475 = arith.addi %mul3A_420, %add3A_474 : i32
        %get3A_476 = arith.constant 0 : i32
        %get3A_477 = arith.index_cast %get3A_476 : i32 to index
        %get3A_478 = arith.index_cast %add3A_475 : i32 to index
        %get3A_479 = tpu.vector_load %arg6[%get3A_477, %get3A_478] {strides = array<i32>} : memref<2x4096xf32, #tpu.memory_space<vmem>>, vector<1x16xf32>,
        %get3A_480 = vector.shape_cast %get3A_479 : vector<1x16xf32> to vector<16xf32>
        %mul3A_481 = arith.mulf %get3A_480, %div3A_364 : vector<16xf32>
        %swap3A_482 = arith.constant 0 : i32
        %swap3A_483 = arith.index_cast %swap3A_482 : i32 to index
        %swap3A_484 = arith.index_cast %add3A_475 : i32 to index
        %swap3A_485 = tpu.vector_load %arg7[%swap3A_483, %swap3A_484] {strides = array<i32>} : memref<2x4096xf32, #tpu.memory_space<vmem>>, vector<1x16xf32>,
        %swap3A_486 = vector.shape_cast %swap3A_485 : vector<1x16xf32> to vector<16xf32>
        %swap3A_487 = vector.shape_cast %mul3A_481 : vector<16xf32> to vector<1x16xf32>
        tpu.vector_store %arg7[%swap3A_483, %swap3A_484], %swap3A_487 {add = true, strides = array<i32>} : memref<2x4096xf32, #tpu.memory_space<vmem>>, vector<1x16xf32>,
        %sub3A_488 = arith.constant 1.000000e+00 : f32
        %sub3A_489 = vector.broadcast %sub3A_488 : f32 to vector<16xf32>
        %sub3A_490 = arith.subf %sub3A_489, %mul3A_481 : vector<16xf32>
        %max3A_491 = arith.constant 1.000000e-07 : f32
        %max3A_492 = vector.broadcast %max3A_491 : f32 to vector<16xf32>
        %max3A_493 = arith.maximumf %sub3A_490, %max3A_492 : vector<16xf32>
        %mul3A_494 = arith.mulf %max3A_493, %max3A_493 : vector<16xf32>
        %mul3A_495 = arith.mulf %mul3A_481, %mul3A_494 : vector<16xf32>
        %swap3A_496 = arith.constant 0 : i32
        %swap3A_497 = arith.index_cast %swap3A_496 : i32 to index
        %swap3A_498 = arith.index_cast %add3A_475 : i32 to index
        %swap3A_499 = tpu.vector_load %arg6[%swap3A_497, %swap3A_498] {strides = array<i32>} : memref<2x4096xf32, #tpu.memory_space<vmem>>, vector<1x16xf32>,
        %swap3A_500 = vector.shape_cast %swap3A_499 : vector<1x16xf32> to vector<16xf32>
        %swap3A_501 = vector.shape_cast %mul3A_495 : vector<16xf32> to vector<1x16xf32>
        tpu.vector_store %arg6[%swap3A_497, %swap3A_498], %swap3A_501 {strides = array<i32>} : memref<2x4096xf32, #tpu.memory_space<vmem>>, vector<1x16xf32>,
        %add3A_502 = arith.constant 48 : i32
        %add3A_503 = arith.addi %mul3A_420, %add3A_502 : i32
        %get3A_504 = arith.constant 0 : i32
        %get3A_505 = arith.index_cast %get3A_504 : i32 to index
        %get3A_506 = arith.index_cast %add3A_503 : i32 to index
        %get3A_507 = tpu.vector_load %arg6[%get3A_505, %get3A_506] {strides = array<i32>} : memref<2x4096xf32, #tpu.memory_space<vmem>>, vector<1x16xf32>,
        %get3A_508 = vector.shape_cast %get3A_507 : vector<1x16xf32> to vector<16xf32>
        %mul3A_509 = arith.mulf %get3A_508, %div3A_364 : vector<16xf32>
        %swap3A_510 = arith.constant 0 : i32
        %swap3A_511 = arith.index_cast %swap3A_510 : i32 to index
        %swap3A_512 = arith.index_cast %add3A_503 : i32 to index
        %swap3A_513 = tpu.vector_load %arg7[%swap3A_511, %swap3A_512] {strides = array<i32>} : memref<2x4096xf32, #tpu.memory_space<vmem>>, vector<1x16xf32>,
        %swap3A_514 = vector.shape_cast %swap3A_513 : vector<1x16xf32> to vector<16xf32>
        %swap3A_515 = vector.shape_cast %mul3A_509 : vector<16xf32> to vector<1x16xf32>
        tpu.vector_store %arg7[%swap3A_511, %swap3A_512], %swap3A_515 {add = true, strides = array<i32>} : memref<2x4096xf32, #tpu.memory_space<vmem>>, vector<1x16xf32>,
        %sub3A_516 = arith.constant 1.000000e+00 : f32
        %sub3A_517 = vector.broadcast %sub3A_516 : f32 to vector<16xf32>
        %sub3A_518 = arith.subf %sub3A_517, %mul3A_509 : vector<16xf32>
        %max3A_519 = arith.constant 1.000000e-07 : f32
        %max3A_520 = vector.broadcast %max3A_519 : f32 to vector<16xf32>
        %max3A_521 = arith.maximumf %sub3A_518, %max3A_520 : vector<16xf32>
        %mul3A_522 = arith.mulf %max3A_521, %max3A_521 : vector<16xf32>
        %mul3A_523 = arith.mulf %mul3A_509, %mul3A_522 : vector<16xf32>
        %swap3A_524 = arith.constant 0 : i32
        %swap3A_525 = arith.index_cast %swap3A_524 : i32 to index
        %swap3A_526 = arith.index_cast %add3A_503 : i32 to index
        %swap3A_527 = tpu.vector_load %arg6[%swap3A_525, %swap3A_526] {strides = array<i32>} : memref<2x4096xf32, #tpu.memory_space<vmem>>, vector<1x16xf32>,
        %swap3A_528 = vector.shape_cast %swap3A_527 : vector<1x16xf32> to vector<16xf32>
        %swap3A_529 = vector.shape_cast %mul3A_523 : vector<16xf32> to vector<1x16xf32>
        tpu.vector_store %arg6[%swap3A_525, %swap3A_526], %swap3A_529 {strides = array<i32>} : memref<2x4096xf32, #tpu.memory_space<vmem>>, vector<1x16xf32>,
        %add3A_530 = arith.constant 64 : i32
        %add3A_531 = arith.addi %mul3A_420, %add3A_530 : i32
        %get3A_532 = arith.constant 0 : i32
        %get3A_533 = arith.index_cast %get3A_532 : i32 to index
        %get3A_534 = arith.index_cast %add3A_531 : i32 to index
        %get3A_535 = tpu.vector_load %arg6[%get3A_533, %get3A_534] {strides = array<i32>} : memref<2x4096xf32, #tpu.memory_space<vmem>>, vector<1x16xf32>,
        %get3A_536 = vector.shape_cast %get3A_535 : vector<1x16xf32> to vector<16xf32>
        %mul3A_537 = arith.mulf %get3A_536, %div3A_364 : vector<16xf32>
        %swap3A_538 = arith.constant 0 : i32
        %swap3A_539 = arith.index_cast %swap3A_538 : i32 to index
        %swap3A_540 = arith.index_cast %add3A_531 : i32 to index
        %swap3A_541 = tpu.vector_load %arg7[%swap3A_539, %swap3A_540] {strides = array<i32>} : memref<2x4096xf32, #tpu.memory_space<vmem>>, vector<1x16xf32>,
        %swap3A_542 = vector.shape_cast %swap3A_541 : vector<1x16xf32> to vector<16xf32>
        %swap3A_543 = vector.shape_cast %mul3A_537 : vector<16xf32> to vector<1x16xf32>
        tpu.vector_store %arg7[%swap3A_539, %swap3A_540], %swap3A_543 {add = true, strides = array<i32>} : memref<2x4096xf32, #tpu.memory_space<vmem>>, vector<1x16xf32>,
        %sub3A_544 = arith.constant 1.000000e+00 : f32
        %sub3A_545 = vector.broadcast %sub3A_544 : f32 to vector<16xf32>
        %sub3A_546 = arith.subf %sub3A_545, %mul3A_537 : vector<16xf32>
        %max3A_547 = arith.constant 1.000000e-07 : f32
        %max3A_548 = vector.broadcast %max3A_547 : f32 to vector<16xf32>
        %max3A_549 = arith.maximumf %sub3A_546, %max3A_548 : vector<16xf32>
        %mul3A_550 = arith.mulf %max3A_549, %max3A_549 : vector<16xf32>
        %mul3A_551 = arith.mulf %mul3A_537, %mul3A_550 : vector<16xf32>
        %swap3A_552 = arith.constant 0 : i32
        %swap3A_553 = arith.index_cast %swap3A_552 : i32 to index
        %swap3A_554 = arith.index_cast %add3A_531 : i32 to index
        %swap3A_555 = tpu.vector_load %arg6[%swap3A_553, %swap3A_554] {strides = array<i32>} : memref<2x4096xf32, #tpu.memory_space<vmem>>, vector<1x16xf32>,
        %swap3A_556 = vector.shape_cast %swap3A_555 : vector<1x16xf32> to vector<16xf32>
        %swap3A_557 = vector.shape_cast %mul3A_551 : vector<16xf32> to vector<1x16xf32>
        tpu.vector_store %arg6[%swap3A_553, %swap3A_554], %swap3A_557 {strides = array<i32>} : memref<2x4096xf32, #tpu.memory_space<vmem>>, vector<1x16xf32>,
        %add3A_558 = arith.constant 80 : i32
        %add3A_559 = arith.addi %mul3A_420, %add3A_558 : i32
        %get3A_560 = arith.constant 0 : i32
        %get3A_561 = arith.index_cast %get3A_560 : i32 to index
        %get3A_562 = arith.index_cast %add3A_559 : i32 to index
        %get3A_563 = tpu.vector_load %arg6[%get3A_561, %get3A_562] {strides = array<i32>} : memref<2x4096xf32, #tpu.memory_space<vmem>>, vector<1x16xf32>,
        %get3A_564 = vector.shape_cast %get3A_563 : vector<1x16xf32> to vector<16xf32>
        %mul3A_565 = arith.mulf %get3A_564, %div3A_364 : vector<16xf32>
        %swap3A_566 = arith.constant 0 : i32
        %swap3A_567 = arith.index_cast %swap3A_566 : i32 to index
        %swap3A_568 = arith.index_cast %add3A_559 : i32 to index
        %swap3A_569 = tpu.vector_load %arg7[%swap3A_567, %swap3A_568] {strides = array<i32>} : memref<2x4096xf32, #tpu.memory_space<vmem>>, vector<1x16xf32>,
        %swap3A_570 = vector.shape_cast %swap3A_569 : vector<1x16xf32> to vector<16xf32>
        %swap3A_571 = vector.shape_cast %mul3A_565 : vector<16xf32> to vector<1x16xf32>
        tpu.vector_store %arg7[%swap3A_567, %swap3A_568], %swap3A_571 {add = true, strides = array<i32>} : memref<2x4096xf32, #tpu.memory_space<vmem>>, vector<1x16xf32>,
        %sub3A_572 = arith.constant 1.000000e+00 : f32
        %sub3A_573 = vector.broadcast %sub3A_572 : f32 to vector<16xf32>
        %sub3A_574 = arith.subf %sub3A_573, %mul3A_565 : vector<16xf32>
        %max3A_575 = arith.constant 1.000000e-07 : f32
        %max3A_576 = vector.broadcast %max3A_575 : f32 to vector<16xf32>
        %max3A_577 = arith.maximumf %sub3A_574, %max3A_576 : vector<16xf32>
        %mul3A_578 = arith.mulf %max3A_577, %max3A_577 : vector<16xf32>
        %mul3A_579 = arith.mulf %mul3A_565, %mul3A_578 : vector<16xf32>
        %swap3A_580 = arith.constant 0 : i32
        %swap3A_581 = arith.index_cast %swap3A_580 : i32 to index
        %swap3A_582 = arith.index_cast %add3A_559 : i32 to index
        %swap3A_583 = tpu.vector_load %arg6[%swap3A_581, %swap3A_582] {strides = array<i32>} : memref<2x4096xf32, #tpu.memory_space<vmem>>, vector<1x16xf32>,
        %swap3A_584 = vector.shape_cast %swap3A_583 : vector<1x16xf32> to vector<16xf32>
        %swap3A_585 = vector.shape_cast %mul3A_579 : vector<16xf32> to vector<1x16xf32>
        tpu.vector_store %arg6[%swap3A_581, %swap3A_582], %swap3A_585 {strides = array<i32>} : memref<2x4096xf32, #tpu.memory_space<vmem>>, vector<1x16xf32>,
        %add3A_586 = arith.constant 96 : i32
        %add3A_587 = arith.addi %mul3A_420, %add3A_586 : i32
        %get3A_588 = arith.constant 0 : i32
        %get3A_589 = arith.index_cast %get3A_588 : i32 to index
        %get3A_590 = arith.index_cast %add3A_587 : i32 to index
        %get3A_591 = tpu.vector_load %arg6[%get3A_589, %get3A_590] {strides = array<i32>} : memref<2x4096xf32, #tpu.memory_space<vmem>>, vector<1x16xf32>,
        %get3A_592 = vector.shape_cast %get3A_591 : vector<1x16xf32> to vector<16xf32>
        %mul3A_593 = arith.mulf %get3A_592, %div3A_364 : vector<16xf32>
        %swap3A_594 = arith.constant 0 : i32
        %swap3A_595 = arith.index_cast %swap3A_594 : i32 to index
        %swap3A_596 = arith.index_cast %add3A_587 : i32 to index
        %swap3A_597 = tpu.vector_load %arg7[%swap3A_595, %swap3A_596] {strides = array<i32>} : memref<2x4096xf32, #tpu.memory_space<vmem>>, vector<1x16xf32>,
        %swap3A_598 = vector.shape_cast %swap3A_597 : vector<1x16xf32> to vector<16xf32>
        %swap3A_599 = vector.shape_cast %mul3A_593 : vector<16xf32> to vector<1x16xf32>
        tpu.vector_store %arg7[%swap3A_595, %swap3A_596], %swap3A_599 {add = true, strides = array<i32>} : memref<2x4096xf32, #tpu.memory_space<vmem>>, vector<1x16xf32>,
        %sub3A_600 = arith.constant 1.000000e+00 : f32
        %sub3A_601 = vector.broadcast %sub3A_600 : f32 to vector<16xf32>
        %sub3A_602 = arith.subf %sub3A_601, %mul3A_593 : vector<16xf32>
        %max3A_603 = arith.constant 1.000000e-07 : f32
        %max3A_604 = vector.broadcast %max3A_603 : f32 to vector<16xf32>
        %max3A_605 = arith.maximumf %sub3A_602, %max3A_604 : vector<16xf32>
        %mul3A_606 = arith.mulf %max3A_605, %max3A_605 : vector<16xf32>
        %mul3A_607 = arith.mulf %mul3A_593, %mul3A_606 : vector<16xf32>
        %swap3A_608 = arith.constant 0 : i32
        %swap3A_609 = arith.index_cast %swap3A_608 : i32 to index
        %swap3A_610 = arith.index_cast %add3A_587 : i32 to index
        %swap3A_611 = tpu.vector_load %arg6[%swap3A_609, %swap3A_610] {strides = array<i32>} : memref<2x4096xf32, #tpu.memory_space<vmem>>, vector<1x16xf32>,
        %swap3A_612 = vector.shape_cast %swap3A_611 : vector<1x16xf32> to vector<16xf32>
        %swap3A_613 = vector.shape_cast %mul3A_607 : vector<16xf32> to vector<1x16xf32>
        tpu.vector_store %arg6[%swap3A_609, %swap3A_610], %swap3A_613 {strides = array<i32>} : memref<2x4096xf32, #tpu.memory_space<vmem>>, vector<1x16xf32>,
        %add3A_614 = arith.constant 112 : i32
        %add3A_615 = arith.addi %mul3A_420, %add3A_614 : i32
        %get3A_616 = arith.constant 0 : i32
        %get3A_617 = arith.index_cast %get3A_616 : i32 to index
        %get3A_618 = arith.index_cast %add3A_615 : i32 to index
        %get3A_619 = tpu.vector_load %arg6[%get3A_617, %get3A_618] {strides = array<i32>} : memref<2x4096xf32, #tpu.memory_space<vmem>>, vector<1x16xf32>,
        %get3A_620 = vector.shape_cast %get3A_619 : vector<1x16xf32> to vector<16xf32>
        %mul3A_621 = arith.mulf %get3A_620, %div3A_364 : vector<16xf32>
        %swap3A_622 = arith.constant 0 : i32
        %swap3A_623 = arith.index_cast %swap3A_622 : i32 to index
        %swap3A_624 = arith.index_cast %add3A_615 : i32 to index
        %swap3A_625 = tpu.vector_load %arg7[%swap3A_623, %swap3A_624] {strides = array<i32>} : memref<2x4096xf32, #tpu.memory_space<vmem>>, vector<1x16xf32>,
        %swap3A_626 = vector.shape_cast %swap3A_625 : vector<1x16xf32> to vector<16xf32>
        %swap3A_627 = vector.shape_cast %mul3A_621 : vector<16xf32> to vector<1x16xf32>
        tpu.vector_store %arg7[%swap3A_623, %swap3A_624], %swap3A_627 {add = true, strides = array<i32>} : memref<2x4096xf32, #tpu.memory_space<vmem>>, vector<1x16xf32>,
        %sub3A_628 = arith.constant 1.000000e+00 : f32
        %sub3A_629 = vector.broadcast %sub3A_628 : f32 to vector<16xf32>
        %sub3A_630 = arith.subf %sub3A_629, %mul3A_621 : vector<16xf32>
        %max3A_631 = arith.constant 1.000000e-07 : f32
        %max3A_632 = vector.broadcast %max3A_631 : f32 to vector<16xf32>
        %max3A_633 = arith.maximumf %sub3A_630, %max3A_632 : vector<16xf32>
        %mul3A_634 = arith.mulf %max3A_633, %max3A_633 : vector<16xf32>
        %mul3A_635 = arith.mulf %mul3A_621, %mul3A_634 : vector<16xf32>
        %swap3A_636 = arith.constant 0 : i32
        %swap3A_637 = arith.index_cast %swap3A_636 : i32 to index
        %swap3A_638 = arith.index_cast %add3A_615 : i32 to index
        %swap3A_639 = tpu.vector_load %arg6[%swap3A_637, %swap3A_638] {strides = array<i32>} : memref<2x4096xf32, #tpu.memory_space<vmem>>, vector<1x16xf32>,
        %swap3A_640 = vector.shape_cast %swap3A_639 : vector<1x16xf32> to vector<16xf32>
        %swap3A_641 = vector.shape_cast %mul3A_635 : vector<16xf32> to vector<1x16xf32>
        tpu.vector_store %arg6[%swap3A_637, %swap3A_638], %swap3A_641 {strides = array<i32>} : memref<2x4096xf32, #tpu.memory_space<vmem>>, vector<1x16xf32>,
        %add3A_642 = arith.constant 128 : i32
        %add3A_643 = arith.addi %mul3A_420, %add3A_642 : i32
        %get3A_644 = arith.constant 0 : i32
        %get3A_645 = arith.index_cast %get3A_644 : i32 to index
        %get3A_646 = arith.index_cast %add3A_643 : i32 to index
        %get3A_647 = tpu.vector_load %arg6[%get3A_645, %get3A_646] {strides = array<i32>} : memref<2x4096xf32, #tpu.memory_space<vmem>>, vector<1x16xf32>,
        %get3A_648 = vector.shape_cast %get3A_647 : vector<1x16xf32> to vector<16xf32>
        %mul3A_649 = arith.mulf %get3A_648, %div3A_364 : vector<16xf32>
        %swap3A_650 = arith.constant 0 : i32
        %swap3A_651 = arith.index_cast %swap3A_650 : i32 to index
        %swap3A_652 = arith.index_cast %add3A_643 : i32 to index
        %swap3A_653 = tpu.vector_load %arg7[%swap3A_651, %swap3A_652] {strides = array<i32>} : memref<2x4096xf32, #tpu.memory_space<vmem>>, vector<1x16xf32>,
        %swap3A_654 = vector.shape_cast %swap3A_653 : vector<1x16xf32> to vector<16xf32>
        %swap3A_655 = vector.shape_cast %mul3A_649 : vector<16xf32> to vector<1x16xf32>
        tpu.vector_store %arg7[%swap3A_651, %swap3A_652], %swap3A_655 {add = true, strides = array<i32>} : memref<2x4096xf32, #tpu.memory_space<vmem>>, vector<1x16xf32>,
        %sub3A_656 = arith.constant 1.000000e+00 : f32
        %sub3A_657 = vector.broadcast %sub3A_656 : f32 to vector<16xf32>
        %sub3A_658 = arith.subf %sub3A_657, %mul3A_649 : vector<16xf32>
        %max3A_659 = arith.constant 1.000000e-07 : f32
        %max3A_660 = vector.broadcast %max3A_659 : f32 to vector<16xf32>
        %max3A_661 = arith.maximumf %sub3A_658, %max3A_660 : vector<16xf32>
        %mul3A_662 = arith.mulf %max3A_661, %max3A_661 : vector<16xf32>
        %mul3A_663 = arith.mulf %mul3A_649, %mul3A_662 : vector<16xf32>
        %swap3A_664 = arith.constant 0 : i32
        %swap3A_665 = arith.index_cast %swap3A_664 : i32 to index
        %swap3A_666 = arith.index_cast %add3A_643 : i32 to index
        %swap3A_667 = tpu.vector_load %arg6[%swap3A_665, %swap3A_666] {strides = array<i32>} : memref<2x4096xf32, #tpu.memory_space<vmem>>, vector<1x16xf32>,
        %swap3A_668 = vector.shape_cast %swap3A_667 : vector<1x16xf32> to vector<16xf32>
        %swap3A_669 = vector.shape_cast %mul3A_663 : vector<16xf32> to vector<1x16xf32>
        tpu.vector_store %arg6[%swap3A_665, %swap3A_666], %swap3A_669 {strides = array<i32>} : memref<2x4096xf32, #tpu.memory_space<vmem>>, vector<1x16xf32>,
        %add3A_670 = arith.constant 144 : i32
        %add3A_671 = arith.addi %mul3A_420, %add3A_670 : i32
        %get3A_672 = arith.constant 0 : i32
        %get3A_673 = arith.index_cast %get3A_672 : i32 to index
        %get3A_674 = arith.index_cast %add3A_671 : i32 to index
        %get3A_675 = tpu.vector_load %arg6[%get3A_673, %get3A_674] {strides = array<i32>} : memref<2x4096xf32, #tpu.memory_space<vmem>>, vector<1x16xf32>,
        %get3A_676 = vector.shape_cast %get3A_675 : vector<1x16xf32> to vector<16xf32>
        %mul3A_677 = arith.mulf %get3A_676, %div3A_364 : vector<16xf32>
        %swap3A_678 = arith.constant 0 : i32
        %swap3A_679 = arith.index_cast %swap3A_678 : i32 to index
        %swap3A_680 = arith.index_cast %add3A_671 : i32 to index
        %swap3A_681 = tpu.vector_load %arg7[%swap3A_679, %swap3A_680] {strides = array<i32>} : memref<2x4096xf32, #tpu.memory_space<vmem>>, vector<1x16xf32>,
        %swap3A_682 = vector.shape_cast %swap3A_681 : vector<1x16xf32> to vector<16xf32>
        %swap3A_683 = vector.shape_cast %mul3A_677 : vector<16xf32> to vector<1x16xf32>
        tpu.vector_store %arg7[%swap3A_679, %swap3A_680], %swap3A_683 {add = true, strides = array<i32>} : memref<2x4096xf32, #tpu.memory_space<vmem>>, vector<1x16xf32>,
        %sub3A_684 = arith.constant 1.000000e+00 : f32
        %sub3A_685 = vector.broadcast %sub3A_684 : f32 to vector<16xf32>
        %sub3A_686 = arith.subf %sub3A_685, %mul3A_677 : vector<16xf32>
        %max3A_687 = arith.constant 1.000000e-07 : f32
        %max3A_688 = vector.broadcast %max3A_687 : f32 to vector<16xf32>
        %max3A_689 = arith.maximumf %sub3A_686, %max3A_688 : vector<16xf32>
        %mul3A_690 = arith.mulf %max3A_689, %max3A_689 : vector<16xf32>
        %mul3A_691 = arith.mulf %mul3A_677, %mul3A_690 : vector<16xf32>
        %swap3A_692 = arith.constant 0 : i32
        %swap3A_693 = arith.index_cast %swap3A_692 : i32 to index
        %swap3A_694 = arith.index_cast %add3A_671 : i32 to index
        %swap3A_695 = tpu.vector_load %arg6[%swap3A_693, %swap3A_694] {strides = array<i32>} : memref<2x4096xf32, #tpu.memory_space<vmem>>, vector<1x16xf32>,
        %swap3A_696 = vector.shape_cast %swap3A_695 : vector<1x16xf32> to vector<16xf32>
        %swap3A_697 = vector.shape_cast %mul3A_691 : vector<16xf32> to vector<1x16xf32>
        tpu.vector_store %arg6[%swap3A_693, %swap3A_694], %swap3A_697 {strides = array<i32>} : memref<2x4096xf32, #tpu.memory_space<vmem>>, vector<1x16xf32>,
        %add3A_698 = arith.constant 160 : i32
        %add3A_699 = arith.addi %mul3A_420, %add3A_698 : i32
        %get3A_700 = arith.constant 0 : i32
        %get3A_701 = arith.index_cast %get3A_700 : i32 to index
        %get3A_702 = arith.index_cast %add3A_699 : i32 to index
        %get3A_703 = tpu.vector_load %arg6[%get3A_701, %get3A_702] {strides = array<i32>} : memref<2x4096xf32, #tpu.memory_space<vmem>>, vector<1x16xf32>,
        %get3A_704 = vector.shape_cast %get3A_703 : vector<1x16xf32> to vector<16xf32>
        %mul3A_705 = arith.mulf %get3A_704, %div3A_364 : vector<16xf32>
        %swap3A_706 = arith.constant 0 : i32
        %swap3A_707 = arith.index_cast %swap3A_706 : i32 to index
        %swap3A_708 = arith.index_cast %add3A_699 : i32 to index
        %swap3A_709 = tpu.vector_load %arg7[%swap3A_707, %swap3A_708] {strides = array<i32>} : memref<2x4096xf32, #tpu.memory_space<vmem>>, vector<1x16xf32>,
        %swap3A_710 = vector.shape_cast %swap3A_709 : vector<1x16xf32> to vector<16xf32>
        %swap3A_711 = vector.shape_cast %mul3A_705 : vector<16xf32> to vector<1x16xf32>
        tpu.vector_store %arg7[%swap3A_707, %swap3A_708], %swap3A_711 {add = true, strides = array<i32>} : memref<2x4096xf32, #tpu.memory_space<vmem>>, vector<1x16xf32>,
        %sub3A_712 = arith.constant 1.000000e+00 : f32
        %sub3A_713 = vector.broadcast %sub3A_712 : f32 to vector<16xf32>
        %sub3A_714 = arith.subf %sub3A_713, %mul3A_705 : vector<16xf32>
        %max3A_715 = arith.constant 1.000000e-07 : f32
        %max3A_716 = vector.broadcast %max3A_715 : f32 to vector<16xf32>
        %max3A_717 = arith.maximumf %sub3A_714, %max3A_716 : vector<16xf32>
        %mul3A_718 = arith.mulf %max3A_717, %max3A_717 : vector<16xf32>
        %mul3A_719 = arith.mulf %mul3A_705, %mul3A_718 : vector<16xf32>
        %swap3A_720 = arith.constant 0 : i32
        %swap3A_721 = arith.index_cast %swap3A_720 : i32 to index
        %swap3A_722 = arith.index_cast %add3A_699 : i32 to index
        %swap3A_723 = tpu.vector_load %arg6[%swap3A_721, %swap3A_722] {strides = array<i32>} : memref<2x4096xf32, #tpu.memory_space<vmem>>, vector<1x16xf32>,
        %swap3A_724 = vector.shape_cast %swap3A_723 : vector<1x16xf32> to vector<16xf32>
        %swap3A_725 = vector.shape_cast %mul3A_719 : vector<16xf32> to vector<1x16xf32>
        tpu.vector_store %arg6[%swap3A_721, %swap3A_722], %swap3A_725 {strides = array<i32>} : memref<2x4096xf32, #tpu.memory_space<vmem>>, vector<1x16xf32>,
        %add3A_726 = arith.constant 176 : i32
        %add3A_727 = arith.addi %mul3A_420, %add3A_726 : i32
        %get3A_728 = arith.constant 0 : i32
        %get3A_729 = arith.index_cast %get3A_728 : i32 to index
        %get3A_730 = arith.index_cast %add3A_727 : i32 to index
        %get3A_731 = tpu.vector_load %arg6[%get3A_729, %get3A_730] {strides = array<i32>} : memref<2x4096xf32, #tpu.memory_space<vmem>>, vector<1x16xf32>,
        %get3A_732 = vector.shape_cast %get3A_731 : vector<1x16xf32> to vector<16xf32>
        %mul3A_733 = arith.mulf %get3A_732, %div3A_364 : vector<16xf32>
        %swap3A_734 = arith.constant 0 : i32
        %swap3A_735 = arith.index_cast %swap3A_734 : i32 to index
        %swap3A_736 = arith.index_cast %add3A_727 : i32 to index
        %swap3A_737 = tpu.vector_load %arg7[%swap3A_735, %swap3A_736] {strides = array<i32>} : memref<2x4096xf32, #tpu.memory_space<vmem>>, vector<1x16xf32>,
        %swap3A_738 = vector.shape_cast %swap3A_737 : vector<1x16xf32> to vector<16xf32>
        %swap3A_739 = vector.shape_cast %mul3A_733 : vector<16xf32> to vector<1x16xf32>
        tpu.vector_store %arg7[%swap3A_735, %swap3A_736], %swap3A_739 {add = true, strides = array<i32>} : memref<2x4096xf32, #tpu.memory_space<vmem>>, vector<1x16xf32>,
        %sub3A_740 = arith.constant 1.000000e+00 : f32
        %sub3A_741 = vector.broadcast %sub3A_740 : f32 to vector<16xf32>
        %sub3A_742 = arith.subf %sub3A_741, %mul3A_733 : vector<16xf32>
        %max3A_743 = arith.constant 1.000000e-07 : f32
        %max3A_744 = vector.broadcast %max3A_743 : f32 to vector<16xf32>
        %max3A_745 = arith.maximumf %sub3A_742, %max3A_744 : vector<16xf32>
        %mul3A_746 = arith.mulf %max3A_745, %max3A_745 : vector<16xf32>
        %mul3A_747 = arith.mulf %mul3A_733, %mul3A_746 : vector<16xf32>
        %swap3A_748 = arith.constant 0 : i32
        %swap3A_749 = arith.index_cast %swap3A_748 : i32 to index
        %swap3A_750 = arith.index_cast %add3A_727 : i32 to index
        %swap3A_751 = tpu.vector_load %arg6[%swap3A_749, %swap3A_750] {strides = array<i32>} : memref<2x4096xf32, #tpu.memory_space<vmem>>, vector<1x16xf32>,
        %swap3A_752 = vector.shape_cast %swap3A_751 : vector<1x16xf32> to vector<16xf32>
        %swap3A_753 = vector.shape_cast %mul3A_747 : vector<16xf32> to vector<1x16xf32>
        tpu.vector_store %arg6[%swap3A_749, %swap3A_750], %swap3A_753 {strides = array<i32>} : memref<2x4096xf32, #tpu.memory_space<vmem>>, vector<1x16xf32>,
        %add3A_754 = arith.constant 192 : i32
        %add3A_755 = arith.addi %mul3A_420, %add3A_754 : i32
        %get3A_756 = arith.constant 0 : i32
        %get3A_757 = arith.index_cast %get3A_756 : i32 to index
        %get3A_758 = arith.index_cast %add3A_755 : i32 to index
        %get3A_759 = tpu.vector_load %arg6[%get3A_757, %get3A_758] {strides = array<i32>} : memref<2x4096xf32, #tpu.memory_space<vmem>>, vector<1x16xf32>,
        %get3A_760 = vector.shape_cast %get3A_759 : vector<1x16xf32> to vector<16xf32>
        %mul3A_761 = arith.mulf %get3A_760, %div3A_364 : vector<16xf32>
        %swap3A_762 = arith.constant 0 : i32
        %swap3A_763 = arith.index_cast %swap3A_762 : i32 to index
        %swap3A_764 = arith.index_cast %add3A_755 : i32 to index
        %swap3A_765 = tpu.vector_load %arg7[%swap3A_763, %swap3A_764] {strides = array<i32>} : memref<2x4096xf32, #tpu.memory_space<vmem>>, vector<1x16xf32>,
        %swap3A_766 = vector.shape_cast %swap3A_765 : vector<1x16xf32> to vector<16xf32>
        %swap3A_767 = vector.shape_cast %mul3A_761 : vector<16xf32> to vector<1x16xf32>
        tpu.vector_store %arg7[%swap3A_763, %swap3A_764], %swap3A_767 {add = true, strides = array<i32>} : memref<2x4096xf32, #tpu.memory_space<vmem>>, vector<1x16xf32>,
        %sub3A_768 = arith.constant 1.000000e+00 : f32
        %sub3A_769 = vector.broadcast %sub3A_768 : f32 to vector<16xf32>
        %sub3A_770 = arith.subf %sub3A_769, %mul3A_761 : vector<16xf32>
        %max3A_771 = arith.constant 1.000000e-07 : f32
        %max3A_772 = vector.broadcast %max3A_771 : f32 to vector<16xf32>
        %max3A_773 = arith.maximumf %sub3A_770, %max3A_772 : vector<16xf32>
        %mul3A_774 = arith.mulf %max3A_773, %max3A_773 : vector<16xf32>
        %mul3A_775 = arith.mulf %mul3A_761, %mul3A_774 : vector<16xf32>
        %swap3A_776 = arith.constant 0 : i32
        %swap3A_777 = arith.index_cast %swap3A_776 : i32 to index
        %swap3A_778 = arith.index_cast %add3A_755 : i32 to index
        %swap3A_779 = tpu.vector_load %arg6[%swap3A_777, %swap3A_778] {strides = array<i32>} : memref<2x4096xf32, #tpu.memory_space<vmem>>, vector<1x16xf32>,
        %swap3A_780 = vector.shape_cast %swap3A_779 : vector<1x16xf32> to vector<16xf32>
        %swap3A_781 = vector.shape_cast %mul3A_775 : vector<16xf32> to vector<1x16xf32>
        tpu.vector_store %arg6[%swap3A_777, %swap3A_778], %swap3A_781 {strides = array<i32>} : memref<2x4096xf32, #tpu.memory_space<vmem>>, vector<1x16xf32>,
        %add3A_782 = arith.constant 208 : i32
        %add3A_783 = arith.addi %mul3A_420, %add3A_782 : i32
        %get3A_784 = arith.constant 0 : i32
        %get3A_785 = arith.index_cast %get3A_784 : i32 to index
        %get3A_786 = arith.index_cast %add3A_783 : i32 to index
        %get3A_787 = tpu.vector_load %arg6[%get3A_785, %get3A_786] {strides = array<i32>} : memref<2x4096xf32, #tpu.memory_space<vmem>>, vector<1x16xf32>,
        %get3A_788 = vector.shape_cast %get3A_787 : vector<1x16xf32> to vector<16xf32>
        %mul3A_789 = arith.mulf %get3A_788, %div3A_364 : vector<16xf32>
        %swap3A_790 = arith.constant 0 : i32
        %swap3A_791 = arith.index_cast %swap3A_790 : i32 to index
        %swap3A_792 = arith.index_cast %add3A_783 : i32 to index
        %swap3A_793 = tpu.vector_load %arg7[%swap3A_791, %swap3A_792] {strides = array<i32>} : memref<2x4096xf32, #tpu.memory_space<vmem>>, vector<1x16xf32>,
        %swap3A_794 = vector.shape_cast %swap3A_793 : vector<1x16xf32> to vector<16xf32>
        %swap3A_795 = vector.shape_cast %mul3A_789 : vector<16xf32> to vector<1x16xf32>
        tpu.vector_store %arg7[%swap3A_791, %swap3A_792], %swap3A_795 {add = true, strides = array<i32>} : memref<2x4096xf32, #tpu.memory_space<vmem>>, vector<1x16xf32>,
        %sub3A_796 = arith.constant 1.000000e+00 : f32
        %sub3A_797 = vector.broadcast %sub3A_796 : f32 to vector<16xf32>
        %sub3A_798 = arith.subf %sub3A_797, %mul3A_789 : vector<16xf32>
        %max3A_799 = arith.constant 1.000000e-07 : f32
        %max3A_800 = vector.broadcast %max3A_799 : f32 to vector<16xf32>
        %max3A_801 = arith.maximumf %sub3A_798, %max3A_800 : vector<16xf32>
        %mul3A_802 = arith.mulf %max3A_801, %max3A_801 : vector<16xf32>
        %mul3A_803 = arith.mulf %mul3A_789, %mul3A_802 : vector<16xf32>
        %swap3A_804 = arith.constant 0 : i32
        %swap3A_805 = arith.index_cast %swap3A_804 : i32 to index
        %swap3A_806 = arith.index_cast %add3A_783 : i32 to index
        %swap3A_807 = tpu.vector_load %arg6[%swap3A_805, %swap3A_806] {strides = array<i32>} : memref<2x4096xf32, #tpu.memory_space<vmem>>, vector<1x16xf32>,
        %swap3A_808 = vector.shape_cast %swap3A_807 : vector<1x16xf32> to vector<16xf32>
        %swap3A_809 = vector.shape_cast %mul3A_803 : vector<16xf32> to vector<1x16xf32>
        tpu.vector_store %arg6[%swap3A_805, %swap3A_806], %swap3A_809 {strides = array<i32>} : memref<2x4096xf32, #tpu.memory_space<vmem>>, vector<1x16xf32>,
        %add3A_810 = arith.constant 224 : i32
        %add3A_811 = arith.addi %mul3A_420, %add3A_810 : i32
        %get3A_812 = arith.constant 0 : i32
        %get3A_813 = arith.index_cast %get3A_812 : i32 to index
        %get3A_814 = arith.index_cast %add3A_811 : i32 to index
        %get3A_815 = tpu.vector_load %arg6[%get3A_813, %get3A_814] {strides = array<i32>} : memref<2x4096xf32, #tpu.memory_space<vmem>>, vector<1x16xf32>,
        %get3A_816 = vector.shape_cast %get3A_815 : vector<1x16xf32> to vector<16xf32>
        %mul3A_817 = arith.mulf %get3A_816, %div3A_364 : vector<16xf32>
        %swap3A_818 = arith.constant 0 : i32
        %swap3A_819 = arith.index_cast %swap3A_818 : i32 to index
        %swap3A_820 = arith.index_cast %add3A_811 : i32 to index
        %swap3A_821 = tpu.vector_load %arg7[%swap3A_819, %swap3A_820] {strides = array<i32>} : memref<2x4096xf32, #tpu.memory_space<vmem>>, vector<1x16xf32>,
        %swap3A_822 = vector.shape_cast %swap3A_821 : vector<1x16xf32> to vector<16xf32>
        %swap3A_823 = vector.shape_cast %mul3A_817 : vector<16xf32> to vector<1x16xf32>
        tpu.vector_store %arg7[%swap3A_819, %swap3A_820], %swap3A_823 {add = true, strides = array<i32>} : memref<2x4096xf32, #tpu.memory_space<vmem>>, vector<1x16xf32>,
        %sub3A_824 = arith.constant 1.000000e+00 : f32
        %sub3A_825 = vector.broadcast %sub3A_824 : f32 to vector<16xf32>
        %sub3A_826 = arith.subf %sub3A_825, %mul3A_817 : vector<16xf32>
        %max3A_827 = arith.constant 1.000000e-07 : f32
        %max3A_828 = vector.broadcast %max3A_827 : f32 to vector<16xf32>
        %max3A_829 = arith.maximumf %sub3A_826, %max3A_828 : vector<16xf32>
        %mul3A_830 = arith.mulf %max3A_829, %max3A_829 : vector<16xf32>
        %mul3A_831 = arith.mulf %mul3A_817, %mul3A_830 : vector<16xf32>
        %swap3A_832 = arith.constant 0 : i32
        %swap3A_833 = arith.index_cast %swap3A_832 : i32 to index
        %swap3A_834 = arith.index_cast %add3A_811 : i32 to index
        %swap3A_835 = tpu.vector_load %arg6[%swap3A_833, %swap3A_834] {strides = array<i32>} : memref<2x4096xf32, #tpu.memory_space<vmem>>, vector<1x16xf32>,
        %swap3A_836 = vector.shape_cast %swap3A_835 : vector<1x16xf32> to vector<16xf32>
        %swap3A_837 = vector.shape_cast %mul3A_831 : vector<16xf32> to vector<1x16xf32>
        tpu.vector_store %arg6[%swap3A_833, %swap3A_834], %swap3A_837 {strides = array<i32>} : memref<2x4096xf32, #tpu.memory_space<vmem>>, vector<1x16xf32>,
        %add3A_838 = arith.constant 240 : i32
        %add3A_839 = arith.addi %mul3A_420, %add3A_838 : i32
        %get3A_840 = arith.constant 0 : i32
        %get3A_841 = arith.index_cast %get3A_840 : i32 to index
        %get3A_842 = arith.index_cast %add3A_839 : i32 to index
        %get3A_843 = tpu.vector_load %arg6[%get3A_841, %get3A_842] {strides = array<i32>} : memref<2x4096xf32, #tpu.memory_space<vmem>>, vector<1x16xf32>,
        %get3A_844 = vector.shape_cast %get3A_843 : vector<1x16xf32> to vector<16xf32>
        %mul3A_845 = arith.mulf %get3A_844, %div3A_364 : vector<16xf32>
        %swap3A_846 = arith.constant 0 : i32
        %swap3A_847 = arith.index_cast %swap3A_846 : i32 to index
        %swap3A_848 = arith.index_cast %add3A_839 : i32 to index
        %swap3A_849 = tpu.vector_load %arg7[%swap3A_847, %swap3A_848] {strides = array<i32>} : memref<2x4096xf32, #tpu.memory_space<vmem>>, vector<1x16xf32>,
        %swap3A_850 = vector.shape_cast %swap3A_849 : vector<1x16xf32> to vector<16xf32>
        %swap3A_851 = vector.shape_cast %mul3A_845 : vector<16xf32> to vector<1x16xf32>
        tpu.vector_store %arg7[%swap3A_847, %swap3A_848], %swap3A_851 {add = true, strides = array<i32>} : memref<2x4096xf32, #tpu.memory_space<vmem>>, vector<1x16xf32>,
        %sub3A_852 = arith.constant 1.000000e+00 : f32
        %sub3A_853 = vector.broadcast %sub3A_852 : f32 to vector<16xf32>
        %sub3A_854 = arith.subf %sub3A_853, %mul3A_845 : vector<16xf32>
        %max3A_855 = arith.constant 1.000000e-07 : f32
        %max3A_856 = vector.broadcast %max3A_855 : f32 to vector<16xf32>
        %max3A_857 = arith.maximumf %sub3A_854, %max3A_856 : vector<16xf32>
        %mul3A_858 = arith.mulf %max3A_857, %max3A_857 : vector<16xf32>
        %mul3A_859 = arith.mulf %mul3A_845, %mul3A_858 : vector<16xf32>
        %swap3A_860 = arith.constant 0 : i32
        %swap3A_861 = arith.index_cast %swap3A_860 : i32 to index
        %swap3A_862 = arith.index_cast %add3A_839 : i32 to index
        %swap3A_863 = tpu.vector_load %arg6[%swap3A_861, %swap3A_862] {strides = array<i32>} : memref<2x4096xf32, #tpu.memory_space<vmem>>, vector<1x16xf32>,
        %swap3A_864 = vector.shape_cast %swap3A_863 : vector<1x16xf32> to vector<16xf32>
        %swap3A_865 = vector.shape_cast %mul3A_859 : vector<16xf32> to vector<1x16xf32>
        tpu.vector_store %arg6[%swap3A_861, %swap3A_862], %swap3A_865 {strides = array<i32>} : memref<2x4096xf32, #tpu.memory_space<vmem>>, vector<1x16xf32>,
        %add3A_866 = arith.addf %mul3A_439, %mul3A_467 : vector<16xf32>
        %add3A_867 = arith.addf %mul3A_495, %mul3A_523 : vector<16xf32>
        %add3A_868 = arith.addf %mul3A_551, %mul3A_579 : vector<16xf32>
        %add3A_869 = arith.addf %mul3A_607, %mul3A_635 : vector<16xf32>
        %add3A_870 = arith.addf %mul3A_663, %mul3A_691 : vector<16xf32>
        %add3A_871 = arith.addf %mul3A_719, %mul3A_747 : vector<16xf32>
        %add3A_872 = arith.addf %mul3A_775, %mul3A_803 : vector<16xf32>
        %add3A_873 = arith.addf %mul3A_831, %mul3A_859 : vector<16xf32>
        %add3A_874 = arith.addf %add3A_866, %add3A_867 : vector<16xf32>
        %add3A_875 = arith.addf %add3A_868, %add3A_869 : vector<16xf32>
        %add3A_876 = arith.addf %add3A_870, %add3A_871 : vector<16xf32>
        %add3A_877 = arith.addf %add3A_872, %add3A_873 : vector<16xf32>
        %add3A_878 = arith.addf %add3A_874, %add3A_875 : vector<16xf32>
        %add3A_879 = arith.addf %add3A_876, %add3A_877 : vector<16xf32>
        %add3A_880 = arith.addf %add3A_878, %add3A_879 : vector<16xf32>
        %add3A_881 = arith.addf %scan3A_418, %add3A_880 : vector<16xf32>
        scf.yield %add3A_881 : vector<16xf32>
      }
      %scan3A_372 = arith.constant 16 : i32
      %iota3A_373 = tpu.iota {dimensions = array<i32: 0>} : vector<16xi32>
      %add3A_374 = arith.constant 8 : i32
      %add3A_375 = vector.broadcast %add3A_374 : i32 to vector<16xi32>
      %add3A_376 = arith.addi %iota3A_373, %add3A_375 : vector<16xi32>
      %and3A_377 = arith.constant 15 : i32
      %and3A_378 = vector.broadcast %and3A_377 : i32 to vector<16xi32>
      %and3A_379 = arith.andi %add3A_376, %and3A_378 : vector<16xi32>
      %broadcast_in_dim3A_380 = vector.shape_cast %and3A_379 : vector<16xi32> to vector<16x1xi32>
      %gather3A_381 = vector.shape_cast %broadcast_in_dim3A_380 : vector<16x1xi32> to vector<16xi32>
      %gather3A_382 = tpu.dynamic_gather %scan3A_371[%gather3A_381] in [0] : vector<16xf32>, vector<16xi32> -> vector<16xf32>
      %add3A_383 = arith.addf %scan3A_371, %gather3A_382 : vector<16xf32>
      %iota3A_384 = tpu.iota {dimensions = array<i32: 0>} : vector<16xi32>
      %add3A_385 = arith.constant 4 : i32
      %add3A_386 = vector.broadcast %add3A_385 : i32 to vector<16xi32>
      %add3A_387 = arith.addi %iota3A_384, %add3A_386 : vector<16xi32>
      %and3A_388 = arith.constant 15 : i32
      %and3A_389 = vector.broadcast %and3A_388 : i32 to vector<16xi32>
      %and3A_390 = arith.andi %add3A_387, %and3A_389 : vector<16xi32>
      %broadcast_in_dim3A_391 = vector.shape_cast %and3A_390 : vector<16xi32> to vector<16x1xi32>
      %gather3A_392 = vector.shape_cast %broadcast_in_dim3A_391 : vector<16x1xi32> to vector<16xi32>
      %gather3A_393 = tpu.dynamic_gather %add3A_383[%gather3A_392] in [0] : vector<16xf32>, vector<16xi32> -> vector<16xf32>
      %add3A_394 = arith.addf %add3A_383, %gather3A_393 : vector<16xf32>
      %iota3A_395 = tpu.iota {dimensions = array<i32: 0>} : vector<16xi32>
      %add3A_396 = arith.constant 2 : i32
      %add3A_397 = vector.broadcast %add3A_396 : i32 to vector<16xi32>
      %add3A_398 = arith.addi %iota3A_395, %add3A_397 : vector<16xi32>
      %and3A_399 = arith.constant 15 : i32
      %and3A_400 = vector.broadcast %and3A_399 : i32 to vector<16xi32>
      %and3A_401 = arith.andi %add3A_398, %and3A_400 : vector<16xi32>
      %broadcast_in_dim3A_402 = vector.shape_cast %and3A_401 : vector<16xi32> to vector<16x1xi32>
      %gather3A_403 = vector.shape_cast %broadcast_in_dim3A_402 : vector<16x1xi32> to vector<16xi32>
      %gather3A_404 = tpu.dynamic_gather %add3A_394[%gather3A_403] in [0] : vector<16xf32>, vector<16xi32> -> vector<16xf32>
      %add3A_405 = arith.addf %add3A_394, %gather3A_404 : vector<16xf32>
      %iota3A_406 = tpu.iota {dimensions = array<i32: 0>} : vector<16xi32>
      %add3A_407 = arith.constant 1 : i32
      %add3A_408 = vector.broadcast %add3A_407 : i32 to vector<16xi32>
      %add3A_409 = arith.addi %iota3A_406, %add3A_408 : vector<16xi32>
      %and3A_410 = arith.constant 15 : i32
      %and3A_411 = vector.broadcast %and3A_410 : i32 to vector<16xi32>
      %and3A_412 = arith.andi %add3A_409, %and3A_411 : vector<16xi32>
      %broadcast_in_dim3A_413 = vector.shape_cast %and3A_412 : vector<16xi32> to vector<16x1xi32>
      %gather3A_414 = vector.shape_cast %broadcast_in_dim3A_413 : vector<16x1xi32> to vector<16xi32>
      %gather3A_415 = tpu.dynamic_gather %add3A_405[%gather3A_414] in [0] : vector<16xf32>, vector<16xi32> -> vector<16xf32>
      %add3A_416 = arith.addf %add3A_405, %gather3A_415 : vector<16xf32>
      scf.yield %add3A_416 : vector<16xf32>
    }
    %scan3A_174 = arith.constant 30 : i32
    %div3A_175 = arith.constant 1.000000e+00 : f32
    %div3A_176 = vector.broadcast %div3A_175 : f32 to vector<16xf32>
    %div3A_177 = arith.divf %div3A_176, %scan3A_173 : vector<16xf32>
    %scan3A_178 = arith.constant 0 : i32
    %scan3A_179 = arith.constant 0 : i32
    %scan3A_180 = arith.constant 16 : i32
    %scan3A_181 = arith.addi %scan3A_179, %scan3A_180 : i32
    %scan3A_182 = arith.constant 1 : i32
    %scan3A_183 = scf.for %scan3A_360 = %scan3A_179 to %scan3A_181 step %scan3A_182 iter_args(%scan3A_361 = %scan3A_178) -> (i32)  : i32 {
      %mul3A_362 = arith.constant 256 : i32
      %mul3A_363 = arith.muli %scan3A_360, %mul3A_362 : i32
      %add3A_364 = arith.constant 0 : i32
      %add3A_365 = arith.addi %mul3A_363, %add3A_364 : i32
      %get3A = arith.constant 0 : i32
      %get3A_366 = arith.index_cast %get3A : i32 to index
      %get3A_367 = arith.index_cast %add3A_365 : i32 to index
      %get3A_368 = tpu.vector_load %arg6[%get3A_366, %get3A_367] {strides = array<i32>} : memref<2x4096xf32, #tpu.memory_space<vmem>>, vector<1x16xf32>,
      %get3A_369 = vector.shape_cast %get3A_368 : vector<1x16xf32> to vector<16xf32>
      %mul3A_370 = arith.mulf %get3A_369, %div3A_177 : vector<16xf32>
      %swap3A = arith.constant 0 : i32
      %swap3A_371 = arith.index_cast %swap3A : i32 to index
      %swap3A_372 = arith.index_cast %add3A_365 : i32 to index
      %swap3A_373 = tpu.vector_load %arg7[%swap3A_371, %swap3A_372] {strides = array<i32>} : memref<2x4096xf32, #tpu.memory_space<vmem>>, vector<1x16xf32>,
      %swap3A_374 = vector.shape_cast %swap3A_373 : vector<1x16xf32> to vector<16xf32>
      %swap3A_375 = vector.shape_cast %mul3A_370 : vector<16xf32> to vector<1x16xf32>
      tpu.vector_store %arg7[%swap3A_371, %swap3A_372], %swap3A_375 {add = true, strides = array<i32>} : memref<2x4096xf32, #tpu.memory_space<vmem>>, vector<1x16xf32>,
      %add3A_376 = arith.constant 16 : i32
      %add3A_377 = arith.addi %mul3A_363, %add3A_376 : i32
      %get3A_378 = arith.constant 0 : i32
      %get3A_379 = arith.index_cast %get3A_378 : i32 to index
      %get3A_380 = arith.index_cast %add3A_377 : i32 to index
      %get3A_381 = tpu.vector_load %arg6[%get3A_379, %get3A_380] {strides = array<i32>} : memref<2x4096xf32, #tpu.memory_space<vmem>>, vector<1x16xf32>,
      %get3A_382 = vector.shape_cast %get3A_381 : vector<1x16xf32> to vector<16xf32>
      %mul3A_383 = arith.mulf %get3A_382, %div3A_177 : vector<16xf32>
      %swap3A_384 = arith.constant 0 : i32
      %swap3A_385 = arith.index_cast %swap3A_384 : i32 to index
      %swap3A_386 = arith.index_cast %add3A_377 : i32 to index
      %swap3A_387 = tpu.vector_load %arg7[%swap3A_385, %swap3A_386] {strides = array<i32>} : memref<2x4096xf32, #tpu.memory_space<vmem>>, vector<1x16xf32>,
      %swap3A_388 = vector.shape_cast %swap3A_387 : vector<1x16xf32> to vector<16xf32>
      %swap3A_389 = vector.shape_cast %mul3A_383 : vector<16xf32> to vector<1x16xf32>
      tpu.vector_store %arg7[%swap3A_385, %swap3A_386], %swap3A_389 {add = true, strides = array<i32>} : memref<2x4096xf32, #tpu.memory_space<vmem>>, vector<1x16xf32>,
      %add3A_390 = arith.constant 32 : i32
      %add3A_391 = arith.addi %mul3A_363, %add3A_390 : i32
      %get3A_392 = arith.constant 0 : i32
      %get3A_393 = arith.index_cast %get3A_392 : i32 to index
      %get3A_394 = arith.index_cast %add3A_391 : i32 to index
      %get3A_395 = tpu.vector_load %arg6[%get3A_393, %get3A_394] {strides = array<i32>} : memref<2x4096xf32, #tpu.memory_space<vmem>>, vector<1x16xf32>,
      %get3A_396 = vector.shape_cast %get3A_395 : vector<1x16xf32> to vector<16xf32>
      %mul3A_397 = arith.mulf %get3A_396, %div3A_177 : vector<16xf32>
      %swap3A_398 = arith.constant 0 : i32
      %swap3A_399 = arith.index_cast %swap3A_398 : i32 to index
      %swap3A_400 = arith.index_cast %add3A_391 : i32 to index
      %swap3A_401 = tpu.vector_load %arg7[%swap3A_399, %swap3A_400] {strides = array<i32>} : memref<2x4096xf32, #tpu.memory_space<vmem>>, vector<1x16xf32>,
      %swap3A_402 = vector.shape_cast %swap3A_401 : vector<1x16xf32> to vector<16xf32>
      %swap3A_403 = vector.shape_cast %mul3A_397 : vector<16xf32> to vector<1x16xf32>
      tpu.vector_store %arg7[%swap3A_399, %swap3A_400], %swap3A_403 {add = true, strides = array<i32>} : memref<2x4096xf32, #tpu.memory_space<vmem>>, vector<1x16xf32>,
      %add3A_404 = arith.constant 48 : i32
      %add3A_405 = arith.addi %mul3A_363, %add3A_404 : i32
      %get3A_406 = arith.constant 0 : i32
      %get3A_407 = arith.index_cast %get3A_406 : i32 to index
      %get3A_408 = arith.index_cast %add3A_405 : i32 to index
      %get3A_409 = tpu.vector_load %arg6[%get3A_407, %get3A_408] {strides = array<i32>} : memref<2x4096xf32, #tpu.memory_space<vmem>>, vector<1x16xf32>,
      %get3A_410 = vector.shape_cast %get3A_409 : vector<1x16xf32> to vector<16xf32>
      %mul3A_411 = arith.mulf %get3A_410, %div3A_177 : vector<16xf32>
      %swap3A_412 = arith.constant 0 : i32
      %swap3A_413 = arith.index_cast %swap3A_412 : i32 to index
      %swap3A_414 = arith.index_cast %add3A_405 : i32 to index
      %swap3A_415 = tpu.vector_load %arg7[%swap3A_413, %swap3A_414] {strides = array<i32>} : memref<2x4096xf32, #tpu.memory_space<vmem>>, vector<1x16xf32>,
      %swap3A_416 = vector.shape_cast %swap3A_415 : vector<1x16xf32> to vector<16xf32>
      %swap3A_417 = vector.shape_cast %mul3A_411 : vector<16xf32> to vector<1x16xf32>
      tpu.vector_store %arg7[%swap3A_413, %swap3A_414], %swap3A_417 {add = true, strides = array<i32>} : memref<2x4096xf32, #tpu.memory_space<vmem>>, vector<1x16xf32>,
      %add3A_418 = arith.constant 64 : i32
      %add3A_419 = arith.addi %mul3A_363, %add3A_418 : i32
      %get3A_420 = arith.constant 0 : i32
      %get3A_421 = arith.index_cast %get3A_420 : i32 to index
      %get3A_422 = arith.index_cast %add3A_419 : i32 to index
      %get3A_423 = tpu.vector_load %arg6[%get3A_421, %get3A_422] {strides = array<i32>} : memref<2x4096xf32, #tpu.memory_space<vmem>>, vector<1x16xf32>,
      %get3A_424 = vector.shape_cast %get3A_423 : vector<1x16xf32> to vector<16xf32>
      %mul3A_425 = arith.mulf %get3A_424, %div3A_177 : vector<16xf32>
      %swap3A_426 = arith.constant 0 : i32
      %swap3A_427 = arith.index_cast %swap3A_426 : i32 to index
      %swap3A_428 = arith.index_cast %add3A_419 : i32 to index
      %swap3A_429 = tpu.vector_load %arg7[%swap3A_427, %swap3A_428] {strides = array<i32>} : memref<2x4096xf32, #tpu.memory_space<vmem>>, vector<1x16xf32>,
      %swap3A_430 = vector.shape_cast %swap3A_429 : vector<1x16xf32> to vector<16xf32>
      %swap3A_431 = vector.shape_cast %mul3A_425 : vector<16xf32> to vector<1x16xf32>
      tpu.vector_store %arg7[%swap3A_427, %swap3A_428], %swap3A_431 {add = true, strides = array<i32>} : memref<2x4096xf32, #tpu.memory_space<vmem>>, vector<1x16xf32>,
      %add3A_432 = arith.constant 80 : i32
      %add3A_433 = arith.addi %mul3A_363, %add3A_432 : i32
      %get3A_434 = arith.constant 0 : i32
      %get3A_435 = arith.index_cast %get3A_434 : i32 to index
      %get3A_436 = arith.index_cast %add3A_433 : i32 to index
      %get3A_437 = tpu.vector_load %arg6[%get3A_435, %get3A_436] {strides = array<i32>} : memref<2x4096xf32, #tpu.memory_space<vmem>>, vector<1x16xf32>,
      %get3A_438 = vector.shape_cast %get3A_437 : vector<1x16xf32> to vector<16xf32>
      %mul3A_439 = arith.mulf %get3A_438, %div3A_177 : vector<16xf32>
      %swap3A_440 = arith.constant 0 : i32
      %swap3A_441 = arith.index_cast %swap3A_440 : i32 to index
      %swap3A_442 = arith.index_cast %add3A_433 : i32 to index
      %swap3A_443 = tpu.vector_load %arg7[%swap3A_441, %swap3A_442] {strides = array<i32>} : memref<2x4096xf32, #tpu.memory_space<vmem>>, vector<1x16xf32>,
      %swap3A_444 = vector.shape_cast %swap3A_443 : vector<1x16xf32> to vector<16xf32>
      %swap3A_445 = vector.shape_cast %mul3A_439 : vector<16xf32> to vector<1x16xf32>
      tpu.vector_store %arg7[%swap3A_441, %swap3A_442], %swap3A_445 {add = true, strides = array<i32>} : memref<2x4096xf32, #tpu.memory_space<vmem>>, vector<1x16xf32>,
      %add3A_446 = arith.constant 96 : i32
      %add3A_447 = arith.addi %mul3A_363, %add3A_446 : i32
      %get3A_448 = arith.constant 0 : i32
      %get3A_449 = arith.index_cast %get3A_448 : i32 to index
      %get3A_450 = arith.index_cast %add3A_447 : i32 to index
      %get3A_451 = tpu.vector_load %arg6[%get3A_449, %get3A_450] {strides = array<i32>} : memref<2x4096xf32, #tpu.memory_space<vmem>>, vector<1x16xf32>,
      %get3A_452 = vector.shape_cast %get3A_451 : vector<1x16xf32> to vector<16xf32>
      %mul3A_453 = arith.mulf %get3A_452, %div3A_177 : vector<16xf32>
      %swap3A_454 = arith.constant 0 : i32
      %swap3A_455 = arith.index_cast %swap3A_454 : i32 to index
      %swap3A_456 = arith.index_cast %add3A_447 : i32 to index
      %swap3A_457 = tpu.vector_load %arg7[%swap3A_455, %swap3A_456] {strides = array<i32>} : memref<2x4096xf32, #tpu.memory_space<vmem>>, vector<1x16xf32>,
      %swap3A_458 = vector.shape_cast %swap3A_457 : vector<1x16xf32> to vector<16xf32>
      %swap3A_459 = vector.shape_cast %mul3A_453 : vector<16xf32> to vector<1x16xf32>
      tpu.vector_store %arg7[%swap3A_455, %swap3A_456], %swap3A_459 {add = true, strides = array<i32>} : memref<2x4096xf32, #tpu.memory_space<vmem>>, vector<1x16xf32>,
      %add3A_460 = arith.constant 112 : i32
      %add3A_461 = arith.addi %mul3A_363, %add3A_460 : i32
      %get3A_462 = arith.constant 0 : i32
      %get3A_463 = arith.index_cast %get3A_462 : i32 to index
      %get3A_464 = arith.index_cast %add3A_461 : i32 to index
      %get3A_465 = tpu.vector_load %arg6[%get3A_463, %get3A_464] {strides = array<i32>} : memref<2x4096xf32, #tpu.memory_space<vmem>>, vector<1x16xf32>,
      %get3A_466 = vector.shape_cast %get3A_465 : vector<1x16xf32> to vector<16xf32>
      %mul3A_467 = arith.mulf %get3A_466, %div3A_177 : vector<16xf32>
      %swap3A_468 = arith.constant 0 : i32
      %swap3A_469 = arith.index_cast %swap3A_468 : i32 to index
      %swap3A_470 = arith.index_cast %add3A_461 : i32 to index
      %swap3A_471 = tpu.vector_load %arg7[%swap3A_469, %swap3A_470] {strides = array<i32>} : memref<2x4096xf32, #tpu.memory_space<vmem>>, vector<1x16xf32>,
      %swap3A_472 = vector.shape_cast %swap3A_471 : vector<1x16xf32> to vector<16xf32>
      %swap3A_473 = vector.shape_cast %mul3A_467 : vector<16xf32> to vector<1x16xf32>
      tpu.vector_store %arg7[%swap3A_469, %swap3A_470], %swap3A_473 {add = true, strides = array<i32>} : memref<2x4096xf32, #tpu.memory_space<vmem>>, vector<1x16xf32>,
      %add3A_474 = arith.constant 128 : i32
      %add3A_475 = arith.addi %mul3A_363, %add3A_474 : i32
      %get3A_476 = arith.constant 0 : i32
      %get3A_477 = arith.index_cast %get3A_476 : i32 to index
      %get3A_478 = arith.index_cast %add3A_475 : i32 to index
      %get3A_479 = tpu.vector_load %arg6[%get3A_477, %get3A_478] {strides = array<i32>} : memref<2x4096xf32, #tpu.memory_space<vmem>>, vector<1x16xf32>,
      %get3A_480 = vector.shape_cast %get3A_479 : vector<1x16xf32> to vector<16xf32>
      %mul3A_481 = arith.mulf %get3A_480, %div3A_177 : vector<16xf32>
      %swap3A_482 = arith.constant 0 : i32
      %swap3A_483 = arith.index_cast %swap3A_482 : i32 to index
      %swap3A_484 = arith.index_cast %add3A_475 : i32 to index
      %swap3A_485 = tpu.vector_load %arg7[%swap3A_483, %swap3A_484] {strides = array<i32>} : memref<2x4096xf32, #tpu.memory_space<vmem>>, vector<1x16xf32>,
      %swap3A_486 = vector.shape_cast %swap3A_485 : vector<1x16xf32> to vector<16xf32>
      %swap3A_487 = vector.shape_cast %mul3A_481 : vector<16xf32> to vector<1x16xf32>
      tpu.vector_store %arg7[%swap3A_483, %swap3A_484], %swap3A_487 {add = true, strides = array<i32>} : memref<2x4096xf32, #tpu.memory_space<vmem>>, vector<1x16xf32>,
      %add3A_488 = arith.constant 144 : i32
      %add3A_489 = arith.addi %mul3A_363, %add3A_488 : i32
      %get3A_490 = arith.constant 0 : i32
      %get3A_491 = arith.index_cast %get3A_490 : i32 to index
      %get3A_492 = arith.index_cast %add3A_489 : i32 to index
      %get3A_493 = tpu.vector_load %arg6[%get3A_491, %get3A_492] {strides = array<i32>} : memref<2x4096xf32, #tpu.memory_space<vmem>>, vector<1x16xf32>,
      %get3A_494 = vector.shape_cast %get3A_493 : vector<1x16xf32> to vector<16xf32>
      %mul3A_495 = arith.mulf %get3A_494, %div3A_177 : vector<16xf32>
      %swap3A_496 = arith.constant 0 : i32
      %swap3A_497 = arith.index_cast %swap3A_496 : i32 to index
      %swap3A_498 = arith.index_cast %add3A_489 : i32 to index
      %swap3A_499 = tpu.vector_load %arg7[%swap3A_497, %swap3A_498] {strides = array<i32>} : memref<2x4096xf32, #tpu.memory_space<vmem>>, vector<1x16xf32>,
      %swap3A_500 = vector.shape_cast %swap3A_499 : vector<1x16xf32> to vector<16xf32>
      %swap3A_501 = vector.shape_cast %mul3A_495 : vector<16xf32> to vector<1x16xf32>
      tpu.vector_store %arg7[%swap3A_497, %swap3A_498], %swap3A_501 {add = true, strides = array<i32>} : memref<2x4096xf32, #tpu.memory_space<vmem>>, vector<1x16xf32>,
      %add3A_502 = arith.constant 160 : i32
      %add3A_503 = arith.addi %mul3A_363, %add3A_502 : i32
      %get3A_504 = arith.constant 0 : i32
      %get3A_505 = arith.index_cast %get3A_504 : i32 to index
      %get3A_506 = arith.index_cast %add3A_503 : i32 to index
      %get3A_507 = tpu.vector_load %arg6[%get3A_505, %get3A_506] {strides = array<i32>} : memref<2x4096xf32, #tpu.memory_space<vmem>>, vector<1x16xf32>,
      %get3A_508 = vector.shape_cast %get3A_507 : vector<1x16xf32> to vector<16xf32>
      %mul3A_509 = arith.mulf %get3A_508, %div3A_177 : vector<16xf32>
      %swap3A_510 = arith.constant 0 : i32
      %swap3A_511 = arith.index_cast %swap3A_510 : i32 to index
      %swap3A_512 = arith.index_cast %add3A_503 : i32 to index
      %swap3A_513 = tpu.vector_load %arg7[%swap3A_511, %swap3A_512] {strides = array<i32>} : memref<2x4096xf32, #tpu.memory_space<vmem>>, vector<1x16xf32>,
      %swap3A_514 = vector.shape_cast %swap3A_513 : vector<1x16xf32> to vector<16xf32>
      %swap3A_515 = vector.shape_cast %mul3A_509 : vector<16xf32> to vector<1x16xf32>
      tpu.vector_store %arg7[%swap3A_511, %swap3A_512], %swap3A_515 {add = true, strides = array<i32>} : memref<2x4096xf32, #tpu.memory_space<vmem>>, vector<1x16xf32>,
      %add3A_516 = arith.constant 176 : i32
      %add3A_517 = arith.addi %mul3A_363, %add3A_516 : i32
      %get3A_518 = arith.constant 0 : i32
      %get3A_519 = arith.index_cast %get3A_518 : i32 to index
      %get3A_520 = arith.index_cast %add3A_517 : i32 to index
      %get3A_521 = tpu.vector_load %arg6[%get3A_519, %get3A_520] {strides = array<i32>} : memref<2x4096xf32, #tpu.memory_space<vmem>>, vector<1x16xf32>,
      %get3A_522 = vector.shape_cast %get3A_521 : vector<1x16xf32> to vector<16xf32>
      %mul3A_523 = arith.mulf %get3A_522, %div3A_177 : vector<16xf32>
      %swap3A_524 = arith.constant 0 : i32
      %swap3A_525 = arith.index_cast %swap3A_524 : i32 to index
      %swap3A_526 = arith.index_cast %add3A_517 : i32 to index
      %swap3A_527 = tpu.vector_load %arg7[%swap3A_525, %swap3A_526] {strides = array<i32>} : memref<2x4096xf32, #tpu.memory_space<vmem>>, vector<1x16xf32>,
      %swap3A_528 = vector.shape_cast %swap3A_527 : vector<1x16xf32> to vector<16xf32>
      %swap3A_529 = vector.shape_cast %mul3A_523 : vector<16xf32> to vector<1x16xf32>
      tpu.vector_store %arg7[%swap3A_525, %swap3A_526], %swap3A_529 {add = true, strides = array<i32>} : memref<2x4096xf32, #tpu.memory_space<vmem>>, vector<1x16xf32>,
      %add3A_530 = arith.constant 192 : i32
      %add3A_531 = arith.addi %mul3A_363, %add3A_530 : i32
      %get3A_532 = arith.constant 0 : i32
      %get3A_533 = arith.index_cast %get3A_532 : i32 to index
      %get3A_534 = arith.index_cast %add3A_531 : i32 to index
      %get3A_535 = tpu.vector_load %arg6[%get3A_533, %get3A_534] {strides = array<i32>} : memref<2x4096xf32, #tpu.memory_space<vmem>>, vector<1x16xf32>,
      %get3A_536 = vector.shape_cast %get3A_535 : vector<1x16xf32> to vector<16xf32>
      %mul3A_537 = arith.mulf %get3A_536, %div3A_177 : vector<16xf32>
      %swap3A_538 = arith.constant 0 : i32
      %swap3A_539 = arith.index_cast %swap3A_538 : i32 to index
      %swap3A_540 = arith.index_cast %add3A_531 : i32 to index
      %swap3A_541 = tpu.vector_load %arg7[%swap3A_539, %swap3A_540] {strides = array<i32>} : memref<2x4096xf32, #tpu.memory_space<vmem>>, vector<1x16xf32>,
      %swap3A_542 = vector.shape_cast %swap3A_541 : vector<1x16xf32> to vector<16xf32>
      %swap3A_543 = vector.shape_cast %mul3A_537 : vector<16xf32> to vector<1x16xf32>
      tpu.vector_store %arg7[%swap3A_539, %swap3A_540], %swap3A_543 {add = true, strides = array<i32>} : memref<2x4096xf32, #tpu.memory_space<vmem>>, vector<1x16xf32>,
      %add3A_544 = arith.constant 208 : i32
      %add3A_545 = arith.addi %mul3A_363, %add3A_544 : i32
      %get3A_546 = arith.constant 0 : i32
      %get3A_547 = arith.index_cast %get3A_546 : i32 to index
      %get3A_548 = arith.index_cast %add3A_545 : i32 to index
      %get3A_549 = tpu.vector_load %arg6[%get3A_547, %get3A_548] {strides = array<i32>} : memref<2x4096xf32, #tpu.memory_space<vmem>>, vector<1x16xf32>,
      %get3A_550 = vector.shape_cast %get3A_549 : vector<1x16xf32> to vector<16xf32>
      %mul3A_551 = arith.mulf %get3A_550, %div3A_177 : vector<16xf32>
      %swap3A_552 = arith.constant 0 : i32
      %swap3A_553 = arith.index_cast %swap3A_552 : i32 to index
      %swap3A_554 = arith.index_cast %add3A_545 : i32 to index
      %swap3A_555 = tpu.vector_load %arg7[%swap3A_553, %swap3A_554] {strides = array<i32>} : memref<2x4096xf32, #tpu.memory_space<vmem>>, vector<1x16xf32>,
      %swap3A_556 = vector.shape_cast %swap3A_555 : vector<1x16xf32> to vector<16xf32>
      %swap3A_557 = vector.shape_cast %mul3A_551 : vector<16xf32> to vector<1x16xf32>
      tpu.vector_store %arg7[%swap3A_553, %swap3A_554], %swap3A_557 {add = true, strides = array<i32>} : memref<2x4096xf32, #tpu.memory_space<vmem>>, vector<1x16xf32>,
      %add3A_558 = arith.constant 224 : i32
      %add3A_559 = arith.addi %mul3A_363, %add3A_558 : i32
      %get3A_560 = arith.constant 0 : i32
      %get3A_561 = arith.index_cast %get3A_560 : i32 to index
      %get3A_562 = arith.index_cast %add3A_559 : i32 to index
      %get3A_563 = tpu.vector_load %arg6[%get3A_561, %get3A_562] {strides = array<i32>} : memref<2x4096xf32, #tpu.memory_space<vmem>>, vector<1x16xf32>,
      %get3A_564 = vector.shape_cast %get3A_563 : vector<1x16xf32> to vector<16xf32>
      %mul3A_565 = arith.mulf %get3A_564, %div3A_177 : vector<16xf32>
      %swap3A_566 = arith.constant 0 : i32
      %swap3A_567 = arith.index_cast %swap3A_566 : i32 to index
      %swap3A_568 = arith.index_cast %add3A_559 : i32 to index
      %swap3A_569 = tpu.vector_load %arg7[%swap3A_567, %swap3A_568] {strides = array<i32>} : memref<2x4096xf32, #tpu.memory_space<vmem>>, vector<1x16xf32>,
      %swap3A_570 = vector.shape_cast %swap3A_569 : vector<1x16xf32> to vector<16xf32>
      %swap3A_571 = vector.shape_cast %mul3A_565 : vector<16xf32> to vector<1x16xf32>
      tpu.vector_store %arg7[%swap3A_567, %swap3A_568], %swap3A_571 {add = true, strides = array<i32>} : memref<2x4096xf32, #tpu.memory_space<vmem>>, vector<1x16xf32>,
      %add3A_572 = arith.constant 240 : i32
      %add3A_573 = arith.addi %mul3A_363, %add3A_572 : i32
      %get3A_574 = arith.constant 0 : i32
      %get3A_575 = arith.index_cast %get3A_574 : i32 to index
      %get3A_576 = arith.index_cast %add3A_573 : i32 to index
      %get3A_577 = tpu.vector_load %arg6[%get3A_575, %get3A_576] {strides = array<i32>} : memref<2x4096xf32, #tpu.memory_space<vmem>>, vector<1x16xf32>,
      %get3A_578 = vector.shape_cast %get3A_577 : vector<1x16xf32> to vector<16xf32>
      %mul3A_579 = arith.mulf %get3A_578, %div3A_177 : vector<16xf32>
      %swap3A_580 = arith.constant 0 : i32
      %swap3A_581 = arith.index_cast %swap3A_580 : i32 to index
      %swap3A_582 = arith.index_cast %add3A_573 : i32 to index
      %swap3A_583 = tpu.vector_load %arg7[%swap3A_581, %swap3A_582] {strides = array<i32>} : memref<2x4096xf32, #tpu.memory_space<vmem>>, vector<1x16xf32>,
      %swap3A_584 = vector.shape_cast %swap3A_583 : vector<1x16xf32> to vector<16xf32>
      %swap3A_585 = vector.shape_cast %mul3A_579 : vector<16xf32> to vector<1x16xf32>
      tpu.vector_store %arg7[%swap3A_581, %swap3A_582], %swap3A_585 {add = true, strides = array<i32>} : memref<2x4096xf32, #tpu.memory_space<vmem>>, vector<1x16xf32>,
      %scan3A_586 = arith.constant 0 : i32
      scf.yield %scan3A_586 : i32
    }
    %scan3A_184 = arith.constant 16 : i32
    %broadcast_in_dim3A_185 = arith.constant 0xFF800000 : f32
    %broadcast_in_dim3A_186 = vector.broadcast %broadcast_in_dim3A_185 : f32 to vector<16xf32>
    %scan3A_187 = arith.constant 0 : i32
    %scan3A_188 = arith.constant 16 : i32
    %scan3A_189 = arith.addi %scan3A_187, %scan3A_188 : i32
    %scan3A_190 = arith.constant 1 : i32
    %scan3A_191 = scf.for %scan3A_360 = %scan3A_187 to %scan3A_189 step %scan3A_190 iter_args(%scan3A_361 = %broadcast_in_dim3A_186) -> (vector<16xf32>)  : i32 {
      %mul3A_362 = arith.constant 256 : i32
      %mul3A_363 = arith.muli %scan3A_360, %mul3A_362 : i32
      %add3A_364 = arith.constant 0 : i32
      %add3A_365 = arith.addi %mul3A_363, %add3A_364 : i32
      %get3A = arith.constant 1 : i32
      %get3A_366 = arith.index_cast %get3A : i32 to index
      %get3A_367 = arith.index_cast %add3A_365 : i32 to index
      %get3A_368 = tpu.vector_load %arg5[%get3A_366, %get3A_367] {strides = array<i32>} : memref<2x4096xf32, #tpu.memory_space<vmem>>, vector<1x16xf32>,
      %get3A_369 = vector.shape_cast %get3A_368 : vector<1x16xf32> to vector<16xf32>
      %get3A_370 = arith.constant 1 : i32
      %get3A_371 = arith.index_cast %get3A_370 : i32 to index
      %get3A_372 = arith.index_cast %add3A_365 : i32 to index
      %get3A_373 = tpu.vector_load %arg6[%get3A_371, %get3A_372] {strides = array<i32>} : memref<2x4096xf32, #tpu.memory_space<vmem>>, vector<1x16xf32>,
      %get3A_374 = vector.shape_cast %get3A_373 : vector<1x16xf32> to vector<16xf32>
      %add3A_375 = arith.addf %get3A_369, %get3A_374 : vector<16xf32>
      %swap3A = arith.constant 1 : i32
      %swap3A_376 = arith.index_cast %swap3A : i32 to index
      %swap3A_377 = arith.index_cast %add3A_365 : i32 to index
      %swap3A_378 = tpu.vector_load %arg6[%swap3A_376, %swap3A_377] {strides = array<i32>} : memref<2x4096xf32, #tpu.memory_space<vmem>>, vector<1x16xf32>,
      %swap3A_379 = vector.shape_cast %swap3A_378 : vector<1x16xf32> to vector<16xf32>
      %swap3A_380 = vector.shape_cast %add3A_375 : vector<16xf32> to vector<1x16xf32>
      tpu.vector_store %arg6[%swap3A_376, %swap3A_377], %swap3A_380 {strides = array<i32>} : memref<2x4096xf32, #tpu.memory_space<vmem>>, vector<1x16xf32>,
      %add3A_381 = arith.constant 16 : i32
      %add3A_382 = arith.addi %mul3A_363, %add3A_381 : i32
      %get3A_383 = arith.constant 1 : i32
      %get3A_384 = arith.index_cast %get3A_383 : i32 to index
      %get3A_385 = arith.index_cast %add3A_382 : i32 to index
      %get3A_386 = tpu.vector_load %arg5[%get3A_384, %get3A_385] {strides = array<i32>} : memref<2x4096xf32, #tpu.memory_space<vmem>>, vector<1x16xf32>,
      %get3A_387 = vector.shape_cast %get3A_386 : vector<1x16xf32> to vector<16xf32>
      %get3A_388 = arith.constant 1 : i32
      %get3A_389 = arith.index_cast %get3A_388 : i32 to index
      %get3A_390 = arith.index_cast %add3A_382 : i32 to index
      %get3A_391 = tpu.vector_load %arg6[%get3A_389, %get3A_390] {strides = array<i32>} : memref<2x4096xf32, #tpu.memory_space<vmem>>, vector<1x16xf32>,
      %get3A_392 = vector.shape_cast %get3A_391 : vector<1x16xf32> to vector<16xf32>
      %add3A_393 = arith.addf %get3A_387, %get3A_392 : vector<16xf32>
      %swap3A_394 = arith.constant 1 : i32
      %swap3A_395 = arith.index_cast %swap3A_394 : i32 to index
      %swap3A_396 = arith.index_cast %add3A_382 : i32 to index
      %swap3A_397 = tpu.vector_load %arg6[%swap3A_395, %swap3A_396] {strides = array<i32>} : memref<2x4096xf32, #tpu.memory_space<vmem>>, vector<1x16xf32>,
      %swap3A_398 = vector.shape_cast %swap3A_397 : vector<1x16xf32> to vector<16xf32>
      %swap3A_399 = vector.shape_cast %add3A_393 : vector<16xf32> to vector<1x16xf32>
      tpu.vector_store %arg6[%swap3A_395, %swap3A_396], %swap3A_399 {strides = array<i32>} : memref<2x4096xf32, #tpu.memory_space<vmem>>, vector<1x16xf32>,
      %add3A_400 = arith.constant 32 : i32
      %add3A_401 = arith.addi %mul3A_363, %add3A_400 : i32
      %get3A_402 = arith.constant 1 : i32
      %get3A_403 = arith.index_cast %get3A_402 : i32 to index
      %get3A_404 = arith.index_cast %add3A_401 : i32 to index
      %get3A_405 = tpu.vector_load %arg5[%get3A_403, %get3A_404] {strides = array<i32>} : memref<2x4096xf32, #tpu.memory_space<vmem>>, vector<1x16xf32>,
      %get3A_406 = vector.shape_cast %get3A_405 : vector<1x16xf32> to vector<16xf32>
      %get3A_407 = arith.constant 1 : i32
      %get3A_408 = arith.index_cast %get3A_407 : i32 to index
      %get3A_409 = arith.index_cast %add3A_401 : i32 to index
      %get3A_410 = tpu.vector_load %arg6[%get3A_408, %get3A_409] {strides = array<i32>} : memref<2x4096xf32, #tpu.memory_space<vmem>>, vector<1x16xf32>,
      %get3A_411 = vector.shape_cast %get3A_410 : vector<1x16xf32> to vector<16xf32>
      %add3A_412 = arith.addf %get3A_406, %get3A_411 : vector<16xf32>
      %swap3A_413 = arith.constant 1 : i32
      %swap3A_414 = arith.index_cast %swap3A_413 : i32 to index
      %swap3A_415 = arith.index_cast %add3A_401 : i32 to index
      %swap3A_416 = tpu.vector_load %arg6[%swap3A_414, %swap3A_415] {strides = array<i32>} : memref<2x4096xf32, #tpu.memory_space<vmem>>, vector<1x16xf32>,
      %swap3A_417 = vector.shape_cast %swap3A_416 : vector<1x16xf32> to vector<16xf32>
      %swap3A_418 = vector.shape_cast %add3A_412 : vector<16xf32> to vector<1x16xf32>
      tpu.vector_store %arg6[%swap3A_414, %swap3A_415], %swap3A_418 {strides = array<i32>} : memref<2x4096xf32, #tpu.memory_space<vmem>>, vector<1x16xf32>,
      %add3A_419 = arith.constant 48 : i32
      %add3A_420 = arith.addi %mul3A_363, %add3A_419 : i32
      %get3A_421 = arith.constant 1 : i32
      %get3A_422 = arith.index_cast %get3A_421 : i32 to index
      %get3A_423 = arith.index_cast %add3A_420 : i32 to index
      %get3A_424 = tpu.vector_load %arg5[%get3A_422, %get3A_423] {strides = array<i32>} : memref<2x4096xf32, #tpu.memory_space<vmem>>, vector<1x16xf32>,
      %get3A_425 = vector.shape_cast %get3A_424 : vector<1x16xf32> to vector<16xf32>
      %get3A_426 = arith.constant 1 : i32
      %get3A_427 = arith.index_cast %get3A_426 : i32 to index
      %get3A_428 = arith.index_cast %add3A_420 : i32 to index
      %get3A_429 = tpu.vector_load %arg6[%get3A_427, %get3A_428] {strides = array<i32>} : memref<2x4096xf32, #tpu.memory_space<vmem>>, vector<1x16xf32>,
      %get3A_430 = vector.shape_cast %get3A_429 : vector<1x16xf32> to vector<16xf32>
      %add3A_431 = arith.addf %get3A_425, %get3A_430 : vector<16xf32>
      %swap3A_432 = arith.constant 1 : i32
      %swap3A_433 = arith.index_cast %swap3A_432 : i32 to index
      %swap3A_434 = arith.index_cast %add3A_420 : i32 to index
      %swap3A_435 = tpu.vector_load %arg6[%swap3A_433, %swap3A_434] {strides = array<i32>} : memref<2x4096xf32, #tpu.memory_space<vmem>>, vector<1x16xf32>,
      %swap3A_436 = vector.shape_cast %swap3A_435 : vector<1x16xf32> to vector<16xf32>
      %swap3A_437 = vector.shape_cast %add3A_431 : vector<16xf32> to vector<1x16xf32>
      tpu.vector_store %arg6[%swap3A_433, %swap3A_434], %swap3A_437 {strides = array<i32>} : memref<2x4096xf32, #tpu.memory_space<vmem>>, vector<1x16xf32>,
      %add3A_438 = arith.constant 64 : i32
      %add3A_439 = arith.addi %mul3A_363, %add3A_438 : i32
      %get3A_440 = arith.constant 1 : i32
      %get3A_441 = arith.index_cast %get3A_440 : i32 to index
      %get3A_442 = arith.index_cast %add3A_439 : i32 to index
      %get3A_443 = tpu.vector_load %arg5[%get3A_441, %get3A_442] {strides = array<i32>} : memref<2x4096xf32, #tpu.memory_space<vmem>>, vector<1x16xf32>,
      %get3A_444 = vector.shape_cast %get3A_443 : vector<1x16xf32> to vector<16xf32>
      %get3A_445 = arith.constant 1 : i32
      %get3A_446 = arith.index_cast %get3A_445 : i32 to index
      %get3A_447 = arith.index_cast %add3A_439 : i32 to index
      %get3A_448 = tpu.vector_load %arg6[%get3A_446, %get3A_447] {strides = array<i32>} : memref<2x4096xf32, #tpu.memory_space<vmem>>, vector<1x16xf32>,
      %get3A_449 = vector.shape_cast %get3A_448 : vector<1x16xf32> to vector<16xf32>
      %add3A_450 = arith.addf %get3A_444, %get3A_449 : vector<16xf32>
      %swap3A_451 = arith.constant 1 : i32
      %swap3A_452 = arith.index_cast %swap3A_451 : i32 to index
      %swap3A_453 = arith.index_cast %add3A_439 : i32 to index
      %swap3A_454 = tpu.vector_load %arg6[%swap3A_452, %swap3A_453] {strides = array<i32>} : memref<2x4096xf32, #tpu.memory_space<vmem>>, vector<1x16xf32>,
      %swap3A_455 = vector.shape_cast %swap3A_454 : vector<1x16xf32> to vector<16xf32>
      %swap3A_456 = vector.shape_cast %add3A_450 : vector<16xf32> to vector<1x16xf32>
      tpu.vector_store %arg6[%swap3A_452, %swap3A_453], %swap3A_456 {strides = array<i32>} : memref<2x4096xf32, #tpu.memory_space<vmem>>, vector<1x16xf32>,
      %add3A_457 = arith.constant 80 : i32
      %add3A_458 = arith.addi %mul3A_363, %add3A_457 : i32
      %get3A_459 = arith.constant 1 : i32
      %get3A_460 = arith.index_cast %get3A_459 : i32 to index
      %get3A_461 = arith.index_cast %add3A_458 : i32 to index
      %get3A_462 = tpu.vector_load %arg5[%get3A_460, %get3A_461] {strides = array<i32>} : memref<2x4096xf32, #tpu.memory_space<vmem>>, vector<1x16xf32>,
      %get3A_463 = vector.shape_cast %get3A_462 : vector<1x16xf32> to vector<16xf32>
      %get3A_464 = arith.constant 1 : i32
      %get3A_465 = arith.index_cast %get3A_464 : i32 to index
      %get3A_466 = arith.index_cast %add3A_458 : i32 to index
      %get3A_467 = tpu.vector_load %arg6[%get3A_465, %get3A_466] {strides = array<i32>} : memref<2x4096xf32, #tpu.memory_space<vmem>>, vector<1x16xf32>,
      %get3A_468 = vector.shape_cast %get3A_467 : vector<1x16xf32> to vector<16xf32>
      %add3A_469 = arith.addf %get3A_463, %get3A_468 : vector<16xf32>
      %swap3A_470 = arith.constant 1 : i32
      %swap3A_471 = arith.index_cast %swap3A_470 : i32 to index
      %swap3A_472 = arith.index_cast %add3A_458 : i32 to index
      %swap3A_473 = tpu.vector_load %arg6[%swap3A_471, %swap3A_472] {strides = array<i32>} : memref<2x4096xf32, #tpu.memory_space<vmem>>, vector<1x16xf32>,
      %swap3A_474 = vector.shape_cast %swap3A_473 : vector<1x16xf32> to vector<16xf32>
      %swap3A_475 = vector.shape_cast %add3A_469 : vector<16xf32> to vector<1x16xf32>
      tpu.vector_store %arg6[%swap3A_471, %swap3A_472], %swap3A_475 {strides = array<i32>} : memref<2x4096xf32, #tpu.memory_space<vmem>>, vector<1x16xf32>,
      %add3A_476 = arith.constant 96 : i32
      %add3A_477 = arith.addi %mul3A_363, %add3A_476 : i32
      %get3A_478 = arith.constant 1 : i32
      %get3A_479 = arith.index_cast %get3A_478 : i32 to index
      %get3A_480 = arith.index_cast %add3A_477 : i32 to index
      %get3A_481 = tpu.vector_load %arg5[%get3A_479, %get3A_480] {strides = array<i32>} : memref<2x4096xf32, #tpu.memory_space<vmem>>, vector<1x16xf32>,
      %get3A_482 = vector.shape_cast %get3A_481 : vector<1x16xf32> to vector<16xf32>
      %get3A_483 = arith.constant 1 : i32
      %get3A_484 = arith.index_cast %get3A_483 : i32 to index
      %get3A_485 = arith.index_cast %add3A_477 : i32 to index
      %get3A_486 = tpu.vector_load %arg6[%get3A_484, %get3A_485] {strides = array<i32>} : memref<2x4096xf32, #tpu.memory_space<vmem>>, vector<1x16xf32>,
      %get3A_487 = vector.shape_cast %get3A_486 : vector<1x16xf32> to vector<16xf32>
      %add3A_488 = arith.addf %get3A_482, %get3A_487 : vector<16xf32>
      %swap3A_489 = arith.constant 1 : i32
      %swap3A_490 = arith.index_cast %swap3A_489 : i32 to index
      %swap3A_491 = arith.index_cast %add3A_477 : i32 to index
      %swap3A_492 = tpu.vector_load %arg6[%swap3A_490, %swap3A_491] {strides = array<i32>} : memref<2x4096xf32, #tpu.memory_space<vmem>>, vector<1x16xf32>,
      %swap3A_493 = vector.shape_cast %swap3A_492 : vector<1x16xf32> to vector<16xf32>
      %swap3A_494 = vector.shape_cast %add3A_488 : vector<16xf32> to vector<1x16xf32>
      tpu.vector_store %arg6[%swap3A_490, %swap3A_491], %swap3A_494 {strides = array<i32>} : memref<2x4096xf32, #tpu.memory_space<vmem>>, vector<1x16xf32>,
      %add3A_495 = arith.constant 112 : i32
      %add3A_496 = arith.addi %mul3A_363, %add3A_495 : i32
      %get3A_497 = arith.constant 1 : i32
      %get3A_498 = arith.index_cast %get3A_497 : i32 to index
      %get3A_499 = arith.index_cast %add3A_496 : i32 to index
      %get3A_500 = tpu.vector_load %arg5[%get3A_498, %get3A_499] {strides = array<i32>} : memref<2x4096xf32, #tpu.memory_space<vmem>>, vector<1x16xf32>,
      %get3A_501 = vector.shape_cast %get3A_500 : vector<1x16xf32> to vector<16xf32>
      %get3A_502 = arith.constant 1 : i32
      %get3A_503 = arith.index_cast %get3A_502 : i32 to index
      %get3A_504 = arith.index_cast %add3A_496 : i32 to index
      %get3A_505 = tpu.vector_load %arg6[%get3A_503, %get3A_504] {strides = array<i32>} : memref<2x4096xf32, #tpu.memory_space<vmem>>, vector<1x16xf32>,
      %get3A_506 = vector.shape_cast %get3A_505 : vector<1x16xf32> to vector<16xf32>
      %add3A_507 = arith.addf %get3A_501, %get3A_506 : vector<16xf32>
      %swap3A_508 = arith.constant 1 : i32
      %swap3A_509 = arith.index_cast %swap3A_508 : i32 to index
      %swap3A_510 = arith.index_cast %add3A_496 : i32 to index
      %swap3A_511 = tpu.vector_load %arg6[%swap3A_509, %swap3A_510] {strides = array<i32>} : memref<2x4096xf32, #tpu.memory_space<vmem>>, vector<1x16xf32>,
      %swap3A_512 = vector.shape_cast %swap3A_511 : vector<1x16xf32> to vector<16xf32>
      %swap3A_513 = vector.shape_cast %add3A_507 : vector<16xf32> to vector<1x16xf32>
      tpu.vector_store %arg6[%swap3A_509, %swap3A_510], %swap3A_513 {strides = array<i32>} : memref<2x4096xf32, #tpu.memory_space<vmem>>, vector<1x16xf32>,
      %add3A_514 = arith.constant 128 : i32
      %add3A_515 = arith.addi %mul3A_363, %add3A_514 : i32
      %get3A_516 = arith.constant 1 : i32
      %get3A_517 = arith.index_cast %get3A_516 : i32 to index
      %get3A_518 = arith.index_cast %add3A_515 : i32 to index
      %get3A_519 = tpu.vector_load %arg5[%get3A_517, %get3A_518] {strides = array<i32>} : memref<2x4096xf32, #tpu.memory_space<vmem>>, vector<1x16xf32>,
      %get3A_520 = vector.shape_cast %get3A_519 : vector<1x16xf32> to vector<16xf32>
      %get3A_521 = arith.constant 1 : i32
      %get3A_522 = arith.index_cast %get3A_521 : i32 to index
      %get3A_523 = arith.index_cast %add3A_515 : i32 to index
      %get3A_524 = tpu.vector_load %arg6[%get3A_522, %get3A_523] {strides = array<i32>} : memref<2x4096xf32, #tpu.memory_space<vmem>>, vector<1x16xf32>,
      %get3A_525 = vector.shape_cast %get3A_524 : vector<1x16xf32> to vector<16xf32>
      %add3A_526 = arith.addf %get3A_520, %get3A_525 : vector<16xf32>
      %swap3A_527 = arith.constant 1 : i32
      %swap3A_528 = arith.index_cast %swap3A_527 : i32 to index
      %swap3A_529 = arith.index_cast %add3A_515 : i32 to index
      %swap3A_530 = tpu.vector_load %arg6[%swap3A_528, %swap3A_529] {strides = array<i32>} : memref<2x4096xf32, #tpu.memory_space<vmem>>, vector<1x16xf32>,
      %swap3A_531 = vector.shape_cast %swap3A_530 : vector<1x16xf32> to vector<16xf32>
      %swap3A_532 = vector.shape_cast %add3A_526 : vector<16xf32> to vector<1x16xf32>
      tpu.vector_store %arg6[%swap3A_528, %swap3A_529], %swap3A_532 {strides = array<i32>} : memref<2x4096xf32, #tpu.memory_space<vmem>>, vector<1x16xf32>,
      %add3A_533 = arith.constant 144 : i32
      %add3A_534 = arith.addi %mul3A_363, %add3A_533 : i32
      %get3A_535 = arith.constant 1 : i32
      %get3A_536 = arith.index_cast %get3A_535 : i32 to index
      %get3A_537 = arith.index_cast %add3A_534 : i32 to index
      %get3A_538 = tpu.vector_load %arg5[%get3A_536, %get3A_537] {strides = array<i32>} : memref<2x4096xf32, #tpu.memory_space<vmem>>, vector<1x16xf32>,
      %get3A_539 = vector.shape_cast %get3A_538 : vector<1x16xf32> to vector<16xf32>
      %get3A_540 = arith.constant 1 : i32
      %get3A_541 = arith.index_cast %get3A_540 : i32 to index
      %get3A_542 = arith.index_cast %add3A_534 : i32 to index
      %get3A_543 = tpu.vector_load %arg6[%get3A_541, %get3A_542] {strides = array<i32>} : memref<2x4096xf32, #tpu.memory_space<vmem>>, vector<1x16xf32>,
      %get3A_544 = vector.shape_cast %get3A_543 : vector<1x16xf32> to vector<16xf32>
      %add3A_545 = arith.addf %get3A_539, %get3A_544 : vector<16xf32>
      %swap3A_546 = arith.constant 1 : i32
      %swap3A_547 = arith.index_cast %swap3A_546 : i32 to index
      %swap3A_548 = arith.index_cast %add3A_534 : i32 to index
      %swap3A_549 = tpu.vector_load %arg6[%swap3A_547, %swap3A_548] {strides = array<i32>} : memref<2x4096xf32, #tpu.memory_space<vmem>>, vector<1x16xf32>,
      %swap3A_550 = vector.shape_cast %swap3A_549 : vector<1x16xf32> to vector<16xf32>
      %swap3A_551 = vector.shape_cast %add3A_545 : vector<16xf32> to vector<1x16xf32>
      tpu.vector_store %arg6[%swap3A_547, %swap3A_548], %swap3A_551 {strides = array<i32>} : memref<2x4096xf32, #tpu.memory_space<vmem>>, vector<1x16xf32>,
      %add3A_552 = arith.constant 160 : i32
      %add3A_553 = arith.addi %mul3A_363, %add3A_552 : i32
      %get3A_554 = arith.constant 1 : i32
      %get3A_555 = arith.index_cast %get3A_554 : i32 to index
      %get3A_556 = arith.index_cast %add3A_553 : i32 to index
      %get3A_557 = tpu.vector_load %arg5[%get3A_555, %get3A_556] {strides = array<i32>} : memref<2x4096xf32, #tpu.memory_space<vmem>>, vector<1x16xf32>,
      %get3A_558 = vector.shape_cast %get3A_557 : vector<1x16xf32> to vector<16xf32>
      %get3A_559 = arith.constant 1 : i32
      %get3A_560 = arith.index_cast %get3A_559 : i32 to index
      %get3A_561 = arith.index_cast %add3A_553 : i32 to index
      %get3A_562 = tpu.vector_load %arg6[%get3A_560, %get3A_561] {strides = array<i32>} : memref<2x4096xf32, #tpu.memory_space<vmem>>, vector<1x16xf32>,
      %get3A_563 = vector.shape_cast %get3A_562 : vector<1x16xf32> to vector<16xf32>
      %add3A_564 = arith.addf %get3A_558, %get3A_563 : vector<16xf32>
      %swap3A_565 = arith.constant 1 : i32
      %swap3A_566 = arith.index_cast %swap3A_565 : i32 to index
      %swap3A_567 = arith.index_cast %add3A_553 : i32 to index
      %swap3A_568 = tpu.vector_load %arg6[%swap3A_566, %swap3A_567] {strides = array<i32>} : memref<2x4096xf32, #tpu.memory_space<vmem>>, vector<1x16xf32>,
      %swap3A_569 = vector.shape_cast %swap3A_568 : vector<1x16xf32> to vector<16xf32>
      %swap3A_570 = vector.shape_cast %add3A_564 : vector<16xf32> to vector<1x16xf32>
      tpu.vector_store %arg6[%swap3A_566, %swap3A_567], %swap3A_570 {strides = array<i32>} : memref<2x4096xf32, #tpu.memory_space<vmem>>, vector<1x16xf32>,
      %add3A_571 = arith.constant 176 : i32
      %add3A_572 = arith.addi %mul3A_363, %add3A_571 : i32
      %get3A_573 = arith.constant 1 : i32
      %get3A_574 = arith.index_cast %get3A_573 : i32 to index
      %get3A_575 = arith.index_cast %add3A_572 : i32 to index
      %get3A_576 = tpu.vector_load %arg5[%get3A_574, %get3A_575] {strides = array<i32>} : memref<2x4096xf32, #tpu.memory_space<vmem>>, vector<1x16xf32>,
      %get3A_577 = vector.shape_cast %get3A_576 : vector<1x16xf32> to vector<16xf32>
      %get3A_578 = arith.constant 1 : i32
      %get3A_579 = arith.index_cast %get3A_578 : i32 to index
      %get3A_580 = arith.index_cast %add3A_572 : i32 to index
      %get3A_581 = tpu.vector_load %arg6[%get3A_579, %get3A_580] {strides = array<i32>} : memref<2x4096xf32, #tpu.memory_space<vmem>>, vector<1x16xf32>,
      %get3A_582 = vector.shape_cast %get3A_581 : vector<1x16xf32> to vector<16xf32>
      %add3A_583 = arith.addf %get3A_577, %get3A_582 : vector<16xf32>
      %swap3A_584 = arith.constant 1 : i32
      %swap3A_585 = arith.index_cast %swap3A_584 : i32 to index
      %swap3A_586 = arith.index_cast %add3A_572 : i32 to index
      %swap3A_587 = tpu.vector_load %arg6[%swap3A_585, %swap3A_586] {strides = array<i32>} : memref<2x4096xf32, #tpu.memory_space<vmem>>, vector<1x16xf32>,
      %swap3A_588 = vector.shape_cast %swap3A_587 : vector<1x16xf32> to vector<16xf32>
      %swap3A_589 = vector.shape_cast %add3A_583 : vector<16xf32> to vector<1x16xf32>
      tpu.vector_store %arg6[%swap3A_585, %swap3A_586], %swap3A_589 {strides = array<i32>} : memref<2x4096xf32, #tpu.memory_space<vmem>>, vector<1x16xf32>,
      %add3A_590 = arith.constant 192 : i32
      %add3A_591 = arith.addi %mul3A_363, %add3A_590 : i32
      %get3A_592 = arith.constant 1 : i32
      %get3A_593 = arith.index_cast %get3A_592 : i32 to index
      %get3A_594 = arith.index_cast %add3A_591 : i32 to index
      %get3A_595 = tpu.vector_load %arg5[%get3A_593, %get3A_594] {strides = array<i32>} : memref<2x4096xf32, #tpu.memory_space<vmem>>, vector<1x16xf32>,
      %get3A_596 = vector.shape_cast %get3A_595 : vector<1x16xf32> to vector<16xf32>
      %get3A_597 = arith.constant 1 : i32
      %get3A_598 = arith.index_cast %get3A_597 : i32 to index
      %get3A_599 = arith.index_cast %add3A_591 : i32 to index
      %get3A_600 = tpu.vector_load %arg6[%get3A_598, %get3A_599] {strides = array<i32>} : memref<2x4096xf32, #tpu.memory_space<vmem>>, vector<1x16xf32>,
      %get3A_601 = vector.shape_cast %get3A_600 : vector<1x16xf32> to vector<16xf32>
      %add3A_602 = arith.addf %get3A_596, %get3A_601 : vector<16xf32>
      %swap3A_603 = arith.constant 1 : i32
      %swap3A_604 = arith.index_cast %swap3A_603 : i32 to index
      %swap3A_605 = arith.index_cast %add3A_591 : i32 to index
      %swap3A_606 = tpu.vector_load %arg6[%swap3A_604, %swap3A_605] {strides = array<i32>} : memref<2x4096xf32, #tpu.memory_space<vmem>>, vector<1x16xf32>,
      %swap3A_607 = vector.shape_cast %swap3A_606 : vector<1x16xf32> to vector<16xf32>
      %swap3A_608 = vector.shape_cast %add3A_602 : vector<16xf32> to vector<1x16xf32>
      tpu.vector_store %arg6[%swap3A_604, %swap3A_605], %swap3A_608 {strides = array<i32>} : memref<2x4096xf32, #tpu.memory_space<vmem>>, vector<1x16xf32>,
      %add3A_609 = arith.constant 208 : i32
      %add3A_610 = arith.addi %mul3A_363, %add3A_609 : i32
      %get3A_611 = arith.constant 1 : i32
      %get3A_612 = arith.index_cast %get3A_611 : i32 to index
      %get3A_613 = arith.index_cast %add3A_610 : i32 to index
      %get3A_614 = tpu.vector_load %arg5[%get3A_612, %get3A_613] {strides = array<i32>} : memref<2x4096xf32, #tpu.memory_space<vmem>>, vector<1x16xf32>,
      %get3A_615 = vector.shape_cast %get3A_614 : vector<1x16xf32> to vector<16xf32>
      %get3A_616 = arith.constant 1 : i32
      %get3A_617 = arith.index_cast %get3A_616 : i32 to index
      %get3A_618 = arith.index_cast %add3A_610 : i32 to index
      %get3A_619 = tpu.vector_load %arg6[%get3A_617, %get3A_618] {strides = array<i32>} : memref<2x4096xf32, #tpu.memory_space<vmem>>, vector<1x16xf32>,
      %get3A_620 = vector.shape_cast %get3A_619 : vector<1x16xf32> to vector<16xf32>
      %add3A_621 = arith.addf %get3A_615, %get3A_620 : vector<16xf32>
      %swap3A_622 = arith.constant 1 : i32
      %swap3A_623 = arith.index_cast %swap3A_622 : i32 to index
      %swap3A_624 = arith.index_cast %add3A_610 : i32 to index
      %swap3A_625 = tpu.vector_load %arg6[%swap3A_623, %swap3A_624] {strides = array<i32>} : memref<2x4096xf32, #tpu.memory_space<vmem>>, vector<1x16xf32>,
      %swap3A_626 = vector.shape_cast %swap3A_625 : vector<1x16xf32> to vector<16xf32>
      %swap3A_627 = vector.shape_cast %add3A_621 : vector<16xf32> to vector<1x16xf32>
      tpu.vector_store %arg6[%swap3A_623, %swap3A_624], %swap3A_627 {strides = array<i32>} : memref<2x4096xf32, #tpu.memory_space<vmem>>, vector<1x16xf32>,
      %add3A_628 = arith.constant 224 : i32
      %add3A_629 = arith.addi %mul3A_363, %add3A_628 : i32
      %get3A_630 = arith.constant 1 : i32
      %get3A_631 = arith.index_cast %get3A_630 : i32 to index
      %get3A_632 = arith.index_cast %add3A_629 : i32 to index
      %get3A_633 = tpu.vector_load %arg5[%get3A_631, %get3A_632] {strides = array<i32>} : memref<2x4096xf32, #tpu.memory_space<vmem>>, vector<1x16xf32>,
      %get3A_634 = vector.shape_cast %get3A_633 : vector<1x16xf32> to vector<16xf32>
      %get3A_635 = arith.constant 1 : i32
      %get3A_636 = arith.index_cast %get3A_635 : i32 to index
      %get3A_637 = arith.index_cast %add3A_629 : i32 to index
      %get3A_638 = tpu.vector_load %arg6[%get3A_636, %get3A_637] {strides = array<i32>} : memref<2x4096xf32, #tpu.memory_space<vmem>>, vector<1x16xf32>,
      %get3A_639 = vector.shape_cast %get3A_638 : vector<1x16xf32> to vector<16xf32>
      %add3A_640 = arith.addf %get3A_634, %get3A_639 : vector<16xf32>
      %swap3A_641 = arith.constant 1 : i32
      %swap3A_642 = arith.index_cast %swap3A_641 : i32 to index
      %swap3A_643 = arith.index_cast %add3A_629 : i32 to index
      %swap3A_644 = tpu.vector_load %arg6[%swap3A_642, %swap3A_643] {strides = array<i32>} : memref<2x4096xf32, #tpu.memory_space<vmem>>, vector<1x16xf32>,
      %swap3A_645 = vector.shape_cast %swap3A_644 : vector<1x16xf32> to vector<16xf32>
      %swap3A_646 = vector.shape_cast %add3A_640 : vector<16xf32> to vector<1x16xf32>
      tpu.vector_store %arg6[%swap3A_642, %swap3A_643], %swap3A_646 {strides = array<i32>} : memref<2x4096xf32, #tpu.memory_space<vmem>>, vector<1x16xf32>,
      %add3A_647 = arith.constant 240 : i32
      %add3A_648 = arith.addi %mul3A_363, %add3A_647 : i32
      %get3A_649 = arith.constant 1 : i32
      %get3A_650 = arith.index_cast %get3A_649 : i32 to index
      %get3A_651 = arith.index_cast %add3A_648 : i32 to index
      %get3A_652 = tpu.vector_load %arg5[%get3A_650, %get3A_651] {strides = array<i32>} : memref<2x4096xf32, #tpu.memory_space<vmem>>, vector<1x16xf32>,
      %get3A_653 = vector.shape_cast %get3A_652 : vector<1x16xf32> to vector<16xf32>
      %get3A_654 = arith.constant 1 : i32
      %get3A_655 = arith.index_cast %get3A_654 : i32 to index
      %get3A_656 = arith.index_cast %add3A_648 : i32 to index
      %get3A_657 = tpu.vector_load %arg6[%get3A_655, %get3A_656] {strides = array<i32>} : memref<2x4096xf32, #tpu.memory_space<vmem>>, vector<1x16xf32>,
      %get3A_658 = vector.shape_cast %get3A_657 : vector<1x16xf32> to vector<16xf32>
      %add3A_659 = arith.addf %get3A_653, %get3A_658 : vector<16xf32>
      %swap3A_660 = arith.constant 1 : i32
      %swap3A_661 = arith.index_cast %swap3A_660 : i32 to index
      %swap3A_662 = arith.index_cast %add3A_648 : i32 to index
      %swap3A_663 = tpu.vector_load %arg6[%swap3A_661, %swap3A_662] {strides = array<i32>} : memref<2x4096xf32, #tpu.memory_space<vmem>>, vector<1x16xf32>,
      %swap3A_664 = vector.shape_cast %swap3A_663 : vector<1x16xf32> to vector<16xf32>
      %swap3A_665 = vector.shape_cast %add3A_659 : vector<16xf32> to vector<1x16xf32>
      tpu.vector_store %arg6[%swap3A_661, %swap3A_662], %swap3A_665 {strides = array<i32>} : memref<2x4096xf32, #tpu.memory_space<vmem>>, vector<1x16xf32>,
      %max3A_666 = arith.maximumf %add3A_375, %add3A_393 : vector<16xf32>
      %max3A_667 = arith.maximumf %add3A_412, %add3A_431 : vector<16xf32>
      %max3A_668 = arith.maximumf %add3A_450, %add3A_469 : vector<16xf32>
      %max3A_669 = arith.maximumf %add3A_488, %add3A_507 : vector<16xf32>
      %max3A_670 = arith.maximumf %add3A_526, %add3A_545 : vector<16xf32>
      %max3A_671 = arith.maximumf %add3A_564, %add3A_583 : vector<16xf32>
      %max3A_672 = arith.maximumf %add3A_602, %add3A_621 : vector<16xf32>
      %max3A_673 = arith.maximumf %add3A_640, %add3A_659 : vector<16xf32>
      %max3A_674 = arith.maximumf %max3A_666, %max3A_667 : vector<16xf32>
      %max3A_675 = arith.maximumf %max3A_668, %max3A_669 : vector<16xf32>
      %max3A_676 = arith.maximumf %max3A_670, %max3A_671 : vector<16xf32>
      %max3A_677 = arith.maximumf %max3A_672, %max3A_673 : vector<16xf32>
      %max3A_678 = arith.maximumf %max3A_674, %max3A_675 : vector<16xf32>
      %max3A_679 = arith.maximumf %max3A_676, %max3A_677 : vector<16xf32>
      %max3A_680 = arith.maximumf %max3A_678, %max3A_679 : vector<16xf32>
      %max3A_681 = arith.maximumf %scan3A_361, %max3A_680 : vector<16xf32>
      scf.yield %max3A_681 : vector<16xf32>
    }
    %scan3A_192 = arith.constant 16 : i32
    %iota3A_193 = tpu.iota {dimensions = array<i32: 0>} : vector<16xi32>
    %add3A_194 = arith.constant 8 : i32
    %add3A_195 = vector.broadcast %add3A_194 : i32 to vector<16xi32>
    %add3A_196 = arith.addi %iota3A_193, %add3A_195 : vector<16xi32>
    %and3A_197 = arith.constant 15 : i32
    %and3A_198 = vector.broadcast %and3A_197 : i32 to vector<16xi32>
    %and3A_199 = arith.andi %add3A_196, %and3A_198 : vector<16xi32>
    %broadcast_in_dim3A_200 = vector.shape_cast %and3A_199 : vector<16xi32> to vector<16x1xi32>
    %gather3A_201 = vector.shape_cast %broadcast_in_dim3A_200 : vector<16x1xi32> to vector<16xi32>
    %gather3A_202 = tpu.dynamic_gather %scan3A_191[%gather3A_201] in [0] : vector<16xf32>, vector<16xi32> -> vector<16xf32>
    %max3A_203 = arith.maximumf %scan3A_191, %gather3A_202 : vector<16xf32>
    %iota3A_204 = tpu.iota {dimensions = array<i32: 0>} : vector<16xi32>
    %add3A_205 = arith.constant 4 : i32
    %add3A_206 = vector.broadcast %add3A_205 : i32 to vector<16xi32>
    %add3A_207 = arith.addi %iota3A_204, %add3A_206 : vector<16xi32>
    %and3A_208 = arith.constant 15 : i32
    %and3A_209 = vector.broadcast %and3A_208 : i32 to vector<16xi32>
    %and3A_210 = arith.andi %add3A_207, %and3A_209 : vector<16xi32>
    %broadcast_in_dim3A_211 = vector.shape_cast %and3A_210 : vector<16xi32> to vector<16x1xi32>
    %gather3A_212 = vector.shape_cast %broadcast_in_dim3A_211 : vector<16x1xi32> to vector<16xi32>
    %gather3A_213 = tpu.dynamic_gather %max3A_203[%gather3A_212] in [0] : vector<16xf32>, vector<16xi32> -> vector<16xf32>
    %max3A_214 = arith.maximumf %max3A_203, %gather3A_213 : vector<16xf32>
    %iota3A_215 = tpu.iota {dimensions = array<i32: 0>} : vector<16xi32>
    %add3A_216 = arith.constant 2 : i32
    %add3A_217 = vector.broadcast %add3A_216 : i32 to vector<16xi32>
    %add3A_218 = arith.addi %iota3A_215, %add3A_217 : vector<16xi32>
    %and3A_219 = arith.constant 15 : i32
    %and3A_220 = vector.broadcast %and3A_219 : i32 to vector<16xi32>
    %and3A_221 = arith.andi %add3A_218, %and3A_220 : vector<16xi32>
    %broadcast_in_dim3A_222 = vector.shape_cast %and3A_221 : vector<16xi32> to vector<16x1xi32>
    %gather3A_223 = vector.shape_cast %broadcast_in_dim3A_222 : vector<16x1xi32> to vector<16xi32>
    %gather3A_224 = tpu.dynamic_gather %max3A_214[%gather3A_223] in [0] : vector<16xf32>, vector<16xi32> -> vector<16xf32>
    %max3A_225 = arith.maximumf %max3A_214, %gather3A_224 : vector<16xf32>
    %iota3A_226 = tpu.iota {dimensions = array<i32: 0>} : vector<16xi32>
    %add3A_227 = arith.constant 1 : i32
    %add3A_228 = vector.broadcast %add3A_227 : i32 to vector<16xi32>
    %add3A_229 = arith.addi %iota3A_226, %add3A_228 : vector<16xi32>
    %and3A_230 = arith.constant 15 : i32
    %and3A_231 = vector.broadcast %and3A_230 : i32 to vector<16xi32>
    %and3A_232 = arith.andi %add3A_229, %and3A_231 : vector<16xi32>
    %broadcast_in_dim3A_233 = vector.shape_cast %and3A_232 : vector<16xi32> to vector<16x1xi32>
    %gather3A_234 = vector.shape_cast %broadcast_in_dim3A_233 : vector<16x1xi32> to vector<16xi32>
    %gather3A_235 = tpu.dynamic_gather %max3A_225[%gather3A_234] in [0] : vector<16xf32>, vector<16xi32> -> vector<16xf32>
    %max3A_236 = arith.maximumf %max3A_225, %gather3A_235 : vector<16xf32>
    %broadcast_in_dim3A_237 = arith.constant 0.000000e+00 : f32
    %broadcast_in_dim3A_238 = vector.broadcast %broadcast_in_dim3A_237 : f32 to vector<16xf32>
    %scan3A_239 = arith.constant 0 : i32
    %scan3A_240 = arith.constant 16 : i32
    %scan3A_241 = arith.addi %scan3A_239, %scan3A_240 : i32
    %scan3A_242 = arith.constant 1 : i32
    %scan3A_243 = scf.for %scan3A_360 = %scan3A_239 to %scan3A_241 step %scan3A_242 iter_args(%scan3A_361 = %broadcast_in_dim3A_238) -> (vector<16xf32>)  : i32 {
      %mul3A_362 = arith.constant 256 : i32
      %mul3A_363 = arith.muli %scan3A_360, %mul3A_362 : i32
      %add3A_364 = arith.constant 0 : i32
      %add3A_365 = arith.addi %mul3A_363, %add3A_364 : i32
      %get3A = arith.constant 1 : i32
      %get3A_366 = arith.index_cast %get3A : i32 to index
      %get3A_367 = arith.index_cast %add3A_365 : i32 to index
      %get3A_368 = tpu.vector_load %arg6[%get3A_366, %get3A_367] {strides = array<i32>} : memref<2x4096xf32, #tpu.memory_space<vmem>>, vector<1x16xf32>,
      %get3A_369 = vector.shape_cast %get3A_368 : vector<1x16xf32> to vector<16xf32>
      %sub3A = arith.subf %get3A_369, %max3A_236 : vector<16xf32>
      %mul3A_370 = arith.constant 2.000000e+00 : f32
      %mul3A_371 = vector.broadcast %mul3A_370 : f32 to vector<16xf32>
      %mul3A_372 = arith.mulf %sub3A, %mul3A_371 : vector<16xf32>
      %exp3A = math.exp %mul3A_372 : vector<16xf32>
      %swap3A = arith.constant 1 : i32
      %swap3A_373 = arith.index_cast %swap3A : i32 to index
      %swap3A_374 = arith.index_cast %add3A_365 : i32 to index
      %swap3A_375 = tpu.vector_load %arg6[%swap3A_373, %swap3A_374] {strides = array<i32>} : memref<2x4096xf32, #tpu.memory_space<vmem>>, vector<1x16xf32>,
      %swap3A_376 = vector.shape_cast %swap3A_375 : vector<1x16xf32> to vector<16xf32>
      %swap3A_377 = vector.shape_cast %exp3A : vector<16xf32> to vector<1x16xf32>
      tpu.vector_store %arg6[%swap3A_373, %swap3A_374], %swap3A_377 {strides = array<i32>} : memref<2x4096xf32, #tpu.memory_space<vmem>>, vector<1x16xf32>,
      %add3A_378 = arith.constant 16 : i32
      %add3A_379 = arith.addi %mul3A_363, %add3A_378 : i32
      %get3A_380 = arith.constant 1 : i32
      %get3A_381 = arith.index_cast %get3A_380 : i32 to index
      %get3A_382 = arith.index_cast %add3A_379 : i32 to index
      %get3A_383 = tpu.vector_load %arg6[%get3A_381, %get3A_382] {strides = array<i32>} : memref<2x4096xf32, #tpu.memory_space<vmem>>, vector<1x16xf32>,
      %get3A_384 = vector.shape_cast %get3A_383 : vector<1x16xf32> to vector<16xf32>
      %sub3A_385 = arith.subf %get3A_384, %max3A_236 : vector<16xf32>
      %mul3A_386 = arith.constant 2.000000e+00 : f32
      %mul3A_387 = vector.broadcast %mul3A_386 : f32 to vector<16xf32>
      %mul3A_388 = arith.mulf %sub3A_385, %mul3A_387 : vector<16xf32>
      %exp3A_389 = math.exp %mul3A_388 : vector<16xf32>
      %swap3A_390 = arith.constant 1 : i32
      %swap3A_391 = arith.index_cast %swap3A_390 : i32 to index
      %swap3A_392 = arith.index_cast %add3A_379 : i32 to index
      %swap3A_393 = tpu.vector_load %arg6[%swap3A_391, %swap3A_392] {strides = array<i32>} : memref<2x4096xf32, #tpu.memory_space<vmem>>, vector<1x16xf32>,
      %swap3A_394 = vector.shape_cast %swap3A_393 : vector<1x16xf32> to vector<16xf32>
      %swap3A_395 = vector.shape_cast %exp3A_389 : vector<16xf32> to vector<1x16xf32>
      tpu.vector_store %arg6[%swap3A_391, %swap3A_392], %swap3A_395 {strides = array<i32>} : memref<2x4096xf32, #tpu.memory_space<vmem>>, vector<1x16xf32>,
      %add3A_396 = arith.constant 32 : i32
      %add3A_397 = arith.addi %mul3A_363, %add3A_396 : i32
      %get3A_398 = arith.constant 1 : i32
      %get3A_399 = arith.index_cast %get3A_398 : i32 to index
      %get3A_400 = arith.index_cast %add3A_397 : i32 to index
      %get3A_401 = tpu.vector_load %arg6[%get3A_399, %get3A_400] {strides = array<i32>} : memref<2x4096xf32, #tpu.memory_space<vmem>>, vector<1x16xf32>,
      %get3A_402 = vector.shape_cast %get3A_401 : vector<1x16xf32> to vector<16xf32>
      %sub3A_403 = arith.subf %get3A_402, %max3A_236 : vector<16xf32>
      %mul3A_404 = arith.constant 2.000000e+00 : f32
      %mul3A_405 = vector.broadcast %mul3A_404 : f32 to vector<16xf32>
      %mul3A_406 = arith.mulf %sub3A_403, %mul3A_405 : vector<16xf32>
      %exp3A_407 = math.exp %mul3A_406 : vector<16xf32>
      %swap3A_408 = arith.constant 1 : i32
      %swap3A_409 = arith.index_cast %swap3A_408 : i32 to index
      %swap3A_410 = arith.index_cast %add3A_397 : i32 to index
      %swap3A_411 = tpu.vector_load %arg6[%swap3A_409, %swap3A_410] {strides = array<i32>} : memref<2x4096xf32, #tpu.memory_space<vmem>>, vector<1x16xf32>,
      %swap3A_412 = vector.shape_cast %swap3A_411 : vector<1x16xf32> to vector<16xf32>
      %swap3A_413 = vector.shape_cast %exp3A_407 : vector<16xf32> to vector<1x16xf32>
      tpu.vector_store %arg6[%swap3A_409, %swap3A_410], %swap3A_413 {strides = array<i32>} : memref<2x4096xf32, #tpu.memory_space<vmem>>, vector<1x16xf32>,
      %add3A_414 = arith.constant 48 : i32
      %add3A_415 = arith.addi %mul3A_363, %add3A_414 : i32
      %get3A_416 = arith.constant 1 : i32
      %get3A_417 = arith.index_cast %get3A_416 : i32 to index
      %get3A_418 = arith.index_cast %add3A_415 : i32 to index
      %get3A_419 = tpu.vector_load %arg6[%get3A_417, %get3A_418] {strides = array<i32>} : memref<2x4096xf32, #tpu.memory_space<vmem>>, vector<1x16xf32>,
      %get3A_420 = vector.shape_cast %get3A_419 : vector<1x16xf32> to vector<16xf32>
      %sub3A_421 = arith.subf %get3A_420, %max3A_236 : vector<16xf32>
      %mul3A_422 = arith.constant 2.000000e+00 : f32
      %mul3A_423 = vector.broadcast %mul3A_422 : f32 to vector<16xf32>
      %mul3A_424 = arith.mulf %sub3A_421, %mul3A_423 : vector<16xf32>
      %exp3A_425 = math.exp %mul3A_424 : vector<16xf32>
      %swap3A_426 = arith.constant 1 : i32
      %swap3A_427 = arith.index_cast %swap3A_426 : i32 to index
      %swap3A_428 = arith.index_cast %add3A_415 : i32 to index
      %swap3A_429 = tpu.vector_load %arg6[%swap3A_427, %swap3A_428] {strides = array<i32>} : memref<2x4096xf32, #tpu.memory_space<vmem>>, vector<1x16xf32>,
      %swap3A_430 = vector.shape_cast %swap3A_429 : vector<1x16xf32> to vector<16xf32>
      %swap3A_431 = vector.shape_cast %exp3A_425 : vector<16xf32> to vector<1x16xf32>
      tpu.vector_store %arg6[%swap3A_427, %swap3A_428], %swap3A_431 {strides = array<i32>} : memref<2x4096xf32, #tpu.memory_space<vmem>>, vector<1x16xf32>,
      %add3A_432 = arith.constant 64 : i32
      %add3A_433 = arith.addi %mul3A_363, %add3A_432 : i32
      %get3A_434 = arith.constant 1 : i32
      %get3A_435 = arith.index_cast %get3A_434 : i32 to index
      %get3A_436 = arith.index_cast %add3A_433 : i32 to index
      %get3A_437 = tpu.vector_load %arg6[%get3A_435, %get3A_436] {strides = array<i32>} : memref<2x4096xf32, #tpu.memory_space<vmem>>, vector<1x16xf32>,
      %get3A_438 = vector.shape_cast %get3A_437 : vector<1x16xf32> to vector<16xf32>
      %sub3A_439 = arith.subf %get3A_438, %max3A_236 : vector<16xf32>
      %mul3A_440 = arith.constant 2.000000e+00 : f32
      %mul3A_441 = vector.broadcast %mul3A_440 : f32 to vector<16xf32>
      %mul3A_442 = arith.mulf %sub3A_439, %mul3A_441 : vector<16xf32>
      %exp3A_443 = math.exp %mul3A_442 : vector<16xf32>
      %swap3A_444 = arith.constant 1 : i32
      %swap3A_445 = arith.index_cast %swap3A_444 : i32 to index
      %swap3A_446 = arith.index_cast %add3A_433 : i32 to index
      %swap3A_447 = tpu.vector_load %arg6[%swap3A_445, %swap3A_446] {strides = array<i32>} : memref<2x4096xf32, #tpu.memory_space<vmem>>, vector<1x16xf32>,
      %swap3A_448 = vector.shape_cast %swap3A_447 : vector<1x16xf32> to vector<16xf32>
      %swap3A_449 = vector.shape_cast %exp3A_443 : vector<16xf32> to vector<1x16xf32>
      tpu.vector_store %arg6[%swap3A_445, %swap3A_446], %swap3A_449 {strides = array<i32>} : memref<2x4096xf32, #tpu.memory_space<vmem>>, vector<1x16xf32>,
      %add3A_450 = arith.constant 80 : i32
      %add3A_451 = arith.addi %mul3A_363, %add3A_450 : i32
      %get3A_452 = arith.constant 1 : i32
      %get3A_453 = arith.index_cast %get3A_452 : i32 to index
      %get3A_454 = arith.index_cast %add3A_451 : i32 to index
      %get3A_455 = tpu.vector_load %arg6[%get3A_453, %get3A_454] {strides = array<i32>} : memref<2x4096xf32, #tpu.memory_space<vmem>>, vector<1x16xf32>,
      %get3A_456 = vector.shape_cast %get3A_455 : vector<1x16xf32> to vector<16xf32>
      %sub3A_457 = arith.subf %get3A_456, %max3A_236 : vector<16xf32>
      %mul3A_458 = arith.constant 2.000000e+00 : f32
      %mul3A_459 = vector.broadcast %mul3A_458 : f32 to vector<16xf32>
      %mul3A_460 = arith.mulf %sub3A_457, %mul3A_459 : vector<16xf32>
      %exp3A_461 = math.exp %mul3A_460 : vector<16xf32>
      %swap3A_462 = arith.constant 1 : i32
      %swap3A_463 = arith.index_cast %swap3A_462 : i32 to index
      %swap3A_464 = arith.index_cast %add3A_451 : i32 to index
      %swap3A_465 = tpu.vector_load %arg6[%swap3A_463, %swap3A_464] {strides = array<i32>} : memref<2x4096xf32, #tpu.memory_space<vmem>>, vector<1x16xf32>,
      %swap3A_466 = vector.shape_cast %swap3A_465 : vector<1x16xf32> to vector<16xf32>
      %swap3A_467 = vector.shape_cast %exp3A_461 : vector<16xf32> to vector<1x16xf32>
      tpu.vector_store %arg6[%swap3A_463, %swap3A_464], %swap3A_467 {strides = array<i32>} : memref<2x4096xf32, #tpu.memory_space<vmem>>, vector<1x16xf32>,
      %add3A_468 = arith.constant 96 : i32
      %add3A_469 = arith.addi %mul3A_363, %add3A_468 : i32
      %get3A_470 = arith.constant 1 : i32
      %get3A_471 = arith.index_cast %get3A_470 : i32 to index
      %get3A_472 = arith.index_cast %add3A_469 : i32 to index
      %get3A_473 = tpu.vector_load %arg6[%get3A_471, %get3A_472] {strides = array<i32>} : memref<2x4096xf32, #tpu.memory_space<vmem>>, vector<1x16xf32>,
      %get3A_474 = vector.shape_cast %get3A_473 : vector<1x16xf32> to vector<16xf32>
      %sub3A_475 = arith.subf %get3A_474, %max3A_236 : vector<16xf32>
      %mul3A_476 = arith.constant 2.000000e+00 : f32
      %mul3A_477 = vector.broadcast %mul3A_476 : f32 to vector<16xf32>
      %mul3A_478 = arith.mulf %sub3A_475, %mul3A_477 : vector<16xf32>
      %exp3A_479 = math.exp %mul3A_478 : vector<16xf32>
      %swap3A_480 = arith.constant 1 : i32
      %swap3A_481 = arith.index_cast %swap3A_480 : i32 to index
      %swap3A_482 = arith.index_cast %add3A_469 : i32 to index
      %swap3A_483 = tpu.vector_load %arg6[%swap3A_481, %swap3A_482] {strides = array<i32>} : memref<2x4096xf32, #tpu.memory_space<vmem>>, vector<1x16xf32>,
      %swap3A_484 = vector.shape_cast %swap3A_483 : vector<1x16xf32> to vector<16xf32>
      %swap3A_485 = vector.shape_cast %exp3A_479 : vector<16xf32> to vector<1x16xf32>
      tpu.vector_store %arg6[%swap3A_481, %swap3A_482], %swap3A_485 {strides = array<i32>} : memref<2x4096xf32, #tpu.memory_space<vmem>>, vector<1x16xf32>,
      %add3A_486 = arith.constant 112 : i32
      %add3A_487 = arith.addi %mul3A_363, %add3A_486 : i32
      %get3A_488 = arith.constant 1 : i32
      %get3A_489 = arith.index_cast %get3A_488 : i32 to index
      %get3A_490 = arith.index_cast %add3A_487 : i32 to index
      %get3A_491 = tpu.vector_load %arg6[%get3A_489, %get3A_490] {strides = array<i32>} : memref<2x4096xf32, #tpu.memory_space<vmem>>, vector<1x16xf32>,
      %get3A_492 = vector.shape_cast %get3A_491 : vector<1x16xf32> to vector<16xf32>
      %sub3A_493 = arith.subf %get3A_492, %max3A_236 : vector<16xf32>
      %mul3A_494 = arith.constant 2.000000e+00 : f32
      %mul3A_495 = vector.broadcast %mul3A_494 : f32 to vector<16xf32>
      %mul3A_496 = arith.mulf %sub3A_493, %mul3A_495 : vector<16xf32>
      %exp3A_497 = math.exp %mul3A_496 : vector<16xf32>
      %swap3A_498 = arith.constant 1 : i32
      %swap3A_499 = arith.index_cast %swap3A_498 : i32 to index
      %swap3A_500 = arith.index_cast %add3A_487 : i32 to index
      %swap3A_501 = tpu.vector_load %arg6[%swap3A_499, %swap3A_500] {strides = array<i32>} : memref<2x4096xf32, #tpu.memory_space<vmem>>, vector<1x16xf32>,
      %swap3A_502 = vector.shape_cast %swap3A_501 : vector<1x16xf32> to vector<16xf32>
      %swap3A_503 = vector.shape_cast %exp3A_497 : vector<16xf32> to vector<1x16xf32>
      tpu.vector_store %arg6[%swap3A_499, %swap3A_500], %swap3A_503 {strides = array<i32>} : memref<2x4096xf32, #tpu.memory_space<vmem>>, vector<1x16xf32>,
      %add3A_504 = arith.constant 128 : i32
      %add3A_505 = arith.addi %mul3A_363, %add3A_504 : i32
      %get3A_506 = arith.constant 1 : i32
      %get3A_507 = arith.index_cast %get3A_506 : i32 to index
      %get3A_508 = arith.index_cast %add3A_505 : i32 to index
      %get3A_509 = tpu.vector_load %arg6[%get3A_507, %get3A_508] {strides = array<i32>} : memref<2x4096xf32, #tpu.memory_space<vmem>>, vector<1x16xf32>,
      %get3A_510 = vector.shape_cast %get3A_509 : vector<1x16xf32> to vector<16xf32>
      %sub3A_511 = arith.subf %get3A_510, %max3A_236 : vector<16xf32>
      %mul3A_512 = arith.constant 2.000000e+00 : f32
      %mul3A_513 = vector.broadcast %mul3A_512 : f32 to vector<16xf32>
      %mul3A_514 = arith.mulf %sub3A_511, %mul3A_513 : vector<16xf32>
      %exp3A_515 = math.exp %mul3A_514 : vector<16xf32>
      %swap3A_516 = arith.constant 1 : i32
      %swap3A_517 = arith.index_cast %swap3A_516 : i32 to index
      %swap3A_518 = arith.index_cast %add3A_505 : i32 to index
      %swap3A_519 = tpu.vector_load %arg6[%swap3A_517, %swap3A_518] {strides = array<i32>} : memref<2x4096xf32, #tpu.memory_space<vmem>>, vector<1x16xf32>,
      %swap3A_520 = vector.shape_cast %swap3A_519 : vector<1x16xf32> to vector<16xf32>
      %swap3A_521 = vector.shape_cast %exp3A_515 : vector<16xf32> to vector<1x16xf32>
      tpu.vector_store %arg6[%swap3A_517, %swap3A_518], %swap3A_521 {strides = array<i32>} : memref<2x4096xf32, #tpu.memory_space<vmem>>, vector<1x16xf32>,
      %add3A_522 = arith.constant 144 : i32
      %add3A_523 = arith.addi %mul3A_363, %add3A_522 : i32
      %get3A_524 = arith.constant 1 : i32
      %get3A_525 = arith.index_cast %get3A_524 : i32 to index
      %get3A_526 = arith.index_cast %add3A_523 : i32 to index
      %get3A_527 = tpu.vector_load %arg6[%get3A_525, %get3A_526] {strides = array<i32>} : memref<2x4096xf32, #tpu.memory_space<vmem>>, vector<1x16xf32>,
      %get3A_528 = vector.shape_cast %get3A_527 : vector<1x16xf32> to vector<16xf32>
      %sub3A_529 = arith.subf %get3A_528, %max3A_236 : vector<16xf32>
      %mul3A_530 = arith.constant 2.000000e+00 : f32
      %mul3A_531 = vector.broadcast %mul3A_530 : f32 to vector<16xf32>
      %mul3A_532 = arith.mulf %sub3A_529, %mul3A_531 : vector<16xf32>
      %exp3A_533 = math.exp %mul3A_532 : vector<16xf32>
      %swap3A_534 = arith.constant 1 : i32
      %swap3A_535 = arith.index_cast %swap3A_534 : i32 to index
      %swap3A_536 = arith.index_cast %add3A_523 : i32 to index
      %swap3A_537 = tpu.vector_load %arg6[%swap3A_535, %swap3A_536] {strides = array<i32>} : memref<2x4096xf32, #tpu.memory_space<vmem>>, vector<1x16xf32>,
      %swap3A_538 = vector.shape_cast %swap3A_537 : vector<1x16xf32> to vector<16xf32>
      %swap3A_539 = vector.shape_cast %exp3A_533 : vector<16xf32> to vector<1x16xf32>
      tpu.vector_store %arg6[%swap3A_535, %swap3A_536], %swap3A_539 {strides = array<i32>} : memref<2x4096xf32, #tpu.memory_space<vmem>>, vector<1x16xf32>,
      %add3A_540 = arith.constant 160 : i32
      %add3A_541 = arith.addi %mul3A_363, %add3A_540 : i32
      %get3A_542 = arith.constant 1 : i32
      %get3A_543 = arith.index_cast %get3A_542 : i32 to index
      %get3A_544 = arith.index_cast %add3A_541 : i32 to index
      %get3A_545 = tpu.vector_load %arg6[%get3A_543, %get3A_544] {strides = array<i32>} : memref<2x4096xf32, #tpu.memory_space<vmem>>, vector<1x16xf32>,
      %get3A_546 = vector.shape_cast %get3A_545 : vector<1x16xf32> to vector<16xf32>
      %sub3A_547 = arith.subf %get3A_546, %max3A_236 : vector<16xf32>
      %mul3A_548 = arith.constant 2.000000e+00 : f32
      %mul3A_549 = vector.broadcast %mul3A_548 : f32 to vector<16xf32>
      %mul3A_550 = arith.mulf %sub3A_547, %mul3A_549 : vector<16xf32>
      %exp3A_551 = math.exp %mul3A_550 : vector<16xf32>
      %swap3A_552 = arith.constant 1 : i32
      %swap3A_553 = arith.index_cast %swap3A_552 : i32 to index
      %swap3A_554 = arith.index_cast %add3A_541 : i32 to index
      %swap3A_555 = tpu.vector_load %arg6[%swap3A_553, %swap3A_554] {strides = array<i32>} : memref<2x4096xf32, #tpu.memory_space<vmem>>, vector<1x16xf32>,
      %swap3A_556 = vector.shape_cast %swap3A_555 : vector<1x16xf32> to vector<16xf32>
      %swap3A_557 = vector.shape_cast %exp3A_551 : vector<16xf32> to vector<1x16xf32>
      tpu.vector_store %arg6[%swap3A_553, %swap3A_554], %swap3A_557 {strides = array<i32>} : memref<2x4096xf32, #tpu.memory_space<vmem>>, vector<1x16xf32>,
      %add3A_558 = arith.constant 176 : i32
      %add3A_559 = arith.addi %mul3A_363, %add3A_558 : i32
      %get3A_560 = arith.constant 1 : i32
      %get3A_561 = arith.index_cast %get3A_560 : i32 to index
      %get3A_562 = arith.index_cast %add3A_559 : i32 to index
      %get3A_563 = tpu.vector_load %arg6[%get3A_561, %get3A_562] {strides = array<i32>} : memref<2x4096xf32, #tpu.memory_space<vmem>>, vector<1x16xf32>,
      %get3A_564 = vector.shape_cast %get3A_563 : vector<1x16xf32> to vector<16xf32>
      %sub3A_565 = arith.subf %get3A_564, %max3A_236 : vector<16xf32>
      %mul3A_566 = arith.constant 2.000000e+00 : f32
      %mul3A_567 = vector.broadcast %mul3A_566 : f32 to vector<16xf32>
      %mul3A_568 = arith.mulf %sub3A_565, %mul3A_567 : vector<16xf32>
      %exp3A_569 = math.exp %mul3A_568 : vector<16xf32>
      %swap3A_570 = arith.constant 1 : i32
      %swap3A_571 = arith.index_cast %swap3A_570 : i32 to index
      %swap3A_572 = arith.index_cast %add3A_559 : i32 to index
      %swap3A_573 = tpu.vector_load %arg6[%swap3A_571, %swap3A_572] {strides = array<i32>} : memref<2x4096xf32, #tpu.memory_space<vmem>>, vector<1x16xf32>,
      %swap3A_574 = vector.shape_cast %swap3A_573 : vector<1x16xf32> to vector<16xf32>
      %swap3A_575 = vector.shape_cast %exp3A_569 : vector<16xf32> to vector<1x16xf32>
      tpu.vector_store %arg6[%swap3A_571, %swap3A_572], %swap3A_575 {strides = array<i32>} : memref<2x4096xf32, #tpu.memory_space<vmem>>, vector<1x16xf32>,
      %add3A_576 = arith.constant 192 : i32
      %add3A_577 = arith.addi %mul3A_363, %add3A_576 : i32
      %get3A_578 = arith.constant 1 : i32
      %get3A_579 = arith.index_cast %get3A_578 : i32 to index
      %get3A_580 = arith.index_cast %add3A_577 : i32 to index
      %get3A_581 = tpu.vector_load %arg6[%get3A_579, %get3A_580] {strides = array<i32>} : memref<2x4096xf32, #tpu.memory_space<vmem>>, vector<1x16xf32>,
      %get3A_582 = vector.shape_cast %get3A_581 : vector<1x16xf32> to vector<16xf32>
      %sub3A_583 = arith.subf %get3A_582, %max3A_236 : vector<16xf32>
      %mul3A_584 = arith.constant 2.000000e+00 : f32
      %mul3A_585 = vector.broadcast %mul3A_584 : f32 to vector<16xf32>
      %mul3A_586 = arith.mulf %sub3A_583, %mul3A_585 : vector<16xf32>
      %exp3A_587 = math.exp %mul3A_586 : vector<16xf32>
      %swap3A_588 = arith.constant 1 : i32
      %swap3A_589 = arith.index_cast %swap3A_588 : i32 to index
      %swap3A_590 = arith.index_cast %add3A_577 : i32 to index
      %swap3A_591 = tpu.vector_load %arg6[%swap3A_589, %swap3A_590] {strides = array<i32>} : memref<2x4096xf32, #tpu.memory_space<vmem>>, vector<1x16xf32>,
      %swap3A_592 = vector.shape_cast %swap3A_591 : vector<1x16xf32> to vector<16xf32>
      %swap3A_593 = vector.shape_cast %exp3A_587 : vector<16xf32> to vector<1x16xf32>
      tpu.vector_store %arg6[%swap3A_589, %swap3A_590], %swap3A_593 {strides = array<i32>} : memref<2x4096xf32, #tpu.memory_space<vmem>>, vector<1x16xf32>,
      %add3A_594 = arith.constant 208 : i32
      %add3A_595 = arith.addi %mul3A_363, %add3A_594 : i32
      %get3A_596 = arith.constant 1 : i32
      %get3A_597 = arith.index_cast %get3A_596 : i32 to index
      %get3A_598 = arith.index_cast %add3A_595 : i32 to index
      %get3A_599 = tpu.vector_load %arg6[%get3A_597, %get3A_598] {strides = array<i32>} : memref<2x4096xf32, #tpu.memory_space<vmem>>, vector<1x16xf32>,
      %get3A_600 = vector.shape_cast %get3A_599 : vector<1x16xf32> to vector<16xf32>
      %sub3A_601 = arith.subf %get3A_600, %max3A_236 : vector<16xf32>
      %mul3A_602 = arith.constant 2.000000e+00 : f32
      %mul3A_603 = vector.broadcast %mul3A_602 : f32 to vector<16xf32>
      %mul3A_604 = arith.mulf %sub3A_601, %mul3A_603 : vector<16xf32>
      %exp3A_605 = math.exp %mul3A_604 : vector<16xf32>
      %swap3A_606 = arith.constant 1 : i32
      %swap3A_607 = arith.index_cast %swap3A_606 : i32 to index
      %swap3A_608 = arith.index_cast %add3A_595 : i32 to index
      %swap3A_609 = tpu.vector_load %arg6[%swap3A_607, %swap3A_608] {strides = array<i32>} : memref<2x4096xf32, #tpu.memory_space<vmem>>, vector<1x16xf32>,
      %swap3A_610 = vector.shape_cast %swap3A_609 : vector<1x16xf32> to vector<16xf32>
      %swap3A_611 = vector.shape_cast %exp3A_605 : vector<16xf32> to vector<1x16xf32>
      tpu.vector_store %arg6[%swap3A_607, %swap3A_608], %swap3A_611 {strides = array<i32>} : memref<2x4096xf32, #tpu.memory_space<vmem>>, vector<1x16xf32>,
      %add3A_612 = arith.constant 224 : i32
      %add3A_613 = arith.addi %mul3A_363, %add3A_612 : i32
      %get3A_614 = arith.constant 1 : i32
      %get3A_615 = arith.index_cast %get3A_614 : i32 to index
      %get3A_616 = arith.index_cast %add3A_613 : i32 to index
      %get3A_617 = tpu.vector_load %arg6[%get3A_615, %get3A_616] {strides = array<i32>} : memref<2x4096xf32, #tpu.memory_space<vmem>>, vector<1x16xf32>,
      %get3A_618 = vector.shape_cast %get3A_617 : vector<1x16xf32> to vector<16xf32>
      %sub3A_619 = arith.subf %get3A_618, %max3A_236 : vector<16xf32>
      %mul3A_620 = arith.constant 2.000000e+00 : f32
      %mul3A_621 = vector.broadcast %mul3A_620 : f32 to vector<16xf32>
      %mul3A_622 = arith.mulf %sub3A_619, %mul3A_621 : vector<16xf32>
      %exp3A_623 = math.exp %mul3A_622 : vector<16xf32>
      %swap3A_624 = arith.constant 1 : i32
      %swap3A_625 = arith.index_cast %swap3A_624 : i32 to index
      %swap3A_626 = arith.index_cast %add3A_613 : i32 to index
      %swap3A_627 = tpu.vector_load %arg6[%swap3A_625, %swap3A_626] {strides = array<i32>} : memref<2x4096xf32, #tpu.memory_space<vmem>>, vector<1x16xf32>,
      %swap3A_628 = vector.shape_cast %swap3A_627 : vector<1x16xf32> to vector<16xf32>
      %swap3A_629 = vector.shape_cast %exp3A_623 : vector<16xf32> to vector<1x16xf32>
      tpu.vector_store %arg6[%swap3A_625, %swap3A_626], %swap3A_629 {strides = array<i32>} : memref<2x4096xf32, #tpu.memory_space<vmem>>, vector<1x16xf32>,
      %add3A_630 = arith.constant 240 : i32
      %add3A_631 = arith.addi %mul3A_363, %add3A_630 : i32
      %get3A_632 = arith.constant 1 : i32
      %get3A_633 = arith.index_cast %get3A_632 : i32 to index
      %get3A_634 = arith.index_cast %add3A_631 : i32 to index
      %get3A_635 = tpu.vector_load %arg6[%get3A_633, %get3A_634] {strides = array<i32>} : memref<2x4096xf32, #tpu.memory_space<vmem>>, vector<1x16xf32>,
      %get3A_636 = vector.shape_cast %get3A_635 : vector<1x16xf32> to vector<16xf32>
      %sub3A_637 = arith.subf %get3A_636, %max3A_236 : vector<16xf32>
      %mul3A_638 = arith.constant 2.000000e+00 : f32
      %mul3A_639 = vector.broadcast %mul3A_638 : f32 to vector<16xf32>
      %mul3A_640 = arith.mulf %sub3A_637, %mul3A_639 : vector<16xf32>
      %exp3A_641 = math.exp %mul3A_640 : vector<16xf32>
      %swap3A_642 = arith.constant 1 : i32
      %swap3A_643 = arith.index_cast %swap3A_642 : i32 to index
      %swap3A_644 = arith.index_cast %add3A_631 : i32 to index
      %swap3A_645 = tpu.vector_load %arg6[%swap3A_643, %swap3A_644] {strides = array<i32>} : memref<2x4096xf32, #tpu.memory_space<vmem>>, vector<1x16xf32>,
      %swap3A_646 = vector.shape_cast %swap3A_645 : vector<1x16xf32> to vector<16xf32>
      %swap3A_647 = vector.shape_cast %exp3A_641 : vector<16xf32> to vector<1x16xf32>
      tpu.vector_store %arg6[%swap3A_643, %swap3A_644], %swap3A_647 {strides = array<i32>} : memref<2x4096xf32, #tpu.memory_space<vmem>>, vector<1x16xf32>,
      %add3A_648 = arith.addf %exp3A, %exp3A_389 : vector<16xf32>
      %add3A_649 = arith.addf %exp3A_407, %exp3A_425 : vector<16xf32>
      %add3A_650 = arith.addf %exp3A_443, %exp3A_461 : vector<16xf32>
      %add3A_651 = arith.addf %exp3A_479, %exp3A_497 : vector<16xf32>
      %add3A_652 = arith.addf %exp3A_515, %exp3A_533 : vector<16xf32>
      %add3A_653 = arith.addf %exp3A_551, %exp3A_569 : vector<16xf32>
      %add3A_654 = arith.addf %exp3A_587, %exp3A_605 : vector<16xf32>
      %add3A_655 = arith.addf %exp3A_623, %exp3A_641 : vector<16xf32>
      %add3A_656 = arith.addf %add3A_648, %add3A_649 : vector<16xf32>
      %add3A_657 = arith.addf %add3A_650, %add3A_651 : vector<16xf32>
      %add3A_658 = arith.addf %add3A_652, %add3A_653 : vector<16xf32>
      %add3A_659 = arith.addf %add3A_654, %add3A_655 : vector<16xf32>
      %add3A_660 = arith.addf %add3A_656, %add3A_657 : vector<16xf32>
      %add3A_661 = arith.addf %add3A_658, %add3A_659 : vector<16xf32>
      %add3A_662 = arith.addf %add3A_660, %add3A_661 : vector<16xf32>
      %add3A_663 = arith.addf %scan3A_361, %add3A_662 : vector<16xf32>
      scf.yield %add3A_663 : vector<16xf32>
    }
    %scan3A_244 = arith.constant 16 : i32
    %iota3A_245 = tpu.iota {dimensions = array<i32: 0>} : vector<16xi32>
    %add3A_246 = arith.constant 8 : i32
    %add3A_247 = vector.broadcast %add3A_246 : i32 to vector<16xi32>
    %add3A_248 = arith.addi %iota3A_245, %add3A_247 : vector<16xi32>
    %and3A_249 = arith.constant 15 : i32
    %and3A_250 = vector.broadcast %and3A_249 : i32 to vector<16xi32>
    %and3A_251 = arith.andi %add3A_248, %and3A_250 : vector<16xi32>
    %broadcast_in_dim3A_252 = vector.shape_cast %and3A_251 : vector<16xi32> to vector<16x1xi32>
    %gather3A_253 = vector.shape_cast %broadcast_in_dim3A_252 : vector<16x1xi32> to vector<16xi32>
    %gather3A_254 = tpu.dynamic_gather %scan3A_243[%gather3A_253] in [0] : vector<16xf32>, vector<16xi32> -> vector<16xf32>
    %add3A_255 = arith.addf %scan3A_243, %gather3A_254 : vector<16xf32>
    %iota3A_256 = tpu.iota {dimensions = array<i32: 0>} : vector<16xi32>
    %add3A_257 = arith.constant 4 : i32
    %add3A_258 = vector.broadcast %add3A_257 : i32 to vector<16xi32>
    %add3A_259 = arith.addi %iota3A_256, %add3A_258 : vector<16xi32>
    %and3A_260 = arith.constant 15 : i32
    %and3A_261 = vector.broadcast %and3A_260 : i32 to vector<16xi32>
    %and3A_262 = arith.andi %add3A_259, %and3A_261 : vector<16xi32>
    %broadcast_in_dim3A_263 = vector.shape_cast %and3A_262 : vector<16xi32> to vector<16x1xi32>
    %gather3A_264 = vector.shape_cast %broadcast_in_dim3A_263 : vector<16x1xi32> to vector<16xi32>
    %gather3A_265 = tpu.dynamic_gather %add3A_255[%gather3A_264] in [0] : vector<16xf32>, vector<16xi32> -> vector<16xf32>
    %add3A_266 = arith.addf %add3A_255, %gather3A_265 : vector<16xf32>
    %iota3A_267 = tpu.iota {dimensions = array<i32: 0>} : vector<16xi32>
    %add3A_268 = arith.constant 2 : i32
    %add3A_269 = vector.broadcast %add3A_268 : i32 to vector<16xi32>
    %add3A_270 = arith.addi %iota3A_267, %add3A_269 : vector<16xi32>
    %and3A_271 = arith.constant 15 : i32
    %and3A_272 = vector.broadcast %and3A_271 : i32 to vector<16xi32>
    %and3A_273 = arith.andi %add3A_270, %and3A_272 : vector<16xi32>
    %broadcast_in_dim3A_274 = vector.shape_cast %and3A_273 : vector<16xi32> to vector<16x1xi32>
    %gather3A_275 = vector.shape_cast %broadcast_in_dim3A_274 : vector<16x1xi32> to vector<16xi32>
    %gather3A_276 = tpu.dynamic_gather %add3A_266[%gather3A_275] in [0] : vector<16xf32>, vector<16xi32> -> vector<16xf32>
    %add3A_277 = arith.addf %add3A_266, %gather3A_276 : vector<16xf32>
    %iota3A_278 = tpu.iota {dimensions = array<i32: 0>} : vector<16xi32>
    %add3A_279 = arith.constant 1 : i32
    %add3A_280 = vector.broadcast %add3A_279 : i32 to vector<16xi32>
    %add3A_281 = arith.addi %iota3A_278, %add3A_280 : vector<16xi32>
    %and3A_282 = arith.constant 15 : i32
    %and3A_283 = vector.broadcast %and3A_282 : i32 to vector<16xi32>
    %and3A_284 = arith.andi %add3A_281, %and3A_283 : vector<16xi32>
    %broadcast_in_dim3A_285 = vector.shape_cast %and3A_284 : vector<16xi32> to vector<16x1xi32>
    %gather3A_286 = vector.shape_cast %broadcast_in_dim3A_285 : vector<16x1xi32> to vector<16xi32>
    %gather3A_287 = tpu.dynamic_gather %add3A_277[%gather3A_286] in [0] : vector<16xf32>, vector<16xi32> -> vector<16xf32>
    %add3A_288 = arith.addf %add3A_277, %gather3A_287 : vector<16xf32>
    %div3A_289 = arith.constant 1.000000e+00 : f32
    %div3A_290 = vector.broadcast %div3A_289 : f32 to vector<16xf32>
    %div3A_291 = arith.divf %div3A_290, %add3A_288 : vector<16xf32>
    %broadcast_in_dim3A_292 = arith.constant 0.000000e+00 : f32
    %broadcast_in_dim3A_293 = vector.broadcast %broadcast_in_dim3A_292 : f32 to vector<16xf32>
    %scan3A_294 = arith.constant 0 : i32
    %scan3A_295 = arith.constant 16 : i32
    %scan3A_296 = arith.addi %scan3A_294, %scan3A_295 : i32
    %scan3A_297 = arith.constant 1 : i32
    %scan3A_298 = scf.for %scan3A_360 = %scan3A_294 to %scan3A_296 step %scan3A_297 iter_args(%scan3A_361 = %broadcast_in_dim3A_293) -> (vector<16xf32>)  : i32 {
      %mul3A_362 = arith.constant 256 : i32
      %mul3A_363 = arith.muli %scan3A_360, %mul3A_362 : i32
      %add3A_364 = arith.constant 0 : i32
      %add3A_365 = arith.addi %mul3A_363, %add3A_364 : i32
      %get3A = arith.constant 1 : i32
      %get3A_366 = arith.index_cast %get3A : i32 to index
      %get3A_367 = arith.index_cast %add3A_365 : i32 to index
      %get3A_368 = tpu.vector_load %arg6[%get3A_366, %get3A_367] {strides = array<i32>} : memref<2x4096xf32, #tpu.memory_space<vmem>>, vector<1x16xf32>,
      %get3A_369 = vector.shape_cast %get3A_368 : vector<1x16xf32> to vector<16xf32>
      %mul3A_370 = arith.mulf %get3A_369, %div3A_291 : vector<16xf32>
      %swap3A = arith.constant 1 : i32
      %swap3A_371 = arith.index_cast %swap3A : i32 to index
      %swap3A_372 = arith.index_cast %add3A_365 : i32 to index
      %swap3A_373 = tpu.vector_load %arg7[%swap3A_371, %swap3A_372] {strides = array<i32>} : memref<2x4096xf32, #tpu.memory_space<vmem>>, vector<1x16xf32>,
      %swap3A_374 = vector.shape_cast %swap3A_373 : vector<1x16xf32> to vector<16xf32>
      %swap3A_375 = vector.shape_cast %mul3A_370 : vector<16xf32> to vector<1x16xf32>
      tpu.vector_store %arg7[%swap3A_371, %swap3A_372], %swap3A_375 {strides = array<i32>} : memref<2x4096xf32, #tpu.memory_space<vmem>>, vector<1x16xf32>,
      %sub3A = arith.constant 1.000000e+00 : f32
      %sub3A_376 = vector.broadcast %sub3A : f32 to vector<16xf32>
      %sub3A_377 = arith.subf %sub3A_376, %mul3A_370 : vector<16xf32>
      %max3A_378 = arith.constant 1.000000e-07 : f32
      %max3A_379 = vector.broadcast %max3A_378 : f32 to vector<16xf32>
      %max3A_380 = arith.maximumf %sub3A_377, %max3A_379 : vector<16xf32>
      %mul3A_381 = arith.mulf %max3A_380, %max3A_380 : vector<16xf32>
      %mul3A_382 = arith.mulf %mul3A_370, %mul3A_381 : vector<16xf32>
      %swap3A_383 = arith.constant 1 : i32
      %swap3A_384 = arith.index_cast %swap3A_383 : i32 to index
      %swap3A_385 = arith.index_cast %add3A_365 : i32 to index
      %swap3A_386 = tpu.vector_load %arg6[%swap3A_384, %swap3A_385] {strides = array<i32>} : memref<2x4096xf32, #tpu.memory_space<vmem>>, vector<1x16xf32>,
      %swap3A_387 = vector.shape_cast %swap3A_386 : vector<1x16xf32> to vector<16xf32>
      %swap3A_388 = vector.shape_cast %mul3A_382 : vector<16xf32> to vector<1x16xf32>
      tpu.vector_store %arg6[%swap3A_384, %swap3A_385], %swap3A_388 {strides = array<i32>} : memref<2x4096xf32, #tpu.memory_space<vmem>>, vector<1x16xf32>,
      %add3A_389 = arith.constant 16 : i32
      %add3A_390 = arith.addi %mul3A_363, %add3A_389 : i32
      %get3A_391 = arith.constant 1 : i32
      %get3A_392 = arith.index_cast %get3A_391 : i32 to index
      %get3A_393 = arith.index_cast %add3A_390 : i32 to index
      %get3A_394 = tpu.vector_load %arg6[%get3A_392, %get3A_393] {strides = array<i32>} : memref<2x4096xf32, #tpu.memory_space<vmem>>, vector<1x16xf32>,
      %get3A_395 = vector.shape_cast %get3A_394 : vector<1x16xf32> to vector<16xf32>
      %mul3A_396 = arith.mulf %get3A_395, %div3A_291 : vector<16xf32>
      %swap3A_397 = arith.constant 1 : i32
      %swap3A_398 = arith.index_cast %swap3A_397 : i32 to index
      %swap3A_399 = arith.index_cast %add3A_390 : i32 to index
      %swap3A_400 = tpu.vector_load %arg7[%swap3A_398, %swap3A_399] {strides = array<i32>} : memref<2x4096xf32, #tpu.memory_space<vmem>>, vector<1x16xf32>,
      %swap3A_401 = vector.shape_cast %swap3A_400 : vector<1x16xf32> to vector<16xf32>
      %swap3A_402 = vector.shape_cast %mul3A_396 : vector<16xf32> to vector<1x16xf32>
      tpu.vector_store %arg7[%swap3A_398, %swap3A_399], %swap3A_402 {strides = array<i32>} : memref<2x4096xf32, #tpu.memory_space<vmem>>, vector<1x16xf32>,
      %sub3A_403 = arith.constant 1.000000e+00 : f32
      %sub3A_404 = vector.broadcast %sub3A_403 : f32 to vector<16xf32>
      %sub3A_405 = arith.subf %sub3A_404, %mul3A_396 : vector<16xf32>
      %max3A_406 = arith.constant 1.000000e-07 : f32
      %max3A_407 = vector.broadcast %max3A_406 : f32 to vector<16xf32>
      %max3A_408 = arith.maximumf %sub3A_405, %max3A_407 : vector<16xf32>
      %mul3A_409 = arith.mulf %max3A_408, %max3A_408 : vector<16xf32>
      %mul3A_410 = arith.mulf %mul3A_396, %mul3A_409 : vector<16xf32>
      %swap3A_411 = arith.constant 1 : i32
      %swap3A_412 = arith.index_cast %swap3A_411 : i32 to index
      %swap3A_413 = arith.index_cast %add3A_390 : i32 to index
      %swap3A_414 = tpu.vector_load %arg6[%swap3A_412, %swap3A_413] {strides = array<i32>} : memref<2x4096xf32, #tpu.memory_space<vmem>>, vector<1x16xf32>,
      %swap3A_415 = vector.shape_cast %swap3A_414 : vector<1x16xf32> to vector<16xf32>
      %swap3A_416 = vector.shape_cast %mul3A_410 : vector<16xf32> to vector<1x16xf32>
      tpu.vector_store %arg6[%swap3A_412, %swap3A_413], %swap3A_416 {strides = array<i32>} : memref<2x4096xf32, #tpu.memory_space<vmem>>, vector<1x16xf32>,
      %add3A_417 = arith.constant 32 : i32
      %add3A_418 = arith.addi %mul3A_363, %add3A_417 : i32
      %get3A_419 = arith.constant 1 : i32
      %get3A_420 = arith.index_cast %get3A_419 : i32 to index
      %get3A_421 = arith.index_cast %add3A_418 : i32 to index
      %get3A_422 = tpu.vector_load %arg6[%get3A_420, %get3A_421] {strides = array<i32>} : memref<2x4096xf32, #tpu.memory_space<vmem>>, vector<1x16xf32>,
      %get3A_423 = vector.shape_cast %get3A_422 : vector<1x16xf32> to vector<16xf32>
      %mul3A_424 = arith.mulf %get3A_423, %div3A_291 : vector<16xf32>
      %swap3A_425 = arith.constant 1 : i32
      %swap3A_426 = arith.index_cast %swap3A_425 : i32 to index
      %swap3A_427 = arith.index_cast %add3A_418 : i32 to index
      %swap3A_428 = tpu.vector_load %arg7[%swap3A_426, %swap3A_427] {strides = array<i32>} : memref<2x4096xf32, #tpu.memory_space<vmem>>, vector<1x16xf32>,
      %swap3A_429 = vector.shape_cast %swap3A_428 : vector<1x16xf32> to vector<16xf32>
      %swap3A_430 = vector.shape_cast %mul3A_424 : vector<16xf32> to vector<1x16xf32>
      tpu.vector_store %arg7[%swap3A_426, %swap3A_427], %swap3A_430 {strides = array<i32>} : memref<2x4096xf32, #tpu.memory_space<vmem>>, vector<1x16xf32>,
      %sub3A_431 = arith.constant 1.000000e+00 : f32
      %sub3A_432 = vector.broadcast %sub3A_431 : f32 to vector<16xf32>
      %sub3A_433 = arith.subf %sub3A_432, %mul3A_424 : vector<16xf32>
      %max3A_434 = arith.constant 1.000000e-07 : f32
      %max3A_435 = vector.broadcast %max3A_434 : f32 to vector<16xf32>
      %max3A_436 = arith.maximumf %sub3A_433, %max3A_435 : vector<16xf32>
      %mul3A_437 = arith.mulf %max3A_436, %max3A_436 : vector<16xf32>
      %mul3A_438 = arith.mulf %mul3A_424, %mul3A_437 : vector<16xf32>
      %swap3A_439 = arith.constant 1 : i32
      %swap3A_440 = arith.index_cast %swap3A_439 : i32 to index
      %swap3A_441 = arith.index_cast %add3A_418 : i32 to index
      %swap3A_442 = tpu.vector_load %arg6[%swap3A_440, %swap3A_441] {strides = array<i32>} : memref<2x4096xf32, #tpu.memory_space<vmem>>, vector<1x16xf32>,
      %swap3A_443 = vector.shape_cast %swap3A_442 : vector<1x16xf32> to vector<16xf32>
      %swap3A_444 = vector.shape_cast %mul3A_438 : vector<16xf32> to vector<1x16xf32>
      tpu.vector_store %arg6[%swap3A_440, %swap3A_441], %swap3A_444 {strides = array<i32>} : memref<2x4096xf32, #tpu.memory_space<vmem>>, vector<1x16xf32>,
      %add3A_445 = arith.constant 48 : i32
      %add3A_446 = arith.addi %mul3A_363, %add3A_445 : i32
      %get3A_447 = arith.constant 1 : i32
      %get3A_448 = arith.index_cast %get3A_447 : i32 to index
      %get3A_449 = arith.index_cast %add3A_446 : i32 to index
      %get3A_450 = tpu.vector_load %arg6[%get3A_448, %get3A_449] {strides = array<i32>} : memref<2x4096xf32, #tpu.memory_space<vmem>>, vector<1x16xf32>,
      %get3A_451 = vector.shape_cast %get3A_450 : vector<1x16xf32> to vector<16xf32>
      %mul3A_452 = arith.mulf %get3A_451, %div3A_291 : vector<16xf32>
      %swap3A_453 = arith.constant 1 : i32
      %swap3A_454 = arith.index_cast %swap3A_453 : i32 to index
      %swap3A_455 = arith.index_cast %add3A_446 : i32 to index
      %swap3A_456 = tpu.vector_load %arg7[%swap3A_454, %swap3A_455] {strides = array<i32>} : memref<2x4096xf32, #tpu.memory_space<vmem>>, vector<1x16xf32>,
      %swap3A_457 = vector.shape_cast %swap3A_456 : vector<1x16xf32> to vector<16xf32>
      %swap3A_458 = vector.shape_cast %mul3A_452 : vector<16xf32> to vector<1x16xf32>
      tpu.vector_store %arg7[%swap3A_454, %swap3A_455], %swap3A_458 {strides = array<i32>} : memref<2x4096xf32, #tpu.memory_space<vmem>>, vector<1x16xf32>,
      %sub3A_459 = arith.constant 1.000000e+00 : f32
      %sub3A_460 = vector.broadcast %sub3A_459 : f32 to vector<16xf32>
      %sub3A_461 = arith.subf %sub3A_460, %mul3A_452 : vector<16xf32>
      %max3A_462 = arith.constant 1.000000e-07 : f32
      %max3A_463 = vector.broadcast %max3A_462 : f32 to vector<16xf32>
      %max3A_464 = arith.maximumf %sub3A_461, %max3A_463 : vector<16xf32>
      %mul3A_465 = arith.mulf %max3A_464, %max3A_464 : vector<16xf32>
      %mul3A_466 = arith.mulf %mul3A_452, %mul3A_465 : vector<16xf32>
      %swap3A_467 = arith.constant 1 : i32
      %swap3A_468 = arith.index_cast %swap3A_467 : i32 to index
      %swap3A_469 = arith.index_cast %add3A_446 : i32 to index
      %swap3A_470 = tpu.vector_load %arg6[%swap3A_468, %swap3A_469] {strides = array<i32>} : memref<2x4096xf32, #tpu.memory_space<vmem>>, vector<1x16xf32>,
      %swap3A_471 = vector.shape_cast %swap3A_470 : vector<1x16xf32> to vector<16xf32>
      %swap3A_472 = vector.shape_cast %mul3A_466 : vector<16xf32> to vector<1x16xf32>
      tpu.vector_store %arg6[%swap3A_468, %swap3A_469], %swap3A_472 {strides = array<i32>} : memref<2x4096xf32, #tpu.memory_space<vmem>>, vector<1x16xf32>,
      %add3A_473 = arith.constant 64 : i32
      %add3A_474 = arith.addi %mul3A_363, %add3A_473 : i32
      %get3A_475 = arith.constant 1 : i32
      %get3A_476 = arith.index_cast %get3A_475 : i32 to index
      %get3A_477 = arith.index_cast %add3A_474 : i32 to index
      %get3A_478 = tpu.vector_load %arg6[%get3A_476, %get3A_477] {strides = array<i32>} : memref<2x4096xf32, #tpu.memory_space<vmem>>, vector<1x16xf32>,
      %get3A_479 = vector.shape_cast %get3A_478 : vector<1x16xf32> to vector<16xf32>
      %mul3A_480 = arith.mulf %get3A_479, %div3A_291 : vector<16xf32>
      %swap3A_481 = arith.constant 1 : i32
      %swap3A_482 = arith.index_cast %swap3A_481 : i32 to index
      %swap3A_483 = arith.index_cast %add3A_474 : i32 to index
      %swap3A_484 = tpu.vector_load %arg7[%swap3A_482, %swap3A_483] {strides = array<i32>} : memref<2x4096xf32, #tpu.memory_space<vmem>>, vector<1x16xf32>,
      %swap3A_485 = vector.shape_cast %swap3A_484 : vector<1x16xf32> to vector<16xf32>
      %swap3A_486 = vector.shape_cast %mul3A_480 : vector<16xf32> to vector<1x16xf32>
      tpu.vector_store %arg7[%swap3A_482, %swap3A_483], %swap3A_486 {strides = array<i32>} : memref<2x4096xf32, #tpu.memory_space<vmem>>, vector<1x16xf32>,
      %sub3A_487 = arith.constant 1.000000e+00 : f32
      %sub3A_488 = vector.broadcast %sub3A_487 : f32 to vector<16xf32>
      %sub3A_489 = arith.subf %sub3A_488, %mul3A_480 : vector<16xf32>
      %max3A_490 = arith.constant 1.000000e-07 : f32
      %max3A_491 = vector.broadcast %max3A_490 : f32 to vector<16xf32>
      %max3A_492 = arith.maximumf %sub3A_489, %max3A_491 : vector<16xf32>
      %mul3A_493 = arith.mulf %max3A_492, %max3A_492 : vector<16xf32>
      %mul3A_494 = arith.mulf %mul3A_480, %mul3A_493 : vector<16xf32>
      %swap3A_495 = arith.constant 1 : i32
      %swap3A_496 = arith.index_cast %swap3A_495 : i32 to index
      %swap3A_497 = arith.index_cast %add3A_474 : i32 to index
      %swap3A_498 = tpu.vector_load %arg6[%swap3A_496, %swap3A_497] {strides = array<i32>} : memref<2x4096xf32, #tpu.memory_space<vmem>>, vector<1x16xf32>,
      %swap3A_499 = vector.shape_cast %swap3A_498 : vector<1x16xf32> to vector<16xf32>
      %swap3A_500 = vector.shape_cast %mul3A_494 : vector<16xf32> to vector<1x16xf32>
      tpu.vector_store %arg6[%swap3A_496, %swap3A_497], %swap3A_500 {strides = array<i32>} : memref<2x4096xf32, #tpu.memory_space<vmem>>, vector<1x16xf32>,
      %add3A_501 = arith.constant 80 : i32
      %add3A_502 = arith.addi %mul3A_363, %add3A_501 : i32
      %get3A_503 = arith.constant 1 : i32
      %get3A_504 = arith.index_cast %get3A_503 : i32 to index
      %get3A_505 = arith.index_cast %add3A_502 : i32 to index
      %get3A_506 = tpu.vector_load %arg6[%get3A_504, %get3A_505] {strides = array<i32>} : memref<2x4096xf32, #tpu.memory_space<vmem>>, vector<1x16xf32>,
      %get3A_507 = vector.shape_cast %get3A_506 : vector<1x16xf32> to vector<16xf32>
      %mul3A_508 = arith.mulf %get3A_507, %div3A_291 : vector<16xf32>
      %swap3A_509 = arith.constant 1 : i32
      %swap3A_510 = arith.index_cast %swap3A_509 : i32 to index
      %swap3A_511 = arith.index_cast %add3A_502 : i32 to index
      %swap3A_512 = tpu.vector_load %arg7[%swap3A_510, %swap3A_511] {strides = array<i32>} : memref<2x4096xf32, #tpu.memory_space<vmem>>, vector<1x16xf32>,
      %swap3A_513 = vector.shape_cast %swap3A_512 : vector<1x16xf32> to vector<16xf32>
      %swap3A_514 = vector.shape_cast %mul3A_508 : vector<16xf32> to vector<1x16xf32>
      tpu.vector_store %arg7[%swap3A_510, %swap3A_511], %swap3A_514 {strides = array<i32>} : memref<2x4096xf32, #tpu.memory_space<vmem>>, vector<1x16xf32>,
      %sub3A_515 = arith.constant 1.000000e+00 : f32
      %sub3A_516 = vector.broadcast %sub3A_515 : f32 to vector<16xf32>
      %sub3A_517 = arith.subf %sub3A_516, %mul3A_508 : vector<16xf32>
      %max3A_518 = arith.constant 1.000000e-07 : f32
      %max3A_519 = vector.broadcast %max3A_518 : f32 to vector<16xf32>
      %max3A_520 = arith.maximumf %sub3A_517, %max3A_519 : vector<16xf32>
      %mul3A_521 = arith.mulf %max3A_520, %max3A_520 : vector<16xf32>
      %mul3A_522 = arith.mulf %mul3A_508, %mul3A_521 : vector<16xf32>
      %swap3A_523 = arith.constant 1 : i32
      %swap3A_524 = arith.index_cast %swap3A_523 : i32 to index
      %swap3A_525 = arith.index_cast %add3A_502 : i32 to index
      %swap3A_526 = tpu.vector_load %arg6[%swap3A_524, %swap3A_525] {strides = array<i32>} : memref<2x4096xf32, #tpu.memory_space<vmem>>, vector<1x16xf32>,
      %swap3A_527 = vector.shape_cast %swap3A_526 : vector<1x16xf32> to vector<16xf32>
      %swap3A_528 = vector.shape_cast %mul3A_522 : vector<16xf32> to vector<1x16xf32>
      tpu.vector_store %arg6[%swap3A_524, %swap3A_525], %swap3A_528 {strides = array<i32>} : memref<2x4096xf32, #tpu.memory_space<vmem>>, vector<1x16xf32>,
      %add3A_529 = arith.constant 96 : i32
      %add3A_530 = arith.addi %mul3A_363, %add3A_529 : i32
      %get3A_531 = arith.constant 1 : i32
      %get3A_532 = arith.index_cast %get3A_531 : i32 to index
      %get3A_533 = arith.index_cast %add3A_530 : i32 to index
      %get3A_534 = tpu.vector_load %arg6[%get3A_532, %get3A_533] {strides = array<i32>} : memref<2x4096xf32, #tpu.memory_space<vmem>>, vector<1x16xf32>,
      %get3A_535 = vector.shape_cast %get3A_534 : vector<1x16xf32> to vector<16xf32>
      %mul3A_536 = arith.mulf %get3A_535, %div3A_291 : vector<16xf32>
      %swap3A_537 = arith.constant 1 : i32
      %swap3A_538 = arith.index_cast %swap3A_537 : i32 to index
      %swap3A_539 = arith.index_cast %add3A_530 : i32 to index
      %swap3A_540 = tpu.vector_load %arg7[%swap3A_538, %swap3A_539] {strides = array<i32>} : memref<2x4096xf32, #tpu.memory_space<vmem>>, vector<1x16xf32>,
      %swap3A_541 = vector.shape_cast %swap3A_540 : vector<1x16xf32> to vector<16xf32>
      %swap3A_542 = vector.shape_cast %mul3A_536 : vector<16xf32> to vector<1x16xf32>
      tpu.vector_store %arg7[%swap3A_538, %swap3A_539], %swap3A_542 {strides = array<i32>} : memref<2x4096xf32, #tpu.memory_space<vmem>>, vector<1x16xf32>,
      %sub3A_543 = arith.constant 1.000000e+00 : f32
      %sub3A_544 = vector.broadcast %sub3A_543 : f32 to vector<16xf32>
      %sub3A_545 = arith.subf %sub3A_544, %mul3A_536 : vector<16xf32>
      %max3A_546 = arith.constant 1.000000e-07 : f32
      %max3A_547 = vector.broadcast %max3A_546 : f32 to vector<16xf32>
      %max3A_548 = arith.maximumf %sub3A_545, %max3A_547 : vector<16xf32>
      %mul3A_549 = arith.mulf %max3A_548, %max3A_548 : vector<16xf32>
      %mul3A_550 = arith.mulf %mul3A_536, %mul3A_549 : vector<16xf32>
      %swap3A_551 = arith.constant 1 : i32
      %swap3A_552 = arith.index_cast %swap3A_551 : i32 to index
      %swap3A_553 = arith.index_cast %add3A_530 : i32 to index
      %swap3A_554 = tpu.vector_load %arg6[%swap3A_552, %swap3A_553] {strides = array<i32>} : memref<2x4096xf32, #tpu.memory_space<vmem>>, vector<1x16xf32>,
      %swap3A_555 = vector.shape_cast %swap3A_554 : vector<1x16xf32> to vector<16xf32>
      %swap3A_556 = vector.shape_cast %mul3A_550 : vector<16xf32> to vector<1x16xf32>
      tpu.vector_store %arg6[%swap3A_552, %swap3A_553], %swap3A_556 {strides = array<i32>} : memref<2x4096xf32, #tpu.memory_space<vmem>>, vector<1x16xf32>,
      %add3A_557 = arith.constant 112 : i32
      %add3A_558 = arith.addi %mul3A_363, %add3A_557 : i32
      %get3A_559 = arith.constant 1 : i32
      %get3A_560 = arith.index_cast %get3A_559 : i32 to index
      %get3A_561 = arith.index_cast %add3A_558 : i32 to index
      %get3A_562 = tpu.vector_load %arg6[%get3A_560, %get3A_561] {strides = array<i32>} : memref<2x4096xf32, #tpu.memory_space<vmem>>, vector<1x16xf32>,
      %get3A_563 = vector.shape_cast %get3A_562 : vector<1x16xf32> to vector<16xf32>
      %mul3A_564 = arith.mulf %get3A_563, %div3A_291 : vector<16xf32>
      %swap3A_565 = arith.constant 1 : i32
      %swap3A_566 = arith.index_cast %swap3A_565 : i32 to index
      %swap3A_567 = arith.index_cast %add3A_558 : i32 to index
      %swap3A_568 = tpu.vector_load %arg7[%swap3A_566, %swap3A_567] {strides = array<i32>} : memref<2x4096xf32, #tpu.memory_space<vmem>>, vector<1x16xf32>,
      %swap3A_569 = vector.shape_cast %swap3A_568 : vector<1x16xf32> to vector<16xf32>
      %swap3A_570 = vector.shape_cast %mul3A_564 : vector<16xf32> to vector<1x16xf32>
      tpu.vector_store %arg7[%swap3A_566, %swap3A_567], %swap3A_570 {strides = array<i32>} : memref<2x4096xf32, #tpu.memory_space<vmem>>, vector<1x16xf32>,
      %sub3A_571 = arith.constant 1.000000e+00 : f32
      %sub3A_572 = vector.broadcast %sub3A_571 : f32 to vector<16xf32>
      %sub3A_573 = arith.subf %sub3A_572, %mul3A_564 : vector<16xf32>
      %max3A_574 = arith.constant 1.000000e-07 : f32
      %max3A_575 = vector.broadcast %max3A_574 : f32 to vector<16xf32>
      %max3A_576 = arith.maximumf %sub3A_573, %max3A_575 : vector<16xf32>
      %mul3A_577 = arith.mulf %max3A_576, %max3A_576 : vector<16xf32>
      %mul3A_578 = arith.mulf %mul3A_564, %mul3A_577 : vector<16xf32>
      %swap3A_579 = arith.constant 1 : i32
      %swap3A_580 = arith.index_cast %swap3A_579 : i32 to index
      %swap3A_581 = arith.index_cast %add3A_558 : i32 to index
      %swap3A_582 = tpu.vector_load %arg6[%swap3A_580, %swap3A_581] {strides = array<i32>} : memref<2x4096xf32, #tpu.memory_space<vmem>>, vector<1x16xf32>,
      %swap3A_583 = vector.shape_cast %swap3A_582 : vector<1x16xf32> to vector<16xf32>
      %swap3A_584 = vector.shape_cast %mul3A_578 : vector<16xf32> to vector<1x16xf32>
      tpu.vector_store %arg6[%swap3A_580, %swap3A_581], %swap3A_584 {strides = array<i32>} : memref<2x4096xf32, #tpu.memory_space<vmem>>, vector<1x16xf32>,
      %add3A_585 = arith.constant 128 : i32
      %add3A_586 = arith.addi %mul3A_363, %add3A_585 : i32
      %get3A_587 = arith.constant 1 : i32
      %get3A_588 = arith.index_cast %get3A_587 : i32 to index
      %get3A_589 = arith.index_cast %add3A_586 : i32 to index
      %get3A_590 = tpu.vector_load %arg6[%get3A_588, %get3A_589] {strides = array<i32>} : memref<2x4096xf32, #tpu.memory_space<vmem>>, vector<1x16xf32>,
      %get3A_591 = vector.shape_cast %get3A_590 : vector<1x16xf32> to vector<16xf32>
      %mul3A_592 = arith.mulf %get3A_591, %div3A_291 : vector<16xf32>
      %swap3A_593 = arith.constant 1 : i32
      %swap3A_594 = arith.index_cast %swap3A_593 : i32 to index
      %swap3A_595 = arith.index_cast %add3A_586 : i32 to index
      %swap3A_596 = tpu.vector_load %arg7[%swap3A_594, %swap3A_595] {strides = array<i32>} : memref<2x4096xf32, #tpu.memory_space<vmem>>, vector<1x16xf32>,
      %swap3A_597 = vector.shape_cast %swap3A_596 : vector<1x16xf32> to vector<16xf32>
      %swap3A_598 = vector.shape_cast %mul3A_592 : vector<16xf32> to vector<1x16xf32>
      tpu.vector_store %arg7[%swap3A_594, %swap3A_595], %swap3A_598 {strides = array<i32>} : memref<2x4096xf32, #tpu.memory_space<vmem>>, vector<1x16xf32>,
      %sub3A_599 = arith.constant 1.000000e+00 : f32
      %sub3A_600 = vector.broadcast %sub3A_599 : f32 to vector<16xf32>
      %sub3A_601 = arith.subf %sub3A_600, %mul3A_592 : vector<16xf32>
      %max3A_602 = arith.constant 1.000000e-07 : f32
      %max3A_603 = vector.broadcast %max3A_602 : f32 to vector<16xf32>
      %max3A_604 = arith.maximumf %sub3A_601, %max3A_603 : vector<16xf32>
      %mul3A_605 = arith.mulf %max3A_604, %max3A_604 : vector<16xf32>
      %mul3A_606 = arith.mulf %mul3A_592, %mul3A_605 : vector<16xf32>
      %swap3A_607 = arith.constant 1 : i32
      %swap3A_608 = arith.index_cast %swap3A_607 : i32 to index
      %swap3A_609 = arith.index_cast %add3A_586 : i32 to index
      %swap3A_610 = tpu.vector_load %arg6[%swap3A_608, %swap3A_609] {strides = array<i32>} : memref<2x4096xf32, #tpu.memory_space<vmem>>, vector<1x16xf32>,
      %swap3A_611 = vector.shape_cast %swap3A_610 : vector<1x16xf32> to vector<16xf32>
      %swap3A_612 = vector.shape_cast %mul3A_606 : vector<16xf32> to vector<1x16xf32>
      tpu.vector_store %arg6[%swap3A_608, %swap3A_609], %swap3A_612 {strides = array<i32>} : memref<2x4096xf32, #tpu.memory_space<vmem>>, vector<1x16xf32>,
      %add3A_613 = arith.constant 144 : i32
      %add3A_614 = arith.addi %mul3A_363, %add3A_613 : i32
      %get3A_615 = arith.constant 1 : i32
      %get3A_616 = arith.index_cast %get3A_615 : i32 to index
      %get3A_617 = arith.index_cast %add3A_614 : i32 to index
      %get3A_618 = tpu.vector_load %arg6[%get3A_616, %get3A_617] {strides = array<i32>} : memref<2x4096xf32, #tpu.memory_space<vmem>>, vector<1x16xf32>,
      %get3A_619 = vector.shape_cast %get3A_618 : vector<1x16xf32> to vector<16xf32>
      %mul3A_620 = arith.mulf %get3A_619, %div3A_291 : vector<16xf32>
      %swap3A_621 = arith.constant 1 : i32
      %swap3A_622 = arith.index_cast %swap3A_621 : i32 to index
      %swap3A_623 = arith.index_cast %add3A_614 : i32 to index
      %swap3A_624 = tpu.vector_load %arg7[%swap3A_622, %swap3A_623] {strides = array<i32>} : memref<2x4096xf32, #tpu.memory_space<vmem>>, vector<1x16xf32>,
      %swap3A_625 = vector.shape_cast %swap3A_624 : vector<1x16xf32> to vector<16xf32>
      %swap3A_626 = vector.shape_cast %mul3A_620 : vector<16xf32> to vector<1x16xf32>
      tpu.vector_store %arg7[%swap3A_622, %swap3A_623], %swap3A_626 {strides = array<i32>} : memref<2x4096xf32, #tpu.memory_space<vmem>>, vector<1x16xf32>,
      %sub3A_627 = arith.constant 1.000000e+00 : f32
      %sub3A_628 = vector.broadcast %sub3A_627 : f32 to vector<16xf32>
      %sub3A_629 = arith.subf %sub3A_628, %mul3A_620 : vector<16xf32>
      %max3A_630 = arith.constant 1.000000e-07 : f32
      %max3A_631 = vector.broadcast %max3A_630 : f32 to vector<16xf32>
      %max3A_632 = arith.maximumf %sub3A_629, %max3A_631 : vector<16xf32>
      %mul3A_633 = arith.mulf %max3A_632, %max3A_632 : vector<16xf32>
      %mul3A_634 = arith.mulf %mul3A_620, %mul3A_633 : vector<16xf32>
      %swap3A_635 = arith.constant 1 : i32
      %swap3A_636 = arith.index_cast %swap3A_635 : i32 to index
      %swap3A_637 = arith.index_cast %add3A_614 : i32 to index
      %swap3A_638 = tpu.vector_load %arg6[%swap3A_636, %swap3A_637] {strides = array<i32>} : memref<2x4096xf32, #tpu.memory_space<vmem>>, vector<1x16xf32>,
      %swap3A_639 = vector.shape_cast %swap3A_638 : vector<1x16xf32> to vector<16xf32>
      %swap3A_640 = vector.shape_cast %mul3A_634 : vector<16xf32> to vector<1x16xf32>
      tpu.vector_store %arg6[%swap3A_636, %swap3A_637], %swap3A_640 {strides = array<i32>} : memref<2x4096xf32, #tpu.memory_space<vmem>>, vector<1x16xf32>,
      %add3A_641 = arith.constant 160 : i32
      %add3A_642 = arith.addi %mul3A_363, %add3A_641 : i32
      %get3A_643 = arith.constant 1 : i32
      %get3A_644 = arith.index_cast %get3A_643 : i32 to index
      %get3A_645 = arith.index_cast %add3A_642 : i32 to index
      %get3A_646 = tpu.vector_load %arg6[%get3A_644, %get3A_645] {strides = array<i32>} : memref<2x4096xf32, #tpu.memory_space<vmem>>, vector<1x16xf32>,
      %get3A_647 = vector.shape_cast %get3A_646 : vector<1x16xf32> to vector<16xf32>
      %mul3A_648 = arith.mulf %get3A_647, %div3A_291 : vector<16xf32>
      %swap3A_649 = arith.constant 1 : i32
      %swap3A_650 = arith.index_cast %swap3A_649 : i32 to index
      %swap3A_651 = arith.index_cast %add3A_642 : i32 to index
      %swap3A_652 = tpu.vector_load %arg7[%swap3A_650, %swap3A_651] {strides = array<i32>} : memref<2x4096xf32, #tpu.memory_space<vmem>>, vector<1x16xf32>,
      %swap3A_653 = vector.shape_cast %swap3A_652 : vector<1x16xf32> to vector<16xf32>
      %swap3A_654 = vector.shape_cast %mul3A_648 : vector<16xf32> to vector<1x16xf32>
      tpu.vector_store %arg7[%swap3A_650, %swap3A_651], %swap3A_654 {strides = array<i32>} : memref<2x4096xf32, #tpu.memory_space<vmem>>, vector<1x16xf32>,
      %sub3A_655 = arith.constant 1.000000e+00 : f32
      %sub3A_656 = vector.broadcast %sub3A_655 : f32 to vector<16xf32>
      %sub3A_657 = arith.subf %sub3A_656, %mul3A_648 : vector<16xf32>
      %max3A_658 = arith.constant 1.000000e-07 : f32
      %max3A_659 = vector.broadcast %max3A_658 : f32 to vector<16xf32>
      %max3A_660 = arith.maximumf %sub3A_657, %max3A_659 : vector<16xf32>
      %mul3A_661 = arith.mulf %max3A_660, %max3A_660 : vector<16xf32>
      %mul3A_662 = arith.mulf %mul3A_648, %mul3A_661 : vector<16xf32>
      %swap3A_663 = arith.constant 1 : i32
      %swap3A_664 = arith.index_cast %swap3A_663 : i32 to index
      %swap3A_665 = arith.index_cast %add3A_642 : i32 to index
      %swap3A_666 = tpu.vector_load %arg6[%swap3A_664, %swap3A_665] {strides = array<i32>} : memref<2x4096xf32, #tpu.memory_space<vmem>>, vector<1x16xf32>,
      %swap3A_667 = vector.shape_cast %swap3A_666 : vector<1x16xf32> to vector<16xf32>
      %swap3A_668 = vector.shape_cast %mul3A_662 : vector<16xf32> to vector<1x16xf32>
      tpu.vector_store %arg6[%swap3A_664, %swap3A_665], %swap3A_668 {strides = array<i32>} : memref<2x4096xf32, #tpu.memory_space<vmem>>, vector<1x16xf32>,
      %add3A_669 = arith.constant 176 : i32
      %add3A_670 = arith.addi %mul3A_363, %add3A_669 : i32
      %get3A_671 = arith.constant 1 : i32
      %get3A_672 = arith.index_cast %get3A_671 : i32 to index
      %get3A_673 = arith.index_cast %add3A_670 : i32 to index
      %get3A_674 = tpu.vector_load %arg6[%get3A_672, %get3A_673] {strides = array<i32>} : memref<2x4096xf32, #tpu.memory_space<vmem>>, vector<1x16xf32>,
      %get3A_675 = vector.shape_cast %get3A_674 : vector<1x16xf32> to vector<16xf32>
      %mul3A_676 = arith.mulf %get3A_675, %div3A_291 : vector<16xf32>
      %swap3A_677 = arith.constant 1 : i32
      %swap3A_678 = arith.index_cast %swap3A_677 : i32 to index
      %swap3A_679 = arith.index_cast %add3A_670 : i32 to index
      %swap3A_680 = tpu.vector_load %arg7[%swap3A_678, %swap3A_679] {strides = array<i32>} : memref<2x4096xf32, #tpu.memory_space<vmem>>, vector<1x16xf32>,
      %swap3A_681 = vector.shape_cast %swap3A_680 : vector<1x16xf32> to vector<16xf32>
      %swap3A_682 = vector.shape_cast %mul3A_676 : vector<16xf32> to vector<1x16xf32>
      tpu.vector_store %arg7[%swap3A_678, %swap3A_679], %swap3A_682 {strides = array<i32>} : memref<2x4096xf32, #tpu.memory_space<vmem>>, vector<1x16xf32>,
      %sub3A_683 = arith.constant 1.000000e+00 : f32
      %sub3A_684 = vector.broadcast %sub3A_683 : f32 to vector<16xf32>
      %sub3A_685 = arith.subf %sub3A_684, %mul3A_676 : vector<16xf32>
      %max3A_686 = arith.constant 1.000000e-07 : f32
      %max3A_687 = vector.broadcast %max3A_686 : f32 to vector<16xf32>
      %max3A_688 = arith.maximumf %sub3A_685, %max3A_687 : vector<16xf32>
      %mul3A_689 = arith.mulf %max3A_688, %max3A_688 : vector<16xf32>
      %mul3A_690 = arith.mulf %mul3A_676, %mul3A_689 : vector<16xf32>
      %swap3A_691 = arith.constant 1 : i32
      %swap3A_692 = arith.index_cast %swap3A_691 : i32 to index
      %swap3A_693 = arith.index_cast %add3A_670 : i32 to index
      %swap3A_694 = tpu.vector_load %arg6[%swap3A_692, %swap3A_693] {strides = array<i32>} : memref<2x4096xf32, #tpu.memory_space<vmem>>, vector<1x16xf32>,
      %swap3A_695 = vector.shape_cast %swap3A_694 : vector<1x16xf32> to vector<16xf32>
      %swap3A_696 = vector.shape_cast %mul3A_690 : vector<16xf32> to vector<1x16xf32>
      tpu.vector_store %arg6[%swap3A_692, %swap3A_693], %swap3A_696 {strides = array<i32>} : memref<2x4096xf32, #tpu.memory_space<vmem>>, vector<1x16xf32>,
      %add3A_697 = arith.constant 192 : i32
      %add3A_698 = arith.addi %mul3A_363, %add3A_697 : i32
      %get3A_699 = arith.constant 1 : i32
      %get3A_700 = arith.index_cast %get3A_699 : i32 to index
      %get3A_701 = arith.index_cast %add3A_698 : i32 to index
      %get3A_702 = tpu.vector_load %arg6[%get3A_700, %get3A_701] {strides = array<i32>} : memref<2x4096xf32, #tpu.memory_space<vmem>>, vector<1x16xf32>,
      %get3A_703 = vector.shape_cast %get3A_702 : vector<1x16xf32> to vector<16xf32>
      %mul3A_704 = arith.mulf %get3A_703, %div3A_291 : vector<16xf32>
      %swap3A_705 = arith.constant 1 : i32
      %swap3A_706 = arith.index_cast %swap3A_705 : i32 to index
      %swap3A_707 = arith.index_cast %add3A_698 : i32 to index
      %swap3A_708 = tpu.vector_load %arg7[%swap3A_706, %swap3A_707] {strides = array<i32>} : memref<2x4096xf32, #tpu.memory_space<vmem>>, vector<1x16xf32>,
      %swap3A_709 = vector.shape_cast %swap3A_708 : vector<1x16xf32> to vector<16xf32>
      %swap3A_710 = vector.shape_cast %mul3A_704 : vector<16xf32> to vector<1x16xf32>
      tpu.vector_store %arg7[%swap3A_706, %swap3A_707], %swap3A_710 {strides = array<i32>} : memref<2x4096xf32, #tpu.memory_space<vmem>>, vector<1x16xf32>,
      %sub3A_711 = arith.constant 1.000000e+00 : f32
      %sub3A_712 = vector.broadcast %sub3A_711 : f32 to vector<16xf32>
      %sub3A_713 = arith.subf %sub3A_712, %mul3A_704 : vector<16xf32>
      %max3A_714 = arith.constant 1.000000e-07 : f32
      %max3A_715 = vector.broadcast %max3A_714 : f32 to vector<16xf32>
      %max3A_716 = arith.maximumf %sub3A_713, %max3A_715 : vector<16xf32>
      %mul3A_717 = arith.mulf %max3A_716, %max3A_716 : vector<16xf32>
      %mul3A_718 = arith.mulf %mul3A_704, %mul3A_717 : vector<16xf32>
      %swap3A_719 = arith.constant 1 : i32
      %swap3A_720 = arith.index_cast %swap3A_719 : i32 to index
      %swap3A_721 = arith.index_cast %add3A_698 : i32 to index
      %swap3A_722 = tpu.vector_load %arg6[%swap3A_720, %swap3A_721] {strides = array<i32>} : memref<2x4096xf32, #tpu.memory_space<vmem>>, vector<1x16xf32>,
      %swap3A_723 = vector.shape_cast %swap3A_722 : vector<1x16xf32> to vector<16xf32>
      %swap3A_724 = vector.shape_cast %mul3A_718 : vector<16xf32> to vector<1x16xf32>
      tpu.vector_store %arg6[%swap3A_720, %swap3A_721], %swap3A_724 {strides = array<i32>} : memref<2x4096xf32, #tpu.memory_space<vmem>>, vector<1x16xf32>,
      %add3A_725 = arith.constant 208 : i32
      %add3A_726 = arith.addi %mul3A_363, %add3A_725 : i32
      %get3A_727 = arith.constant 1 : i32
      %get3A_728 = arith.index_cast %get3A_727 : i32 to index
      %get3A_729 = arith.index_cast %add3A_726 : i32 to index
      %get3A_730 = tpu.vector_load %arg6[%get3A_728, %get3A_729] {strides = array<i32>} : memref<2x4096xf32, #tpu.memory_space<vmem>>, vector<1x16xf32>,
      %get3A_731 = vector.shape_cast %get3A_730 : vector<1x16xf32> to vector<16xf32>
      %mul3A_732 = arith.mulf %get3A_731, %div3A_291 : vector<16xf32>
      %swap3A_733 = arith.constant 1 : i32
      %swap3A_734 = arith.index_cast %swap3A_733 : i32 to index
      %swap3A_735 = arith.index_cast %add3A_726 : i32 to index
      %swap3A_736 = tpu.vector_load %arg7[%swap3A_734, %swap3A_735] {strides = array<i32>} : memref<2x4096xf32, #tpu.memory_space<vmem>>, vector<1x16xf32>,
      %swap3A_737 = vector.shape_cast %swap3A_736 : vector<1x16xf32> to vector<16xf32>
      %swap3A_738 = vector.shape_cast %mul3A_732 : vector<16xf32> to vector<1x16xf32>
      tpu.vector_store %arg7[%swap3A_734, %swap3A_735], %swap3A_738 {strides = array<i32>} : memref<2x4096xf32, #tpu.memory_space<vmem>>, vector<1x16xf32>,
      %sub3A_739 = arith.constant 1.000000e+00 : f32
      %sub3A_740 = vector.broadcast %sub3A_739 : f32 to vector<16xf32>
      %sub3A_741 = arith.subf %sub3A_740, %mul3A_732 : vector<16xf32>
      %max3A_742 = arith.constant 1.000000e-07 : f32
      %max3A_743 = vector.broadcast %max3A_742 : f32 to vector<16xf32>
      %max3A_744 = arith.maximumf %sub3A_741, %max3A_743 : vector<16xf32>
      %mul3A_745 = arith.mulf %max3A_744, %max3A_744 : vector<16xf32>
      %mul3A_746 = arith.mulf %mul3A_732, %mul3A_745 : vector<16xf32>
      %swap3A_747 = arith.constant 1 : i32
      %swap3A_748 = arith.index_cast %swap3A_747 : i32 to index
      %swap3A_749 = arith.index_cast %add3A_726 : i32 to index
      %swap3A_750 = tpu.vector_load %arg6[%swap3A_748, %swap3A_749] {strides = array<i32>} : memref<2x4096xf32, #tpu.memory_space<vmem>>, vector<1x16xf32>,
      %swap3A_751 = vector.shape_cast %swap3A_750 : vector<1x16xf32> to vector<16xf32>
      %swap3A_752 = vector.shape_cast %mul3A_746 : vector<16xf32> to vector<1x16xf32>
      tpu.vector_store %arg6[%swap3A_748, %swap3A_749], %swap3A_752 {strides = array<i32>} : memref<2x4096xf32, #tpu.memory_space<vmem>>, vector<1x16xf32>,
      %add3A_753 = arith.constant 224 : i32
      %add3A_754 = arith.addi %mul3A_363, %add3A_753 : i32
      %get3A_755 = arith.constant 1 : i32
      %get3A_756 = arith.index_cast %get3A_755 : i32 to index
      %get3A_757 = arith.index_cast %add3A_754 : i32 to index
      %get3A_758 = tpu.vector_load %arg6[%get3A_756, %get3A_757] {strides = array<i32>} : memref<2x4096xf32, #tpu.memory_space<vmem>>, vector<1x16xf32>,
      %get3A_759 = vector.shape_cast %get3A_758 : vector<1x16xf32> to vector<16xf32>
      %mul3A_760 = arith.mulf %get3A_759, %div3A_291 : vector<16xf32>
      %swap3A_761 = arith.constant 1 : i32
      %swap3A_762 = arith.index_cast %swap3A_761 : i32 to index
      %swap3A_763 = arith.index_cast %add3A_754 : i32 to index
      %swap3A_764 = tpu.vector_load %arg7[%swap3A_762, %swap3A_763] {strides = array<i32>} : memref<2x4096xf32, #tpu.memory_space<vmem>>, vector<1x16xf32>,
      %swap3A_765 = vector.shape_cast %swap3A_764 : vector<1x16xf32> to vector<16xf32>
      %swap3A_766 = vector.shape_cast %mul3A_760 : vector<16xf32> to vector<1x16xf32>
      tpu.vector_store %arg7[%swap3A_762, %swap3A_763], %swap3A_766 {strides = array<i32>} : memref<2x4096xf32, #tpu.memory_space<vmem>>, vector<1x16xf32>,
      %sub3A_767 = arith.constant 1.000000e+00 : f32
      %sub3A_768 = vector.broadcast %sub3A_767 : f32 to vector<16xf32>
      %sub3A_769 = arith.subf %sub3A_768, %mul3A_760 : vector<16xf32>
      %max3A_770 = arith.constant 1.000000e-07 : f32
      %max3A_771 = vector.broadcast %max3A_770 : f32 to vector<16xf32>
      %max3A_772 = arith.maximumf %sub3A_769, %max3A_771 : vector<16xf32>
      %mul3A_773 = arith.mulf %max3A_772, %max3A_772 : vector<16xf32>
      %mul3A_774 = arith.mulf %mul3A_760, %mul3A_773 : vector<16xf32>
      %swap3A_775 = arith.constant 1 : i32
      %swap3A_776 = arith.index_cast %swap3A_775 : i32 to index
      %swap3A_777 = arith.index_cast %add3A_754 : i32 to index
      %swap3A_778 = tpu.vector_load %arg6[%swap3A_776, %swap3A_777] {strides = array<i32>} : memref<2x4096xf32, #tpu.memory_space<vmem>>, vector<1x16xf32>,
      %swap3A_779 = vector.shape_cast %swap3A_778 : vector<1x16xf32> to vector<16xf32>
      %swap3A_780 = vector.shape_cast %mul3A_774 : vector<16xf32> to vector<1x16xf32>
      tpu.vector_store %arg6[%swap3A_776, %swap3A_777], %swap3A_780 {strides = array<i32>} : memref<2x4096xf32, #tpu.memory_space<vmem>>, vector<1x16xf32>,
      %add3A_781 = arith.constant 240 : i32
      %add3A_782 = arith.addi %mul3A_363, %add3A_781 : i32
      %get3A_783 = arith.constant 1 : i32
      %get3A_784 = arith.index_cast %get3A_783 : i32 to index
      %get3A_785 = arith.index_cast %add3A_782 : i32 to index
      %get3A_786 = tpu.vector_load %arg6[%get3A_784, %get3A_785] {strides = array<i32>} : memref<2x4096xf32, #tpu.memory_space<vmem>>, vector<1x16xf32>,
      %get3A_787 = vector.shape_cast %get3A_786 : vector<1x16xf32> to vector<16xf32>
      %mul3A_788 = arith.mulf %get3A_787, %div3A_291 : vector<16xf32>
      %swap3A_789 = arith.constant 1 : i32
      %swap3A_790 = arith.index_cast %swap3A_789 : i32 to index
      %swap3A_791 = arith.index_cast %add3A_782 : i32 to index
      %swap3A_792 = tpu.vector_load %arg7[%swap3A_790, %swap3A_791] {strides = array<i32>} : memref<2x4096xf32, #tpu.memory_space<vmem>>, vector<1x16xf32>,
      %swap3A_793 = vector.shape_cast %swap3A_792 : vector<1x16xf32> to vector<16xf32>
      %swap3A_794 = vector.shape_cast %mul3A_788 : vector<16xf32> to vector<1x16xf32>
      tpu.vector_store %arg7[%swap3A_790, %swap3A_791], %swap3A_794 {strides = array<i32>} : memref<2x4096xf32, #tpu.memory_space<vmem>>, vector<1x16xf32>,
      %sub3A_795 = arith.constant 1.000000e+00 : f32
      %sub3A_796 = vector.broadcast %sub3A_795 : f32 to vector<16xf32>
      %sub3A_797 = arith.subf %sub3A_796, %mul3A_788 : vector<16xf32>
      %max3A_798 = arith.constant 1.000000e-07 : f32
      %max3A_799 = vector.broadcast %max3A_798 : f32 to vector<16xf32>
      %max3A_800 = arith.maximumf %sub3A_797, %max3A_799 : vector<16xf32>
      %mul3A_801 = arith.mulf %max3A_800, %max3A_800 : vector<16xf32>
      %mul3A_802 = arith.mulf %mul3A_788, %mul3A_801 : vector<16xf32>
      %swap3A_803 = arith.constant 1 : i32
      %swap3A_804 = arith.index_cast %swap3A_803 : i32 to index
      %swap3A_805 = arith.index_cast %add3A_782 : i32 to index
      %swap3A_806 = tpu.vector_load %arg6[%swap3A_804, %swap3A_805] {strides = array<i32>} : memref<2x4096xf32, #tpu.memory_space<vmem>>, vector<1x16xf32>,
      %swap3A_807 = vector.shape_cast %swap3A_806 : vector<1x16xf32> to vector<16xf32>
      %swap3A_808 = vector.shape_cast %mul3A_802 : vector<16xf32> to vector<1x16xf32>
      tpu.vector_store %arg6[%swap3A_804, %swap3A_805], %swap3A_808 {strides = array<i32>} : memref<2x4096xf32, #tpu.memory_space<vmem>>, vector<1x16xf32>,
      %add3A_809 = arith.addf %mul3A_382, %mul3A_410 : vector<16xf32>
      %add3A_810 = arith.addf %mul3A_438, %mul3A_466 : vector<16xf32>
      %add3A_811 = arith.addf %mul3A_494, %mul3A_522 : vector<16xf32>
      %add3A_812 = arith.addf %mul3A_550, %mul3A_578 : vector<16xf32>
      %add3A_813 = arith.addf %mul3A_606, %mul3A_634 : vector<16xf32>
      %add3A_814 = arith.addf %mul3A_662, %mul3A_690 : vector<16xf32>
      %add3A_815 = arith.addf %mul3A_718, %mul3A_746 : vector<16xf32>
      %add3A_816 = arith.addf %mul3A_774, %mul3A_802 : vector<16xf32>
      %add3A_817 = arith.addf %add3A_809, %add3A_810 : vector<16xf32>
      %add3A_818 = arith.addf %add3A_811, %add3A_812 : vector<16xf32>
      %add3A_819 = arith.addf %add3A_813, %add3A_814 : vector<16xf32>
      %add3A_820 = arith.addf %add3A_815, %add3A_816 : vector<16xf32>
      %add3A_821 = arith.addf %add3A_817, %add3A_818 : vector<16xf32>
      %add3A_822 = arith.addf %add3A_819, %add3A_820 : vector<16xf32>
      %add3A_823 = arith.addf %add3A_821, %add3A_822 : vector<16xf32>
      %add3A_824 = arith.addf %scan3A_361, %add3A_823 : vector<16xf32>
      scf.yield %add3A_824 : vector<16xf32>
    }
    %scan3A_299 = arith.constant 16 : i32
    %iota3A_300 = tpu.iota {dimensions = array<i32: 0>} : vector<16xi32>
    %add3A_301 = arith.constant 8 : i32
    %add3A_302 = vector.broadcast %add3A_301 : i32 to vector<16xi32>
    %add3A_303 = arith.addi %iota3A_300, %add3A_302 : vector<16xi32>
    %and3A_304 = arith.constant 15 : i32
    %and3A_305 = vector.broadcast %and3A_304 : i32 to vector<16xi32>
    %and3A_306 = arith.andi %add3A_303, %and3A_305 : vector<16xi32>
    %broadcast_in_dim3A_307 = vector.shape_cast %and3A_306 : vector<16xi32> to vector<16x1xi32>
    %gather3A_308 = vector.shape_cast %broadcast_in_dim3A_307 : vector<16x1xi32> to vector<16xi32>
    %gather3A_309 = tpu.dynamic_gather %scan3A_298[%gather3A_308] in [0] : vector<16xf32>, vector<16xi32> -> vector<16xf32>
    %add3A_310 = arith.addf %scan3A_298, %gather3A_309 : vector<16xf32>
    %iota3A_311 = tpu.iota {dimensions = array<i32: 0>} : vector<16xi32>
    %add3A_312 = arith.constant 4 : i32
    %add3A_313 = vector.broadcast %add3A_312 : i32 to vector<16xi32>
    %add3A_314 = arith.addi %iota3A_311, %add3A_313 : vector<16xi32>
    %and3A_315 = arith.constant 15 : i32
    %and3A_316 = vector.broadcast %and3A_315 : i32 to vector<16xi32>
    %and3A_317 = arith.andi %add3A_314, %and3A_316 : vector<16xi32>
    %broadcast_in_dim3A_318 = vector.shape_cast %and3A_317 : vector<16xi32> to vector<16x1xi32>
    %gather3A_319 = vector.shape_cast %broadcast_in_dim3A_318 : vector<16x1xi32> to vector<16xi32>
    %gather3A_320 = tpu.dynamic_gather %add3A_310[%gather3A_319] in [0] : vector<16xf32>, vector<16xi32> -> vector<16xf32>
    %add3A_321 = arith.addf %add3A_310, %gather3A_320 : vector<16xf32>
    %iota3A_322 = tpu.iota {dimensions = array<i32: 0>} : vector<16xi32>
    %add3A_323 = arith.constant 2 : i32
    %add3A_324 = vector.broadcast %add3A_323 : i32 to vector<16xi32>
    %add3A_325 = arith.addi %iota3A_322, %add3A_324 : vector<16xi32>
    %and3A_326 = arith.constant 15 : i32
    %and3A_327 = vector.broadcast %and3A_326 : i32 to vector<16xi32>
    %and3A_328 = arith.andi %add3A_325, %and3A_327 : vector<16xi32>
    %broadcast_in_dim3A_329 = vector.shape_cast %and3A_328 : vector<16xi32> to vector<16x1xi32>
    %gather3A_330 = vector.shape_cast %broadcast_in_dim3A_329 : vector<16x1xi32> to vector<16xi32>
    %gather3A_331 = tpu.dynamic_gather %add3A_321[%gather3A_330] in [0] : vector<16xf32>, vector<16xi32> -> vector<16xf32>
    %add3A_332 = arith.addf %add3A_321, %gather3A_331 : vector<16xf32>
    %iota3A_333 = tpu.iota {dimensions = array<i32: 0>} : vector<16xi32>
    %add3A_334 = arith.constant 1 : i32
    %add3A_335 = vector.broadcast %add3A_334 : i32 to vector<16xi32>
    %add3A_336 = arith.addi %iota3A_333, %add3A_335 : vector<16xi32>
    %and3A_337 = arith.constant 15 : i32
    %and3A_338 = vector.broadcast %and3A_337 : i32 to vector<16xi32>
    %and3A_339 = arith.andi %add3A_336, %and3A_338 : vector<16xi32>
    %broadcast_in_dim3A_340 = vector.shape_cast %and3A_339 : vector<16xi32> to vector<16x1xi32>
    %gather3A_341 = vector.shape_cast %broadcast_in_dim3A_340 : vector<16x1xi32> to vector<16xi32>
    %gather3A_342 = tpu.dynamic_gather %add3A_332[%gather3A_341] in [0] : vector<16xf32>, vector<16xi32> -> vector<16xf32>
    %add3A_343 = arith.addf %add3A_332, %gather3A_342 : vector<16xf32>
    %scan3A_344 = arith.constant 0 : i32
    %scan3A_345 = arith.constant 30 : i32
    %scan3A_346 = arith.addi %scan3A_344, %scan3A_345 : i32
    %scan3A_347 = arith.constant 1 : i32
    %scan3A_348 = scf.for %scan3A_360 = %scan3A_344 to %scan3A_346 step %scan3A_347 iter_args(%scan3A_361 = %add3A_343) -> (vector<16xf32>)  : i32 {
      %div3A_362 = arith.constant 1.000000e+00 : f32
      %div3A_363 = vector.broadcast %div3A_362 : f32 to vector<16xf32>
      %div3A_364 = arith.divf %div3A_363, %scan3A_361 : vector<16xf32>
      %broadcast_in_dim3A_365 = arith.constant 0.000000e+00 : f32
      %broadcast_in_dim3A_366 = vector.broadcast %broadcast_in_dim3A_365 : f32 to vector<16xf32>
      %scan3A_367 = arith.constant 0 : i32
      %scan3A_368 = arith.constant 16 : i32
      %scan3A_369 = arith.addi %scan3A_367, %scan3A_368 : i32
      %scan3A_370 = arith.constant 1 : i32
      %scan3A_371 = scf.for %scan3A_417 = %scan3A_367 to %scan3A_369 step %scan3A_370 iter_args(%scan3A_418 = %broadcast_in_dim3A_366) -> (vector<16xf32>)  : i32 {
        %mul3A_419 = arith.constant 256 : i32
        %mul3A_420 = arith.muli %scan3A_417, %mul3A_419 : i32
        %add3A_421 = arith.constant 0 : i32
        %add3A_422 = arith.addi %mul3A_420, %add3A_421 : i32
        %get3A = arith.constant 1 : i32
        %get3A_423 = arith.index_cast %get3A : i32 to index
        %get3A_424 = arith.index_cast %add3A_422 : i32 to index
        %get3A_425 = tpu.vector_load %arg6[%get3A_423, %get3A_424] {strides = array<i32>} : memref<2x4096xf32, #tpu.memory_space<vmem>>, vector<1x16xf32>,
        %get3A_426 = vector.shape_cast %get3A_425 : vector<1x16xf32> to vector<16xf32>
        %mul3A_427 = arith.mulf %get3A_426, %div3A_364 : vector<16xf32>
        %swap3A = arith.constant 1 : i32
        %swap3A_428 = arith.index_cast %swap3A : i32 to index
        %swap3A_429 = arith.index_cast %add3A_422 : i32 to index
        %swap3A_430 = tpu.vector_load %arg7[%swap3A_428, %swap3A_429] {strides = array<i32>} : memref<2x4096xf32, #tpu.memory_space<vmem>>, vector<1x16xf32>,
        %swap3A_431 = vector.shape_cast %swap3A_430 : vector<1x16xf32> to vector<16xf32>
        %swap3A_432 = vector.shape_cast %mul3A_427 : vector<16xf32> to vector<1x16xf32>
        tpu.vector_store %arg7[%swap3A_428, %swap3A_429], %swap3A_432 {add = true, strides = array<i32>} : memref<2x4096xf32, #tpu.memory_space<vmem>>, vector<1x16xf32>,
        %sub3A = arith.constant 1.000000e+00 : f32
        %sub3A_433 = vector.broadcast %sub3A : f32 to vector<16xf32>
        %sub3A_434 = arith.subf %sub3A_433, %mul3A_427 : vector<16xf32>
        %max3A_435 = arith.constant 1.000000e-07 : f32
        %max3A_436 = vector.broadcast %max3A_435 : f32 to vector<16xf32>
        %max3A_437 = arith.maximumf %sub3A_434, %max3A_436 : vector<16xf32>
        %mul3A_438 = arith.mulf %max3A_437, %max3A_437 : vector<16xf32>
        %mul3A_439 = arith.mulf %mul3A_427, %mul3A_438 : vector<16xf32>
        %swap3A_440 = arith.constant 1 : i32
        %swap3A_441 = arith.index_cast %swap3A_440 : i32 to index
        %swap3A_442 = arith.index_cast %add3A_422 : i32 to index
        %swap3A_443 = tpu.vector_load %arg6[%swap3A_441, %swap3A_442] {strides = array<i32>} : memref<2x4096xf32, #tpu.memory_space<vmem>>, vector<1x16xf32>,
        %swap3A_444 = vector.shape_cast %swap3A_443 : vector<1x16xf32> to vector<16xf32>
        %swap3A_445 = vector.shape_cast %mul3A_439 : vector<16xf32> to vector<1x16xf32>
        tpu.vector_store %arg6[%swap3A_441, %swap3A_442], %swap3A_445 {strides = array<i32>} : memref<2x4096xf32, #tpu.memory_space<vmem>>, vector<1x16xf32>,
        %add3A_446 = arith.constant 16 : i32
        %add3A_447 = arith.addi %mul3A_420, %add3A_446 : i32
        %get3A_448 = arith.constant 1 : i32
        %get3A_449 = arith.index_cast %get3A_448 : i32 to index
        %get3A_450 = arith.index_cast %add3A_447 : i32 to index
        %get3A_451 = tpu.vector_load %arg6[%get3A_449, %get3A_450] {strides = array<i32>} : memref<2x4096xf32, #tpu.memory_space<vmem>>, vector<1x16xf32>,
        %get3A_452 = vector.shape_cast %get3A_451 : vector<1x16xf32> to vector<16xf32>
        %mul3A_453 = arith.mulf %get3A_452, %div3A_364 : vector<16xf32>
        %swap3A_454 = arith.constant 1 : i32
        %swap3A_455 = arith.index_cast %swap3A_454 : i32 to index
        %swap3A_456 = arith.index_cast %add3A_447 : i32 to index
        %swap3A_457 = tpu.vector_load %arg7[%swap3A_455, %swap3A_456] {strides = array<i32>} : memref<2x4096xf32, #tpu.memory_space<vmem>>, vector<1x16xf32>,
        %swap3A_458 = vector.shape_cast %swap3A_457 : vector<1x16xf32> to vector<16xf32>
        %swap3A_459 = vector.shape_cast %mul3A_453 : vector<16xf32> to vector<1x16xf32>
        tpu.vector_store %arg7[%swap3A_455, %swap3A_456], %swap3A_459 {add = true, strides = array<i32>} : memref<2x4096xf32, #tpu.memory_space<vmem>>, vector<1x16xf32>,
        %sub3A_460 = arith.constant 1.000000e+00 : f32
        %sub3A_461 = vector.broadcast %sub3A_460 : f32 to vector<16xf32>
        %sub3A_462 = arith.subf %sub3A_461, %mul3A_453 : vector<16xf32>
        %max3A_463 = arith.constant 1.000000e-07 : f32
        %max3A_464 = vector.broadcast %max3A_463 : f32 to vector<16xf32>
        %max3A_465 = arith.maximumf %sub3A_462, %max3A_464 : vector<16xf32>
        %mul3A_466 = arith.mulf %max3A_465, %max3A_465 : vector<16xf32>
        %mul3A_467 = arith.mulf %mul3A_453, %mul3A_466 : vector<16xf32>
        %swap3A_468 = arith.constant 1 : i32
        %swap3A_469 = arith.index_cast %swap3A_468 : i32 to index
        %swap3A_470 = arith.index_cast %add3A_447 : i32 to index
        %swap3A_471 = tpu.vector_load %arg6[%swap3A_469, %swap3A_470] {strides = array<i32>} : memref<2x4096xf32, #tpu.memory_space<vmem>>, vector<1x16xf32>,
        %swap3A_472 = vector.shape_cast %swap3A_471 : vector<1x16xf32> to vector<16xf32>
        %swap3A_473 = vector.shape_cast %mul3A_467 : vector<16xf32> to vector<1x16xf32>
        tpu.vector_store %arg6[%swap3A_469, %swap3A_470], %swap3A_473 {strides = array<i32>} : memref<2x4096xf32, #tpu.memory_space<vmem>>, vector<1x16xf32>,
        %add3A_474 = arith.constant 32 : i32
        %add3A_475 = arith.addi %mul3A_420, %add3A_474 : i32
        %get3A_476 = arith.constant 1 : i32
        %get3A_477 = arith.index_cast %get3A_476 : i32 to index
        %get3A_478 = arith.index_cast %add3A_475 : i32 to index
        %get3A_479 = tpu.vector_load %arg6[%get3A_477, %get3A_478] {strides = array<i32>} : memref<2x4096xf32, #tpu.memory_space<vmem>>, vector<1x16xf32>,
        %get3A_480 = vector.shape_cast %get3A_479 : vector<1x16xf32> to vector<16xf32>
        %mul3A_481 = arith.mulf %get3A_480, %div3A_364 : vector<16xf32>
        %swap3A_482 = arith.constant 1 : i32
        %swap3A_483 = arith.index_cast %swap3A_482 : i32 to index
        %swap3A_484 = arith.index_cast %add3A_475 : i32 to index
        %swap3A_485 = tpu.vector_load %arg7[%swap3A_483, %swap3A_484] {strides = array<i32>} : memref<2x4096xf32, #tpu.memory_space<vmem>>, vector<1x16xf32>,
        %swap3A_486 = vector.shape_cast %swap3A_485 : vector<1x16xf32> to vector<16xf32>
        %swap3A_487 = vector.shape_cast %mul3A_481 : vector<16xf32> to vector<1x16xf32>
        tpu.vector_store %arg7[%swap3A_483, %swap3A_484], %swap3A_487 {add = true, strides = array<i32>} : memref<2x4096xf32, #tpu.memory_space<vmem>>, vector<1x16xf32>,
        %sub3A_488 = arith.constant 1.000000e+00 : f32
        %sub3A_489 = vector.broadcast %sub3A_488 : f32 to vector<16xf32>
        %sub3A_490 = arith.subf %sub3A_489, %mul3A_481 : vector<16xf32>
        %max3A_491 = arith.constant 1.000000e-07 : f32
        %max3A_492 = vector.broadcast %max3A_491 : f32 to vector<16xf32>
        %max3A_493 = arith.maximumf %sub3A_490, %max3A_492 : vector<16xf32>
        %mul3A_494 = arith.mulf %max3A_493, %max3A_493 : vector<16xf32>
        %mul3A_495 = arith.mulf %mul3A_481, %mul3A_494 : vector<16xf32>
        %swap3A_496 = arith.constant 1 : i32
        %swap3A_497 = arith.index_cast %swap3A_496 : i32 to index
        %swap3A_498 = arith.index_cast %add3A_475 : i32 to index
        %swap3A_499 = tpu.vector_load %arg6[%swap3A_497, %swap3A_498] {strides = array<i32>} : memref<2x4096xf32, #tpu.memory_space<vmem>>, vector<1x16xf32>,
        %swap3A_500 = vector.shape_cast %swap3A_499 : vector<1x16xf32> to vector<16xf32>
        %swap3A_501 = vector.shape_cast %mul3A_495 : vector<16xf32> to vector<1x16xf32>
        tpu.vector_store %arg6[%swap3A_497, %swap3A_498], %swap3A_501 {strides = array<i32>} : memref<2x4096xf32, #tpu.memory_space<vmem>>, vector<1x16xf32>,
        %add3A_502 = arith.constant 48 : i32
        %add3A_503 = arith.addi %mul3A_420, %add3A_502 : i32
        %get3A_504 = arith.constant 1 : i32
        %get3A_505 = arith.index_cast %get3A_504 : i32 to index
        %get3A_506 = arith.index_cast %add3A_503 : i32 to index
        %get3A_507 = tpu.vector_load %arg6[%get3A_505, %get3A_506] {strides = array<i32>} : memref<2x4096xf32, #tpu.memory_space<vmem>>, vector<1x16xf32>,
        %get3A_508 = vector.shape_cast %get3A_507 : vector<1x16xf32> to vector<16xf32>
        %mul3A_509 = arith.mulf %get3A_508, %div3A_364 : vector<16xf32>
        %swap3A_510 = arith.constant 1 : i32
        %swap3A_511 = arith.index_cast %swap3A_510 : i32 to index
        %swap3A_512 = arith.index_cast %add3A_503 : i32 to index
        %swap3A_513 = tpu.vector_load %arg7[%swap3A_511, %swap3A_512] {strides = array<i32>} : memref<2x4096xf32, #tpu.memory_space<vmem>>, vector<1x16xf32>,
        %swap3A_514 = vector.shape_cast %swap3A_513 : vector<1x16xf32> to vector<16xf32>
        %swap3A_515 = vector.shape_cast %mul3A_509 : vector<16xf32> to vector<1x16xf32>
        tpu.vector_store %arg7[%swap3A_511, %swap3A_512], %swap3A_515 {add = true, strides = array<i32>} : memref<2x4096xf32, #tpu.memory_space<vmem>>, vector<1x16xf32>,
        %sub3A_516 = arith.constant 1.000000e+00 : f32
        %sub3A_517 = vector.broadcast %sub3A_516 : f32 to vector<16xf32>
        %sub3A_518 = arith.subf %sub3A_517, %mul3A_509 : vector<16xf32>
        %max3A_519 = arith.constant 1.000000e-07 : f32
        %max3A_520 = vector.broadcast %max3A_519 : f32 to vector<16xf32>
        %max3A_521 = arith.maximumf %sub3A_518, %max3A_520 : vector<16xf32>
        %mul3A_522 = arith.mulf %max3A_521, %max3A_521 : vector<16xf32>
        %mul3A_523 = arith.mulf %mul3A_509, %mul3A_522 : vector<16xf32>
        %swap3A_524 = arith.constant 1 : i32
        %swap3A_525 = arith.index_cast %swap3A_524 : i32 to index
        %swap3A_526 = arith.index_cast %add3A_503 : i32 to index
        %swap3A_527 = tpu.vector_load %arg6[%swap3A_525, %swap3A_526] {strides = array<i32>} : memref<2x4096xf32, #tpu.memory_space<vmem>>, vector<1x16xf32>,
        %swap3A_528 = vector.shape_cast %swap3A_527 : vector<1x16xf32> to vector<16xf32>
        %swap3A_529 = vector.shape_cast %mul3A_523 : vector<16xf32> to vector<1x16xf32>
        tpu.vector_store %arg6[%swap3A_525, %swap3A_526], %swap3A_529 {strides = array<i32>} : memref<2x4096xf32, #tpu.memory_space<vmem>>, vector<1x16xf32>,
        %add3A_530 = arith.constant 64 : i32
        %add3A_531 = arith.addi %mul3A_420, %add3A_530 : i32
        %get3A_532 = arith.constant 1 : i32
        %get3A_533 = arith.index_cast %get3A_532 : i32 to index
        %get3A_534 = arith.index_cast %add3A_531 : i32 to index
        %get3A_535 = tpu.vector_load %arg6[%get3A_533, %get3A_534] {strides = array<i32>} : memref<2x4096xf32, #tpu.memory_space<vmem>>, vector<1x16xf32>,
        %get3A_536 = vector.shape_cast %get3A_535 : vector<1x16xf32> to vector<16xf32>
        %mul3A_537 = arith.mulf %get3A_536, %div3A_364 : vector<16xf32>
        %swap3A_538 = arith.constant 1 : i32
        %swap3A_539 = arith.index_cast %swap3A_538 : i32 to index
        %swap3A_540 = arith.index_cast %add3A_531 : i32 to index
        %swap3A_541 = tpu.vector_load %arg7[%swap3A_539, %swap3A_540] {strides = array<i32>} : memref<2x4096xf32, #tpu.memory_space<vmem>>, vector<1x16xf32>,
        %swap3A_542 = vector.shape_cast %swap3A_541 : vector<1x16xf32> to vector<16xf32>
        %swap3A_543 = vector.shape_cast %mul3A_537 : vector<16xf32> to vector<1x16xf32>
        tpu.vector_store %arg7[%swap3A_539, %swap3A_540], %swap3A_543 {add = true, strides = array<i32>} : memref<2x4096xf32, #tpu.memory_space<vmem>>, vector<1x16xf32>,
        %sub3A_544 = arith.constant 1.000000e+00 : f32
        %sub3A_545 = vector.broadcast %sub3A_544 : f32 to vector<16xf32>
        %sub3A_546 = arith.subf %sub3A_545, %mul3A_537 : vector<16xf32>
        %max3A_547 = arith.constant 1.000000e-07 : f32
        %max3A_548 = vector.broadcast %max3A_547 : f32 to vector<16xf32>
        %max3A_549 = arith.maximumf %sub3A_546, %max3A_548 : vector<16xf32>
        %mul3A_550 = arith.mulf %max3A_549, %max3A_549 : vector<16xf32>
        %mul3A_551 = arith.mulf %mul3A_537, %mul3A_550 : vector<16xf32>
        %swap3A_552 = arith.constant 1 : i32
        %swap3A_553 = arith.index_cast %swap3A_552 : i32 to index
        %swap3A_554 = arith.index_cast %add3A_531 : i32 to index
        %swap3A_555 = tpu.vector_load %arg6[%swap3A_553, %swap3A_554] {strides = array<i32>} : memref<2x4096xf32, #tpu.memory_space<vmem>>, vector<1x16xf32>,
        %swap3A_556 = vector.shape_cast %swap3A_555 : vector<1x16xf32> to vector<16xf32>
        %swap3A_557 = vector.shape_cast %mul3A_551 : vector<16xf32> to vector<1x16xf32>
        tpu.vector_store %arg6[%swap3A_553, %swap3A_554], %swap3A_557 {strides = array<i32>} : memref<2x4096xf32, #tpu.memory_space<vmem>>, vector<1x16xf32>,
        %add3A_558 = arith.constant 80 : i32
        %add3A_559 = arith.addi %mul3A_420, %add3A_558 : i32
        %get3A_560 = arith.constant 1 : i32
        %get3A_561 = arith.index_cast %get3A_560 : i32 to index
        %get3A_562 = arith.index_cast %add3A_559 : i32 to index
        %get3A_563 = tpu.vector_load %arg6[%get3A_561, %get3A_562] {strides = array<i32>} : memref<2x4096xf32, #tpu.memory_space<vmem>>, vector<1x16xf32>,
        %get3A_564 = vector.shape_cast %get3A_563 : vector<1x16xf32> to vector<16xf32>
        %mul3A_565 = arith.mulf %get3A_564, %div3A_364 : vector<16xf32>
        %swap3A_566 = arith.constant 1 : i32
        %swap3A_567 = arith.index_cast %swap3A_566 : i32 to index
        %swap3A_568 = arith.index_cast %add3A_559 : i32 to index
        %swap3A_569 = tpu.vector_load %arg7[%swap3A_567, %swap3A_568] {strides = array<i32>} : memref<2x4096xf32, #tpu.memory_space<vmem>>, vector<1x16xf32>,
        %swap3A_570 = vector.shape_cast %swap3A_569 : vector<1x16xf32> to vector<16xf32>
        %swap3A_571 = vector.shape_cast %mul3A_565 : vector<16xf32> to vector<1x16xf32>
        tpu.vector_store %arg7[%swap3A_567, %swap3A_568], %swap3A_571 {add = true, strides = array<i32>} : memref<2x4096xf32, #tpu.memory_space<vmem>>, vector<1x16xf32>,
        %sub3A_572 = arith.constant 1.000000e+00 : f32
        %sub3A_573 = vector.broadcast %sub3A_572 : f32 to vector<16xf32>
        %sub3A_574 = arith.subf %sub3A_573, %mul3A_565 : vector<16xf32>
        %max3A_575 = arith.constant 1.000000e-07 : f32
        %max3A_576 = vector.broadcast %max3A_575 : f32 to vector<16xf32>
        %max3A_577 = arith.maximumf %sub3A_574, %max3A_576 : vector<16xf32>
        %mul3A_578 = arith.mulf %max3A_577, %max3A_577 : vector<16xf32>
        %mul3A_579 = arith.mulf %mul3A_565, %mul3A_578 : vector<16xf32>
        %swap3A_580 = arith.constant 1 : i32
        %swap3A_581 = arith.index_cast %swap3A_580 : i32 to index
        %swap3A_582 = arith.index_cast %add3A_559 : i32 to index
        %swap3A_583 = tpu.vector_load %arg6[%swap3A_581, %swap3A_582] {strides = array<i32>} : memref<2x4096xf32, #tpu.memory_space<vmem>>, vector<1x16xf32>,
        %swap3A_584 = vector.shape_cast %swap3A_583 : vector<1x16xf32> to vector<16xf32>
        %swap3A_585 = vector.shape_cast %mul3A_579 : vector<16xf32> to vector<1x16xf32>
        tpu.vector_store %arg6[%swap3A_581, %swap3A_582], %swap3A_585 {strides = array<i32>} : memref<2x4096xf32, #tpu.memory_space<vmem>>, vector<1x16xf32>,
        %add3A_586 = arith.constant 96 : i32
        %add3A_587 = arith.addi %mul3A_420, %add3A_586 : i32
        %get3A_588 = arith.constant 1 : i32
        %get3A_589 = arith.index_cast %get3A_588 : i32 to index
        %get3A_590 = arith.index_cast %add3A_587 : i32 to index
        %get3A_591 = tpu.vector_load %arg6[%get3A_589, %get3A_590] {strides = array<i32>} : memref<2x4096xf32, #tpu.memory_space<vmem>>, vector<1x16xf32>,
        %get3A_592 = vector.shape_cast %get3A_591 : vector<1x16xf32> to vector<16xf32>
        %mul3A_593 = arith.mulf %get3A_592, %div3A_364 : vector<16xf32>
        %swap3A_594 = arith.constant 1 : i32
        %swap3A_595 = arith.index_cast %swap3A_594 : i32 to index
        %swap3A_596 = arith.index_cast %add3A_587 : i32 to index
        %swap3A_597 = tpu.vector_load %arg7[%swap3A_595, %swap3A_596] {strides = array<i32>} : memref<2x4096xf32, #tpu.memory_space<vmem>>, vector<1x16xf32>,
        %swap3A_598 = vector.shape_cast %swap3A_597 : vector<1x16xf32> to vector<16xf32>
        %swap3A_599 = vector.shape_cast %mul3A_593 : vector<16xf32> to vector<1x16xf32>
        tpu.vector_store %arg7[%swap3A_595, %swap3A_596], %swap3A_599 {add = true, strides = array<i32>} : memref<2x4096xf32, #tpu.memory_space<vmem>>, vector<1x16xf32>,
        %sub3A_600 = arith.constant 1.000000e+00 : f32
        %sub3A_601 = vector.broadcast %sub3A_600 : f32 to vector<16xf32>
        %sub3A_602 = arith.subf %sub3A_601, %mul3A_593 : vector<16xf32>
        %max3A_603 = arith.constant 1.000000e-07 : f32
        %max3A_604 = vector.broadcast %max3A_603 : f32 to vector<16xf32>
        %max3A_605 = arith.maximumf %sub3A_602, %max3A_604 : vector<16xf32>
        %mul3A_606 = arith.mulf %max3A_605, %max3A_605 : vector<16xf32>
        %mul3A_607 = arith.mulf %mul3A_593, %mul3A_606 : vector<16xf32>
        %swap3A_608 = arith.constant 1 : i32
        %swap3A_609 = arith.index_cast %swap3A_608 : i32 to index
        %swap3A_610 = arith.index_cast %add3A_587 : i32 to index
        %swap3A_611 = tpu.vector_load %arg6[%swap3A_609, %swap3A_610] {strides = array<i32>} : memref<2x4096xf32, #tpu.memory_space<vmem>>, vector<1x16xf32>,
        %swap3A_612 = vector.shape_cast %swap3A_611 : vector<1x16xf32> to vector<16xf32>
        %swap3A_613 = vector.shape_cast %mul3A_607 : vector<16xf32> to vector<1x16xf32>
        tpu.vector_store %arg6[%swap3A_609, %swap3A_610], %swap3A_613 {strides = array<i32>} : memref<2x4096xf32, #tpu.memory_space<vmem>>, vector<1x16xf32>,
        %add3A_614 = arith.constant 112 : i32
        %add3A_615 = arith.addi %mul3A_420, %add3A_614 : i32
        %get3A_616 = arith.constant 1 : i32
        %get3A_617 = arith.index_cast %get3A_616 : i32 to index
        %get3A_618 = arith.index_cast %add3A_615 : i32 to index
        %get3A_619 = tpu.vector_load %arg6[%get3A_617, %get3A_618] {strides = array<i32>} : memref<2x4096xf32, #tpu.memory_space<vmem>>, vector<1x16xf32>,
        %get3A_620 = vector.shape_cast %get3A_619 : vector<1x16xf32> to vector<16xf32>
        %mul3A_621 = arith.mulf %get3A_620, %div3A_364 : vector<16xf32>
        %swap3A_622 = arith.constant 1 : i32
        %swap3A_623 = arith.index_cast %swap3A_622 : i32 to index
        %swap3A_624 = arith.index_cast %add3A_615 : i32 to index
        %swap3A_625 = tpu.vector_load %arg7[%swap3A_623, %swap3A_624] {strides = array<i32>} : memref<2x4096xf32, #tpu.memory_space<vmem>>, vector<1x16xf32>,
        %swap3A_626 = vector.shape_cast %swap3A_625 : vector<1x16xf32> to vector<16xf32>
        %swap3A_627 = vector.shape_cast %mul3A_621 : vector<16xf32> to vector<1x16xf32>
        tpu.vector_store %arg7[%swap3A_623, %swap3A_624], %swap3A_627 {add = true, strides = array<i32>} : memref<2x4096xf32, #tpu.memory_space<vmem>>, vector<1x16xf32>,
        %sub3A_628 = arith.constant 1.000000e+00 : f32
        %sub3A_629 = vector.broadcast %sub3A_628 : f32 to vector<16xf32>
        %sub3A_630 = arith.subf %sub3A_629, %mul3A_621 : vector<16xf32>
        %max3A_631 = arith.constant 1.000000e-07 : f32
        %max3A_632 = vector.broadcast %max3A_631 : f32 to vector<16xf32>
        %max3A_633 = arith.maximumf %sub3A_630, %max3A_632 : vector<16xf32>
        %mul3A_634 = arith.mulf %max3A_633, %max3A_633 : vector<16xf32>
        %mul3A_635 = arith.mulf %mul3A_621, %mul3A_634 : vector<16xf32>
        %swap3A_636 = arith.constant 1 : i32
        %swap3A_637 = arith.index_cast %swap3A_636 : i32 to index
        %swap3A_638 = arith.index_cast %add3A_615 : i32 to index
        %swap3A_639 = tpu.vector_load %arg6[%swap3A_637, %swap3A_638] {strides = array<i32>} : memref<2x4096xf32, #tpu.memory_space<vmem>>, vector<1x16xf32>,
        %swap3A_640 = vector.shape_cast %swap3A_639 : vector<1x16xf32> to vector<16xf32>
        %swap3A_641 = vector.shape_cast %mul3A_635 : vector<16xf32> to vector<1x16xf32>
        tpu.vector_store %arg6[%swap3A_637, %swap3A_638], %swap3A_641 {strides = array<i32>} : memref<2x4096xf32, #tpu.memory_space<vmem>>, vector<1x16xf32>,
        %add3A_642 = arith.constant 128 : i32
        %add3A_643 = arith.addi %mul3A_420, %add3A_642 : i32
        %get3A_644 = arith.constant 1 : i32
        %get3A_645 = arith.index_cast %get3A_644 : i32 to index
        %get3A_646 = arith.index_cast %add3A_643 : i32 to index
        %get3A_647 = tpu.vector_load %arg6[%get3A_645, %get3A_646] {strides = array<i32>} : memref<2x4096xf32, #tpu.memory_space<vmem>>, vector<1x16xf32>,
        %get3A_648 = vector.shape_cast %get3A_647 : vector<1x16xf32> to vector<16xf32>
        %mul3A_649 = arith.mulf %get3A_648, %div3A_364 : vector<16xf32>
        %swap3A_650 = arith.constant 1 : i32
        %swap3A_651 = arith.index_cast %swap3A_650 : i32 to index
        %swap3A_652 = arith.index_cast %add3A_643 : i32 to index
        %swap3A_653 = tpu.vector_load %arg7[%swap3A_651, %swap3A_652] {strides = array<i32>} : memref<2x4096xf32, #tpu.memory_space<vmem>>, vector<1x16xf32>,
        %swap3A_654 = vector.shape_cast %swap3A_653 : vector<1x16xf32> to vector<16xf32>
        %swap3A_655 = vector.shape_cast %mul3A_649 : vector<16xf32> to vector<1x16xf32>
        tpu.vector_store %arg7[%swap3A_651, %swap3A_652], %swap3A_655 {add = true, strides = array<i32>} : memref<2x4096xf32, #tpu.memory_space<vmem>>, vector<1x16xf32>,
        %sub3A_656 = arith.constant 1.000000e+00 : f32
        %sub3A_657 = vector.broadcast %sub3A_656 : f32 to vector<16xf32>
        %sub3A_658 = arith.subf %sub3A_657, %mul3A_649 : vector<16xf32>
        %max3A_659 = arith.constant 1.000000e-07 : f32
        %max3A_660 = vector.broadcast %max3A_659 : f32 to vector<16xf32>
        %max3A_661 = arith.maximumf %sub3A_658, %max3A_660 : vector<16xf32>
        %mul3A_662 = arith.mulf %max3A_661, %max3A_661 : vector<16xf32>
        %mul3A_663 = arith.mulf %mul3A_649, %mul3A_662 : vector<16xf32>
        %swap3A_664 = arith.constant 1 : i32
        %swap3A_665 = arith.index_cast %swap3A_664 : i32 to index
        %swap3A_666 = arith.index_cast %add3A_643 : i32 to index
        %swap3A_667 = tpu.vector_load %arg6[%swap3A_665, %swap3A_666] {strides = array<i32>} : memref<2x4096xf32, #tpu.memory_space<vmem>>, vector<1x16xf32>,
        %swap3A_668 = vector.shape_cast %swap3A_667 : vector<1x16xf32> to vector<16xf32>
        %swap3A_669 = vector.shape_cast %mul3A_663 : vector<16xf32> to vector<1x16xf32>
        tpu.vector_store %arg6[%swap3A_665, %swap3A_666], %swap3A_669 {strides = array<i32>} : memref<2x4096xf32, #tpu.memory_space<vmem>>, vector<1x16xf32>,
        %add3A_670 = arith.constant 144 : i32
        %add3A_671 = arith.addi %mul3A_420, %add3A_670 : i32
        %get3A_672 = arith.constant 1 : i32
        %get3A_673 = arith.index_cast %get3A_672 : i32 to index
        %get3A_674 = arith.index_cast %add3A_671 : i32 to index
        %get3A_675 = tpu.vector_load %arg6[%get3A_673, %get3A_674] {strides = array<i32>} : memref<2x4096xf32, #tpu.memory_space<vmem>>, vector<1x16xf32>,
        %get3A_676 = vector.shape_cast %get3A_675 : vector<1x16xf32> to vector<16xf32>
        %mul3A_677 = arith.mulf %get3A_676, %div3A_364 : vector<16xf32>
        %swap3A_678 = arith.constant 1 : i32
        %swap3A_679 = arith.index_cast %swap3A_678 : i32 to index
        %swap3A_680 = arith.index_cast %add3A_671 : i32 to index
        %swap3A_681 = tpu.vector_load %arg7[%swap3A_679, %swap3A_680] {strides = array<i32>} : memref<2x4096xf32, #tpu.memory_space<vmem>>, vector<1x16xf32>,
        %swap3A_682 = vector.shape_cast %swap3A_681 : vector<1x16xf32> to vector<16xf32>
        %swap3A_683 = vector.shape_cast %mul3A_677 : vector<16xf32> to vector<1x16xf32>
        tpu.vector_store %arg7[%swap3A_679, %swap3A_680], %swap3A_683 {add = true, strides = array<i32>} : memref<2x4096xf32, #tpu.memory_space<vmem>>, vector<1x16xf32>,
        %sub3A_684 = arith.constant 1.000000e+00 : f32
        %sub3A_685 = vector.broadcast %sub3A_684 : f32 to vector<16xf32>
        %sub3A_686 = arith.subf %sub3A_685, %mul3A_677 : vector<16xf32>
        %max3A_687 = arith.constant 1.000000e-07 : f32
        %max3A_688 = vector.broadcast %max3A_687 : f32 to vector<16xf32>
        %max3A_689 = arith.maximumf %sub3A_686, %max3A_688 : vector<16xf32>
        %mul3A_690 = arith.mulf %max3A_689, %max3A_689 : vector<16xf32>
        %mul3A_691 = arith.mulf %mul3A_677, %mul3A_690 : vector<16xf32>
        %swap3A_692 = arith.constant 1 : i32
        %swap3A_693 = arith.index_cast %swap3A_692 : i32 to index
        %swap3A_694 = arith.index_cast %add3A_671 : i32 to index
        %swap3A_695 = tpu.vector_load %arg6[%swap3A_693, %swap3A_694] {strides = array<i32>} : memref<2x4096xf32, #tpu.memory_space<vmem>>, vector<1x16xf32>,
        %swap3A_696 = vector.shape_cast %swap3A_695 : vector<1x16xf32> to vector<16xf32>
        %swap3A_697 = vector.shape_cast %mul3A_691 : vector<16xf32> to vector<1x16xf32>
        tpu.vector_store %arg6[%swap3A_693, %swap3A_694], %swap3A_697 {strides = array<i32>} : memref<2x4096xf32, #tpu.memory_space<vmem>>, vector<1x16xf32>,
        %add3A_698 = arith.constant 160 : i32
        %add3A_699 = arith.addi %mul3A_420, %add3A_698 : i32
        %get3A_700 = arith.constant 1 : i32
        %get3A_701 = arith.index_cast %get3A_700 : i32 to index
        %get3A_702 = arith.index_cast %add3A_699 : i32 to index
        %get3A_703 = tpu.vector_load %arg6[%get3A_701, %get3A_702] {strides = array<i32>} : memref<2x4096xf32, #tpu.memory_space<vmem>>, vector<1x16xf32>,
        %get3A_704 = vector.shape_cast %get3A_703 : vector<1x16xf32> to vector<16xf32>
        %mul3A_705 = arith.mulf %get3A_704, %div3A_364 : vector<16xf32>
        %swap3A_706 = arith.constant 1 : i32
        %swap3A_707 = arith.index_cast %swap3A_706 : i32 to index
        %swap3A_708 = arith.index_cast %add3A_699 : i32 to index
        %swap3A_709 = tpu.vector_load %arg7[%swap3A_707, %swap3A_708] {strides = array<i32>} : memref<2x4096xf32, #tpu.memory_space<vmem>>, vector<1x16xf32>,
        %swap3A_710 = vector.shape_cast %swap3A_709 : vector<1x16xf32> to vector<16xf32>
        %swap3A_711 = vector.shape_cast %mul3A_705 : vector<16xf32> to vector<1x16xf32>
        tpu.vector_store %arg7[%swap3A_707, %swap3A_708], %swap3A_711 {add = true, strides = array<i32>} : memref<2x4096xf32, #tpu.memory_space<vmem>>, vector<1x16xf32>,
        %sub3A_712 = arith.constant 1.000000e+00 : f32
        %sub3A_713 = vector.broadcast %sub3A_712 : f32 to vector<16xf32>
        %sub3A_714 = arith.subf %sub3A_713, %mul3A_705 : vector<16xf32>
        %max3A_715 = arith.constant 1.000000e-07 : f32
        %max3A_716 = vector.broadcast %max3A_715 : f32 to vector<16xf32>
        %max3A_717 = arith.maximumf %sub3A_714, %max3A_716 : vector<16xf32>
        %mul3A_718 = arith.mulf %max3A_717, %max3A_717 : vector<16xf32>
        %mul3A_719 = arith.mulf %mul3A_705, %mul3A_718 : vector<16xf32>
        %swap3A_720 = arith.constant 1 : i32
        %swap3A_721 = arith.index_cast %swap3A_720 : i32 to index
        %swap3A_722 = arith.index_cast %add3A_699 : i32 to index
        %swap3A_723 = tpu.vector_load %arg6[%swap3A_721, %swap3A_722] {strides = array<i32>} : memref<2x4096xf32, #tpu.memory_space<vmem>>, vector<1x16xf32>,
        %swap3A_724 = vector.shape_cast %swap3A_723 : vector<1x16xf32> to vector<16xf32>
        %swap3A_725 = vector.shape_cast %mul3A_719 : vector<16xf32> to vector<1x16xf32>
        tpu.vector_store %arg6[%swap3A_721, %swap3A_722], %swap3A_725 {strides = array<i32>} : memref<2x4096xf32, #tpu.memory_space<vmem>>, vector<1x16xf32>,
        %add3A_726 = arith.constant 176 : i32
        %add3A_727 = arith.addi %mul3A_420, %add3A_726 : i32
        %get3A_728 = arith.constant 1 : i32
        %get3A_729 = arith.index_cast %get3A_728 : i32 to index
        %get3A_730 = arith.index_cast %add3A_727 : i32 to index
        %get3A_731 = tpu.vector_load %arg6[%get3A_729, %get3A_730] {strides = array<i32>} : memref<2x4096xf32, #tpu.memory_space<vmem>>, vector<1x16xf32>,
        %get3A_732 = vector.shape_cast %get3A_731 : vector<1x16xf32> to vector<16xf32>
        %mul3A_733 = arith.mulf %get3A_732, %div3A_364 : vector<16xf32>
        %swap3A_734 = arith.constant 1 : i32
        %swap3A_735 = arith.index_cast %swap3A_734 : i32 to index
        %swap3A_736 = arith.index_cast %add3A_727 : i32 to index
        %swap3A_737 = tpu.vector_load %arg7[%swap3A_735, %swap3A_736] {strides = array<i32>} : memref<2x4096xf32, #tpu.memory_space<vmem>>, vector<1x16xf32>,
        %swap3A_738 = vector.shape_cast %swap3A_737 : vector<1x16xf32> to vector<16xf32>
        %swap3A_739 = vector.shape_cast %mul3A_733 : vector<16xf32> to vector<1x16xf32>
        tpu.vector_store %arg7[%swap3A_735, %swap3A_736], %swap3A_739 {add = true, strides = array<i32>} : memref<2x4096xf32, #tpu.memory_space<vmem>>, vector<1x16xf32>,
        %sub3A_740 = arith.constant 1.000000e+00 : f32
        %sub3A_741 = vector.broadcast %sub3A_740 : f32 to vector<16xf32>
        %sub3A_742 = arith.subf %sub3A_741, %mul3A_733 : vector<16xf32>
        %max3A_743 = arith.constant 1.000000e-07 : f32
        %max3A_744 = vector.broadcast %max3A_743 : f32 to vector<16xf32>
        %max3A_745 = arith.maximumf %sub3A_742, %max3A_744 : vector<16xf32>
        %mul3A_746 = arith.mulf %max3A_745, %max3A_745 : vector<16xf32>
        %mul3A_747 = arith.mulf %mul3A_733, %mul3A_746 : vector<16xf32>
        %swap3A_748 = arith.constant 1 : i32
        %swap3A_749 = arith.index_cast %swap3A_748 : i32 to index
        %swap3A_750 = arith.index_cast %add3A_727 : i32 to index
        %swap3A_751 = tpu.vector_load %arg6[%swap3A_749, %swap3A_750] {strides = array<i32>} : memref<2x4096xf32, #tpu.memory_space<vmem>>, vector<1x16xf32>,
        %swap3A_752 = vector.shape_cast %swap3A_751 : vector<1x16xf32> to vector<16xf32>
        %swap3A_753 = vector.shape_cast %mul3A_747 : vector<16xf32> to vector<1x16xf32>
        tpu.vector_store %arg6[%swap3A_749, %swap3A_750], %swap3A_753 {strides = array<i32>} : memref<2x4096xf32, #tpu.memory_space<vmem>>, vector<1x16xf32>,
        %add3A_754 = arith.constant 192 : i32
        %add3A_755 = arith.addi %mul3A_420, %add3A_754 : i32
        %get3A_756 = arith.constant 1 : i32
        %get3A_757 = arith.index_cast %get3A_756 : i32 to index
        %get3A_758 = arith.index_cast %add3A_755 : i32 to index
        %get3A_759 = tpu.vector_load %arg6[%get3A_757, %get3A_758] {strides = array<i32>} : memref<2x4096xf32, #tpu.memory_space<vmem>>, vector<1x16xf32>,
        %get3A_760 = vector.shape_cast %get3A_759 : vector<1x16xf32> to vector<16xf32>
        %mul3A_761 = arith.mulf %get3A_760, %div3A_364 : vector<16xf32>
        %swap3A_762 = arith.constant 1 : i32
        %swap3A_763 = arith.index_cast %swap3A_762 : i32 to index
        %swap3A_764 = arith.index_cast %add3A_755 : i32 to index
        %swap3A_765 = tpu.vector_load %arg7[%swap3A_763, %swap3A_764] {strides = array<i32>} : memref<2x4096xf32, #tpu.memory_space<vmem>>, vector<1x16xf32>,
        %swap3A_766 = vector.shape_cast %swap3A_765 : vector<1x16xf32> to vector<16xf32>
        %swap3A_767 = vector.shape_cast %mul3A_761 : vector<16xf32> to vector<1x16xf32>
        tpu.vector_store %arg7[%swap3A_763, %swap3A_764], %swap3A_767 {add = true, strides = array<i32>} : memref<2x4096xf32, #tpu.memory_space<vmem>>, vector<1x16xf32>,
        %sub3A_768 = arith.constant 1.000000e+00 : f32
        %sub3A_769 = vector.broadcast %sub3A_768 : f32 to vector<16xf32>
        %sub3A_770 = arith.subf %sub3A_769, %mul3A_761 : vector<16xf32>
        %max3A_771 = arith.constant 1.000000e-07 : f32
        %max3A_772 = vector.broadcast %max3A_771 : f32 to vector<16xf32>
        %max3A_773 = arith.maximumf %sub3A_770, %max3A_772 : vector<16xf32>
        %mul3A_774 = arith.mulf %max3A_773, %max3A_773 : vector<16xf32>
        %mul3A_775 = arith.mulf %mul3A_761, %mul3A_774 : vector<16xf32>
        %swap3A_776 = arith.constant 1 : i32
        %swap3A_777 = arith.index_cast %swap3A_776 : i32 to index
        %swap3A_778 = arith.index_cast %add3A_755 : i32 to index
        %swap3A_779 = tpu.vector_load %arg6[%swap3A_777, %swap3A_778] {strides = array<i32>} : memref<2x4096xf32, #tpu.memory_space<vmem>>, vector<1x16xf32>,
        %swap3A_780 = vector.shape_cast %swap3A_779 : vector<1x16xf32> to vector<16xf32>
        %swap3A_781 = vector.shape_cast %mul3A_775 : vector<16xf32> to vector<1x16xf32>
        tpu.vector_store %arg6[%swap3A_777, %swap3A_778], %swap3A_781 {strides = array<i32>} : memref<2x4096xf32, #tpu.memory_space<vmem>>, vector<1x16xf32>,
        %add3A_782 = arith.constant 208 : i32
        %add3A_783 = arith.addi %mul3A_420, %add3A_782 : i32
        %get3A_784 = arith.constant 1 : i32
        %get3A_785 = arith.index_cast %get3A_784 : i32 to index
        %get3A_786 = arith.index_cast %add3A_783 : i32 to index
        %get3A_787 = tpu.vector_load %arg6[%get3A_785, %get3A_786] {strides = array<i32>} : memref<2x4096xf32, #tpu.memory_space<vmem>>, vector<1x16xf32>,
        %get3A_788 = vector.shape_cast %get3A_787 : vector<1x16xf32> to vector<16xf32>
        %mul3A_789 = arith.mulf %get3A_788, %div3A_364 : vector<16xf32>
        %swap3A_790 = arith.constant 1 : i32
        %swap3A_791 = arith.index_cast %swap3A_790 : i32 to index
        %swap3A_792 = arith.index_cast %add3A_783 : i32 to index
        %swap3A_793 = tpu.vector_load %arg7[%swap3A_791, %swap3A_792] {strides = array<i32>} : memref<2x4096xf32, #tpu.memory_space<vmem>>, vector<1x16xf32>,
        %swap3A_794 = vector.shape_cast %swap3A_793 : vector<1x16xf32> to vector<16xf32>
        %swap3A_795 = vector.shape_cast %mul3A_789 : vector<16xf32> to vector<1x16xf32>
        tpu.vector_store %arg7[%swap3A_791, %swap3A_792], %swap3A_795 {add = true, strides = array<i32>} : memref<2x4096xf32, #tpu.memory_space<vmem>>, vector<1x16xf32>,
        %sub3A_796 = arith.constant 1.000000e+00 : f32
        %sub3A_797 = vector.broadcast %sub3A_796 : f32 to vector<16xf32>
        %sub3A_798 = arith.subf %sub3A_797, %mul3A_789 : vector<16xf32>
        %max3A_799 = arith.constant 1.000000e-07 : f32
        %max3A_800 = vector.broadcast %max3A_799 : f32 to vector<16xf32>
        %max3A_801 = arith.maximumf %sub3A_798, %max3A_800 : vector<16xf32>
        %mul3A_802 = arith.mulf %max3A_801, %max3A_801 : vector<16xf32>
        %mul3A_803 = arith.mulf %mul3A_789, %mul3A_802 : vector<16xf32>
        %swap3A_804 = arith.constant 1 : i32
        %swap3A_805 = arith.index_cast %swap3A_804 : i32 to index
        %swap3A_806 = arith.index_cast %add3A_783 : i32 to index
        %swap3A_807 = tpu.vector_load %arg6[%swap3A_805, %swap3A_806] {strides = array<i32>} : memref<2x4096xf32, #tpu.memory_space<vmem>>, vector<1x16xf32>,
        %swap3A_808 = vector.shape_cast %swap3A_807 : vector<1x16xf32> to vector<16xf32>
        %swap3A_809 = vector.shape_cast %mul3A_803 : vector<16xf32> to vector<1x16xf32>
        tpu.vector_store %arg6[%swap3A_805, %swap3A_806], %swap3A_809 {strides = array<i32>} : memref<2x4096xf32, #tpu.memory_space<vmem>>, vector<1x16xf32>,
        %add3A_810 = arith.constant 224 : i32
        %add3A_811 = arith.addi %mul3A_420, %add3A_810 : i32
        %get3A_812 = arith.constant 1 : i32
        %get3A_813 = arith.index_cast %get3A_812 : i32 to index
        %get3A_814 = arith.index_cast %add3A_811 : i32 to index
        %get3A_815 = tpu.vector_load %arg6[%get3A_813, %get3A_814] {strides = array<i32>} : memref<2x4096xf32, #tpu.memory_space<vmem>>, vector<1x16xf32>,
        %get3A_816 = vector.shape_cast %get3A_815 : vector<1x16xf32> to vector<16xf32>
        %mul3A_817 = arith.mulf %get3A_816, %div3A_364 : vector<16xf32>
        %swap3A_818 = arith.constant 1 : i32
        %swap3A_819 = arith.index_cast %swap3A_818 : i32 to index
        %swap3A_820 = arith.index_cast %add3A_811 : i32 to index
        %swap3A_821 = tpu.vector_load %arg7[%swap3A_819, %swap3A_820] {strides = array<i32>} : memref<2x4096xf32, #tpu.memory_space<vmem>>, vector<1x16xf32>,
        %swap3A_822 = vector.shape_cast %swap3A_821 : vector<1x16xf32> to vector<16xf32>
        %swap3A_823 = vector.shape_cast %mul3A_817 : vector<16xf32> to vector<1x16xf32>
        tpu.vector_store %arg7[%swap3A_819, %swap3A_820], %swap3A_823 {add = true, strides = array<i32>} : memref<2x4096xf32, #tpu.memory_space<vmem>>, vector<1x16xf32>,
        %sub3A_824 = arith.constant 1.000000e+00 : f32
        %sub3A_825 = vector.broadcast %sub3A_824 : f32 to vector<16xf32>
        %sub3A_826 = arith.subf %sub3A_825, %mul3A_817 : vector<16xf32>
        %max3A_827 = arith.constant 1.000000e-07 : f32
        %max3A_828 = vector.broadcast %max3A_827 : f32 to vector<16xf32>
        %max3A_829 = arith.maximumf %sub3A_826, %max3A_828 : vector<16xf32>
        %mul3A_830 = arith.mulf %max3A_829, %max3A_829 : vector<16xf32>
        %mul3A_831 = arith.mulf %mul3A_817, %mul3A_830 : vector<16xf32>
        %swap3A_832 = arith.constant 1 : i32
        %swap3A_833 = arith.index_cast %swap3A_832 : i32 to index
        %swap3A_834 = arith.index_cast %add3A_811 : i32 to index
        %swap3A_835 = tpu.vector_load %arg6[%swap3A_833, %swap3A_834] {strides = array<i32>} : memref<2x4096xf32, #tpu.memory_space<vmem>>, vector<1x16xf32>,
        %swap3A_836 = vector.shape_cast %swap3A_835 : vector<1x16xf32> to vector<16xf32>
        %swap3A_837 = vector.shape_cast %mul3A_831 : vector<16xf32> to vector<1x16xf32>
        tpu.vector_store %arg6[%swap3A_833, %swap3A_834], %swap3A_837 {strides = array<i32>} : memref<2x4096xf32, #tpu.memory_space<vmem>>, vector<1x16xf32>,
        %add3A_838 = arith.constant 240 : i32
        %add3A_839 = arith.addi %mul3A_420, %add3A_838 : i32
        %get3A_840 = arith.constant 1 : i32
        %get3A_841 = arith.index_cast %get3A_840 : i32 to index
        %get3A_842 = arith.index_cast %add3A_839 : i32 to index
        %get3A_843 = tpu.vector_load %arg6[%get3A_841, %get3A_842] {strides = array<i32>} : memref<2x4096xf32, #tpu.memory_space<vmem>>, vector<1x16xf32>,
        %get3A_844 = vector.shape_cast %get3A_843 : vector<1x16xf32> to vector<16xf32>
        %mul3A_845 = arith.mulf %get3A_844, %div3A_364 : vector<16xf32>
        %swap3A_846 = arith.constant 1 : i32
        %swap3A_847 = arith.index_cast %swap3A_846 : i32 to index
        %swap3A_848 = arith.index_cast %add3A_839 : i32 to index
        %swap3A_849 = tpu.vector_load %arg7[%swap3A_847, %swap3A_848] {strides = array<i32>} : memref<2x4096xf32, #tpu.memory_space<vmem>>, vector<1x16xf32>,
        %swap3A_850 = vector.shape_cast %swap3A_849 : vector<1x16xf32> to vector<16xf32>
        %swap3A_851 = vector.shape_cast %mul3A_845 : vector<16xf32> to vector<1x16xf32>
        tpu.vector_store %arg7[%swap3A_847, %swap3A_848], %swap3A_851 {add = true, strides = array<i32>} : memref<2x4096xf32, #tpu.memory_space<vmem>>, vector<1x16xf32>,
        %sub3A_852 = arith.constant 1.000000e+00 : f32
        %sub3A_853 = vector.broadcast %sub3A_852 : f32 to vector<16xf32>
        %sub3A_854 = arith.subf %sub3A_853, %mul3A_845 : vector<16xf32>
        %max3A_855 = arith.constant 1.000000e-07 : f32
        %max3A_856 = vector.broadcast %max3A_855 : f32 to vector<16xf32>
        %max3A_857 = arith.maximumf %sub3A_854, %max3A_856 : vector<16xf32>
        %mul3A_858 = arith.mulf %max3A_857, %max3A_857 : vector<16xf32>
        %mul3A_859 = arith.mulf %mul3A_845, %mul3A_858 : vector<16xf32>
        %swap3A_860 = arith.constant 1 : i32
        %swap3A_861 = arith.index_cast %swap3A_860 : i32 to index
        %swap3A_862 = arith.index_cast %add3A_839 : i32 to index
        %swap3A_863 = tpu.vector_load %arg6[%swap3A_861, %swap3A_862] {strides = array<i32>} : memref<2x4096xf32, #tpu.memory_space<vmem>>, vector<1x16xf32>,
        %swap3A_864 = vector.shape_cast %swap3A_863 : vector<1x16xf32> to vector<16xf32>
        %swap3A_865 = vector.shape_cast %mul3A_859 : vector<16xf32> to vector<1x16xf32>
        tpu.vector_store %arg6[%swap3A_861, %swap3A_862], %swap3A_865 {strides = array<i32>} : memref<2x4096xf32, #tpu.memory_space<vmem>>, vector<1x16xf32>,
        %add3A_866 = arith.addf %mul3A_439, %mul3A_467 : vector<16xf32>
        %add3A_867 = arith.addf %mul3A_495, %mul3A_523 : vector<16xf32>
        %add3A_868 = arith.addf %mul3A_551, %mul3A_579 : vector<16xf32>
        %add3A_869 = arith.addf %mul3A_607, %mul3A_635 : vector<16xf32>
        %add3A_870 = arith.addf %mul3A_663, %mul3A_691 : vector<16xf32>
        %add3A_871 = arith.addf %mul3A_719, %mul3A_747 : vector<16xf32>
        %add3A_872 = arith.addf %mul3A_775, %mul3A_803 : vector<16xf32>
        %add3A_873 = arith.addf %mul3A_831, %mul3A_859 : vector<16xf32>
        %add3A_874 = arith.addf %add3A_866, %add3A_867 : vector<16xf32>
        %add3A_875 = arith.addf %add3A_868, %add3A_869 : vector<16xf32>
        %add3A_876 = arith.addf %add3A_870, %add3A_871 : vector<16xf32>
        %add3A_877 = arith.addf %add3A_872, %add3A_873 : vector<16xf32>
        %add3A_878 = arith.addf %add3A_874, %add3A_875 : vector<16xf32>
        %add3A_879 = arith.addf %add3A_876, %add3A_877 : vector<16xf32>
        %add3A_880 = arith.addf %add3A_878, %add3A_879 : vector<16xf32>
        %add3A_881 = arith.addf %scan3A_418, %add3A_880 : vector<16xf32>
        scf.yield %add3A_881 : vector<16xf32>
      }
      %scan3A_372 = arith.constant 16 : i32
      %iota3A_373 = tpu.iota {dimensions = array<i32: 0>} : vector<16xi32>
      %add3A_374 = arith.constant 8 : i32
      %add3A_375 = vector.broadcast %add3A_374 : i32 to vector<16xi32>
      %add3A_376 = arith.addi %iota3A_373, %add3A_375 : vector<16xi32>
      %and3A_377 = arith.constant 15 : i32
      %and3A_378 = vector.broadcast %and3A_377 : i32 to vector<16xi32>
      %and3A_379 = arith.andi %add3A_376, %and3A_378 : vector<16xi32>
      %broadcast_in_dim3A_380 = vector.shape_cast %and3A_379 : vector<16xi32> to vector<16x1xi32>
      %gather3A_381 = vector.shape_cast %broadcast_in_dim3A_380 : vector<16x1xi32> to vector<16xi32>
      %gather3A_382 = tpu.dynamic_gather %scan3A_371[%gather3A_381] in [0] : vector<16xf32>, vector<16xi32> -> vector<16xf32>
      %add3A_383 = arith.addf %scan3A_371, %gather3A_382 : vector<16xf32>
      %iota3A_384 = tpu.iota {dimensions = array<i32: 0>} : vector<16xi32>
      %add3A_385 = arith.constant 4 : i32
      %add3A_386 = vector.broadcast %add3A_385 : i32 to vector<16xi32>
      %add3A_387 = arith.addi %iota3A_384, %add3A_386 : vector<16xi32>
      %and3A_388 = arith.constant 15 : i32
      %and3A_389 = vector.broadcast %and3A_388 : i32 to vector<16xi32>
      %and3A_390 = arith.andi %add3A_387, %and3A_389 : vector<16xi32>
      %broadcast_in_dim3A_391 = vector.shape_cast %and3A_390 : vector<16xi32> to vector<16x1xi32>
      %gather3A_392 = vector.shape_cast %broadcast_in_dim3A_391 : vector<16x1xi32> to vector<16xi32>
      %gather3A_393 = tpu.dynamic_gather %add3A_383[%gather3A_392] in [0] : vector<16xf32>, vector<16xi32> -> vector<16xf32>
      %add3A_394 = arith.addf %add3A_383, %gather3A_393 : vector<16xf32>
      %iota3A_395 = tpu.iota {dimensions = array<i32: 0>} : vector<16xi32>
      %add3A_396 = arith.constant 2 : i32
      %add3A_397 = vector.broadcast %add3A_396 : i32 to vector<16xi32>
      %add3A_398 = arith.addi %iota3A_395, %add3A_397 : vector<16xi32>
      %and3A_399 = arith.constant 15 : i32
      %and3A_400 = vector.broadcast %and3A_399 : i32 to vector<16xi32>
      %and3A_401 = arith.andi %add3A_398, %and3A_400 : vector<16xi32>
      %broadcast_in_dim3A_402 = vector.shape_cast %and3A_401 : vector<16xi32> to vector<16x1xi32>
      %gather3A_403 = vector.shape_cast %broadcast_in_dim3A_402 : vector<16x1xi32> to vector<16xi32>
      %gather3A_404 = tpu.dynamic_gather %add3A_394[%gather3A_403] in [0] : vector<16xf32>, vector<16xi32> -> vector<16xf32>
      %add3A_405 = arith.addf %add3A_394, %gather3A_404 : vector<16xf32>
      %iota3A_406 = tpu.iota {dimensions = array<i32: 0>} : vector<16xi32>
      %add3A_407 = arith.constant 1 : i32
      %add3A_408 = vector.broadcast %add3A_407 : i32 to vector<16xi32>
      %add3A_409 = arith.addi %iota3A_406, %add3A_408 : vector<16xi32>
      %and3A_410 = arith.constant 15 : i32
      %and3A_411 = vector.broadcast %and3A_410 : i32 to vector<16xi32>
      %and3A_412 = arith.andi %add3A_409, %and3A_411 : vector<16xi32>
      %broadcast_in_dim3A_413 = vector.shape_cast %and3A_412 : vector<16xi32> to vector<16x1xi32>
      %gather3A_414 = vector.shape_cast %broadcast_in_dim3A_413 : vector<16x1xi32> to vector<16xi32>
      %gather3A_415 = tpu.dynamic_gather %add3A_405[%gather3A_414] in [0] : vector<16xf32>, vector<16xi32> -> vector<16xf32>
      %add3A_416 = arith.addf %add3A_405, %gather3A_415 : vector<16xf32>
      scf.yield %add3A_416 : vector<16xf32>
    }
    %scan3A_349 = arith.constant 30 : i32
    %div3A_350 = arith.constant 1.000000e+00 : f32
    %div3A_351 = vector.broadcast %div3A_350 : f32 to vector<16xf32>
    %div3A_352 = arith.divf %div3A_351, %scan3A_348 : vector<16xf32>
    %scan3A_353 = arith.constant 0 : i32
    %scan3A_354 = arith.constant 0 : i32
    %scan3A_355 = arith.constant 16 : i32
    %scan3A_356 = arith.addi %scan3A_354, %scan3A_355 : i32
    %scan3A_357 = arith.constant 1 : i32
    %scan3A_358 = scf.for %scan3A_360 = %scan3A_354 to %scan3A_356 step %scan3A_357 iter_args(%scan3A_361 = %scan3A_353) -> (i32)  : i32 {
      %mul3A_362 = arith.constant 256 : i32
      %mul3A_363 = arith.muli %scan3A_360, %mul3A_362 : i32
      %add3A_364 = arith.constant 0 : i32
      %add3A_365 = arith.addi %mul3A_363, %add3A_364 : i32
      %get3A = arith.constant 1 : i32
      %get3A_366 = arith.index_cast %get3A : i32 to index
      %get3A_367 = arith.index_cast %add3A_365 : i32 to index
      %get3A_368 = tpu.vector_load %arg6[%get3A_366, %get3A_367] {strides = array<i32>} : memref<2x4096xf32, #tpu.memory_space<vmem>>, vector<1x16xf32>,
      %get3A_369 = vector.shape_cast %get3A_368 : vector<1x16xf32> to vector<16xf32>
      %mul3A_370 = arith.mulf %get3A_369, %div3A_352 : vector<16xf32>
      %swap3A = arith.constant 1 : i32
      %swap3A_371 = arith.index_cast %swap3A : i32 to index
      %swap3A_372 = arith.index_cast %add3A_365 : i32 to index
      %swap3A_373 = tpu.vector_load %arg7[%swap3A_371, %swap3A_372] {strides = array<i32>} : memref<2x4096xf32, #tpu.memory_space<vmem>>, vector<1x16xf32>,
      %swap3A_374 = vector.shape_cast %swap3A_373 : vector<1x16xf32> to vector<16xf32>
      %swap3A_375 = vector.shape_cast %mul3A_370 : vector<16xf32> to vector<1x16xf32>
      tpu.vector_store %arg7[%swap3A_371, %swap3A_372], %swap3A_375 {add = true, strides = array<i32>} : memref<2x4096xf32, #tpu.memory_space<vmem>>, vector<1x16xf32>,
      %add3A_376 = arith.constant 16 : i32
      %add3A_377 = arith.addi %mul3A_363, %add3A_376 : i32
      %get3A_378 = arith.constant 1 : i32
      %get3A_379 = arith.index_cast %get3A_378 : i32 to index
      %get3A_380 = arith.index_cast %add3A_377 : i32 to index
      %get3A_381 = tpu.vector_load %arg6[%get3A_379, %get3A_380] {strides = array<i32>} : memref<2x4096xf32, #tpu.memory_space<vmem>>, vector<1x16xf32>,
      %get3A_382 = vector.shape_cast %get3A_381 : vector<1x16xf32> to vector<16xf32>
      %mul3A_383 = arith.mulf %get3A_382, %div3A_352 : vector<16xf32>
      %swap3A_384 = arith.constant 1 : i32
      %swap3A_385 = arith.index_cast %swap3A_384 : i32 to index
      %swap3A_386 = arith.index_cast %add3A_377 : i32 to index
      %swap3A_387 = tpu.vector_load %arg7[%swap3A_385, %swap3A_386] {strides = array<i32>} : memref<2x4096xf32, #tpu.memory_space<vmem>>, vector<1x16xf32>,
      %swap3A_388 = vector.shape_cast %swap3A_387 : vector<1x16xf32> to vector<16xf32>
      %swap3A_389 = vector.shape_cast %mul3A_383 : vector<16xf32> to vector<1x16xf32>
      tpu.vector_store %arg7[%swap3A_385, %swap3A_386], %swap3A_389 {add = true, strides = array<i32>} : memref<2x4096xf32, #tpu.memory_space<vmem>>, vector<1x16xf32>,
      %add3A_390 = arith.constant 32 : i32
      %add3A_391 = arith.addi %mul3A_363, %add3A_390 : i32
      %get3A_392 = arith.constant 1 : i32
      %get3A_393 = arith.index_cast %get3A_392 : i32 to index
      %get3A_394 = arith.index_cast %add3A_391 : i32 to index
      %get3A_395 = tpu.vector_load %arg6[%get3A_393, %get3A_394] {strides = array<i32>} : memref<2x4096xf32, #tpu.memory_space<vmem>>, vector<1x16xf32>,
      %get3A_396 = vector.shape_cast %get3A_395 : vector<1x16xf32> to vector<16xf32>
      %mul3A_397 = arith.mulf %get3A_396, %div3A_352 : vector<16xf32>
      %swap3A_398 = arith.constant 1 : i32
      %swap3A_399 = arith.index_cast %swap3A_398 : i32 to index
      %swap3A_400 = arith.index_cast %add3A_391 : i32 to index
      %swap3A_401 = tpu.vector_load %arg7[%swap3A_399, %swap3A_400] {strides = array<i32>} : memref<2x4096xf32, #tpu.memory_space<vmem>>, vector<1x16xf32>,
      %swap3A_402 = vector.shape_cast %swap3A_401 : vector<1x16xf32> to vector<16xf32>
      %swap3A_403 = vector.shape_cast %mul3A_397 : vector<16xf32> to vector<1x16xf32>
      tpu.vector_store %arg7[%swap3A_399, %swap3A_400], %swap3A_403 {add = true, strides = array<i32>} : memref<2x4096xf32, #tpu.memory_space<vmem>>, vector<1x16xf32>,
      %add3A_404 = arith.constant 48 : i32
      %add3A_405 = arith.addi %mul3A_363, %add3A_404 : i32
      %get3A_406 = arith.constant 1 : i32
      %get3A_407 = arith.index_cast %get3A_406 : i32 to index
      %get3A_408 = arith.index_cast %add3A_405 : i32 to index
      %get3A_409 = tpu.vector_load %arg6[%get3A_407, %get3A_408] {strides = array<i32>} : memref<2x4096xf32, #tpu.memory_space<vmem>>, vector<1x16xf32>,
      %get3A_410 = vector.shape_cast %get3A_409 : vector<1x16xf32> to vector<16xf32>
      %mul3A_411 = arith.mulf %get3A_410, %div3A_352 : vector<16xf32>
      %swap3A_412 = arith.constant 1 : i32
      %swap3A_413 = arith.index_cast %swap3A_412 : i32 to index
      %swap3A_414 = arith.index_cast %add3A_405 : i32 to index
      %swap3A_415 = tpu.vector_load %arg7[%swap3A_413, %swap3A_414] {strides = array<i32>} : memref<2x4096xf32, #tpu.memory_space<vmem>>, vector<1x16xf32>,
      %swap3A_416 = vector.shape_cast %swap3A_415 : vector<1x16xf32> to vector<16xf32>
      %swap3A_417 = vector.shape_cast %mul3A_411 : vector<16xf32> to vector<1x16xf32>
      tpu.vector_store %arg7[%swap3A_413, %swap3A_414], %swap3A_417 {add = true, strides = array<i32>} : memref<2x4096xf32, #tpu.memory_space<vmem>>, vector<1x16xf32>,
      %add3A_418 = arith.constant 64 : i32
      %add3A_419 = arith.addi %mul3A_363, %add3A_418 : i32
      %get3A_420 = arith.constant 1 : i32
      %get3A_421 = arith.index_cast %get3A_420 : i32 to index
      %get3A_422 = arith.index_cast %add3A_419 : i32 to index
      %get3A_423 = tpu.vector_load %arg6[%get3A_421, %get3A_422] {strides = array<i32>} : memref<2x4096xf32, #tpu.memory_space<vmem>>, vector<1x16xf32>,
      %get3A_424 = vector.shape_cast %get3A_423 : vector<1x16xf32> to vector<16xf32>
      %mul3A_425 = arith.mulf %get3A_424, %div3A_352 : vector<16xf32>
      %swap3A_426 = arith.constant 1 : i32
      %swap3A_427 = arith.index_cast %swap3A_426 : i32 to index
      %swap3A_428 = arith.index_cast %add3A_419 : i32 to index
      %swap3A_429 = tpu.vector_load %arg7[%swap3A_427, %swap3A_428] {strides = array<i32>} : memref<2x4096xf32, #tpu.memory_space<vmem>>, vector<1x16xf32>,
      %swap3A_430 = vector.shape_cast %swap3A_429 : vector<1x16xf32> to vector<16xf32>
      %swap3A_431 = vector.shape_cast %mul3A_425 : vector<16xf32> to vector<1x16xf32>
      tpu.vector_store %arg7[%swap3A_427, %swap3A_428], %swap3A_431 {add = true, strides = array<i32>} : memref<2x4096xf32, #tpu.memory_space<vmem>>, vector<1x16xf32>,
      %add3A_432 = arith.constant 80 : i32
      %add3A_433 = arith.addi %mul3A_363, %add3A_432 : i32
      %get3A_434 = arith.constant 1 : i32
      %get3A_435 = arith.index_cast %get3A_434 : i32 to index
      %get3A_436 = arith.index_cast %add3A_433 : i32 to index
      %get3A_437 = tpu.vector_load %arg6[%get3A_435, %get3A_436] {strides = array<i32>} : memref<2x4096xf32, #tpu.memory_space<vmem>>, vector<1x16xf32>,
      %get3A_438 = vector.shape_cast %get3A_437 : vector<1x16xf32> to vector<16xf32>
      %mul3A_439 = arith.mulf %get3A_438, %div3A_352 : vector<16xf32>
      %swap3A_440 = arith.constant 1 : i32
      %swap3A_441 = arith.index_cast %swap3A_440 : i32 to index
      %swap3A_442 = arith.index_cast %add3A_433 : i32 to index
      %swap3A_443 = tpu.vector_load %arg7[%swap3A_441, %swap3A_442] {strides = array<i32>} : memref<2x4096xf32, #tpu.memory_space<vmem>>, vector<1x16xf32>,
      %swap3A_444 = vector.shape_cast %swap3A_443 : vector<1x16xf32> to vector<16xf32>
      %swap3A_445 = vector.shape_cast %mul3A_439 : vector<16xf32> to vector<1x16xf32>
      tpu.vector_store %arg7[%swap3A_441, %swap3A_442], %swap3A_445 {add = true, strides = array<i32>} : memref<2x4096xf32, #tpu.memory_space<vmem>>, vector<1x16xf32>,
      %add3A_446 = arith.constant 96 : i32
      %add3A_447 = arith.addi %mul3A_363, %add3A_446 : i32
      %get3A_448 = arith.constant 1 : i32
      %get3A_449 = arith.index_cast %get3A_448 : i32 to index
      %get3A_450 = arith.index_cast %add3A_447 : i32 to index
      %get3A_451 = tpu.vector_load %arg6[%get3A_449, %get3A_450] {strides = array<i32>} : memref<2x4096xf32, #tpu.memory_space<vmem>>, vector<1x16xf32>,
      %get3A_452 = vector.shape_cast %get3A_451 : vector<1x16xf32> to vector<16xf32>
      %mul3A_453 = arith.mulf %get3A_452, %div3A_352 : vector<16xf32>
      %swap3A_454 = arith.constant 1 : i32
      %swap3A_455 = arith.index_cast %swap3A_454 : i32 to index
      %swap3A_456 = arith.index_cast %add3A_447 : i32 to index
      %swap3A_457 = tpu.vector_load %arg7[%swap3A_455, %swap3A_456] {strides = array<i32>} : memref<2x4096xf32, #tpu.memory_space<vmem>>, vector<1x16xf32>,
      %swap3A_458 = vector.shape_cast %swap3A_457 : vector<1x16xf32> to vector<16xf32>
      %swap3A_459 = vector.shape_cast %mul3A_453 : vector<16xf32> to vector<1x16xf32>
      tpu.vector_store %arg7[%swap3A_455, %swap3A_456], %swap3A_459 {add = true, strides = array<i32>} : memref<2x4096xf32, #tpu.memory_space<vmem>>, vector<1x16xf32>,
      %add3A_460 = arith.constant 112 : i32
      %add3A_461 = arith.addi %mul3A_363, %add3A_460 : i32
      %get3A_462 = arith.constant 1 : i32
      %get3A_463 = arith.index_cast %get3A_462 : i32 to index
      %get3A_464 = arith.index_cast %add3A_461 : i32 to index
      %get3A_465 = tpu.vector_load %arg6[%get3A_463, %get3A_464] {strides = array<i32>} : memref<2x4096xf32, #tpu.memory_space<vmem>>, vector<1x16xf32>,
      %get3A_466 = vector.shape_cast %get3A_465 : vector<1x16xf32> to vector<16xf32>
      %mul3A_467 = arith.mulf %get3A_466, %div3A_352 : vector<16xf32>
      %swap3A_468 = arith.constant 1 : i32
      %swap3A_469 = arith.index_cast %swap3A_468 : i32 to index
      %swap3A_470 = arith.index_cast %add3A_461 : i32 to index
      %swap3A_471 = tpu.vector_load %arg7[%swap3A_469, %swap3A_470] {strides = array<i32>} : memref<2x4096xf32, #tpu.memory_space<vmem>>, vector<1x16xf32>,
      %swap3A_472 = vector.shape_cast %swap3A_471 : vector<1x16xf32> to vector<16xf32>
      %swap3A_473 = vector.shape_cast %mul3A_467 : vector<16xf32> to vector<1x16xf32>
      tpu.vector_store %arg7[%swap3A_469, %swap3A_470], %swap3A_473 {add = true, strides = array<i32>} : memref<2x4096xf32, #tpu.memory_space<vmem>>, vector<1x16xf32>,
      %add3A_474 = arith.constant 128 : i32
      %add3A_475 = arith.addi %mul3A_363, %add3A_474 : i32
      %get3A_476 = arith.constant 1 : i32
      %get3A_477 = arith.index_cast %get3A_476 : i32 to index
      %get3A_478 = arith.index_cast %add3A_475 : i32 to index
      %get3A_479 = tpu.vector_load %arg6[%get3A_477, %get3A_478] {strides = array<i32>} : memref<2x4096xf32, #tpu.memory_space<vmem>>, vector<1x16xf32>,
      %get3A_480 = vector.shape_cast %get3A_479 : vector<1x16xf32> to vector<16xf32>
      %mul3A_481 = arith.mulf %get3A_480, %div3A_352 : vector<16xf32>
      %swap3A_482 = arith.constant 1 : i32
      %swap3A_483 = arith.index_cast %swap3A_482 : i32 to index
      %swap3A_484 = arith.index_cast %add3A_475 : i32 to index
      %swap3A_485 = tpu.vector_load %arg7[%swap3A_483, %swap3A_484] {strides = array<i32>} : memref<2x4096xf32, #tpu.memory_space<vmem>>, vector<1x16xf32>,
      %swap3A_486 = vector.shape_cast %swap3A_485 : vector<1x16xf32> to vector<16xf32>
      %swap3A_487 = vector.shape_cast %mul3A_481 : vector<16xf32> to vector<1x16xf32>
      tpu.vector_store %arg7[%swap3A_483, %swap3A_484], %swap3A_487 {add = true, strides = array<i32>} : memref<2x4096xf32, #tpu.memory_space<vmem>>, vector<1x16xf32>,
      %add3A_488 = arith.constant 144 : i32
      %add3A_489 = arith.addi %mul3A_363, %add3A_488 : i32
      %get3A_490 = arith.constant 1 : i32
      %get3A_491 = arith.index_cast %get3A_490 : i32 to index
      %get3A_492 = arith.index_cast %add3A_489 : i32 to index
      %get3A_493 = tpu.vector_load %arg6[%get3A_491, %get3A_492] {strides = array<i32>} : memref<2x4096xf32, #tpu.memory_space<vmem>>, vector<1x16xf32>,
      %get3A_494 = vector.shape_cast %get3A_493 : vector<1x16xf32> to vector<16xf32>
      %mul3A_495 = arith.mulf %get3A_494, %div3A_352 : vector<16xf32>
      %swap3A_496 = arith.constant 1 : i32
      %swap3A_497 = arith.index_cast %swap3A_496 : i32 to index
      %swap3A_498 = arith.index_cast %add3A_489 : i32 to index
      %swap3A_499 = tpu.vector_load %arg7[%swap3A_497, %swap3A_498] {strides = array<i32>} : memref<2x4096xf32, #tpu.memory_space<vmem>>, vector<1x16xf32>,
      %swap3A_500 = vector.shape_cast %swap3A_499 : vector<1x16xf32> to vector<16xf32>
      %swap3A_501 = vector.shape_cast %mul3A_495 : vector<16xf32> to vector<1x16xf32>
      tpu.vector_store %arg7[%swap3A_497, %swap3A_498], %swap3A_501 {add = true, strides = array<i32>} : memref<2x4096xf32, #tpu.memory_space<vmem>>, vector<1x16xf32>,
      %add3A_502 = arith.constant 160 : i32
      %add3A_503 = arith.addi %mul3A_363, %add3A_502 : i32
      %get3A_504 = arith.constant 1 : i32
      %get3A_505 = arith.index_cast %get3A_504 : i32 to index
      %get3A_506 = arith.index_cast %add3A_503 : i32 to index
      %get3A_507 = tpu.vector_load %arg6[%get3A_505, %get3A_506] {strides = array<i32>} : memref<2x4096xf32, #tpu.memory_space<vmem>>, vector<1x16xf32>,
      %get3A_508 = vector.shape_cast %get3A_507 : vector<1x16xf32> to vector<16xf32>
      %mul3A_509 = arith.mulf %get3A_508, %div3A_352 : vector<16xf32>
      %swap3A_510 = arith.constant 1 : i32
      %swap3A_511 = arith.index_cast %swap3A_510 : i32 to index
      %swap3A_512 = arith.index_cast %add3A_503 : i32 to index
      %swap3A_513 = tpu.vector_load %arg7[%swap3A_511, %swap3A_512] {strides = array<i32>} : memref<2x4096xf32, #tpu.memory_space<vmem>>, vector<1x16xf32>,
      %swap3A_514 = vector.shape_cast %swap3A_513 : vector<1x16xf32> to vector<16xf32>
      %swap3A_515 = vector.shape_cast %mul3A_509 : vector<16xf32> to vector<1x16xf32>
      tpu.vector_store %arg7[%swap3A_511, %swap3A_512], %swap3A_515 {add = true, strides = array<i32>} : memref<2x4096xf32, #tpu.memory_space<vmem>>, vector<1x16xf32>,
      %add3A_516 = arith.constant 176 : i32
      %add3A_517 = arith.addi %mul3A_363, %add3A_516 : i32
      %get3A_518 = arith.constant 1 : i32
      %get3A_519 = arith.index_cast %get3A_518 : i32 to index
      %get3A_520 = arith.index_cast %add3A_517 : i32 to index
      %get3A_521 = tpu.vector_load %arg6[%get3A_519, %get3A_520] {strides = array<i32>} : memref<2x4096xf32, #tpu.memory_space<vmem>>, vector<1x16xf32>,
      %get3A_522 = vector.shape_cast %get3A_521 : vector<1x16xf32> to vector<16xf32>
      %mul3A_523 = arith.mulf %get3A_522, %div3A_352 : vector<16xf32>
      %swap3A_524 = arith.constant 1 : i32
      %swap3A_525 = arith.index_cast %swap3A_524 : i32 to index
      %swap3A_526 = arith.index_cast %add3A_517 : i32 to index
      %swap3A_527 = tpu.vector_load %arg7[%swap3A_525, %swap3A_526] {strides = array<i32>} : memref<2x4096xf32, #tpu.memory_space<vmem>>, vector<1x16xf32>,
      %swap3A_528 = vector.shape_cast %swap3A_527 : vector<1x16xf32> to vector<16xf32>
      %swap3A_529 = vector.shape_cast %mul3A_523 : vector<16xf32> to vector<1x16xf32>
      tpu.vector_store %arg7[%swap3A_525, %swap3A_526], %swap3A_529 {add = true, strides = array<i32>} : memref<2x4096xf32, #tpu.memory_space<vmem>>, vector<1x16xf32>,
      %add3A_530 = arith.constant 192 : i32
      %add3A_531 = arith.addi %mul3A_363, %add3A_530 : i32
      %get3A_532 = arith.constant 1 : i32
      %get3A_533 = arith.index_cast %get3A_532 : i32 to index
      %get3A_534 = arith.index_cast %add3A_531 : i32 to index
      %get3A_535 = tpu.vector_load %arg6[%get3A_533, %get3A_534] {strides = array<i32>} : memref<2x4096xf32, #tpu.memory_space<vmem>>, vector<1x16xf32>,
      %get3A_536 = vector.shape_cast %get3A_535 : vector<1x16xf32> to vector<16xf32>
      %mul3A_537 = arith.mulf %get3A_536, %div3A_352 : vector<16xf32>
      %swap3A_538 = arith.constant 1 : i32
      %swap3A_539 = arith.index_cast %swap3A_538 : i32 to index
      %swap3A_540 = arith.index_cast %add3A_531 : i32 to index
      %swap3A_541 = tpu.vector_load %arg7[%swap3A_539, %swap3A_540] {strides = array<i32>} : memref<2x4096xf32, #tpu.memory_space<vmem>>, vector<1x16xf32>,
      %swap3A_542 = vector.shape_cast %swap3A_541 : vector<1x16xf32> to vector<16xf32>
      %swap3A_543 = vector.shape_cast %mul3A_537 : vector<16xf32> to vector<1x16xf32>
      tpu.vector_store %arg7[%swap3A_539, %swap3A_540], %swap3A_543 {add = true, strides = array<i32>} : memref<2x4096xf32, #tpu.memory_space<vmem>>, vector<1x16xf32>,
      %add3A_544 = arith.constant 208 : i32
      %add3A_545 = arith.addi %mul3A_363, %add3A_544 : i32
      %get3A_546 = arith.constant 1 : i32
      %get3A_547 = arith.index_cast %get3A_546 : i32 to index
      %get3A_548 = arith.index_cast %add3A_545 : i32 to index
      %get3A_549 = tpu.vector_load %arg6[%get3A_547, %get3A_548] {strides = array<i32>} : memref<2x4096xf32, #tpu.memory_space<vmem>>, vector<1x16xf32>,
      %get3A_550 = vector.shape_cast %get3A_549 : vector<1x16xf32> to vector<16xf32>
      %mul3A_551 = arith.mulf %get3A_550, %div3A_352 : vector<16xf32>
      %swap3A_552 = arith.constant 1 : i32
      %swap3A_553 = arith.index_cast %swap3A_552 : i32 to index
      %swap3A_554 = arith.index_cast %add3A_545 : i32 to index
      %swap3A_555 = tpu.vector_load %arg7[%swap3A_553, %swap3A_554] {strides = array<i32>} : memref<2x4096xf32, #tpu.memory_space<vmem>>, vector<1x16xf32>,
      %swap3A_556 = vector.shape_cast %swap3A_555 : vector<1x16xf32> to vector<16xf32>
      %swap3A_557 = vector.shape_cast %mul3A_551 : vector<16xf32> to vector<1x16xf32>
      tpu.vector_store %arg7[%swap3A_553, %swap3A_554], %swap3A_557 {add = true, strides = array<i32>} : memref<2x4096xf32, #tpu.memory_space<vmem>>, vector<1x16xf32>,
      %add3A_558 = arith.constant 224 : i32
      %add3A_559 = arith.addi %mul3A_363, %add3A_558 : i32
      %get3A_560 = arith.constant 1 : i32
      %get3A_561 = arith.index_cast %get3A_560 : i32 to index
      %get3A_562 = arith.index_cast %add3A_559 : i32 to index
      %get3A_563 = tpu.vector_load %arg6[%get3A_561, %get3A_562] {strides = array<i32>} : memref<2x4096xf32, #tpu.memory_space<vmem>>, vector<1x16xf32>,
      %get3A_564 = vector.shape_cast %get3A_563 : vector<1x16xf32> to vector<16xf32>
      %mul3A_565 = arith.mulf %get3A_564, %div3A_352 : vector<16xf32>
      %swap3A_566 = arith.constant 1 : i32
      %swap3A_567 = arith.index_cast %swap3A_566 : i32 to index
      %swap3A_568 = arith.index_cast %add3A_559 : i32 to index
      %swap3A_569 = tpu.vector_load %arg7[%swap3A_567, %swap3A_568] {strides = array<i32>} : memref<2x4096xf32, #tpu.memory_space<vmem>>, vector<1x16xf32>,
      %swap3A_570 = vector.shape_cast %swap3A_569 : vector<1x16xf32> to vector<16xf32>
      %swap3A_571 = vector.shape_cast %mul3A_565 : vector<16xf32> to vector<1x16xf32>
      tpu.vector_store %arg7[%swap3A_567, %swap3A_568], %swap3A_571 {add = true, strides = array<i32>} : memref<2x4096xf32, #tpu.memory_space<vmem>>, vector<1x16xf32>,
      %add3A_572 = arith.constant 240 : i32
      %add3A_573 = arith.addi %mul3A_363, %add3A_572 : i32
      %get3A_574 = arith.constant 1 : i32
      %get3A_575 = arith.index_cast %get3A_574 : i32 to index
      %get3A_576 = arith.index_cast %add3A_573 : i32 to index
      %get3A_577 = tpu.vector_load %arg6[%get3A_575, %get3A_576] {strides = array<i32>} : memref<2x4096xf32, #tpu.memory_space<vmem>>, vector<1x16xf32>,
      %get3A_578 = vector.shape_cast %get3A_577 : vector<1x16xf32> to vector<16xf32>
      %mul3A_579 = arith.mulf %get3A_578, %div3A_352 : vector<16xf32>
      %swap3A_580 = arith.constant 1 : i32
      %swap3A_581 = arith.index_cast %swap3A_580 : i32 to index
      %swap3A_582 = arith.index_cast %add3A_573 : i32 to index
      %swap3A_583 = tpu.vector_load %arg7[%swap3A_581, %swap3A_582] {strides = array<i32>} : memref<2x4096xf32, #tpu.memory_space<vmem>>, vector<1x16xf32>,
      %swap3A_584 = vector.shape_cast %swap3A_583 : vector<1x16xf32> to vector<16xf32>
      %swap3A_585 = vector.shape_cast %mul3A_579 : vector<16xf32> to vector<1x16xf32>
      tpu.vector_store %arg7[%swap3A_581, %swap3A_582], %swap3A_585 {add = true, strides = array<i32>} : memref<2x4096xf32, #tpu.memory_space<vmem>>, vector<1x16xf32>,
      %scan3A_586 = arith.constant 0 : i32
      scf.yield %scan3A_586 : i32
    }
    %scan3A_359 = arith.constant 16 : i32
    "tpu.region"() ({
      %run_scoped3A = tpu.sem_alloc : memref<!tpu.dma_semaphore, #tpu.memory_space<semaphore_mem>>
      %dma_start3A_360 = arith.constant 0 : i32
      %dma_start3A_361 = tpu.memref_slice %arg4[%mul3A_2, %dma_start3A_360] : memref<64x4096xf32, #tpu.memory_space<hbm>> -> memref<2x4096xf32, #tpu.memory_space<hbm>>
      %dma_start3A_362 = arith.constant 0 : i32
      %dma_start3A_363 = tpu.memref_slice %arg4[%mul3A_2, %dma_start3A_362] : memref<64x4096xf32, #tpu.memory_space<hbm>> -> memref<2x4096xf32, #tpu.memory_space<hbm>>
      tpu.enqueue_dma source(%arg7 : memref<2x4096xf32, #tpu.memory_space<vmem>>) target(%dma_start3A_363 : memref<2x4096xf32, #tpu.memory_space<hbm>>) target_semaphore(%run_scoped3A : memref<!tpu.dma_semaphore, #tpu.memory_space<semaphore_mem>>)
      %dma_wait3A_364 = arith.constant 0 : i32
      %dma_wait3A_365 = tpu.memref_slice %arg4[%mul3A_2, %dma_wait3A_364] : memref<64x4096xf32, #tpu.memory_space<hbm>> -> memref<2x4096xf32, #tpu.memory_space<hbm>>
      %dma_wait3A_366 = arith.constant 0 : i32
      %dma_wait3A_367 = tpu.memref_slice %arg4[%mul3A_2, %dma_wait3A_366] : memref<64x4096xf32, #tpu.memory_space<hbm>> -> memref<2x4096xf32, #tpu.memory_space<hbm>>
      tpu.wait_dma2 semaphore(%run_scoped3A : memref<!tpu.dma_semaphore, #tpu.memory_space<semaphore_mem>>) src(%arg7 : memref<2x4096xf32, #tpu.memory_space<vmem>>) dst(%dma_wait3A_367 : memref<2x4096xf32, #tpu.memory_space<hbm>>)
      tpu.yield
    }) : () -> ()
    return
  }
}

module attributes {stable_mosaic.version = 14 : i64} {
  func.func @_tc_body(%arg0: memref<64x4096xf32, #tpu.memory_space<vmem>>, %arg1: memref<64x4096xf32, #tpu.memory_space<vmem>>, %arg2: memref<64x4096xf32, #tpu.memory_space<vmem>>) attributes {dimension_semantics = [], scalar_prefetch = 0 : i64, scratch_operands = 0 : i64, tpu.core_type = #tpu.core_type<tc>} {
    %get3A = arith.constant 0 : index
    %get3A_0 = arith.constant 0 : index
    %get3A_1 = vector.load %arg0[%get3A, %get3A_0] : memref<64x4096xf32, #tpu.memory_space<vmem>>, vector<64x4096xf32>
    %get3A_2 = arith.constant 0 : index
    %get3A_3 = arith.constant 0 : index
    %get3A_4 = vector.load %arg1[%get3A_2, %get3A_3] : memref<64x4096xf32, #tpu.memory_space<vmem>>, vector<64x4096xf32>
    %add3A = arith.addf %get3A_1, %get3A_4 : vector<64x4096xf32>
    %reduce_max3A = arith.constant dense<0xFF800000> : vector<64xf32>
    %reduce_max3A_5 = vector.multi_reduction <maximumf>, %add3A, %reduce_max3A [1] : vector<64x4096xf32> to vector<64xf32>
    %broadcast_in_dim3A = vector.shape_cast %reduce_max3A_5 : vector<64xf32> to vector<64x1xf32>
    %sub3A = vector.broadcast %broadcast_in_dim3A : vector<64x1xf32> to vector<64x4096xf32>
    %sub3A_6 = arith.subf %add3A, %sub3A : vector<64x4096xf32>
    %mul3A = arith.constant 2.000000e+00 : f32
    %mul3A_7 = vector.broadcast %mul3A : f32 to vector<64x4096xf32>
    %mul3A_8 = arith.mulf %sub3A_6, %mul3A_7 : vector<64x4096xf32>
    %exp3A = math.exp %mul3A_8 : vector<64x4096xf32>
    %reduce_sum3A = arith.constant dense<0.000000e+00> : vector<64xf32>
    %reduce_sum3A_9 = vector.multi_reduction <add>, %exp3A, %reduce_sum3A [1] : vector<64x4096xf32> to vector<64xf32>
    %broadcast_in_dim3A_10 = vector.shape_cast %reduce_sum3A_9 : vector<64xf32> to vector<64x1xf32>
    %div3A = arith.constant 1.000000e+00 : f32
    %div3A_11 = vector.broadcast %div3A : f32 to vector<64x1xf32>
    %div3A_12 = arith.divf %div3A_11, %broadcast_in_dim3A_10 : vector<64x1xf32>
    %mul3A_13 = vector.broadcast %div3A_12 : vector<64x1xf32> to vector<64x4096xf32>
    %mul3A_14 = arith.mulf %exp3A, %mul3A_13 : vector<64x4096xf32>
    %scan3A = arith.constant 0 : i32
    %scan3A_15 = arith.constant 31 : i32
    %scan3A_16 = arith.addi %scan3A, %scan3A_15 : i32
    %scan3A_17 = arith.constant 1 : i32
    %scan3A_18:2 = scf.for %scan3A_21 = %scan3A to %scan3A_16 step %scan3A_17 iter_args(%scan3A_22 = %mul3A_14, %scan3A_23 = %mul3A_14) -> (vector<64x4096xf32>, vector<64x4096xf32>)  : i32 {
      %sub3A_24 = arith.constant 1.000000e+00 : f32
      %sub3A_25 = vector.broadcast %sub3A_24 : f32 to vector<64x4096xf32>
      %sub3A_26 = arith.subf %sub3A_25, %scan3A_22 : vector<64x4096xf32>
      %max3A = arith.constant 1.000000e-07 : f32
      %max3A_27 = vector.broadcast %max3A : f32 to vector<64x4096xf32>
      %max3A_28 = arith.maximumf %sub3A_26, %max3A_27 : vector<64x4096xf32>
      %mul3A_29 = arith.mulf %max3A_28, %max3A_28 : vector<64x4096xf32>
      %mul3A_30 = arith.mulf %scan3A_22, %mul3A_29 : vector<64x4096xf32>
      %reduce_sum3A_31 = arith.constant dense<0.000000e+00> : vector<64xf32>
      %reduce_sum3A_32 = vector.multi_reduction <add>, %mul3A_30, %reduce_sum3A_31 [1] : vector<64x4096xf32> to vector<64xf32>
      %broadcast_in_dim3A_33 = vector.shape_cast %reduce_sum3A_32 : vector<64xf32> to vector<64x1xf32>
      %div3A_34 = arith.constant 1.000000e+00 : f32
      %div3A_35 = vector.broadcast %div3A_34 : f32 to vector<64x1xf32>
      %div3A_36 = arith.divf %div3A_35, %broadcast_in_dim3A_33 : vector<64x1xf32>
      %mul3A_37 = vector.broadcast %div3A_36 : vector<64x1xf32> to vector<64x4096xf32>
      %mul3A_38 = arith.mulf %mul3A_30, %mul3A_37 : vector<64x4096xf32>
      %add3A_39 = arith.addf %scan3A_23, %mul3A_38 : vector<64x4096xf32>
      scf.yield %mul3A_38, %add3A_39 : vector<64x4096xf32>, vector<64x4096xf32>
    }
    %swap3A = arith.constant 0 : index
    %swap3A_19 = arith.constant 0 : index
    %swap3A_20 = vector.load %arg2[%swap3A, %swap3A_19] : memref<64x4096xf32, #tpu.memory_space<vmem>>, vector<64x4096xf32>
    tpu.vector_store %arg2[%swap3A, %swap3A_19], %scan3A_18#1 {strides = array<i32>} : memref<64x4096xf32, #tpu.memory_space<vmem>>, vector<64x4096xf32>,
    return
  }
}

</mosaic_0001>

<sc_bundles>
// kernel: kernel.4.cloned.1.call-start
scs
__scs_entry_jumppad:
0x0: {  	(pc) =	sbr.rel $0x88, $3  }
0x1: {  	(tag) =	ssettag $0x0;
	lr =	simm.s32 $0x1  }
0x2: {  	[smem:$0x3FA0] =	sst lr;
	_ =	strace $0xD0000000  }
0x3: {  	_ = 	snop  }
0x4: {  	_ = 	snop  }
0x5: {  	_ = 	snop  }
0x6: {  	_ = 	snop  }
0x7: {  	_ = 	snop  }
__scs_overlays_trampoline_lowered:
0x8: {  	[smem:$0x3FAF] =	sst s0  }
0x9: {  	[smem:$0x3FB0] =	sst s1  }
0xa: {  	[smem:$0x3FB1] =	sst s2  }
0xb: {  	[smem:$0x3FB2] =	sst s3  }
0xc: {  	[smem:$0x3FB3] =	sst s4  }
0xd: {  	[smem:$0x3FB4] =	sst s5  }
0xe: {  	[smem:$0x3FB5] =	sst s6  }
0xf: {  	[smem:$0x3FB6] =	sst s7  }
0x10: {  	[smem:$0x3FB7] =	sst s8  }
0x11: {  	[smem:$0x3FB8] =	sst s9;
	s0 =	simm.s32 @!p0 $0x0  }
0x12: {  	s1 =	sld [smem:$0x3F9E];
	s0 =	simm.s32 @p0 $0x1  }
0x13: {  	[smem:$0x3FB9] =	sst s0;
	s0 =	simm.s32 @!p1 $0x0  }
0x14: {  	s2 =	sld [smem:$0x3F9D];
	s0 =	simm.s32 @p1 $0x1  }
0x15: {  	[smem:$0x3FBA] =	sst s0;
	s0 =	simm.s32 @!p2 $0x0  }
0x16: {  	s3 =	sld [smem:$0x3FDB];
	s0 =	simm.s32 @p2 $0x1  }
0x17: {  	s4 =	simm.s32 $0x1BF5;
	[smem:$0x3FBC] =	sst s0  }
0x18: {  	s0 =	sld [smem:$0x3F9F];
	_ =	swait.ge [sflag:s4], $0x0  }
0x19: {  	s7 =	sld [smem:$0x3FA0]  }
0x1a: {  	s8 =	sadd.s32 $0xFFFFE003, lr  }
0x1b: {  	s9 =	sadd.s32 $0xFFFFFEF7, lr;
	s5 =	simm.s32 $0xFFFFFFFF;
	p2 =	slt.u32 s8, $0xFFFFF086  }
0x1c: {  	p1 =	slt.u32 s9, $0xF7A;
	s5 =	simm.s32 @!p2 $0x0  }
0x1d: {  	s5 =	simm.s32 @p1 $0x1;
	p0 =	seq.s32 s7, s2  }
0x1e: {  	s7 =	smul.u32 @!p0 $0xF7A, s2;
	p2 =	seq.s32 @!p0 s5, $0x0  }
0x1f: {  	s9 =	smul.u32 $0xF7A, s1;
	s8 =	simm.s32 @!p0 $0x1BF5;
	p2 =	por !p2, p0  }
0x20: {  	[sflag:s8] =	ssyncset.s32 @!p0 $0xFFFFF086;
	s6 =	sadd.s32 @!p0 s3, s7;
	s7 =	simm.s32 @!p0 $0x108  }
0x21: {  	s3 =	sadd.s32 s3, s9;
	s6 =	sadd.s32 @!p0 $0x88, s6;
	s7 =	simm.s32 @p2 $0x1082  }
0x22: {  	[simem:s7], [sflag:s8] =	dma.local @!p0 [hbm:s6], $0xF7A  }
0x23: {  	s9 =	sor.u32 $0xD0000000, s2;
	s6 =	simm.s32 $0x108;
	_ =	swait.ge @!p0 [sflag:s8], $0x0  }
0x24: {  	s3 =	sadd.s32 $0x88, s3;
	s6 =	simm.s32 @!p1 $0x1082;
	[sflag:s4] =	ssyncset.s32 $0xFFFFF086  }
0x25: {  	[simem:s6], [sflag:s4] =	dma.local [hbm:s3], $0xF7A  }
0x26: {  	[smem:$0x3FA0] =	sst s1;
	(tag) =	ssettag s2;
	_ =	strace s9  }
0x27: {  	s1 =	sld [smem:$0x3FB0]  }
0x28: {  	s2 =	sld [smem:$0x3FB1]  }
0x29: {  	s4 =	sld [smem:$0x3FB3]  }
0x2a: {  	p0 =	seq.s32 s5, $0x0;
	s5 =	sld [smem:$0x3FB4]  }
0x2b: {  	s6 =	sld [smem:$0x3FB5]  }
0x2c: {  	s7 =	sld [smem:$0x3FB6]  }
0x2d: {  	s3 =	simm.s32 $0x108;
	s8 =	sld [smem:$0x3FB7]  }
0x2e: {  	s3 =	simm.s32 @!p0 $0x1082;
	s9 =	sld [smem:$0x3FB8]  }
0x2f: {  	lr =	sadd.s32 s0, s3;
	s0 =	sld [smem:$0x3FAF]  }
0x30: {  	s3 =	sld [smem:$0x3FB2]  }
0x31: {  	[smem:$0x3FBB] =	sst s10  }
0x32: {  	s10 =	sld [smem:$0x3FB9];
	_ =	sdelay $0x3  }
0x33: {  	p0 =	seq.s32 s10, $0x1;
	s10 =	sld [smem:$0x3FBB];
	_ =	sdelay $0x3  }
0x34: {  	[smem:$0x3FBB] =	sst s10  }
0x35: {  	s10 =	sld [smem:$0x3FBA];
	_ =	sdelay $0x3  }
0x36: {  	p1 =	seq.s32 s10, $0x1;
	s10 =	sld [smem:$0x3FBB];
	_ =	sdelay $0x3  }
0x37: {  	[smem:$0x3FBB] =	sst s10  }
0x38: {  	s10 =	sld [smem:$0x3FBC]  }
0x39: {  	_ = 	snop;
	(pc) =	sbr.ind lr, $3  }
0x3a: {  	_ = 	snop  }
0x3b: {  	_ = 	snop  }
0x3c: {  	p2 =	seq.s32 s10, $0x1;
	s10 =	sld [smem:$0x3FBB]  }
0x3d: {  	_ =	shalt  }
0x3e: {  	_ =	shalt  }
0x3f: {  	_ =	shalt  }
0x40: {  	_ =	shalt  }
0x41: {  	_ =	shalt  }
0x42: {  	_ =	shalt  }
0x43: {  	_ =	shalt  }
0x44: {  	_ =	shalt  }
0x45: {  	_ =	shalt  }
0x46: {  	_ =	shalt  }
0x47: {  	_ =	shalt  }
0x48: {  	_ =	shalt  }
0x49: {  	_ =	shalt  }
0x4a: {  	_ =	shalt  }
0x4b: {  	_ =	shalt  }
0x4c: {  	_ =	shalt  }
0x4d: {  	_ =	shalt  }
0x4e: {  	_ =	shalt  }
0x4f: {  	_ =	shalt  }
0x50: {  	_ =	shalt  }
0x51: {  	_ =	shalt  }
0x52: {  	_ =	shalt  }
0x53: {  	_ =	shalt  }
0x54: {  	_ =	shalt  }
0x55: {  	_ =	shalt  }
0x56: {  	_ =	shalt  }
0x57: {  	_ =	shalt  }
0x58: {  	_ =	shalt  }
0x59: {  	_ =	shalt  }
0x5a: {  	_ =	shalt  }
0x5b: {  	_ =	shalt  }
0x5c: {  	_ =	shalt  }
0x5d: {  	_ =	shalt  }
0x5e: {  	_ =	shalt  }
0x5f: {  	_ =	shalt  }
0x60: {  	_ =	shalt  }
0x61: {  	_ =	shalt  }
0x62: {  	_ =	shalt  }
0x63: {  	_ =	shalt  }
0x64: {  	_ =	shalt  }
0x65: {  	_ =	shalt  }
0x66: {  	_ =	shalt  }
0x67: {  	_ =	shalt  }
0x68: {  	_ =	shalt  }
0x69: {  	_ =	shalt  }
0x6a: {  	_ =	shalt  }
0x6b: {  	_ =	shalt  }
0x6c: {  	_ =	shalt  }
0x6d: {  	_ =	shalt  }
0x6e: {  	_ =	shalt  }
0x6f: {  	_ =	shalt  }
0x70: {  	_ =	shalt  }
0x71: {  	_ =	shalt  }
0x72: {  	_ =	shalt  }
0x73: {  	_ =	shalt  }
0x74: {  	_ =	shalt  }
0x75: {  	_ =	shalt  }
0x76: {  	_ =	shalt  }
0x77: {  	_ =	shalt  }
0x78: {  	_ =	shalt  }
0x79: {  	_ =	shalt  }
0x7a: {  	_ =	shalt  }
0x7b: {  	_ =	shalt  }
0x7c: {  	_ =	shalt  }
0x7d: {  	_ =	shalt  }
0x7e: {  	_ =	shalt  }
0x7f: {  	_ =	shalt  }
0x80: {  	_ =	shalt  }
0x81: {  	_ =	shalt  }
0x82: {  	_ =	shalt  }
0x83: {  	_ =	shalt  }
0x84: {  	_ =	shalt  }
0x85: {  	_ =	shalt  }
0x86: {  	_ =	shalt  }
0x87: {  	_ =	shalt  }
.Lfunc_end0:
.L_simem_size_0:
called_computation_lowered:
.L_overlay_start_0:
0x88: {  	s2 =	sld [smem:$0x3FD9]  }
0x89: {  	s3 =	sld [smem:$0x3FFE];
	_ =	sdelay $0x1  }
0x8a: {  	s1 =	srdreg.scid  }
0x8b: {  	s0 =	sand.u32 $0x1, s1  }
0x8c: {  	s17 =	sshll.u32 s0, $0xA;
	s2 =	sadd.s32 s3, s2  }
0x8d: {  	s2 =	sadd.s32 s2, s17  }
0x8e: {  	[smem:$0x3FC7] =	sst s2  }
0x8f: {  	_ = 	snop  }
0x90: {  	s2 =	sld [smem:$0x3FD0];
	(tm) =	ssettm $0x1  }
0x91: {  	s18 =	sld [smem:$0x3FFB];
	_ =	sdelay $0x3  }
0x92: {  	_ =	strace s18  }
0x93: {  	s3 =	sld [smem:$0x3FFC];
	_ =	sdelay $0x3  }
0x94: {  	_ =	strace s3  }
0x95: {  	s3 =	sld [smem:$0x3FFD];
	_ =	sdelay $0x3  }
0x96: {  	_ =	strace s3  }
0x97: {  	_ =	strace $0x8FFFFFFF  }
0x98: {  	s19 =	sld [smem:$0x3FDB];
	_ =	sdelay $0x1  }
0x99: {  	s4 =	simm.s32 $_scs_section_size  }
0x9a: {  	s5 =	simm.s32 $_size__tile_overlayer_lowered;
	s6 =	simm.s32 $_tile_overlayer_lowered  }
0x9b: {  	s22 =	simm.s32 $0x1BFF;
	s21 =	sshll.u32 s6, $0x1;
	s3 =	sadd.s32 s4, s19  }
0x9c: {  	s7 =	simm.s32 $0x0;
	s20 =	sshll.u32 s5, $0x1;
	s5 =	sadd.s32 s21, s3  }
0x9d: {  	[timem:s7], [sflag:s22] =	dma.local [hbm:s5], s20  }
0x9e: {  	_ =	swait.ge [sflag:s22], s20  }
0x9f: {  	s4 =	ssub.s32 $0x0, s20;
	[sflag:s22] =	ssyncset.done $0x0  }
0xa0: {  	[sflag:s22] =	ssyncadd.s32 s4;
	_ =	sdelay $0x1  }
0xa1: {  	s23 =	simm.s32 $0x1B8B  }
0xa2: {  	_ =	swait.ge [sflag:s23], $0x1  }
0xa3: {  	[sflag:s23] =	ssyncset.done $0x0  }
0xa4: {  	s25 =	simm.s32 $0x1B8E;
	s24 =	sld [smem:$0x3FFE];
	[sflag:s23] =	ssyncadd.s32 $0xFFFFFFFF  }
0xa5: {  	s26 =	simm.s32 $execute0_lowered;
	[smem:$0x3FD2] =	sst s25  }
0xa6: {  	s5 =	sshll.u32 s26, $0x1;
	_ =	strace $0x80000046;
	[dreg:$0x1] =	wrdreg $0xFFFFFFFF  }
0xa7: {  	s28 =	simm.s32 $_size_execute0_lowered;
	s3 =	sadd.s32 s3, s5;
	[dreg:$0x0] =	wrdreg $0x0  }
0xa8: {  	s5 =	sshll.u32 s28, $0x1;
	[dreg:$0x2] =	wrdreg s3  }
0xa9: {  	[dreg:$0x3] =	wrdreg s5  }
0xaa: {  	[dreg:$0x4] =	wrdreg $0xC0  }
0xab: {  	_ =	task [dreg:s7], $0x5FFFF  }
0xac: {  	[dreg:$0x1] =	wrdreg $0xFFFFFFFF  }
0xad: {  	[dreg:$0x0] =	wrdreg $0x60  }
0xae: {  	[dreg:$0x2] =	wrdreg s2  }
0xaf: {  	[dreg:$0x3] =	wrdreg s24  }
0xb0: {  	[dreg:$0x4] =	wrdreg $0x9  }
0xb1: {  	_ =	task.clear_ibuf [dreg:s7], $0x5FFFF;
	_ =	strace $0x90000046  }
0xb2: {  	s29 =	simm.s32 $0x9;
	_ =	strace $0x80000048  }
0xb3: {  	_ =	swait.ge [sflag:s29], $0x1  }
0xb4: {  	[sflag:s29] =	ssyncadd.s32 $0xFFFFFFFF  }
0xb5: {  	_ =	strace $0x90000048  }
0xb6: {  	_ =	sfence  }
0xb7: {  	s30 =	sld [smem:$0x0];
	_ =	sdelay $0x2  }
0xb8: {  	s31 =	sshll.u32 s1, $0xD;
	s1 =	sshrl.u32 s1, $0x2  }
0xb9: {  	s3 =	sand.u32 $0x4000, s31;
	s1 =	sadd.s32 s1, s30  }
0xba: {  	s0 =	sor.u32 s3, s0;
	s1 =	sshll.u32 s1, $0x11  }
0xbb: {  	s0 =	sor.u32 s1, s0  }
0xbc: {  	s0 =	sadd.s32 $0x8F2B, s0  }
0xbd: {  	[sflag:s0] =	ssyncadd.remote.s32 $0x1  }
0xbe: {  	_ =	sfence.sel $0xFFFF  }
0xbf: {  	[dreg:$0x0] =	wrdreg $0xFFFFFFFF;
	(pc) =	sbr.abs _section_cstart, $3  }
0xc0: {  	[dreg:$0x1] =	wrdreg $0xFFFFFFFF  }
0xc1: {  	_ =	task.clear_ibuf [dreg:s7], $0x2FFFF;
	_ =	strace $0x9FFFFFFF  }
0xc2: {  	(tm) =	ssettm $0x7FFFFFFF  }
0xc3: {  	_ =	shalt  }
tec
execute0_lowered:
.L_overlay_start_1:
0x0: {  	(tag) =	ssettag $0x1  }
0x1: {  	v0 =	vimm.s32 $0xFEDCBA98;
	s3 =	rddreg [dreg:$0x0];
	v1 =	vimm.s32 $0x76543210;
	s2 =	srdreg.scid  }
0x2: {  	s0 =	simm.s32 $0x0;
	s1 =	stileid.u32;
	s6 =	rddreg [dreg:$0x1];
	v2 =	vimm.s32 $0x3210FEDC;
	v3 =	vimm.s32 $0xBA987654;
	v4 =	vimm.s32 $0x10FEDCBA  }
0x3: {  	v5 =	vimm.s32 $0x98765432;
	v6 =	vimm.s32 $0xFEDCBA9;
	s8 =	simm.s32 $0x400;
	s9 =	simm.s32 $0x2000;
	s10 =	simm.s32 $0x1  }
0x4: {  	v7 =	vimm.s32 $0x87654321;
	s11 =	simm.s32 $0x2;
	s12 =	simm.s32 $0x4000;
	s13 =	simm.s32 $0x3;
	v0 =	vunpack.c.l.s4.s8 v0;
	v1 =	vunpack.c.l.s4.s8 v1  }
0x5: {  	s14 =	simm.s32 $0x0;
	s2 =	sand.u32 $0x1, s2;
	s4 =	sshll.u32 s1, $0x6;
	v2 =	vunpack.c.l.s4.s8 v2;
	v3 =	vunpack.c.l.s4.s8 v3;
	v4 =	vunpack.c.l.s4.s8 v4  }
0x6: {  	s5 =	sshll.u32 s1, $0xB;
	v5 =	vunpack.c.l.s4.s8 v5;
	v6 =	vunpack.c.l.s4.s8 v6;
	v7 =	vunpack.c.l.s4.s8 v7;
	s7 =	sshll.u32 s2, $0x5;
	s4 =	sand.u32 $0x40, s4  }
0x7: {  	[smem:$0x7FF] =	sst s0;
	s5 =	sand.u32 $0x7000, s5;
	v0 =	vunpack.c.0.s8.s32 v0;
	v1 =	vunpack.c.0.s8.s32 v1;
	s4 =	sor.u32 s7, s4;
	v2 =	vunpack.c.0.s8.s32 v2  }
0x8: {  	s30 =	ssub.s32 $0x2, s2;
	s2 =	rddreg [dreg:$0x2];
	v3 =	vunpack.c.0.s8.s32 v3;
	v4 =	vunpack.c.0.s8.s32 v4;
	v5 =	vunpack.c.0.s8.s32 v5;
	s4 =	sor.u32 s5, s4  }
0x9: {  	_ =	strace $0x80000047;
	s31 =	sshrl.u32 s30, $0x1;
	v6 =	vunpack.c.0.s8.s32 v6;
	v7 =	vunpack.c.0.s8.s32 v7;
	v0 =	vand.u32 $0xF, v0;
	s6 =	sadd.s32 s4, s6  }
0xa: {  	s7 =	ssub.s32 s30, s31;
	s3 =	sadd.s32 s3, s4;
	s4 =	sadd.s32 $0xE00, s6;
	v0 =	vcombine.low v0, v1;
	v1 =	vcombine.low v3, v2  }
0xb: {  	s5 =	sadd.s32 $0x8E00, s6;
	s6 =	smax.u32 s7, $0x1;
	s7 =	simm.s32 $0x100;
	v2 =	vcombine.low v5, v4;
	v3 =	vcombine.low v7, v6  }
.LBB2_1:
0xc: {  	[tilespmem:s0], [sflag:$0x1] =	stream.strided.gather [hbm4b:s3+s7], $0x2000, s8, s7, $0x38;
	[tilespmem:$0x6000] =	vst v63  }
0xd: {  	_ = 	snop  }
0xe: {  	[tilespmem:s9], [sflag:$0x2] =	stream.strided.gather [hbm4b:s4+s7], $0x2000, s8, s7, $0x38;
	[tilespmem:$0x6000] =	vst v63  }
0xf: {  	_ =	swait.ge [sflag:s10], $0x2000  }
0x10: {  	[sflag:s10] =	ssyncset.done $0x0  }
0x11: {  	[sflag:s10] =	ssyncadd.s32 $0xFFFFE000  }
0x12: {  	_ =	swait.ge [sflag:s11], $0x2000  }
0x13: {  	[sflag:s11] =	ssyncset.done $0x0  }
0x14: {  	s15 =	simm.s32 $0x0;
	[sflag:s11] =	ssyncadd.s32 $0xFFFFE000  }
0x15: {  	v4 =	vld [tilespmem:s15+$0x0]  }
0x16: {  	v15 =	vld [tilespmem:s15+$0x10]  }
0x17: {  	v16 =	vld [tilespmem:s15+$0x20]  }
0x18: {  	v17 =	vld [tilespmem:s15+$0x30]  }
0x19: {  	v20 =	vld [tilespmem:s15+$0x40]  }
0x1a: {  	v22 =	vld [tilespmem:s15+$0x50]  }
0x1b: {  	v14 =	vld [tilespmem:s15+$0x60]  }
0x1c: {  	v13 =	vld [tilespmem:s15+$0x70]  }
0x1d: {  	v12 =	vld [tilespmem:s15+$0x100]  }
0x1e: {  	v11 =	vld [tilespmem:s15+$0x110]  }
0x1f: {  	v10 =	vld [tilespmem:s15+$0x120]  }
0x20: {  	v9 =	vld [tilespmem:s15+$0x130]  }
0x21: {  	v8 =	vld [tilespmem:s15+$0x140]  }
0x22: {  	v7 =	vld [tilespmem:s15+$0x150]  }
0x23: {  	v6 =	vld [tilespmem:s15+$0x160]  }
0x24: {  	v18 =	vld [tilespmem:s15+$0x2000]  }
0x25: {  	v21 =	vld [tilespmem:s15+$0x2010]  }
0x26: {  	v23 =	vld [tilespmem:s15+$0x2020]  }
0x27: {  	v24 =	vld [tilespmem:s15+$0x2030]  }
0x28: {  	v25 =	vld [tilespmem:s15+$0x2040]  }
0x29: {  	v26 =	vld [tilespmem:s15+$0x2050]  }
0x2a: {  	v5 =	vld [tilespmem:s15+$0x170];
	v4 =	vadd.f32 v18, v4  }
0x2b: {  	v19 =	vld [tilespmem:s15+$0x2060];
	v21 =	vadd.f32 v21, v15  }
0x2c: {  	v18 =	vld [tilespmem:s15+$0x2070];
	v23 =	vadd.f32 v23, v16;
	[tilespmem:s15+$0x2000] =	vst v4  }
0x2d: {  	v16 =	vld [tilespmem:s15+$0x2100];
	v24 =	vadd.f32 v24, v17;
	[tilespmem:s15+$0x2010] =	vst v21  }
0x2e: {  	v15 =	vld [tilespmem:s15+$0x2110];
	v17 =	vadd.f32 v25, v20;
	v22 =	vadd.f32 v26, v22;
	[tilespmem:s15+$0x2020] =	vst v23  }
0x2f: {  	s16 =	simm.s32 $0x800;
	v20 =	vld [tilespmem:s15+$0x2120];
	v21 =	vmax.f32 v4, v21;
	v4 =	vimm.f32 $-Inf;
	[tilespmem:s15+$0x2030] =	vst v24;
	v23 =	vmax.f32 v23, v24  }
.LBB2_2:
0x30: {  	p0 =	sne.s32 s16, $0x7800;
	[tilespmem:s15+$0x2040] =	vst v17;
	v14 =	vadd.f32 v19, v14;
	v19 =	vld [tilespmem:s15+$0x2130];
	v21 =	vmax.f32 v21, v23  }
0x31: {  	[tilespmem:s15+$0x2050] =	vst v22;
	v13 =	vadd.f32 v18, v13;
	v18 =	vld [tilespmem:s15+$0x2140];
	v17 =	vmax.f32 v17, v22  }
0x32: {  	[tilespmem:s15+$0x2060] =	vst v14;
	v12 =	vadd.f32 v16, v12;
	v16 =	vld [tilespmem:s15+$0x2150]  }
0x33: {  	[tilespmem:s15+$0x2070] =	vst v13;
	v11 =	vadd.f32 v15, v11;
	v15 =	vld [tilespmem:s15+$0x2160];
	v13 =	vmax.f32 v14, v13  }
0x34: {  	s17 =	sshra.s32 s16, $0x2;
	[tilespmem:s15+$0x2100] =	vst v12;
	v10 =	vadd.f32 v20, v10;
	v14 =	vld [tilespmem:s15+$0x2170];
	v13 =	vmax.f32 v17, v13  }
0x35: {  	v17 =	vld [tilespmem:s17+$0x0];
	[tilespmem:s15+$0x2110] =	vst v11;
	v9 =	vadd.f32 v19, v9;
	v11 =	vmax.f32 v12, v11;
	v19 =	vmax.f32 v21, v13  }
0x36: {  	v20 =	vld [tilespmem:s17+$0x10];
	[tilespmem:s15+$0x2120] =	vst v10;
	v8 =	vadd.f32 v18, v8  }
0x37: {  	v18 =	vld [tilespmem:s17+$0x20];
	[tilespmem:s15+$0x2130] =	vst v9;
	v7 =	vadd.f32 v16, v7;
	v9 =	vmax.f32 v10, v9  }
0x38: {  	v16 =	vld [tilespmem:s17+$0x30];
	[tilespmem:s15+$0x2140] =	vst v8;
	v6 =	vadd.f32 v15, v6;
	v9 =	vmax.f32 v11, v9  }
0x39: {  	v15 =	vld [tilespmem:s17+$0x40];
	[tilespmem:s15+$0x2150] =	vst v7;
	v5 =	vadd.f32 v14, v5;
	v7 =	vmax.f32 v8, v7  }
0x3a: {  	v22 =	vld [tilespmem:s17+$0x50];
	[tilespmem:s15+$0x2160] =	vst v6  }
0x3b: {  	v14 =	vld [tilespmem:s17+$0x60];
	[tilespmem:s15+$0x2170] =	vst v5;
	v5 =	vmax.f32 v6, v5;
	s15 =	smov.u32 s17  }
0x3c: {  	v13 =	vld [tilespmem:s15+$0x70];
	v5 =	vmax.f32 v7, v5  }
0x3d: {  	v12 =	vld [tilespmem:s15+$0x100];
	v5 =	vmax.f32 v9, v5  }
0x3e: {  	v11 =	vld [tilespmem:s15+$0x110];
	v5 =	vmax.f32 v19, v5  }
0x3f: {  	v10 =	vld [tilespmem:s15+$0x120];
	v4 =	vmax.f32 v4, v5  }
0x40: {  	v9 =	vld [tilespmem:s15+$0x130]  }
0x41: {  	v8 =	vld [tilespmem:s15+$0x140]  }
0x42: {  	v7 =	vld [tilespmem:s15+$0x150]  }
0x43: {  	v6 =	vld [tilespmem:s15+$0x160]  }
0x44: {  	v5 =	vld [tilespmem:s15+$0x170]  }
0x45: {  	v19 =	vld [tilespmem:s15+$0x2000]  }
0x46: {  	v21 =	vld [tilespmem:s15+$0x2010]  }
0x47: {  	v23 =	vld [tilespmem:s15+$0x2020]  }
0x48: {  	v24 =	vld [tilespmem:s15+$0x2030]  }
0x49: {  	v25 =	vld [tilespmem:s15+$0x2040]  }
0x4a: {  	v17 =	vadd.f32 v19, v17;
	v26 =	vld [tilespmem:s15+$0x2050]  }
.Ltmp0:
0x4b: {  	v20 =	vadd.f32 v21, v20;
	v19 =	vld [tilespmem:s15+$0x2060];
	(pc) =	sbr.rel @p0 .LBB2_2-.Ltmp0, $4  }
0x4c: {  	[tilespmem:s15+$0x2000] =	vst v17;
	v23 =	vadd.f32 v23, v18;
	v18 =	vld [tilespmem:s15+$0x2070]  }
0x4d: {  	[tilespmem:s15+$0x2010] =	vst v20;
	v24 =	vadd.f32 v24, v16;
	v16 =	vld [tilespmem:s15+$0x2100];
	v21 =	vmax.f32 v17, v20  }
0x4e: {  	[tilespmem:s15+$0x2020] =	vst v23;
	v17 =	vadd.f32 v25, v15;
	v15 =	vld [tilespmem:s15+$0x2110]  }
0x4f: {  	s16 =	sadd.s32 $0x800, s16;
	[tilespmem:s15+$0x2030] =	vst v24;
	v22 =	vadd.f32 v26, v22;
	v20 =	vld [tilespmem:s15+$0x2120];
	v23 =	vmax.f32 v23, v24  }
0x50: {  	v24 =	vld [tilespmem:s15+$0x2130]  }
0x51: {  	v14 =	vadd.f32 v19, v14;
	v19 =	vld [tilespmem:s15+$0x2140]  }
0x52: {  	v25 =	vld [tilespmem:s15+$0x2170]  }
0x53: {  	v13 =	vadd.f32 v18, v13;
	v18 =	vld [tilespmem:s15+$0x2150]  }
0x54: {  	v12 =	vadd.f32 v16, v12;
	v16 =	vld [tilespmem:s15+$0x2160];
	_ =	sdelay $0x1  }
0x55: {  	v11 =	vadd.f32 v15, v11  }
0x56: {  	v10 =	vadd.f32 v20, v10;
	v9 =	vadd.f32 v24, v9  }
0x57: {  	[tilespmem:s15+$0x2040] =	vst v17;
	v8 =	vadd.f32 v19, v8;
	v5 =	vadd.f32 v25, v5  }
0x58: {  	[tilespmem:s15+$0x2070] =	vst v13;
	v15 =	vmax.f32 v21, v23;
	v7 =	vadd.f32 v18, v7;
	v6 =	vadd.f32 v16, v6  }
0x59: {  	v13 =	vmax.f32 v14, v13;
	[tilespmem:s15+$0x2100] =	vst v12;
	v12 =	vmax.f32 v12, v11;
	v16 =	vmax.f32 v17, v22  }
0x5a: {  	[tilespmem:s15+$0x2060] =	vst v14;
	v14 =	vmax.f32 v10, v9;
	v17 =	vmax.f32 v8, v7;
	v18 =	vmax.f32 v6, v5  }
0x5b: {  	v13 =	vmax.f32 v16, v13;
	v12 =	vmax.f32 v12, v14;
	v14 =	vmax.f32 v17, v18  }
0x5c: {  	v13 =	vmax.f32 v15, v13;
	v12 =	vmax.f32 v12, v14  }
0x5d: {  	[tilespmem:s15+$0x2050] =	vst v22;
	v12 =	vmax.f32 v13, v12  }
0x5e: {  	[tilespmem:s15+$0x2110] =	vst v11;
	v4 =	vmax.f32 v4, v12  }
0x5f: {  	[tilespmem:s15+$0x2120] =	vst v10;
	v10 =	vperm.xlane v4, v0  }
0x60: {  	[tilespmem:s15+$0x2130] =	vst v9  }
0x61: {  	[tilespmem:s15+$0x2140] =	vst v8;
	v4 =	vmax.f32 v4, v10  }
0x62: {  	[tilespmem:s15+$0x2150] =	vst v7;
	v7 =	vperm.xlane v4, v1  }
0x63: {  	[tilespmem:s15+$0x2170] =	vst v5  }
0x64: {  	s16 =	simm.s32 $0x0;
	[tilespmem:s15+$0x2160] =	vst v6;
	v4 =	vmax.f32 v4, v7  }
0x65: {  	v6 =	vld [tilespmem:s16+$0x2000];
	v5 =	vperm.xlane v4, v2  }
0x66: {  	v7 =	vld [tilespmem:s16+$0x2010]  }
0x67: {  	v4 =	vmax.f32 v4, v5;
	v5 =	vld [tilespmem:s16+$0x2020]  }
0x68: {  	v9 =	vld [tilespmem:s16+$0x2030];
	v8 =	vperm.xlane v4, v3;
	_ =	sdelay $0x1  }
0x69: {  	v4 =	vmax.f32 v4, v8  }
0x6a: {  	v8 =	vld [tilespmem:s16+$0x2040];
	v6 =	vsub.f32 v6, v4  }
0x6b: {  	v10 =	vld [tilespmem:s16+$0x2050];
	v7 =	vsub.f32 v7, v4;
	v5 =	vsub.f32 v5, v4  }
0x6c: {  	v9 =	vsub.f32 v9, v4;
	v6 =	vadd.f32 v6, v6  }
0x6d: {  	v11 =	vld [tilespmem:s16+$0x2060];
	v7 =	vadd.f32 v7, v7;
	v5 =	vadd.f32 v5, v5  }
0x6e: {  	v13 =	vld [tilespmem:s16+$0x2100];
	v9 =	vadd.f32 v9, v9;
	v6 =	vmul.f32 $1.442695020e+00, v6  }
0x6f: {  	v12 =	vld [tilespmem:s16+$0x2070];
	v7 =	vmul.f32 $1.442695020e+00, v7;
	v8 =	vsub.f32 v8, v4;
	v5 =	vmul.f32 $1.442695020e+00, v5  }
0x70: {  	v10 =	vsub.f32 v10, v4;
	(erf) = vpow2.f32 v6;
	v6 =	vmul.f32 $1.442695020e+00, v9;
	v9 =	vld [tilespmem:s16+$0x2110]  }
0x71: {  	(erf) = vpow2.f32 v7;
	v7 =	vadd.f32 v8, v8  }
0x72: {  	v8 =	vsub.f32 v11, v4;
	(erf) = vpow2.f32 v5;
	v5 =	vadd.f32 v10, v10  }
0x73: {  	v10 =	vld [tilespmem:s16+$0x2120];
	(erf) = vpow2.f32 v6;
	v6 =	vmul.f32 $1.442695020e+00, v7  }
0x74: {  	v11 =	vld [tilespmem:s16+$0x2130];
	v7 =	vsub.f32 v12, v4;
	v8 =	vadd.f32 v8, v8;
	v5 =	vmul.f32 $1.442695020e+00, v5  }
0x75: {  	(erf) = vpow2.f32 v6;
	v6 =	vsub.f32 v13, v4;
	v9 =	vsub.f32 v9, v4  }
0x76: {  	v12 =	vld [tilespmem:s16+$0x2140];
	v7 =	vadd.f32 v7, v7;
	v8 =	vmul.f32 $1.442695020e+00, v8  }
0x77: {  	(erf) = vpow2.f32 v5;
	v5 =	vadd.f32 v6, v6;
	v6 =	vadd.f32 v9, v9;
	v9 =	vld [tilespmem:s16+$0x2150]  }
0x78: {  	v7 =	vmul.f32 $1.442695020e+00, v7;
	v10 =	vsub.f32 v10, v4  }
0x79: {  	v11 =	vsub.f32 v11, v4;
	(erf) = vpow2.f32 v8;
	v5 =	vmul.f32 $1.442695020e+00, v5  }
0x7a: {  	v14 =	vld [tilespmem:s16+$0x2160];
	v8 =	vpop (erf);
	v6 =	vmul.f32 $1.442695020e+00, v6;
	(erf) = vpow2.f32 v7;
	v7 =	vadd.f32 v10, v10  }
0x7b: {  	v12 =	vsub.f32 v12, v4;
	v11 =	vadd.f32 v11, v11;
	v13 =	vpop (erf);
	(erf) = vpow2.f32 v5  }
0x7c: {  	v10 =	vpop (erf);
	(erf) = vpow2.f32 v6;
	v6 =	vmul.f32 $1.442695020e+00, v7;
	v7 =	vsub.f32 v9, v4  }
0x7d: {  	v16 =	vld [tilespmem:s16+$0x2170]  }
0x7e: {  	v12 =	vadd.f32 v12, v12;
	v11 =	vmul.f32 $1.442695020e+00, v11;
	v7 =	vadd.f32 v7, v7  }
0x7f: {  	[tilespmem:s16+$0x2000] =	vst v8;
	v5 =	vpop (erf);
	(erf) = vpow2.f32 v6;
	v6 =	vsub.f32 v14, v4  }
0x80: {  	[tilespmem:s16+$0x2010] =	vst v13;
	v12 =	vmul.f32 $1.442695020e+00, v12;
	v9 =	vpop (erf);
	v7 =	vmul.f32 $1.442695020e+00, v7  }
0x81: {  	[tilespmem:s16+$0x2020] =	vst v10;
	v14 =	vpop (erf);
	(erf) = vpow2.f32 v11;
	v6 =	vadd.f32 v6, v6  }
0x82: {  	s15 =	simm.s32 $0x200;
	[tilespmem:s16+$0x2030] =	vst v5;
	v11 =	vpop (erf);
	(erf) = vpow2.f32 v12;
	v12 =	vsub.f32 v16, v4  }
0x83: {  	v15 =	vld [tilespmem:s15+$0x2000];
	[tilespmem:s16+$0x2040] =	vst v9;
	v16 =	vpop (erf);
	v6 =	vmul.f32 $1.442695020e+00, v6  }
0x84: {  	v17 =	vld [tilespmem:s15+$0x2010];
	[tilespmem:s16+$0x2050] =	vst v14;
	(erf) = vpow2.f32 v7;
	v12 =	vadd.f32 v12, v12;
	v7 =	vpop (erf)  }
0x85: {  	v18 =	vld [tilespmem:s15+$0x2020];
	[tilespmem:s16+$0x2060] =	vst v11;
	v20 =	vpop (erf);
	(erf) = vpow2.f32 v6  }
0x86: {  	v19 =	vld [tilespmem:s15+$0x2030];
	[tilespmem:s16+$0x2070] =	vst v16;
	v6 =	vmul.f32 $1.442695020e+00, v12  }
0x87: {  	[tilespmem:s16+$0x2100] =	vst v7  }
0x88: {  	[tilespmem:s16+$0x2110] =	vst v20;
	(erf) = vpow2.f32 v6  }
0x89: {  	v15 =	vsub.f32 v15, v4;
	v12 =	vpop (erf);
	v21 =	vld [tilespmem:s15+$0x2040]  }
0x8a: {  	v17 =	vsub.f32 v17, v4;
	v18 =	vsub.f32 v18, v4;
	[tilespmem:s16+$0x2120] =	vst v12;
	v6 =	vpop (erf)  }
0x8b: {  	v15 =	vadd.f32 v15, v15;
	v19 =	vsub.f32 v19, v4;
	v22 =	vld [tilespmem:s15+$0x2050];
	[tilespmem:s16+$0x2130] =	vst v6  }
0x8c: {  	v17 =	vadd.f32 v17, v17;
	v18 =	vadd.f32 v18, v18;
	v23 =	vpop (erf);
	v56 =	vld [tilespmem:s15+$0x2060]  }
0x8d: {  	v8 =	vadd.f32 v13, v8;
	v15 =	vmul.f32 $1.442695020e+00, v15;
	v19 =	vadd.f32 v19, v19;
	[tilespmem:s16+$0x2140] =	vst v23;
	v57 =	vpop (erf)  }
0x8e: {  	v17 =	vmul.f32 $1.442695020e+00, v17;
	v18 =	vmul.f32 $1.442695020e+00, v18;
	v26 =	vld [tilespmem:s15+$0x2070];
	[tilespmem:s16+$0x2150] =	vst v57;
	v21 =	vsub.f32 v21, v4;
	v27 =	vpop (erf)  }
0x8f: {  	v5 =	vadd.f32 v5, v10;
	(erf) = vpow2.f32 v15;
	v15 =	vmul.f32 $1.442695020e+00, v19;
	v28 =	vld [tilespmem:s15+$0x2100];
	[tilespmem:s16+$0x2160] =	vst v27  }
0x90: {  	(erf) = vpow2.f32 v17;
	v22 =	vsub.f32 v22, v4;
	v17 =	vadd.f32 v21, v21;
	v19 =	vld [tilespmem:s15+$0x2110]  }
0x91: {  	v9 =	vadd.f32 v14, v9;
	(erf) = vpow2.f32 v18;
	v13 =	vpop (erf);
	v21 =	vsub.f32 v56, v4  }
0x92: {  	(erf) = vpow2.f32 v15;
	v18 =	vadd.f32 v22, v22;
	v15 =	vmul.f32 $1.442695020e+00, v17;
	[tilespmem:s16+$0x2170] =	vst v13  }
0x93: {  	v10 =	vsub.f32 v26, v4;
	v17 =	vld [tilespmem:s15+$0x2120];
	v21 =	vadd.f32 v21, v21  }
0x94: {  	v22 =	vld [tilespmem:s15+$0x2130];
	v18 =	vmul.f32 $1.442695020e+00, v18;
	(erf) = vpow2.f32 v15;
	v15 =	vsub.f32 v28, v4  }
0x95: {  	v10 =	vadd.f32 v10, v10;
	v21 =	vmul.f32 $1.442695020e+00, v21;
	v19 =	vsub.f32 v19, v4  }
0x96: {  	v5 =	vadd.f32 v5, v8;
	v11 =	vadd.f32 v16, v11;
	v58 =	vld [tilespmem:s15+$0x2140];
	(erf) = vpow2.f32 v18  }
0x97: {  	v59 =	vld [tilespmem:s15+$0x2150];
	v15 =	vadd.f32 v15, v15;
	v10 =	vmul.f32 $1.442695020e+00, v10;
	v18 =	vadd.f32 v19, v19  }
0x98: {  	v9 =	vadd.f32 v11, v9;
	v60 =	vld [tilespmem:s15+$0x2170];
	(erf) = vpow2.f32 v21;
	v17 =	vsub.f32 v17, v4  }
0x99: {  	v14 =	vmul.f32 $1.442695020e+00, v15;
	v19 =	vld [tilespmem:s15+$0x2160];
	v22 =	vsub.f32 v22, v4;
	v21 =	vpop (erf);
	(erf) = vpow2.f32 v10  }
0x9a: {  	v7 =	vadd.f32 v20, v7;
	v15 =	vmul.f32 $1.442695020e+00, v18;
	v10 =	vadd.f32 v17, v17  }
0x9b: {  	v16 =	vsub.f32 v58, v4;
	v22 =	vadd.f32 v22, v22;
	v18 =	vpop (erf);
	(erf) = vpow2.f32 v14  }
0x9c: {  	v8 =	vsub.f32 v59, v4;
	[tilespmem:s15+$0x2000] =	vst v21;
	v10 =	vmul.f32 $1.442695020e+00, v10;
	v17 =	vpop (erf);
	(erf) = vpow2.f32 v15  }
0x9d: {  	v11 =	vsub.f32 v60, v4;
	v16 =	vadd.f32 v16, v16;
	v22 =	vmul.f32 $1.442695020e+00, v22;
	[tilespmem:s15+$0x2010] =	vst v18  }
0x9e: {  	v8 =	vadd.f32 v8, v8;
	v14 =	vpop (erf);
	[tilespmem:s15+$0x2020] =	vst v17;
	(erf) = vpow2.f32 v10;
	v10 =	vsub.f32 v19, v4  }
0x9f: {  	v9 =	vadd.f32 v9, v5;
	s16 =	simm.s32 $0x400;
	v5 =	vadd.f32 v11, v11;
	[tilespmem:s15+$0x2030] =	vst v14;
	v15 =	vpop (erf)  }
0xa0: {  	v16 =	vmul.f32 $1.442695020e+00, v16;
	v8 =	vmul.f32 $1.442695020e+00, v8;
	v61 =	vld [tilespmem:s16+$0x2000];
	[tilespmem:s15+$0x2040] =	vst v15;
	v19 =	vpop (erf);
	v10 =	vadd.f32 v10, v10  }
0xa1: {  	v6 =	vadd.f32 v6, v12;
	v5 =	vmul.f32 $1.442695020e+00, v5;
	(erf) = vpow2.f32 v22;
	v20 =	vld [tilespmem:s16+$0x2010];
	[tilespmem:s15+$0x2050] =	vst v19;
	v22 =	vpop (erf)  }
0xa2: {  	v12 =	vadd.f32 v57, v23;
	(erf) = vpow2.f32 v16;
	v62 =	vld [tilespmem:s16+$0x2020];
	[tilespmem:s15+$0x2060] =	vst v22;
	v11 =	vpop (erf);
	v10 =	vmul.f32 $1.442695020e+00, v10  }
0xa3: {  	v15 =	vadd.f32 v19, v15;
	(erf) = vpow2.f32 v8;
	v63 =	vld [tilespmem:s16+$0x2030];
	[tilespmem:s15+$0x2070] =	vst v11;
	v11 =	vadd.f32 v11, v22  }
0xa4: {  	v14 =	vadd.f32 v14, v17;
	v8 =	vpop (erf);
	(erf) = vpow2.f32 v10;
	v10 =	vadd.f32 v13, v27  }
0xa5: {  	v16 =	vadd.f32 v18, v21;
	v11 =	vadd.f32 v11, v15;
	v18 =	vpop (erf);
	(erf) = vpow2.f32 v5  }
0xa6: {  	v5 =	vadd.f32 v6, v7;
	v6 =	vadd.f32 v10, v12  }
0xa7: {  	v10 =	vadd.f32 v14, v16;
	v7 =	vadd.f32 v18, v8  }
0xa8: {  	[tilespmem:s15+$0x2100] =	vst v8;
	v16 =	vsub.f32 v61, v4;
	v6 =	vadd.f32 v6, v5  }
0xa9: {  	[tilespmem:s15+$0x2110] =	vst v18;
	v17 =	vpop (erf);
	v5 =	vadd.f32 v11, v10;
	v11 =	vsub.f32 v20, v4  }
0xaa: {  	v19 =	vsub.f32 v62, v4;
	v13 =	vld [tilespmem:s16+$0x2040];
	[tilespmem:s15+$0x2120] =	vst v17;
	v12 =	vpop (erf);
	v23 =	vsub.f32 v63, v4  }
0xab: {  	v14 =	vld [tilespmem:s16+$0x2050];
	[tilespmem:s15+$0x2130] =	vst v12;
	v10 =	vpop (erf);
	v8 =	vadd.f32 v6, v9;
	v9 =	vadd.f32 v16, v16  }
0xac: {  	v20 =	vadd.f32 v19, v19;
	v15 =	vld [tilespmem:s16+$0x2060];
	v21 =	vadd.f32 v11, v11;
	[tilespmem:s15+$0x2140] =	vst v10;
	v22 =	vpop (erf)  }
0xad: {  	v6 =	vimm.f32 $0.0e+00;
	v16 =	vld [tilespmem:s16+$0x2070];
	[tilespmem:s15+$0x2150] =	vst v22;
	v18 =	vmul.f32 $1.442695020e+00, v9;
	v9 =	vadd.f32 v12, v17;
	v11 =	vpop (erf)  }
0xae: {  	s17 =	simm.s32 $0x1800;
	v19 =	vmul.f32 $1.442695020e+00, v21;
	v21 =	vadd.f32 v23, v23;
	v10 =	vadd.f32 v22, v10;
	v17 =	vld [tilespmem:s16+$0x2100];
	[tilespmem:s15+$0x2160] =	vst v11;
	v12 =	vpop (erf)  }
.LBB2_4:
0xaf: {  	p0 =	sne.s32 s17, $0x7800;
	v20 =	vmul.f32 $1.442695020e+00, v20;
	v13 =	vsub.f32 v13, v4;
	v22 =	vld [tilespmem:s16+$0x2110];
	(erf) = vpow2.f32 v18;
	[tilespmem:s15+$0x2170] =	vst v12;
	s15 =	smov.u32 s16  }
0xb0: {  	v18 =	vmul.f32 $1.442695020e+00, v21;
	v14 =	vsub.f32 v14, v4;
	(erf) = vpow2.f32 v19  }
0xb1: {  	v13 =	vadd.f32 v13, v13;
	v15 =	vsub.f32 v15, v4;
	(erf) = vpow2.f32 v20  }
0xb2: {  	v14 =	vadd.f32 v14, v14;
	v16 =	vsub.f32 v16, v4;
	v19 =	vld [tilespmem:s15+$0x2120];
	(erf) = vpow2.f32 v18  }
0xb3: {  	v13 =	vmul.f32 $1.442695020e+00, v13;
	v15 =	vadd.f32 v15, v15;
	v17 =	vsub.f32 v17, v4;
	v18 =	vld [tilespmem:s15+$0x2130]  }
0xb4: {  	v14 =	vmul.f32 $1.442695020e+00, v14;
	v16 =	vadd.f32 v16, v16;
	v20 =	vsub.f32 v22, v4;
	v21 =	vld [tilespmem:s15+$0x2140]  }
0xb5: {  	v15 =	vmul.f32 $1.442695020e+00, v15;
	v17 =	vadd.f32 v17, v17;
	v22 =	vld [tilespmem:s15+$0x2150];
	(erf) = vpow2.f32 v13  }
0xb6: {  	v13 =	vmul.f32 $1.442695020e+00, v16;
	v16 =	vadd.f32 v20, v20;
	v20 =	vld [tilespmem:s15+$0x2160];
	(erf) = vpow2.f32 v14  }
0xb7: {  	v14 =	vmul.f32 $1.442695020e+00, v17;
	v17 =	vsub.f32 v19, v4;
	v19 =	vld [tilespmem:s15+$0x2170];
	(erf) = vpow2.f32 v15  }
0xb8: {  	v15 =	vmul.f32 $1.442695020e+00, v16;
	v16 =	vsub.f32 v18, v4;
	v18 =	vpop (erf);
	(erf) = vpow2.f32 v13  }
0xb9: {  	v13 =	vadd.f32 v17, v17;
	v17 =	vsub.f32 v21, v4;
	v21 =	vpop (erf);
	(erf) = vpow2.f32 v14  }
0xba: {  	v14 =	vadd.f32 v16, v16;
	v16 =	vsub.f32 v22, v4;
	v22 =	vpop (erf);
	(erf) = vpow2.f32 v15  }
0xbb: {  	v13 =	vmul.f32 $1.442695020e+00, v13;
	v15 =	vadd.f32 v17, v17;
	v17 =	vsub.f32 v20, v4;
	v20 =	vpop (erf)  }
0xbc: {  	v14 =	vmul.f32 $1.442695020e+00, v14;
	v16 =	vadd.f32 v16, v16;
	v23 =	vsub.f32 v19, v4  }
0xbd: {  	[tilespmem:s15+$0x2000] =	vst v18;
	v15 =	vmul.f32 $1.442695020e+00, v15;
	v17 =	vadd.f32 v17, v17;
	(erf) = vpow2.f32 v13  }
0xbe: {  	[tilespmem:s15+$0x2010] =	vst v21;
	v13 =	vmul.f32 $1.442695020e+00, v16;
	v16 =	vadd.f32 v23, v23;
	v19 =	vpop (erf);
	(erf) = vpow2.f32 v14  }
0xbf: {  	v23 =	vadd.f32 v21, v18;
	[tilespmem:s15+$0x2020] =	vst v22;
	v14 =	vmul.f32 $1.442695020e+00, v17;
	v18 =	vpop (erf);
	(erf) = vpow2.f32 v15  }
0xc0: {  	s16 =	sshra.s32 s17, $0x2;
	[tilespmem:s15+$0x2030] =	vst v20;
	v15 =	vmul.f32 $1.442695020e+00, v16;
	v16 =	vadd.f32 v20, v22;
	v20 =	vpop (erf);
	(erf) = vpow2.f32 v13  }
0xc1: {  	v11 =	vadd.f32 v12, v11;
	v13 =	vld [tilespmem:s16+$0x2000];
	[tilespmem:s15+$0x2040] =	vst v19;
	v19 =	vadd.f32 v18, v19;
	v21 =	vpop (erf);
	(erf) = vpow2.f32 v14  }
0xc2: {  	v12 =	vld [tilespmem:s16+$0x2010];
	[tilespmem:s15+$0x2050] =	vst v18;
	v14 =	vadd.f32 v21, v20;
	v16 =	vadd.f32 v16, v23;
	v17 =	vpop (erf);
	(erf) = vpow2.f32 v15  }
0xc3: {  	v9 =	vadd.f32 v9, v7;
	v10 =	vadd.f32 v11, v10;
	v15 =	vld [tilespmem:s16+$0x2020];
	[tilespmem:s15+$0x2060] =	vst v20;
	v18 =	vpop (erf)  }
0xc4: {  	v11 =	vld [tilespmem:s16+$0x2030];
	[tilespmem:s15+$0x2070] =	vst v21;
	v7 =	vadd.f32 v18, v17;
	v14 =	vadd.f32 v14, v19  }
0xc5: {  	v6 =	vadd.f32 v8, v6;
	v9 =	vadd.f32 v10, v9;
	[tilespmem:s15+$0x2100] =	vst v17  }
0xc6: {  	v10 =	vsub.f32 v13, v4;
	[tilespmem:s15+$0x2110] =	vst v18;
	v16 =	vadd.f32 v14, v16;
	v17 =	vpop (erf)  }
.Ltmp1:
0xc7: {  	v8 =	vadd.f32 v9, v5;
	v12 =	vsub.f32 v12, v4;
	v13 =	vld [tilespmem:s16+$0x2040];
	[tilespmem:s15+$0x2120] =	vst v17;
	v19 =	vpop (erf);
	(pc) =	sbr.rel @p0 .LBB2_4-.Ltmp1, $4  }
0xc8: {  	v9 =	vadd.f32 v10, v10;
	v10 =	vsub.f32 v15, v4;
	v14 =	vld [tilespmem:s16+$0x2050];
	[tilespmem:s15+$0x2130] =	vst v19;
	v22 =	vpop (erf);
	v5 =	vmov v16  }
0xc9: {  	v24 =	vadd.f32 v12, v12;
	v21 =	vsub.f32 v11, v4;
	v15 =	vld [tilespmem:s16+$0x2060];
	[tilespmem:s15+$0x2140] =	vst v22;
	v23 =	vpop (erf)  }
0xca: {  	v18 =	vmul.f32 $1.442695020e+00, v9;
	v20 =	vadd.f32 v10, v10;
	v16 =	vld [tilespmem:s16+$0x2070];
	[tilespmem:s15+$0x2150] =	vst v23;
	v9 =	vadd.f32 v19, v17;
	v11 =	vpop (erf)  }
0xcb: {  	s17 =	sadd.s32 $0x800, s17;
	v10 =	vadd.f32 v23, v22;
	v19 =	vmul.f32 $1.442695020e+00, v24;
	v21 =	vadd.f32 v21, v21;
	v17 =	vld [tilespmem:s16+$0x2100];
	[tilespmem:s15+$0x2160] =	vst v11;
	v12 =	vpop (erf)  }
0xcc: {  	v20 =	vmul.f32 $1.442695020e+00, v20;
	v13 =	vsub.f32 v13, v4;
	v22 =	vld [tilespmem:s16+$0x2110];
	(erf) = vpow2.f32 v18  }
0xcd: {  	v18 =	vmul.f32 $1.442695020e+00, v21;
	v14 =	vsub.f32 v14, v4;
	(erf) = vpow2.f32 v19  }
0xce: {  	[tilespmem:s15+$0x2170] =	vst v12;
	v13 =	vadd.f32 v13, v13;
	v15 =	vsub.f32 v15, v4;
	(erf) = vpow2.f32 v20  }
0xcf: {  	v19 =	vld [tilespmem:s16+$0x2120];
	v14 =	vadd.f32 v14, v14;
	v16 =	vsub.f32 v16, v4;
	(erf) = vpow2.f32 v18  }
0xd0: {  	v18 =	vld [tilespmem:s16+$0x2130];
	v13 =	vmul.f32 $1.442695020e+00, v13;
	v15 =	vadd.f32 v15, v15;
	v17 =	vsub.f32 v17, v4  }
0xd1: {  	v21 =	vld [tilespmem:s16+$0x2140];
	v14 =	vmul.f32 $1.442695020e+00, v14;
	v16 =	vadd.f32 v16, v16;
	v20 =	vsub.f32 v22, v4  }
0xd2: {  	v22 =	vld [tilespmem:s16+$0x2150];
	v15 =	vmul.f32 $1.442695020e+00, v15;
	v17 =	vadd.f32 v17, v17;
	(erf) = vpow2.f32 v13  }
0xd3: {  	v13 =	vmul.f32 $1.442695020e+00, v16;
	v16 =	vadd.f32 v20, v20;
	v20 =	vld [tilespmem:s16+$0x2160];
	(erf) = vpow2.f32 v14  }
0xd4: {  	v14 =	vmul.f32 $1.442695020e+00, v17;
	v17 =	vsub.f32 v19, v4;
	v19 =	vld [tilespmem:s16+$0x2170];
	(erf) = vpow2.f32 v15  }
0xd5: {  	v15 =	vmul.f32 $1.442695020e+00, v16;
	v16 =	vsub.f32 v18, v4;
	(erf) = vpow2.f32 v13  }
0xd6: {  	v13 =	vadd.f32 v17, v17;
	v17 =	vsub.f32 v21, v4;
	(erf) = vpow2.f32 v14  }
0xd7: {  	v14 =	vadd.f32 v16, v16;
	v16 =	vsub.f32 v22, v4;
	(erf) = vpow2.f32 v15  }
0xd8: {  	v13 =	vmul.f32 $1.442695020e+00, v13;
	v15 =	vadd.f32 v17, v17;
	v17 =	vsub.f32 v20, v4  }
0xd9: {  	v14 =	vmul.f32 $1.442695020e+00, v14;
	v16 =	vadd.f32 v16, v16;
	v4 =	vsub.f32 v19, v4  }
0xda: {  	v18 =	vpop (erf);
	v15 =	vmul.f32 $1.442695020e+00, v15;
	v17 =	vadd.f32 v17, v17  }
0xdb: {  	v19 =	vpop (erf);
	(erf) = vpow2.f32 v13;
	v16 =	vmul.f32 $1.442695020e+00, v16;
	v4 =	vadd.f32 v4, v4  }
0xdc: {  	(erf) = vpow2.f32 v14;
	v13 =	vpop (erf);
	v17 =	vmul.f32 $1.442695020e+00, v17  }
0xdd: {  	(erf) = vpow2.f32 v15;
	v14 =	vpop (erf);
	v4 =	vmul.f32 $1.442695020e+00, v4  }
0xde: {  	(erf) = vpow2.f32 v16;
	v15 =	vpop (erf)  }
0xdf: {  	(erf) = vpow2.f32 v17;
	v16 =	vpop (erf)  }
0xe0: {  	(erf) = vpow2.f32 v4;
	v17 =	vpop (erf)  }
0xe1: {  	v4 =	vpop (erf)  }
0xe2: {  	v20 =	vpop (erf)  }
0xe3: {  	v24 =	vadd.f32 v14, v13;
	v21 =	vpop (erf)  }
0xe4: {  	v22 =	vpop (erf)  }
0xe5: {  	v11 =	vadd.f32 v12, v11;
	v23 =	vadd.f32 v19, v18;
	v25 =	vpop (erf)  }
0xe6: {  	v7 =	vadd.f32 v9, v7;
	v12 =	vpop (erf)  }
0xe7: {  	v9 =	vadd.f32 v11, v10;
	v23 =	vadd.f32 v24, v23;
	v24 =	vpop (erf)  }
0xe8: {  	v26 =	vadd.f32 v16, v15;
	v27 =	vadd.f32 v4, v17;
	v10 =	vpop (erf)  }
0xe9: {  	v11 =	vadd.f32 v21, v20;
	v28 =	vadd.f32 v25, v22;
	v29 =	vpop (erf)  }
0xea: {  	v30 =	vadd.f32 v24, v12;
	v31 =	vadd.f32 v29, v10  }
0xeb: {  	v7 =	vadd.f32 v9, v7;
	v26 =	vadd.f32 v27, v26  }
0xec: {  	v9 =	vadd.f32 v28, v11;
	v11 =	vadd.f32 v31, v30  }
0xed: {  	v6 =	vadd.f32 v8, v6;
	v5 =	vadd.f32 v7, v5  }
0xee: {  	v8 =	vadd.f32 v26, v23;
	v7 =	vadd.f32 v11, v9;
	_ =	sdelay $0x1  }
0xef: {  	v5 =	vadd.f32 v5, v6;
	v6 =	vadd.f32 v7, v8;
	_ =	sdelay $0x1  }
0xf0: {  	v5 =	vadd.f32 v6, v5;
	_ =	sdelay $0x1  }
0xf1: {  	v6 =	vperm.xlane v5, v0;
	_ =	sdelay $0x1  }
0xf2: {  	[tilespmem:s16+$0x2000] =	vst v18;
	v5 =	vadd.f32 v6, v5  }
0xf3: {  	[tilespmem:s16+$0x2010] =	vst v19  }
0xf4: {  	[tilespmem:s16+$0x2020] =	vst v13;
	v6 =	vperm.xlane v5, v1  }
0xf5: {  	[tilespmem:s16+$0x2030] =	vst v14  }
0xf6: {  	[tilespmem:s16+$0x2070] =	vst v4;
	v4 =	vadd.f32 v6, v5  }
0xf7: {  	[tilespmem:s16+$0x2040] =	vst v15  }
0xf8: {  	[tilespmem:s16+$0x2050] =	vst v16;
	v5 =	vperm.xlane v4, v2  }
0xf9: {  	[tilespmem:s16+$0x2060] =	vst v17  }
0xfa: {  	[tilespmem:s16+$0x2100] =	vst v20;
	v4 =	vadd.f32 v5, v4  }
0xfb: {  	[tilespmem:s16+$0x2110] =	vst v21  }
0xfc: {  	[tilespmem:s16+$0x2120] =	vst v22;
	v5 =	vperm.xlane v4, v3  }
0xfd: {  	[tilespmem:s16+$0x2130] =	vst v25  }
0xfe: {  	[tilespmem:s16+$0x2140] =	vst v12;
	v4 =	vadd.f32 v5, v4  }
0xff: {  	[tilespmem:s16+$0x2150] =	vst v24  }
0x100: {  	[tilespmem:s16+$0x2160] =	vst v10;
	(erf) = vrcp.f32 v4  }
0x101: {  	s15 =	simm.s32 $0x0;
	[tilespmem:s16+$0x2170] =	vst v29  }
0x102: {  	v10 =	vld [tilespmem:s15+$0x2130]  }
0x103: {  	v12 =	vld [tilespmem:s15+$0x2140]  }
0x104: {  	v8 =	vld [tilespmem:s15+$0x2100]  }
0x105: {  	v6 =	vld [tilespmem:s15+$0x2110]  }
0x106: {  	v4 =	vld [tilespmem:s15+$0x2010]  }
0x107: {  	v7 =	vld [tilespmem:s15+$0x2170]  }
0x108: {  	v11 =	vld [tilespmem:s15+$0x2050]  }
0x109: {  	v9 =	vld [tilespmem:s15+$0x2160];
	v5 =	vpop (erf)  }
0x10a: {  	v16 =	vld [tilespmem:s15+$0x2000];
	v6 =	vmul.f32 v6, v5  }
0x10b: {  	v13 =	vld [tilespmem:s15+$0x2150];
	v17 =	vmul.f32 v4, v5;
	v19 =	vmul.f32 v8, v5  }
0x10c: {  	v14 =	vld [tilespmem:s15+$0x2060];
	v21 =	vmul.f32 v10, v5;
	v24 =	vmul.f32 v7, v5  }
0x10d: {  	v15 =	vld [tilespmem:s15+$0x2030];
	v7 =	vmul.f32 v12, v5;
	v20 =	vmul.f32 v11, v5  }
0x10e: {  	v12 =	vld [tilespmem:s15+$0x2120];
	v25 =	vmul.f32 v9, v5;
	[tilespmem:s15+$0x4110] =	vst v6;
	v4 =	vsub.f32 $1.000000000e+00, v17;
	v8 =	vsub.f32 $1.000000000e+00, v19  }
0x10f: {  	v16 =	vmul.f32 v16, v5;
	[tilespmem:s15+$0x4130] =	vst v21;
	v9 =	vsub.f32 $1.000000000e+00, v24;
	v27 =	vsub.f32 $1.000000000e+00, v21  }
0x110: {  	[tilespmem:s15+$0x4140] =	vst v7;
	v10 =	vmax.f32 v4, $1.000000010e-07;
	v8 =	vmax.f32 v8, $1.000000010e-07;
	v4 =	vimm.f32 $0.0e+00  }
0x111: {  	[tilespmem:s15+$0x4050] =	vst v20;
	v26 =	vmax.f32 v9, $1.000000010e-07;
	v22 =	vmul.f32 v10, v10;
	v11 =	vmul.f32 v8, v8  }
0x112: {  	v23 =	vld [tilespmem:s15+$0x2070];
	[tilespmem:s15+$0x4100] =	vst v19;
	v27 =	vmax.f32 v27, $1.000000010e-07;
	v10 =	vmul.f32 v13, v5;
	v8 =	vmul.f32 v15, v5  }
0x113: {  	v18 =	vld [tilespmem:s15+$0x2040];
	[tilespmem:s15+$0x4160] =	vst v25;
	v15 =	vsub.f32 $1.000000000e+00, v20;
	v13 =	vmul.f32 v14, v5;
	v31 =	vmul.f32 v12, v5  }
0x114: {  	[tilespmem:s15+$0x4000] =	vst v16;
	v12 =	vsub.f32 $1.000000000e+00, v16;
	v26 =	vmul.f32 v26, v26;
	v9 =	vmul.f32 v11, v19  }
0x115: {  	[tilespmem:s15+$0x4010] =	vst v17;
	v19 =	vld [tilespmem:s15+$0x2020];
	v11 =	vsub.f32 $1.000000000e+00, v25;
	v28 =	vsub.f32 $1.000000000e+00, v10;
	v14 =	vmax.f32 v15, $1.000000010e-07  }
0x116: {  	[tilespmem:s15+$0x4170] =	vst v24;
	v30 =	vmax.f32 v12, $1.000000010e-07;
	v17 =	vmul.f32 v22, v17;
	v15 =	vmul.f32 v14, v14  }
0x117: {  	v32 =	vsub.f32 $1.000000000e+00, v13;
	[tilespmem:s15+$0x4120] =	vst v31;
	v14 =	vmul.f32 v23, v5;
	v22 =	vmul.f32 v30, v30  }
0x118: {  	[tilespmem:s15+$0x4030] =	vst v8;
	v29 =	vmax.f32 v11, $1.000000010e-07;
	v11 =	vmul.f32 v18, v5;
	v18 =	vsub.f32 $1.000000000e+00, v31  }
0x119: {  	[tilespmem:s15+$0x4150] =	vst v10;
	v32 =	vmax.f32 v32, $1.000000010e-07;
	v29 =	vmul.f32 v29, v29;
	v15 =	vmul.f32 v15, v20  }
0x11a: {  	[tilespmem:s15+$0x4060] =	vst v13;
	v30 =	vmax.f32 v18, $1.000000010e-07;
	v12 =	vmul.f32 v19, v5;
	v19 =	vsub.f32 $1.000000000e+00, v6  }
0x11b: {  	[tilespmem:s15+$0x2100] =	vst v9;
	v28 =	vmax.f32 v28, $1.000000010e-07;
	v18 =	vmul.f32 v26, v24;
	v63 =	vmul.f32 v30, v30  }
0x11c: {  	[tilespmem:s15+$0x2010] =	vst v17;
	v33 =	vsub.f32 $1.000000000e+00, v12;
	v26 =	vmax.f32 v19, $1.000000010e-07;
	v19 =	vmul.f32 v29, v25  }
0x11d: {  	[tilespmem:s15+$0x2050] =	vst v15;
	v29 =	vsub.f32 $1.000000000e+00, v14;
	v25 =	vmul.f32 v26, v26;
	v26 =	vmul.f32 v27, v27  }
0x11e: {  	v23 =	vsub.f32 $1.000000000e+00, v11;
	v30 =	vsub.f32 $1.000000000e+00, v7;
	[tilespmem:s15+$0x2170] =	vst v18;
	v24 =	vmul.f32 v63, v31  }
0x11f: {  	[tilespmem:s15+$0x4020] =	vst v12;
	v20 =	vmax.f32 v33, $1.000000010e-07;
	v27 =	vmax.f32 v29, $1.000000010e-07;
	v21 =	vmul.f32 v26, v21  }
0x120: {  	s16 =	simm.s32 $0x800;
	[tilespmem:s15+$0x2160] =	vst v19;
	v29 =	vsub.f32 $1.000000000e+00, v8;
	v26 =	vmul.f32 v28, v28;
	v28 =	vmul.f32 v32, v32  }
.LBB2_6:
0x121: {  	s17 =	sshra.s32 s16, $0x2;
	p0 =	sne.s32 s16, $0x7800;
	s16 =	sadd.s32 $0x800, s16;
	v16 =	vmul.f32 v22, v16;
	v22 =	vmax.f32 v23, $1.000000010e-07;
	[tilespmem:s15+$0x4070] =	vst v14;
	v23 =	vmax.f32 v30, $1.000000010e-07  }
0x122: {  	v27 =	vmul.f32 v27, v27;
	v30 =	vld [tilespmem:s17+$0x2170];
	v29 =	vmax.f32 v29, $1.000000010e-07;
	[tilespmem:s15+$0x2120] =	vst v24;
	v23 =	vmul.f32 v23, v23  }
0x123: {  	v6 =	vmul.f32 v25, v6;
	v13 =	vmul.f32 v28, v13;
	v31 =	vld [tilespmem:s17+$0x2010];
	[tilespmem:s15+$0x4040] =	vst v11;
	v17 =	vadd.f32 v17, v16  }
0x124: {  	v10 =	vmul.f32 v26, v10;
	v14 =	vmul.f32 v27, v14;
	v25 =	vld [tilespmem:s17+$0x2100];
	[tilespmem:s15+$0x2130] =	vst v21;
	v21 =	vadd.f32 v21, v24  }
0x125: {  	v18 =	vadd.f32 v18, v19;
	v22 =	vmul.f32 v22, v22;
	v7 =	vmul.f32 v23, v7;
	v24 =	vld [tilespmem:s17+$0x2160];
	[tilespmem:s15+$0x2110] =	vst v6  }
0x126: {  	v23 =	vmul.f32 v29, v29;
	v26 =	vadd.f32 v14, v13;
	v6 =	vadd.f32 v6, v9;
	v19 =	vld [tilespmem:s17+$0x2130];
	[tilespmem:s15+$0x2150] =	vst v10  }
0x127: {  	v20 =	vmul.f32 v20, v20;
	v11 =	vmul.f32 v22, v11;
	v10 =	vadd.f32 v10, v7;
	v9 =	vld [tilespmem:s17+$0x2110];
	[tilespmem:s15+$0x2060] =	vst v13  }
0x128: {  	v28 =	vmul.f32 v30, v5;
	v21 =	vadd.f32 v21, v6;
	v22 =	vmul.f32 v31, v5;
	v13 =	vld [tilespmem:s17+$0x2050];
	[tilespmem:s15+$0x2140] =	vst v7  }
0x129: {  	v12 =	vmul.f32 v20, v12;
	v6 =	vmul.f32 v23, v8;
	v8 =	vadd.f32 v15, v11;
	v7 =	vld [tilespmem:s17+$0x2140];
	[tilespmem:s15+$0x2000] =	vst v16  }
0x12a: {  	v10 =	vadd.f32 v18, v10;
	v15 =	vsub.f32 $1.000000000e+00, v22;
	v16 =	vld [tilespmem:s17+$0x2150];
	v20 =	vmul.f32 v24, v5;
	[tilespmem:s15+$0x2040] =	vst v11  }
0x12b: {  	v18 =	vmul.f32 v25, v5;
	v23 =	vsub.f32 $1.000000000e+00, v28;
	v24 =	vadd.f32 v6, v12;
	v11 =	vld [tilespmem:s17+$0x2060];
	[tilespmem:s15+$0x2030] =	vst v6  }
0x12c: {  	v8 =	vadd.f32 v26, v8;
	v15 =	vmax.f32 v15, $1.000000010e-07;
	v25 =	vld [tilespmem:s17+$0x2030];
	v6 =	vmul.f32 v9, v5;
	[tilespmem:s15+$0x2020] =	vst v12  }
0x12d: {  	v26 =	vmul.f32 v19, v5;
	v9 =	vsub.f32 $1.000000000e+00, v18;
	v12 =	vld [tilespmem:s17+$0x2000];
	v15 =	vmul.f32 v15, v15;
	[tilespmem:s15+$0x2070] =	vst v14;
	s15 =	smov.u32 s17  }
0x12e: {  	v19 =	vmax.f32 v23, $1.000000010e-07;
	v17 =	vadd.f32 v24, v17;
	v14 =	vld [tilespmem:s15+$0x2040];
	[tilespmem:s15+$0x4110] =	vst v6;
	v7 =	vmul.f32 v7, v5  }
0x12f: {  	v24 =	vmul.f32 v13, v5;
	v13 =	vadd.f32 v10, v21;
	v9 =	vmax.f32 v9, $1.000000010e-07;
	v23 =	vld [tilespmem:s15+$0x2120];
	[tilespmem:s15+$0x4130] =	vst v26  }
0x130: {  	v9 =	vmul.f32 v9, v9;
	v10 =	vmul.f32 v16, v5;
	v16 =	vadd.f32 v8, v17;
	[tilespmem:s15+$0x4140] =	vst v7  }
0x131: {  	v21 =	vsub.f32 $1.000000000e+00, v26;
	v17 =	vsub.f32 $1.000000000e+00, v20;
	v8 =	vmul.f32 v25, v5;
	[tilespmem:s15+$0x4050] =	vst v24  }
0x132: {  	v25 =	vsub.f32 $1.000000000e+00, v24;
	v9 =	vmul.f32 v9, v18;
	v27 =	vld [tilespmem:s15+$0x2070];
	[tilespmem:s15+$0x4100] =	vst v18;
	v18 =	vadd.f32 v13, v16  }
0x133: {  	v29 =	vsub.f32 $1.000000000e+00, v10;
	v16 =	vmul.f32 v12, v5;
	v13 =	vmul.f32 v11, v5;
	v12 =	vld [tilespmem:s15+$0x2020];
	[tilespmem:s15+$0x4160] =	vst v20  }
0x134: {  	v11 =	vmax.f32 v25, $1.000000010e-07;
	[tilespmem:s15+$0x2100] =	vst v9;
	v31 =	vmul.f32 v23, v5;
	v4 =	vadd.f32 v18, v4  }
0x135: {  	v18 =	vsub.f32 $1.000000000e+00, v16;
	v25 =	vmul.f32 v11, v11;
	v23 =	vmax.f32 v17, $1.000000010e-07;
	[tilespmem:s15+$0x4000] =	vst v16  }
0x136: {  	v19 =	vmul.f32 v19, v19;
	v11 =	vmul.f32 v14, v5;
	[tilespmem:s15+$0x4010] =	vst v22;
	v30 =	vsub.f32 $1.000000000e+00, v31  }
0x137: {  	v17 =	vmul.f32 v15, v22;
	v32 =	vsub.f32 $1.000000000e+00, v13;
	v18 =	vmax.f32 v18, $1.000000010e-07;
	[tilespmem:s15+$0x4120] =	vst v31  }
0x138: {  	v14 =	vmul.f32 v27, v5;
	v27 =	vsub.f32 $1.000000000e+00, v6;
	v12 =	vmul.f32 v12, v5;
	[tilespmem:s15+$0x4030] =	vst v8  }
0x139: {  	v33 =	vmul.f32 v23, v23;
	v22 =	vmul.f32 v18, v18;
	v30 =	vmax.f32 v30, $1.000000010e-07;
	[tilespmem:s15+$0x2010] =	vst v17  }
0x13a: {  	v23 =	vsub.f32 $1.000000000e+00, v11;
	v18 =	vmul.f32 v19, v28;
	[tilespmem:s15+$0x4020] =	vst v12;
	v34 =	vsub.f32 $1.000000000e+00, v12  }
0x13b: {  	v15 =	vmul.f32 v25, v24;
	v19 =	vmul.f32 v33, v20;
	v24 =	vmax.f32 v27, $1.000000010e-07;
	[tilespmem:s15+$0x4150] =	vst v10  }
.Ltmp2:
0x13c: {  	v21 =	vmax.f32 v21, $1.000000010e-07;
	v32 =	vmax.f32 v32, $1.000000010e-07;
	v27 =	vsub.f32 $1.000000000e+00, v14;
	[tilespmem:s15+$0x2170] =	vst v18;
	(pc) =	sbr.rel @p0 .LBB2_6-.Ltmp2, $4  }
0x13d: {  	v21 =	vmul.f32 v21, v21;
	v25 =	vmul.f32 v24, v24;
	v20 =	vmax.f32 v34, $1.000000010e-07;
	[tilespmem:s15+$0x2160] =	vst v19  }
0x13e: {  	v29 =	vmax.f32 v29, $1.000000010e-07;
	v24 =	vmul.f32 v30, v30;
	v27 =	vmax.f32 v27, $1.000000010e-07;
	[tilespmem:s15+$0x4170] =	vst v28  }
0x13f: {  	v21 =	vmul.f32 v21, v26;
	v26 =	vmul.f32 v29, v29;
	v30 =	vsub.f32 $1.000000000e+00, v7;
	[tilespmem:s15+$0x2050] =	vst v15  }
0x140: {  	v29 =	vsub.f32 $1.000000000e+00, v8;
	v24 =	vmul.f32 v24, v31;
	v28 =	vmul.f32 v32, v32;
	[tilespmem:s15+$0x4060] =	vst v13  }
0x141: {  	v5 =	vmul.f32 v22, v16;
	v54 =	vmax.f32 v30, $1.000000010e-07;
	v55 =	vmul.f32 v27, v27  }
0x142: {  	v23 =	vmax.f32 v23, $1.000000010e-07;
	v6 =	vmul.f32 v25, v6;
	v10 =	vmul.f32 v26, v10  }
0x143: {  	v20 =	vmul.f32 v20, v20;
	v59 =	vadd.f32 v18, v19;
	v16 =	vmul.f32 v54, v54  }
0x144: {  	v13 =	vmul.f32 v28, v13;
	v56 =	vmax.f32 v29, $1.000000010e-07;
	v23 =	vmul.f32 v23, v23  }
0x145: {  	v57 =	vadd.f32 v21, v24;
	v22 =	vmul.f32 v55, v14;
	v58 =	vmul.f32 v56, v56  }
0x146: {  	v17 =	vadd.f32 v17, v5;
	v12 =	vmul.f32 v20, v12;
	v7 =	vmul.f32 v16, v7  }
0x147: {  	v9 =	vadd.f32 v6, v9;
	v60 =	vmul.f32 v23, v11;
	v8 =	vmul.f32 v58, v8  }
0x148: {  	v61 =	vadd.f32 v22, v13;
	v62 =	vadd.f32 v10, v7  }
0x149: {  	v15 =	vadd.f32 v15, v60;
	v63 =	vadd.f32 v8, v12  }
0x14a: {  	v9 =	vadd.f32 v57, v9;
	v16 =	vadd.f32 v59, v62  }
0x14b: {  	v15 =	vadd.f32 v61, v15;
	v17 =	vadd.f32 v63, v17;
	_ =	sdelay $0x1  }
0x14c: {  	v9 =	vadd.f32 v16, v9;
	v15 =	vadd.f32 v15, v17;
	_ =	sdelay $0x1  }
0x14d: {  	v9 =	vadd.f32 v9, v15;
	_ =	sdelay $0x1  }
0x14e: {  	v4 =	vadd.f32 v9, v4;
	_ =	sdelay $0x1  }
0x14f: {  	v9 =	vperm.xlane v4, v0;
	_ =	sdelay $0x1  }
0x150: {  	[tilespmem:s15+$0x4070] =	vst v14;
	v4 =	vadd.f32 v9, v4  }
0x151: {  	[tilespmem:s15+$0x4040] =	vst v11  }
0x152: {  	[tilespmem:s15+$0x2130] =	vst v21;
	v9 =	vperm.xlane v4, v1  }
0x153: {  	[tilespmem:s15+$0x2120] =	vst v24  }
0x154: {  	[tilespmem:s15+$0x2110] =	vst v6;
	v4 =	vadd.f32 v9, v4  }
0x155: {  	[tilespmem:s15+$0x2150] =	vst v10  }
0x156: {  	[tilespmem:s15+$0x2000] =	vst v5;
	v6 =	vperm.xlane v4, v2  }
0x157: {  	[tilespmem:s15+$0x2060] =	vst v13  }
0x158: {  	[tilespmem:s15+$0x2020] =	vst v12;
	v4 =	vadd.f32 v6, v4  }
0x159: {  	[tilespmem:s15+$0x2070] =	vst v22  }
0x15a: {  	[tilespmem:s15+$0x2140] =	vst v7;
	v5 =	vperm.xlane v4, v3  }
0x15b: {  	[tilespmem:s15+$0x2040] =	vst v60  }
0x15c: {  	[tilespmem:s15+$0x2030] =	vst v8;
	s15 =	simm.s32 $0x0;
	v4 =	vadd.f32 v5, v4  }
.LBB2_8:
0x15d: {  	_ = 	snop  }
0x15e: {  	s16 =	simm.s32 $0x0;
	(erf) = vrcp.f32 v4  }
0x15f: {  	v4 =	vld [tilespmem:s16+$0x2170]  }
0x160: {  	v6 =	vld [tilespmem:s16+$0x2130]  }
0x161: {  	v7 =	vld [tilespmem:s16+$0x2100]  }
0x162: {  	v9 =	vld [tilespmem:s16+$0x2070]  }
0x163: {  	v8 =	vld [tilespmem:s16+$0x2060]  }
0x164: {  	v10 =	vld [tilespmem:s16+$0x2110]  }
0x165: {  	v12 =	vld [tilespmem:s16+$0x2140]  }
0x166: {  	v13 =	vld [tilespmem:s16+$0x2030]  }
0x167: {  	v14 =	vld [tilespmem:s16+$0x2160];
	v5 =	vpop (erf)  }
0x168: {  	v15 =	vld [tilespmem:s16+$0x2050];
	v11 =	vmul.f32 v4, v5  }
0x169: {  	v18 =	vld [tilespmem:s16+$0x2150]  }
0x16a: {  	v19 =	vld [tilespmem:s16+$0x2020];
	v16 =	vmul.f32 v6, v5;
	v29 =	vmul.f32 v7, v5;
	v4 =	vsub.f32 $1.000000000e+00, v11  }
0x16b: {  	v26 =	vld [tilespmem:s16+$0x2120];
	v8 =	vmul.f32 v8, v5;
	v25 =	vmul.f32 v9, v5  }
0x16c: {  	v22 =	vld [tilespmem:s16+$0x2000];
	v6 =	vsub.f32 $1.000000000e+00, v16;
	v20 =	vsub.f32 $1.000000000e+00, v29;
	v4 =	vmax.f32 v4, $1.000000010e-07  }
0x16d: {  	[tilespmem:s16+$0x4170] =	vst.add.f32.msk $0xffff, v11;
	v17 =	vsub.f32 $1.000000000e+00, v25;
	v23 =	vsub.f32 $1.000000000e+00, v8;
	v9 =	vmul.f32 v4, v4  }
0x16e: {  	[tilespmem:s16+$0x4060] =	vst.add.f32.msk $0xffff, v8;
	v7 =	vmax.f32 v6, $1.000000010e-07;
	v24 =	vmax.f32 v20, $1.000000010e-07;
	v20 =	vmul.f32 v10, v5  }
0x16f: {  	[tilespmem:s16+$0x4130] =	vst.add.f32.msk $0xffff, v16;
	v23 =	vmax.f32 v23, $1.000000010e-07;
	v30 =	vmul.f32 v24, v24;
	v6 =	vmul.f32 v9, v11  }
0x170: {  	[tilespmem:s16+$0x4070] =	vst.add.f32.msk $0xffff, v25;
	v9 =	vmul.f32 v7, v7;
	v11 =	vmul.f32 v13, v5;
	v7 =	vmax.f32 v17, $1.000000010e-07  }
0x171: {  	[tilespmem:s16+$0x4100] =	vst.add.f32.msk $0xffff, v29;
	v4 =	vimm.f32 $0.0e+00;
	v17 =	vmul.f32 v12, v5;
	v28 =	vmul.f32 v7, v7  }
0x172: {  	v27 =	vsub.f32 $1.000000000e+00, v20;
	[tilespmem:s16+$0x4110] =	vst.add.f32.msk $0xffff, v20;
	v7 =	vmul.f32 v18, v5;
	v18 =	vmul.f32 v15, v5  }
0x173: {  	v13 =	vmul.f32 v14, v5;
	v12 =	vmul.f32 v19, v5;
	v15 =	vld [tilespmem:s16+$0x2040];
	v14 =	vsub.f32 $1.000000000e+00, v11  }
0x174: {  	v21 =	vld [tilespmem:s16+$0x2010];
	[tilespmem:s16+$0x2170] =	vst v6;
	v9 =	vmul.f32 v9, v16;
	v10 =	vsub.f32 $1.000000000e+00, v7;
	v16 =	vsub.f32 $1.000000000e+00, v18  }
0x175: {  	v27 =	vmax.f32 v27, $1.000000010e-07;
	v31 =	vsub.f32 $1.000000000e+00, v13;
	[tilespmem:s16+$0x4020] =	vst.add.f32.msk $0xffff, v12;
	v24 =	vsub.f32 $1.000000000e+00, v12  }
0x176: {  	[tilespmem:s16+$0x4140] =	vst.add.f32.msk $0xffff, v17;
	v19 =	vmax.f32 v10, $1.000000010e-07;
	v10 =	vmul.f32 v22, v5;
	v32 =	vmax.f32 v16, $1.000000010e-07  }
0x177: {  	[tilespmem:s16+$0x4160] =	vst.add.f32.msk $0xffff, v13;
	v22 =	vmax.f32 v31, $1.000000010e-07;
	v16 =	vmul.f32 v28, v25;
	v31 =	vsub.f32 $1.000000000e+00, v17  }
0x178: {  	[tilespmem:s16+$0x4050] =	vst.add.f32.msk $0xffff, v18;
	v28 =	vmax.f32 v14, $1.000000010e-07;
	v25 =	vmul.f32 v30, v29;
	v14 =	vmul.f32 v15, v5  }
0x179: {  	s17 =	simm.s32 $0x800;
	[tilespmem:s16+$0x2130] =	vst v9;
	v15 =	vmul.f32 v26, v5;
	v26 =	vmul.f32 v32, v32;
	v29 =	vmax.f32 v31, $1.000000010e-07  }
.LBB2_9:
0x17a: {  	s18 =	sshra.s32 s17, $0x2;
	p0 =	sne.s32 s17, $0x7800;
	s17 =	sadd.s32 $0x800, s17;
	v30 =	vsub.f32 $1.000000000e+00, v10;
	[tilespmem:s16+$0x4030] =	vst.add.f32.msk $0xffff, v11;
	v28 =	vmul.f32 v28, v28;
	v27 =	vmul.f32 v27, v27  }
0x17b: {  	v21 =	vmul.f32 v21, v5;
	v31 =	vsub.f32 $1.000000000e+00, v15;
	v29 =	vmul.f32 v29, v29;
	[tilespmem:s16+$0x4120] =	vst.add.f32.msk $0xffff, v15  }
0x17c: {  	v32 =	vsub.f32 $1.000000000e+00, v14;
	v23 =	vmul.f32 v23, v23;
	[tilespmem:s16+$0x4000] =	vst.add.f32.msk $0xffff, v10;
	v20 =	vmul.f32 v27, v20  }
0x17d: {  	v11 =	vmul.f32 v28, v11;
	v28 =	vmax.f32 v31, $1.000000010e-07;
	v17 =	vmul.f32 v29, v17;
	v27 =	vld [tilespmem:s18+$0x2170];
	[tilespmem:s16+$0x2100] =	vst v25  }
0x17e: {  	v18 =	vmul.f32 v26, v18;
	v8 =	vmul.f32 v23, v8;
	v29 =	vld [tilespmem:s18+$0x2130];
	[tilespmem:s16+$0x2070] =	vst v16;
	v23 =	vadd.f32 v20, v25  }
0x17f: {  	v24 =	vmax.f32 v24, $1.000000010e-07;
	v26 =	vmax.f32 v30, $1.000000010e-07;
	v30 =	vsub.f32 $1.000000000e+00, v21;
	v25 =	vld [tilespmem:s18+$0x2100];
	[tilespmem:s16+$0x2030] =	vst v11  }
0x180: {  	v19 =	vmul.f32 v19, v19;
	v24 =	vmul.f32 v24, v24;
	v31 =	vld [tilespmem:s18+$0x2070];
	[tilespmem:s16+$0x2060] =	vst v8  }
0x181: {  	v22 =	vmul.f32 v22, v22;
	v32 =	vmax.f32 v32, $1.000000010e-07;
	v33 =	vld [tilespmem:s18+$0x2060];
	[tilespmem:s16+$0x2110] =	vst v20;
	v20 =	vmul.f32 v28, v28  }
0x182: {  	v32 =	vmul.f32 v32, v32;
	v30 =	vmax.f32 v30, $1.000000010e-07;
	v28 =	vld [tilespmem:s18+$0x2110];
	v27 =	vmul.f32 v27, v5;
	[tilespmem:s16+$0x2140] =	vst v17  }
0x183: {  	v13 =	vmul.f32 v22, v13;
	v16 =	vadd.f32 v16, v8;
	v30 =	vmul.f32 v30, v30;
	v34 =	vld [tilespmem:s18+$0x2140];
	[tilespmem:s16+$0x2050] =	vst v18  }
0x184: {  	v26 =	vmul.f32 v26, v26;
	v22 =	vmul.f32 v29, v5;
	v29 =	vsub.f32 $1.000000000e+00, v27;
	[tilespmem:s16+$0x4010] =	vst.add.f32.msk $0xffff, v21  }
0x185: {  	v12 =	vmul.f32 v24, v12;
	v21 =	vmul.f32 v30, v21;
	[tilespmem:s16+$0x4150] =	vst.add.f32.msk $0xffff, v7  }
0x186: {  	v24 =	vsub.f32 $1.000000000e+00, v22;
	v7 =	vmul.f32 v19, v7;
	v8 =	vmul.f32 v33, v5;
	[tilespmem:s16+$0x4040] =	vst.add.f32.msk $0xffff, v14  }
0x187: {  	v15 =	vmul.f32 v20, v15;
	v20 =	vadd.f32 v11, v12;
	v19 =	vmax.f32 v29, $1.000000010e-07;
	[tilespmem:s18+$0x4170] =	vst.add.f32.msk $0xffff, v27  }
0x188: {  	v14 =	vmul.f32 v32, v14;
	v19 =	vmul.f32 v19, v19;
	v11 =	vld [tilespmem:s18+$0x2030];
	v29 =	vsub.f32 $1.000000000e+00, v8;
	[tilespmem:s16+$0x2160] =	vst v13  }
0x189: {  	v30 =	vmul.f32 v31, v5;
	v24 =	vmax.f32 v24, $1.000000010e-07;
	v31 =	vld [tilespmem:s18+$0x2160];
	[tilespmem:s16+$0x2020] =	vst v12;
	v12 =	vadd.f32 v7, v17  }
0x18a: {  	v10 =	vmul.f32 v26, v10;
	v17 =	vmul.f32 v19, v27;
	v32 =	vld [tilespmem:s18+$0x2050];
	[tilespmem:s16+$0x2150] =	vst v7;
	v7 =	vadd.f32 v9, v15  }
0x18b: {  	v25 =	vmul.f32 v25, v5;
	v13 =	vadd.f32 v6, v13;
	v9 =	vsub.f32 $1.000000000e+00, v30;
	v19 =	vld [tilespmem:s18+$0x2150];
	[tilespmem:s16+$0x2120] =	vst v15  }
0x18c: {  	v24 =	vmul.f32 v24, v24;
	v15 =	vld [tilespmem:s18+$0x2020];
	[tilespmem:s16+$0x2040] =	vst v14;
	v14 =	vadd.f32 v18, v14;
	v26 =	vadd.f32 v7, v23  }
0x18d: {  	v6 =	vmov v17;
	v7 =	vsub.f32 $1.000000000e+00, v25;
	v33 =	vld [tilespmem:s18+$0x2120];
	[tilespmem:s16+$0x2000] =	vst v10;
	v10 =	vadd.f32 v21, v10  }
0x18e: {  	v35 =	vadd.f32 v13, v12;
	v9 =	vmax.f32 v9, $1.000000010e-07;
	v11 =	vmul.f32 v11, v5;
	v27 =	vld [tilespmem:s18+$0x2000];
	[tilespmem:s16+$0x2010] =	vst v21;
	s16 =	smov.u32 s18  }
0x18f: {  	v17 =	vmul.f32 v34, v5;
	v36 =	vmax.f32 v7, $1.000000010e-07;
	[tilespmem:s16+$0x4060] =	vst.add.f32.msk $0xffff, v8;
	v10 =	vadd.f32 v20, v10  }
0x190: {  	v34 =	vmul.f32 v9, v9;
	v9 =	vadd.f32 v16, v14;
	[tilespmem:s16+$0x4130] =	vst.add.f32.msk $0xffff, v22;
	v7 =	vmul.f32 v19, v5  }
0x191: {  	v13 =	vmul.f32 v31, v5;
	v14 =	vsub.f32 $1.000000000e+00, v11;
	v18 =	vmul.f32 v32, v5;
	[tilespmem:s16+$0x4070] =	vst.add.f32.msk $0xffff, v30  }
0x192: {  	v20 =	vmul.f32 v28, v5;
	v12 =	vmul.f32 v15, v5;
	v21 =	vld [tilespmem:s16+$0x2010];
	v15 =	vsub.f32 $1.000000000e+00, v7;
	[tilespmem:s16+$0x2170] =	vst v6  }
0x193: {  	v23 =	vmax.f32 v29, $1.000000010e-07;
	v29 =	vmul.f32 v36, v36;
	v16 =	vadd.f32 v9, v10;
	v31 =	vld [tilespmem:s16+$0x2040]  }
0x194: {  	v28 =	vsub.f32 $1.000000000e+00, v20;
	v9 =	vmul.f32 v24, v22;
	v22 =	vadd.f32 v35, v26;
	[tilespmem:s16+$0x4100] =	vst.add.f32.msk $0xffff, v25  }
0x195: {  	v26 =	vsub.f32 $1.000000000e+00, v18;
	v19 =	vmax.f32 v15, $1.000000010e-07;
	v15 =	vsub.f32 $1.000000000e+00, v13;
	[tilespmem:s16+$0x4050] =	vst.add.f32.msk $0xffff, v18  }
.Ltmp3:
0x196: {  	v10 =	vmul.f32 v27, v5;
	v24 =	vsub.f32 $1.000000000e+00, v12;
	v32 =	vadd.f32 v22, v16;
	[tilespmem:s16+$0x4020] =	vst.add.f32.msk $0xffff, v12;
	(pc) =	sbr.rel @p0 .LBB2_9-.Ltmp3, $4  }
0x197: {  	v26 =	vmax.f32 v26, $1.000000010e-07;
	v27 =	vmax.f32 v28, $1.000000010e-07;
	v22 =	vmax.f32 v15, $1.000000010e-07;
	[tilespmem:s16+$0x4140] =	vst.add.f32.msk $0xffff, v17  }
0x198: {  	v16 =	vmul.f32 v34, v30;
	v30 =	vsub.f32 $1.000000000e+00, v17;
	v4 =	vadd.f32 v32, v4;
	[tilespmem:s16+$0x2130] =	vst v9  }
0x199: {  	v28 =	vmax.f32 v14, $1.000000010e-07;
	v15 =	vmul.f32 v33, v5;
	v14 =	vmul.f32 v31, v5;
	[tilespmem:s16+$0x4160] =	vst.add.f32.msk $0xffff, v13  }
0x19a: {  	v26 =	vmul.f32 v26, v26;
	v25 =	vmul.f32 v29, v25;
	v29 =	vmax.f32 v30, $1.000000010e-07;
	[tilespmem:s16+$0x4110] =	vst.add.f32.msk $0xffff, v20  }
0x19b: {  	v28 =	vmul.f32 v28, v28  }
0x19c: {  	v30 =	vsub.f32 $1.000000000e+00, v10;
	v27 =	vmul.f32 v27, v27;
	v5 =	vmul.f32 v21, v5  }
0x19d: {  	v52 =	vsub.f32 $1.000000000e+00, v15;
	v29 =	vmul.f32 v29, v29;
	v23 =	vmul.f32 v23, v23  }
0x19e: {  	v24 =	vmax.f32 v24, $1.000000010e-07;
	v19 =	vmul.f32 v19, v19;
	v22 =	vmul.f32 v22, v22  }
0x19f: {  	v31 =	vsub.f32 $1.000000000e+00, v14;
	v18 =	vmul.f32 v26, v18;
	v24 =	vmul.f32 v24, v24  }
0x1a0: {  	v20 =	vmul.f32 v27, v20;
	v53 =	vmul.f32 v28, v11;
	v21 =	vmax.f32 v52, $1.000000010e-07  }
0x1a1: {  	v17 =	vmul.f32 v29, v17;
	v8 =	vmul.f32 v23, v8;
	v54 =	vsub.f32 $1.000000000e+00, v5  }
0x1a2: {  	v55 =	vmax.f32 v31, $1.000000010e-07;
	v13 =	vmul.f32 v22, v13;
	v19 =	vmul.f32 v19, v7  }
0x1a3: {  	v57 =	vmax.f32 v30, $1.000000010e-07;
	v21 =	vmul.f32 v21, v21;
	v26 =	vmul.f32 v55, v55  }
0x1a4: {  	v12 =	vmul.f32 v24, v12;
	v59 =	vmul.f32 v57, v57;
	v23 =	vmax.f32 v54, $1.000000010e-07  }
0x1a5: {  	v56 =	vadd.f32 v20, v25;
	v58 =	vadd.f32 v16, v8;
	v23 =	vmul.f32 v23, v23  }
0x1a6: {  	v61 =	vadd.f32 v19, v17;
	v21 =	vmul.f32 v21, v15;
	v26 =	vmul.f32 v26, v14  }
0x1a7: {  	v6 =	vadd.f32 v6, v13;
	v24 =	vmul.f32 v59, v10;
	v23 =	vmul.f32 v23, v5  }
0x1a8: {  	v60 =	vadd.f32 v53, v12;
	v9 =	vadd.f32 v9, v21  }
0x1a9: {  	v62 =	vadd.f32 v18, v26;
	v32 =	vadd.f32 v23, v24  }
0x1aa: {  	v6 =	vadd.f32 v6, v61;
	v9 =	vadd.f32 v9, v56  }
0x1ab: {  	v22 =	vadd.f32 v58, v62;
	v63 =	vadd.f32 v60, v32;
	_ =	sdelay $0x1  }
0x1ac: {  	v6 =	vadd.f32 v6, v9;
	v22 =	vadd.f32 v22, v63  }
0x1ad: {  	[tilespmem:s16+$0x4030] =	vst.add.f32.msk $0xffff, v11  }
0x1ae: {  	[tilespmem:s16+$0x4120] =	vst.add.f32.msk $0xffff, v15;
	v6 =	vadd.f32 v6, v22  }
0x1af: {  	[tilespmem:s16+$0x4000] =	vst.add.f32.msk $0xffff, v10  }
0x1b0: {  	[tilespmem:s16+$0x2070] =	vst v16;
	v4 =	vadd.f32 v6, v4  }
0x1b1: {  	[tilespmem:s16+$0x4150] =	vst.add.f32.msk $0xffff, v7  }
0x1b2: {  	[tilespmem:s16+$0x4040] =	vst.add.f32.msk $0xffff, v14;
	v6 =	vperm.xlane v4, v0  }
0x1b3: {  	[tilespmem:s16+$0x2100] =	vst v25  }
0x1b4: {  	[tilespmem:s16+$0x4010] =	vst.add.f32.msk $0xffff, v5;
	v4 =	vadd.f32 v6, v4  }
0x1b5: {  	[tilespmem:s16+$0x2050] =	vst v18  }
0x1b6: {  	[tilespmem:s16+$0x2030] =	vst v53;
	v6 =	vperm.xlane v4, v1  }
0x1b7: {  	[tilespmem:s16+$0x2060] =	vst v8  }
0x1b8: {  	[tilespmem:s16+$0x2110] =	vst v20;
	v4 =	vadd.f32 v6, v4  }
0x1b9: {  	[tilespmem:s16+$0x2140] =	vst v17  }
0x1ba: {  	s15 =	sadd.s32 $0x1, s15;
	[tilespmem:s16+$0x2160] =	vst v13;
	v5 =	vperm.xlane v4, v2  }
0x1bb: {  	p0 =	sne.s32 s15, $0x1E;
	[tilespmem:s16+$0x2150] =	vst v19  }
.Ltmp4:
0x1bc: {  	[tilespmem:s16+$0x2020] =	vst v12;
	v4 =	vadd.f32 v5, v4;
	(pc) =	sbr.rel @p0 .LBB2_8-.Ltmp4, $4  }
0x1bd: {  	[tilespmem:s16+$0x2120] =	vst v21  }
0x1be: {  	[tilespmem:s16+$0x2040] =	vst v26;
	v5 =	vperm.xlane v4, v3  }
0x1bf: {  	[tilespmem:s16+$0x2000] =	vst v24  }
0x1c0: {  	[tilespmem:s16+$0x2010] =	vst v23;
	v4 =	vadd.f32 v5, v4  }
0x1c1: {  	_ = 	snop  }
0x1c2: {  	(erf) = vrcp.f32 v4;
	_ =	sdelay $0x8  }
0x1c3: {  	s15 =	simm.s32 $0x0;
	s16 =	simm.s32 $0x800;
	v4 =	vpop (erf)  }
.LBB2_12:
0x1c4: {  	p0 =	sne.s32 s16, $0x7800;
	v5 =	vld [tilespmem:s15+$0x2170]  }
0x1c5: {  	v6 =	vld [tilespmem:s15+$0x2000]  }
0x1c6: {  	v7 =	vld [tilespmem:s15+$0x2010]  }
0x1c7: {  	v8 =	vld [tilespmem:s15+$0x2020]  }
0x1c8: {  	v9 =	vld [tilespmem:s15+$0x2030]  }
0x1c9: {  	v10 =	vld [tilespmem:s15+$0x2040];
	v5 =	vmul.f32 v5, v4  }
0x1ca: {  	v6 =	vmul.f32 v6, v4;
	v11 =	vld [tilespmem:s15+$0x2050]  }
0x1cb: {  	v7 =	vmul.f32 v7, v4;
	[tilespmem:s15+$0x4170] =	vst.add.f32.msk $0xffff, v5  }
0x1cc: {  	v5 =	vmul.f32 v8, v4;
	v8 =	vld [tilespmem:s15+$0x2060]  }
0x1cd: {  	v9 =	vmul.f32 v9, v4;
	v12 =	vld [tilespmem:s15+$0x2070]  }
0x1ce: {  	v10 =	vmul.f32 v10, v4;
	v13 =	vld [tilespmem:s15+$0x2100]  }
0x1cf: {  	v11 =	vmul.f32 v11, v4;
	v14 =	vld [tilespmem:s15+$0x2110]  }
0x1d0: {  	v15 =	vld [tilespmem:s15+$0x2120]  }
0x1d1: {  	v8 =	vmul.f32 v8, v4;
	v16 =	vld [tilespmem:s15+$0x2130]  }
0x1d2: {  	v12 =	vmul.f32 v12, v4;
	v17 =	vld [tilespmem:s15+$0x2140]  }
0x1d3: {  	v13 =	vmul.f32 v13, v4;
	v18 =	vld [tilespmem:s15+$0x2150]  }
0x1d4: {  	v14 =	vmul.f32 v14, v4;
	v19 =	vld [tilespmem:s15+$0x2160]  }
0x1d5: {  	[tilespmem:s15+$0x4000] =	vst.add.f32.msk $0xffff, v6;
	v6 =	vmul.f32 v15, v4  }
0x1d6: {  	[tilespmem:s15+$0x4010] =	vst.add.f32.msk $0xffff, v7;
	v7 =	vmul.f32 v16, v4  }
0x1d7: {  	[tilespmem:s15+$0x4020] =	vst.add.f32.msk $0xffff, v5;
	v5 =	vmul.f32 v17, v4  }
0x1d8: {  	[tilespmem:s15+$0x4030] =	vst.add.f32.msk $0xffff, v9;
	v9 =	vmul.f32 v18, v4  }
0x1d9: {  	[tilespmem:s15+$0x4040] =	vst.add.f32.msk $0xffff, v10;
	v10 =	vmul.f32 v19, v4  }
0x1da: {  	[tilespmem:s15+$0x4050] =	vst.add.f32.msk $0xffff, v11  }
0x1db: {  	[tilespmem:s15+$0x4060] =	vst.add.f32.msk $0xffff, v8  }
0x1dc: {  	[tilespmem:s15+$0x4070] =	vst.add.f32.msk $0xffff, v12  }
0x1dd: {  	[tilespmem:s15+$0x4100] =	vst.add.f32.msk $0xffff, v13  }
0x1de: {  	[tilespmem:s15+$0x4110] =	vst.add.f32.msk $0xffff, v14  }
.Ltmp5:
0x1df: {  	[tilespmem:s15+$0x4120] =	vst.add.f32.msk $0xffff, v6;
	(pc) =	sbr.rel @p0 .LBB2_12-.Ltmp5, $4  }
0x1e0: {  	[tilespmem:s15+$0x4130] =	vst.add.f32.msk $0xffff, v7  }
0x1e1: {  	[tilespmem:s15+$0x4140] =	vst.add.f32.msk $0xffff, v5  }
0x1e2: {  	[tilespmem:s15+$0x4150] =	vst.add.f32.msk $0xffff, v9  }
0x1e3: {  	[tilespmem:s15+$0x4160] =	vst.add.f32.msk $0xffff, v10;
	s15 =	sshra.s32 s16, $0x2;
	s16 =	sadd.s32 $0x800, s16  }
0x1e4: {  	v5 =	vld [tilespmem:s15+$0x2170]  }
0x1e5: {  	v6 =	vld [tilespmem:s15+$0x2000]  }
0x1e6: {  	v7 =	vld [tilespmem:s15+$0x2010]  }
0x1e7: {  	v8 =	vld [tilespmem:s15+$0x2020]  }
0x1e8: {  	v9 =	vld [tilespmem:s15+$0x2030]  }
0x1e9: {  	v10 =	vld [tilespmem:s15+$0x2040]  }
0x1ea: {  	v11 =	vld [tilespmem:s15+$0x2050]  }
0x1eb: {  	v12 =	vld [tilespmem:s15+$0x2070]  }
0x1ec: {  	v13 =	vld [tilespmem:s15+$0x2100]  }
0x1ed: {  	v14 =	vld [tilespmem:s15+$0x2110]  }
0x1ee: {  	v15 =	vld [tilespmem:s15+$0x2120]  }
0x1ef: {  	v16 =	vld [tilespmem:s15+$0x2130]  }
0x1f0: {  	v17 =	vld [tilespmem:s15+$0x2140]  }
0x1f1: {  	v18 =	vld [tilespmem:s15+$0x2150];
	v5 =	vmul.f32 v5, v4  }
0x1f2: {  	v19 =	vld [tilespmem:s15+$0x2160]  }
0x1f3: {  	v6 =	vmul.f32 v6, v4;
	[tilespmem:s15+$0x4170] =	vst.add.f32.msk $0xffff, v5  }
0x1f4: {  	v7 =	vmul.f32 v7, v4;
	v5 =	vld [tilespmem:s15+$0x2060]  }
0x1f5: {  	v8 =	vmul.f32 v8, v4;
	[tilespmem:s15+$0x4000] =	vst.add.f32.msk $0xffff, v6  }
0x1f6: {  	v6 =	vmul.f32 v9, v4;
	[tilespmem:s15+$0x4010] =	vst.add.f32.msk $0xffff, v7  }
0x1f7: {  	v7 =	vmul.f32 v10, v4;
	[tilespmem:s15+$0x4020] =	vst.add.f32.msk $0xffff, v8  }
0x1f8: {  	v8 =	vmul.f32 v11, v4;
	[tilespmem:s15+$0x4030] =	vst.add.f32.msk $0xffff, v6  }
0x1f9: {  	[tilespmem:s15+$0x4040] =	vst.add.f32.msk $0xffff, v7;
	v6 =	vmul.f32 v12, v4  }
0x1fa: {  	[tilespmem:s15+$0x4050] =	vst.add.f32.msk $0xffff, v8;
	v7 =	vmul.f32 v13, v4  }
0x1fb: {  	[tilespmem:s15+$0x4070] =	vst.add.f32.msk $0xffff, v6;
	v6 =	vmul.f32 v15, v4  }
0x1fc: {  	[tilespmem:s15+$0x4100] =	vst.add.f32.msk $0xffff, v7;
	v5 =	vmul.f32 v5, v4  }
0x1fd: {  	v7 =	vmul.f32 v16, v4;
	[tilespmem:s15+$0x4120] =	vst.add.f32.msk $0xffff, v6  }
0x1fe: {  	[tilespmem:s15+$0x4060] =	vst.add.f32.msk $0xffff, v5;
	v5 =	vmul.f32 v14, v4  }
0x1ff: {  	v6 =	vmul.f32 v18, v4;
	[tilespmem:s15+$0x4130] =	vst.add.f32.msk $0xffff, v7  }
0x200: {  	[tilespmem:s15+$0x4110] =	vst.add.f32.msk $0xffff, v5;
	v5 =	vmul.f32 v17, v4  }
0x201: {  	[tilespmem:s15+$0x4150] =	vst.add.f32.msk $0xffff, v6;
	v4 =	vmul.f32 v19, v4  }
0x202: {  	[tilespmem:s15+$0x4140] =	vst.add.f32.msk $0xffff, v5  }
0x203: {  	[tilespmem:s15+$0x4160] =	vst.add.f32.msk $0xffff, v4;
	s15 =	simm.s32 $0x0  }
0x204: {  	v4 =	vld [tilespmem:s15+$0x80]  }
0x205: {  	v15 =	vld [tilespmem:s15+$0x90]  }
0x206: {  	v16 =	vld [tilespmem:s15+$0xA0]  }
0x207: {  	v17 =	vld [tilespmem:s15+$0xB0]  }
0x208: {  	v20 =	vld [tilespmem:s15+$0xC0]  }
0x209: {  	v22 =	vld [tilespmem:s15+$0xD0]  }
0x20a: {  	v14 =	vld [tilespmem:s15+$0xE0]  }
0x20b: {  	v13 =	vld [tilespmem:s15+$0xF0]  }
0x20c: {  	v12 =	vld [tilespmem:s15+$0x180]  }
0x20d: {  	v11 =	vld [tilespmem:s15+$0x190]  }
0x20e: {  	v10 =	vld [tilespmem:s15+$0x1A0]  }
0x20f: {  	v9 =	vld [tilespmem:s15+$0x1B0]  }
0x210: {  	v8 =	vld [tilespmem:s15+$0x1C0]  }
0x211: {  	v7 =	vld [tilespmem:s15+$0x1D0]  }
0x212: {  	v6 =	vld [tilespmem:s15+$0x1E0]  }
0x213: {  	v18 =	vld [tilespmem:s15+$0x2080]  }
0x214: {  	v21 =	vld [tilespmem:s15+$0x2090]  }
0x215: {  	v23 =	vld [tilespmem:s15+$0x20A0]  }
0x216: {  	v24 =	vld [tilespmem:s15+$0x20B0]  }
0x217: {  	v25 =	vld [tilespmem:s15+$0x20C0]  }
0x218: {  	v26 =	vld [tilespmem:s15+$0x20D0]  }
0x219: {  	v5 =	vld [tilespmem:s15+$0x1F0];
	v4 =	vadd.f32 v18, v4  }
0x21a: {  	v19 =	vld [tilespmem:s15+$0x20E0];
	v21 =	vadd.f32 v21, v15  }
0x21b: {  	v18 =	vld [tilespmem:s15+$0x20F0];
	v23 =	vadd.f32 v23, v16;
	[tilespmem:s15+$0x2080] =	vst v4  }
0x21c: {  	v16 =	vld [tilespmem:s15+$0x2180];
	v24 =	vadd.f32 v24, v17;
	[tilespmem:s15+$0x2090] =	vst v21  }
0x21d: {  	v15 =	vld [tilespmem:s15+$0x2190];
	v17 =	vadd.f32 v25, v20;
	v22 =	vadd.f32 v26, v22;
	[tilespmem:s15+$0x20A0] =	vst v23  }
0x21e: {  	s16 =	simm.s32 $0x800;
	v20 =	vld [tilespmem:s15+$0x21A0];
	v21 =	vmax.f32 v4, v21;
	v4 =	vimm.f32 $-Inf;
	[tilespmem:s15+$0x20B0] =	vst v24;
	v23 =	vmax.f32 v23, v24  }
.LBB2_14:
0x21f: {  	p0 =	sne.s32 s16, $0x7800;
	[tilespmem:s15+$0x20C0] =	vst v17;
	v14 =	vadd.f32 v19, v14;
	v19 =	vld [tilespmem:s15+$0x21B0];
	v21 =	vmax.f32 v21, v23  }
0x220: {  	[tilespmem:s15+$0x20D0] =	vst v22;
	v13 =	vadd.f32 v18, v13;
	v18 =	vld [tilespmem:s15+$0x21C0];
	v17 =	vmax.f32 v17, v22  }
0x221: {  	[tilespmem:s15+$0x20E0] =	vst v14;
	v12 =	vadd.f32 v16, v12;
	v16 =	vld [tilespmem:s15+$0x21D0]  }
0x222: {  	[tilespmem:s15+$0x20F0] =	vst v13;
	v11 =	vadd.f32 v15, v11;
	v15 =	vld [tilespmem:s15+$0x21E0];
	v13 =	vmax.f32 v14, v13  }
0x223: {  	s17 =	sshra.s32 s16, $0x2;
	[tilespmem:s15+$0x2180] =	vst v12;
	v10 =	vadd.f32 v20, v10;
	v14 =	vld [tilespmem:s15+$0x21F0];
	v13 =	vmax.f32 v17, v13  }
0x224: {  	v17 =	vld [tilespmem:s17+$0x80];
	[tilespmem:s15+$0x2190] =	vst v11;
	v9 =	vadd.f32 v19, v9;
	v11 =	vmax.f32 v12, v11;
	v19 =	vmax.f32 v21, v13  }
0x225: {  	v20 =	vld [tilespmem:s17+$0x90];
	[tilespmem:s15+$0x21A0] =	vst v10;
	v8 =	vadd.f32 v18, v8  }
0x226: {  	v18 =	vld [tilespmem:s17+$0xA0];
	[tilespmem:s15+$0x21B0] =	vst v9;
	v7 =	vadd.f32 v16, v7;
	v9 =	vmax.f32 v10, v9  }
0x227: {  	v16 =	vld [tilespmem:s17+$0xB0];
	[tilespmem:s15+$0x21C0] =	vst v8;
	v6 =	vadd.f32 v15, v6;
	v9 =	vmax.f32 v11, v9  }
0x228: {  	v15 =	vld [tilespmem:s17+$0xC0];
	[tilespmem:s15+$0x21D0] =	vst v7;
	v5 =	vadd.f32 v14, v5;
	v7 =	vmax.f32 v8, v7  }
0x229: {  	v22 =	vld [tilespmem:s17+$0xD0];
	[tilespmem:s15+$0x21E0] =	vst v6  }
0x22a: {  	v14 =	vld [tilespmem:s17+$0xE0];
	[tilespmem:s15+$0x21F0] =	vst v5;
	v5 =	vmax.f32 v6, v5;
	s15 =	smov.u32 s17  }
0x22b: {  	v13 =	vld [tilespmem:s15+$0xF0];
	v5 =	vmax.f32 v7, v5  }
0x22c: {  	v12 =	vld [tilespmem:s15+$0x180];
	v5 =	vmax.f32 v9, v5  }
0x22d: {  	v11 =	vld [tilespmem:s15+$0x190];
	v5 =	vmax.f32 v19, v5  }
0x22e: {  	v10 =	vld [tilespmem:s15+$0x1A0];
	v4 =	vmax.f32 v4, v5  }
0x22f: {  	v9 =	vld [tilespmem:s15+$0x1B0]  }
0x230: {  	v8 =	vld [tilespmem:s15+$0x1C0]  }
0x231: {  	v7 =	vld [tilespmem:s15+$0x1D0]  }
0x232: {  	v6 =	vld [tilespmem:s15+$0x1E0]  }
0x233: {  	v5 =	vld [tilespmem:s15+$0x1F0]  }
0x234: {  	v19 =	vld [tilespmem:s15+$0x2080]  }
0x235: {  	v21 =	vld [tilespmem:s15+$0x2090]  }
0x236: {  	v23 =	vld [tilespmem:s15+$0x20A0]  }
0x237: {  	v24 =	vld [tilespmem:s15+$0x20B0]  }
0x238: {  	v25 =	vld [tilespmem:s15+$0x20C0]  }
0x239: {  	v17 =	vadd.f32 v19, v17;
	v26 =	vld [tilespmem:s15+$0x20D0]  }
.Ltmp6:
0x23a: {  	v20 =	vadd.f32 v21, v20;
	v19 =	vld [tilespmem:s15+$0x20E0];
	(pc) =	sbr.rel @p0 .LBB2_14-.Ltmp6, $4  }
0x23b: {  	[tilespmem:s15+$0x2080] =	vst v17;
	v23 =	vadd.f32 v23, v18;
	v18 =	vld [tilespmem:s15+$0x20F0]  }
0x23c: {  	[tilespmem:s15+$0x2090] =	vst v20;
	v24 =	vadd.f32 v24, v16;
	v16 =	vld [tilespmem:s15+$0x2180];
	v21 =	vmax.f32 v17, v20  }
0x23d: {  	[tilespmem:s15+$0x20A0] =	vst v23;
	v17 =	vadd.f32 v25, v15;
	v15 =	vld [tilespmem:s15+$0x2190]  }
0x23e: {  	s16 =	sadd.s32 $0x800, s16;
	[tilespmem:s15+$0x20B0] =	vst v24;
	v22 =	vadd.f32 v26, v22;
	v20 =	vld [tilespmem:s15+$0x21A0];
	v23 =	vmax.f32 v23, v24  }
0x23f: {  	v24 =	vld [tilespmem:s15+$0x21B0]  }
0x240: {  	v14 =	vadd.f32 v19, v14;
	v19 =	vld [tilespmem:s15+$0x21C0]  }
0x241: {  	v25 =	vld [tilespmem:s15+$0x21F0]  }
0x242: {  	v13 =	vadd.f32 v18, v13;
	v18 =	vld [tilespmem:s15+$0x21D0]  }
0x243: {  	v12 =	vadd.f32 v16, v12;
	v16 =	vld [tilespmem:s15+$0x21E0];
	_ =	sdelay $0x1  }
0x244: {  	v11 =	vadd.f32 v15, v11  }
0x245: {  	v10 =	vadd.f32 v20, v10;
	v9 =	vadd.f32 v24, v9  }
0x246: {  	[tilespmem:s15+$0x20C0] =	vst v17;
	v8 =	vadd.f32 v19, v8;
	v5 =	vadd.f32 v25, v5  }
0x247: {  	[tilespmem:s15+$0x20F0] =	vst v13;
	v15 =	vmax.f32 v21, v23;
	v7 =	vadd.f32 v18, v7;
	v6 =	vadd.f32 v16, v6  }
0x248: {  	v13 =	vmax.f32 v14, v13;
	[tilespmem:s15+$0x2180] =	vst v12;
	v12 =	vmax.f32 v12, v11;
	v16 =	vmax.f32 v17, v22  }
0x249: {  	[tilespmem:s15+$0x20E0] =	vst v14;
	v14 =	vmax.f32 v10, v9;
	v17 =	vmax.f32 v8, v7;
	v18 =	vmax.f32 v6, v5  }
0x24a: {  	v13 =	vmax.f32 v16, v13;
	v12 =	vmax.f32 v12, v14;
	v14 =	vmax.f32 v17, v18  }
0x24b: {  	v13 =	vmax.f32 v15, v13;
	v12 =	vmax.f32 v12, v14  }
0x24c: {  	[tilespmem:s15+$0x20D0] =	vst v22;
	v12 =	vmax.f32 v13, v12  }
0x24d: {  	[tilespmem:s15+$0x2190] =	vst v11;
	v4 =	vmax.f32 v4, v12  }
0x24e: {  	[tilespmem:s15+$0x21A0] =	vst v10;
	v10 =	vperm.xlane v4, v0  }
0x24f: {  	[tilespmem:s15+$0x21B0] =	vst v9  }
0x250: {  	[tilespmem:s15+$0x21C0] =	vst v8;
	v4 =	vmax.f32 v4, v10  }
0x251: {  	[tilespmem:s15+$0x21D0] =	vst v7;
	v7 =	vperm.xlane v4, v1  }
0x252: {  	[tilespmem:s15+$0x21F0] =	vst v5  }
0x253: {  	s16 =	simm.s32 $0x0;
	[tilespmem:s15+$0x21E0] =	vst v6;
	v4 =	vmax.f32 v4, v7  }
0x254: {  	v6 =	vld [tilespmem:s16+$0x2080];
	v5 =	vperm.xlane v4, v2  }
0x255: {  	v7 =	vld [tilespmem:s16+$0x2090]  }
0x256: {  	v4 =	vmax.f32 v4, v5;
	v5 =	vld [tilespmem:s16+$0x20A0]  }
0x257: {  	v9 =	vld [tilespmem:s16+$0x20B0];
	v8 =	vperm.xlane v4, v3;
	_ =	sdelay $0x1  }
0x258: {  	v4 =	vmax.f32 v4, v8  }
0x259: {  	v8 =	vld [tilespmem:s16+$0x20C0];
	v6 =	vsub.f32 v6, v4  }
0x25a: {  	v10 =	vld [tilespmem:s16+$0x20D0];
	v7 =	vsub.f32 v7, v4;
	v5 =	vsub.f32 v5, v4  }
0x25b: {  	v9 =	vsub.f32 v9, v4;
	v6 =	vadd.f32 v6, v6  }
0x25c: {  	v11 =	vld [tilespmem:s16+$0x20E0];
	v7 =	vadd.f32 v7, v7;
	v5 =	vadd.f32 v5, v5  }
0x25d: {  	v13 =	vld [tilespmem:s16+$0x2180];
	v9 =	vadd.f32 v9, v9;
	v6 =	vmul.f32 $1.442695020e+00, v6  }
0x25e: {  	v12 =	vld [tilespmem:s16+$0x20F0];
	v7 =	vmul.f32 $1.442695020e+00, v7;
	v8 =	vsub.f32 v8, v4;
	v5 =	vmul.f32 $1.442695020e+00, v5  }
0x25f: {  	v10 =	vsub.f32 v10, v4;
	(erf) = vpow2.f32 v6;
	v6 =	vmul.f32 $1.442695020e+00, v9;
	v9 =	vld [tilespmem:s16+$0x2190]  }
0x260: {  	(erf) = vpow2.f32 v7;
	v7 =	vadd.f32 v8, v8  }
0x261: {  	v8 =	vsub.f32 v11, v4;
	(erf) = vpow2.f32 v5;
	v5 =	vadd.f32 v10, v10  }
0x262: {  	v10 =	vld [tilespmem:s16+$0x21A0];
	(erf) = vpow2.f32 v6;
	v6 =	vmul.f32 $1.442695020e+00, v7  }
0x263: {  	v11 =	vld [tilespmem:s16+$0x21B0];
	v7 =	vsub.f32 v12, v4;
	v8 =	vadd.f32 v8, v8;
	v5 =	vmul.f32 $1.442695020e+00, v5  }
0x264: {  	(erf) = vpow2.f32 v6;
	v6 =	vsub.f32 v13, v4;
	v9 =	vsub.f32 v9, v4  }
0x265: {  	v12 =	vld [tilespmem:s16+$0x21C0];
	v7 =	vadd.f32 v7, v7;
	v8 =	vmul.f32 $1.442695020e+00, v8  }
0x266: {  	(erf) = vpow2.f32 v5;
	v5 =	vadd.f32 v6, v6;
	v6 =	vadd.f32 v9, v9;
	v9 =	vld [tilespmem:s16+$0x21D0]  }
0x267: {  	v7 =	vmul.f32 $1.442695020e+00, v7;
	v10 =	vsub.f32 v10, v4  }
0x268: {  	v11 =	vsub.f32 v11, v4;
	(erf) = vpow2.f32 v8;
	v5 =	vmul.f32 $1.442695020e+00, v5  }
0x269: {  	v14 =	vld [tilespmem:s16+$0x21E0];
	v8 =	vpop (erf);
	v6 =	vmul.f32 $1.442695020e+00, v6;
	(erf) = vpow2.f32 v7;
	v7 =	vadd.f32 v10, v10  }
0x26a: {  	v12 =	vsub.f32 v12, v4;
	v11 =	vadd.f32 v11, v11;
	v13 =	vpop (erf);
	(erf) = vpow2.f32 v5  }
0x26b: {  	v10 =	vpop (erf);
	(erf) = vpow2.f32 v6;
	v6 =	vmul.f32 $1.442695020e+00, v7;
	v7 =	vsub.f32 v9, v4  }
0x26c: {  	v16 =	vld [tilespmem:s16+$0x21F0]  }
0x26d: {  	v12 =	vadd.f32 v12, v12;
	v11 =	vmul.f32 $1.442695020e+00, v11;
	v7 =	vadd.f32 v7, v7  }
0x26e: {  	[tilespmem:s16+$0x2080] =	vst v8;
	v5 =	vpop (erf);
	(erf) = vpow2.f32 v6;
	v6 =	vsub.f32 v14, v4  }
0x26f: {  	[tilespmem:s16+$0x2090] =	vst v13;
	v12 =	vmul.f32 $1.442695020e+00, v12;
	v9 =	vpop (erf);
	v7 =	vmul.f32 $1.442695020e+00, v7  }
0x270: {  	[tilespmem:s16+$0x20A0] =	vst v10;
	v14 =	vpop (erf);
	(erf) = vpow2.f32 v11;
	v6 =	vadd.f32 v6, v6  }
0x271: {  	s15 =	simm.s32 $0x200;
	[tilespmem:s16+$0x20B0] =	vst v5;
	v11 =	vpop (erf);
	(erf) = vpow2.f32 v12;
	v12 =	vsub.f32 v16, v4  }
0x272: {  	v15 =	vld [tilespmem:s15+$0x2080];
	[tilespmem:s16+$0x20C0] =	vst v9;
	v16 =	vpop (erf);
	v6 =	vmul.f32 $1.442695020e+00, v6  }
0x273: {  	v17 =	vld [tilespmem:s15+$0x2090];
	[tilespmem:s16+$0x20D0] =	vst v14;
	(erf) = vpow2.f32 v7;
	v12 =	vadd.f32 v12, v12;
	v7 =	vpop (erf)  }
0x274: {  	v18 =	vld [tilespmem:s15+$0x20A0];
	[tilespmem:s16+$0x20E0] =	vst v11;
	v20 =	vpop (erf);
	(erf) = vpow2.f32 v6  }
0x275: {  	v19 =	vld [tilespmem:s15+$0x20B0];
	[tilespmem:s16+$0x20F0] =	vst v16;
	v6 =	vmul.f32 $1.442695020e+00, v12  }
0x276: {  	[tilespmem:s16+$0x2180] =	vst v7  }
0x277: {  	[tilespmem:s16+$0x2190] =	vst v20;
	(erf) = vpow2.f32 v6  }
0x278: {  	v15 =	vsub.f32 v15, v4;
	v12 =	vpop (erf);
	v21 =	vld [tilespmem:s15+$0x20C0]  }
0x279: {  	v17 =	vsub.f32 v17, v4;
	v18 =	vsub.f32 v18, v4;
	[tilespmem:s16+$0x21A0] =	vst v12;
	v6 =	vpop (erf)  }
0x27a: {  	v15 =	vadd.f32 v15, v15;
	v19 =	vsub.f32 v19, v4;
	v22 =	vld [tilespmem:s15+$0x20D0];
	[tilespmem:s16+$0x21B0] =	vst v6  }
0x27b: {  	v17 =	vadd.f32 v17, v17;
	v18 =	vadd.f32 v18, v18;
	v23 =	vpop (erf);
	v56 =	vld [tilespmem:s15+$0x20E0]  }
0x27c: {  	v8 =	vadd.f32 v13, v8;
	v15 =	vmul.f32 $1.442695020e+00, v15;
	v19 =	vadd.f32 v19, v19;
	[tilespmem:s16+$0x21C0] =	vst v23;
	v57 =	vpop (erf)  }
0x27d: {  	v17 =	vmul.f32 $1.442695020e+00, v17;
	v18 =	vmul.f32 $1.442695020e+00, v18;
	v26 =	vld [tilespmem:s15+$0x20F0];
	[tilespmem:s16+$0x21D0] =	vst v57;
	v21 =	vsub.f32 v21, v4;
	v27 =	vpop (erf)  }
0x27e: {  	v5 =	vadd.f32 v5, v10;
	(erf) = vpow2.f32 v15;
	v15 =	vmul.f32 $1.442695020e+00, v19;
	v28 =	vld [tilespmem:s15+$0x2180];
	[tilespmem:s16+$0x21E0] =	vst v27  }
0x27f: {  	(erf) = vpow2.f32 v17;
	v22 =	vsub.f32 v22, v4;
	v17 =	vadd.f32 v21, v21;
	v19 =	vld [tilespmem:s15+$0x2190]  }
0x280: {  	v9 =	vadd.f32 v14, v9;
	(erf) = vpow2.f32 v18;
	v13 =	vpop (erf);
	v21 =	vsub.f32 v56, v4  }
0x281: {  	(erf) = vpow2.f32 v15;
	v18 =	vadd.f32 v22, v22;
	v15 =	vmul.f32 $1.442695020e+00, v17;
	[tilespmem:s16+$0x21F0] =	vst v13  }
0x282: {  	v10 =	vsub.f32 v26, v4;
	v17 =	vld [tilespmem:s15+$0x21A0];
	v21 =	vadd.f32 v21, v21  }
0x283: {  	v22 =	vld [tilespmem:s15+$0x21B0];
	v18 =	vmul.f32 $1.442695020e+00, v18;
	(erf) = vpow2.f32 v15;
	v15 =	vsub.f32 v28, v4  }
0x284: {  	v10 =	vadd.f32 v10, v10;
	v21 =	vmul.f32 $1.442695020e+00, v21;
	v19 =	vsub.f32 v19, v4  }
0x285: {  	v5 =	vadd.f32 v5, v8;
	v11 =	vadd.f32 v16, v11;
	v58 =	vld [tilespmem:s15+$0x21C0];
	(erf) = vpow2.f32 v18  }
0x286: {  	v59 =	vld [tilespmem:s15+$0x21D0];
	v15 =	vadd.f32 v15, v15;
	v10 =	vmul.f32 $1.442695020e+00, v10;
	v18 =	vadd.f32 v19, v19  }
0x287: {  	v9 =	vadd.f32 v11, v9;
	v60 =	vld [tilespmem:s15+$0x21F0];
	(erf) = vpow2.f32 v21;
	v17 =	vsub.f32 v17, v4  }
0x288: {  	v14 =	vmul.f32 $1.442695020e+00, v15;
	v19 =	vld [tilespmem:s15+$0x21E0];
	v22 =	vsub.f32 v22, v4;
	v21 =	vpop (erf);
	(erf) = vpow2.f32 v10  }
0x289: {  	v7 =	vadd.f32 v20, v7;
	v15 =	vmul.f32 $1.442695020e+00, v18;
	v10 =	vadd.f32 v17, v17  }
0x28a: {  	v16 =	vsub.f32 v58, v4;
	v22 =	vadd.f32 v22, v22;
	v18 =	vpop (erf);
	(erf) = vpow2.f32 v14  }
0x28b: {  	v8 =	vsub.f32 v59, v4;
	[tilespmem:s15+$0x2080] =	vst v21;
	v10 =	vmul.f32 $1.442695020e+00, v10;
	v17 =	vpop (erf);
	(erf) = vpow2.f32 v15  }
0x28c: {  	v11 =	vsub.f32 v60, v4;
	v16 =	vadd.f32 v16, v16;
	v22 =	vmul.f32 $1.442695020e+00, v22;
	[tilespmem:s15+$0x2090] =	vst v18  }
0x28d: {  	v8 =	vadd.f32 v8, v8;
	v14 =	vpop (erf);
	[tilespmem:s15+$0x20A0] =	vst v17;
	(erf) = vpow2.f32 v10;
	v10 =	vsub.f32 v19, v4  }
0x28e: {  	v9 =	vadd.f32 v9, v5;
	s16 =	simm.s32 $0x400;
	v5 =	vadd.f32 v11, v11;
	[tilespmem:s15+$0x20B0] =	vst v14;
	v15 =	vpop (erf)  }
0x28f: {  	v16 =	vmul.f32 $1.442695020e+00, v16;
	v8 =	vmul.f32 $1.442695020e+00, v8;
	v61 =	vld [tilespmem:s16+$0x2080];
	[tilespmem:s15+$0x20C0] =	vst v15;
	v19 =	vpop (erf);
	v10 =	vadd.f32 v10, v10  }
0x290: {  	v6 =	vadd.f32 v6, v12;
	v5 =	vmul.f32 $1.442695020e+00, v5;
	(erf) = vpow2.f32 v22;
	v20 =	vld [tilespmem:s16+$0x2090];
	[tilespmem:s15+$0x20D0] =	vst v19;
	v22 =	vpop (erf)  }
0x291: {  	v12 =	vadd.f32 v57, v23;
	(erf) = vpow2.f32 v16;
	v62 =	vld [tilespmem:s16+$0x20A0];
	[tilespmem:s15+$0x20E0] =	vst v22;
	v11 =	vpop (erf);
	v10 =	vmul.f32 $1.442695020e+00, v10  }
0x292: {  	v15 =	vadd.f32 v19, v15;
	(erf) = vpow2.f32 v8;
	v63 =	vld [tilespmem:s16+$0x20B0];
	[tilespmem:s15+$0x20F0] =	vst v11;
	v11 =	vadd.f32 v11, v22  }
0x293: {  	v14 =	vadd.f32 v14, v17;
	v8 =	vpop (erf);
	(erf) = vpow2.f32 v10;
	v10 =	vadd.f32 v13, v27  }
0x294: {  	v16 =	vadd.f32 v18, v21;
	v11 =	vadd.f32 v11, v15;
	v18 =	vpop (erf);
	(erf) = vpow2.f32 v5  }
0x295: {  	v5 =	vadd.f32 v6, v7;
	v6 =	vadd.f32 v10, v12  }
0x296: {  	v10 =	vadd.f32 v14, v16;
	v7 =	vadd.f32 v18, v8  }
0x297: {  	[tilespmem:s15+$0x2180] =	vst v8;
	v16 =	vsub.f32 v61, v4;
	v6 =	vadd.f32 v6, v5  }
0x298: {  	[tilespmem:s15+$0x2190] =	vst v18;
	v17 =	vpop (erf);
	v5 =	vadd.f32 v11, v10;
	v11 =	vsub.f32 v20, v4  }
0x299: {  	v19 =	vsub.f32 v62, v4;
	v13 =	vld [tilespmem:s16+$0x20C0];
	[tilespmem:s15+$0x21A0] =	vst v17;
	v12 =	vpop (erf);
	v23 =	vsub.f32 v63, v4  }
0x29a: {  	v14 =	vld [tilespmem:s16+$0x20D0];
	[tilespmem:s15+$0x21B0] =	vst v12;
	v10 =	vpop (erf);
	v8 =	vadd.f32 v6, v9;
	v9 =	vadd.f32 v16, v16  }
0x29b: {  	v20 =	vadd.f32 v19, v19;
	v15 =	vld [tilespmem:s16+$0x20E0];
	v21 =	vadd.f32 v11, v11;
	[tilespmem:s15+$0x21C0] =	vst v10;
	v22 =	vpop (erf)  }
0x29c: {  	v6 =	vimm.f32 $0.0e+00;
	v16 =	vld [tilespmem:s16+$0x20F0];
	[tilespmem:s15+$0x21D0] =	vst v22;
	v18 =	vmul.f32 $1.442695020e+00, v9;
	v9 =	vadd.f32 v12, v17;
	v11 =	vpop (erf)  }
0x29d: {  	s17 =	simm.s32 $0x1800;
	v19 =	vmul.f32 $1.442695020e+00, v21;
	v21 =	vadd.f32 v23, v23;
	v10 =	vadd.f32 v22, v10;
	v17 =	vld [tilespmem:s16+$0x2180];
	[tilespmem:s15+$0x21E0] =	vst v11;
	v12 =	vpop (erf)  }
.LBB2_16:
0x29e: {  	p0 =	sne.s32 s17, $0x7800;
	v20 =	vmul.f32 $1.442695020e+00, v20;
	v13 =	vsub.f32 v13, v4;
	v22 =	vld [tilespmem:s16+$0x2190];
	(erf) = vpow2.f32 v18;
	[tilespmem:s15+$0x21F0] =	vst v12;
	s15 =	smov.u32 s16  }
0x29f: {  	v18 =	vmul.f32 $1.442695020e+00, v21;
	v14 =	vsub.f32 v14, v4;
	(erf) = vpow2.f32 v19  }
0x2a0: {  	v13 =	vadd.f32 v13, v13;
	v15 =	vsub.f32 v15, v4;
	(erf) = vpow2.f32 v20  }
0x2a1: {  	v14 =	vadd.f32 v14, v14;
	v16 =	vsub.f32 v16, v4;
	v19 =	vld [tilespmem:s15+$0x21A0];
	(erf) = vpow2.f32 v18  }
0x2a2: {  	v13 =	vmul.f32 $1.442695020e+00, v13;
	v15 =	vadd.f32 v15, v15;
	v17 =	vsub.f32 v17, v4;
	v18 =	vld [tilespmem:s15+$0x21B0]  }
0x2a3: {  	v14 =	vmul.f32 $1.442695020e+00, v14;
	v16 =	vadd.f32 v16, v16;
	v20 =	vsub.f32 v22, v4;
	v21 =	vld [tilespmem:s15+$0x21C0]  }
0x2a4: {  	v15 =	vmul.f32 $1.442695020e+00, v15;
	v17 =	vadd.f32 v17, v17;
	v22 =	vld [tilespmem:s15+$0x21D0];
	(erf) = vpow2.f32 v13  }
0x2a5: {  	v13 =	vmul.f32 $1.442695020e+00, v16;
	v16 =	vadd.f32 v20, v20;
	v20 =	vld [tilespmem:s15+$0x21E0];
	(erf) = vpow2.f32 v14  }
0x2a6: {  	v14 =	vmul.f32 $1.442695020e+00, v17;
	v17 =	vsub.f32 v19, v4;
	v19 =	vld [tilespmem:s15+$0x21F0];
	(erf) = vpow2.f32 v15  }
0x2a7: {  	v15 =	vmul.f32 $1.442695020e+00, v16;
	v16 =	vsub.f32 v18, v4;
	v18 =	vpop (erf);
	(erf) = vpow2.f32 v13  }
0x2a8: {  	v13 =	vadd.f32 v17, v17;
	v17 =	vsub.f32 v21, v4;
	v21 =	vpop (erf);
	(erf) = vpow2.f32 v14  }
0x2a9: {  	v14 =	vadd.f32 v16, v16;
	v16 =	vsub.f32 v22, v4;
	v22 =	vpop (erf);
	(erf) = vpow2.f32 v15  }
0x2aa: {  	v13 =	vmul.f32 $1.442695020e+00, v13;
	v15 =	vadd.f32 v17, v17;
	v17 =	vsub.f32 v20, v4;
	v20 =	vpop (erf)  }
0x2ab: {  	v14 =	vmul.f32 $1.442695020e+00, v14;
	v16 =	vadd.f32 v16, v16;
	v23 =	vsub.f32 v19, v4  }
0x2ac: {  	[tilespmem:s15+$0x2080] =	vst v18;
	v15 =	vmul.f32 $1.442695020e+00, v15;
	v17 =	vadd.f32 v17, v17;
	(erf) = vpow2.f32 v13  }
0x2ad: {  	[tilespmem:s15+$0x2090] =	vst v21;
	v13 =	vmul.f32 $1.442695020e+00, v16;
	v16 =	vadd.f32 v23, v23;
	v19 =	vpop (erf);
	(erf) = vpow2.f32 v14  }
0x2ae: {  	v23 =	vadd.f32 v21, v18;
	[tilespmem:s15+$0x20A0] =	vst v22;
	v14 =	vmul.f32 $1.442695020e+00, v17;
	v18 =	vpop (erf);
	(erf) = vpow2.f32 v15  }
0x2af: {  	s16 =	sshra.s32 s17, $0x2;
	[tilespmem:s15+$0x20B0] =	vst v20;
	v15 =	vmul.f32 $1.442695020e+00, v16;
	v16 =	vadd.f32 v20, v22;
	v20 =	vpop (erf);
	(erf) = vpow2.f32 v13  }
0x2b0: {  	v11 =	vadd.f32 v12, v11;
	v13 =	vld [tilespmem:s16+$0x2080];
	[tilespmem:s15+$0x20C0] =	vst v19;
	v19 =	vadd.f32 v18, v19;
	v21 =	vpop (erf);
	(erf) = vpow2.f32 v14  }
0x2b1: {  	v12 =	vld [tilespmem:s16+$0x2090];
	[tilespmem:s15+$0x20D0] =	vst v18;
	v14 =	vadd.f32 v21, v20;
	v16 =	vadd.f32 v16, v23;
	v17 =	vpop (erf);
	(erf) = vpow2.f32 v15  }
0x2b2: {  	v9 =	vadd.f32 v9, v7;
	v10 =	vadd.f32 v11, v10;
	v15 =	vld [tilespmem:s16+$0x20A0];
	[tilespmem:s15+$0x20E0] =	vst v20;
	v18 =	vpop (erf)  }
0x2b3: {  	v11 =	vld [tilespmem:s16+$0x20B0];
	[tilespmem:s15+$0x20F0] =	vst v21;
	v7 =	vadd.f32 v18, v17;
	v14 =	vadd.f32 v14, v19  }
0x2b4: {  	v6 =	vadd.f32 v8, v6;
	v9 =	vadd.f32 v10, v9;
	[tilespmem:s15+$0x2180] =	vst v17  }
0x2b5: {  	v10 =	vsub.f32 v13, v4;
	[tilespmem:s15+$0x2190] =	vst v18;
	v16 =	vadd.f32 v14, v16;
	v17 =	vpop (erf)  }
.Ltmp7:
0x2b6: {  	v8 =	vadd.f32 v9, v5;
	v12 =	vsub.f32 v12, v4;
	v13 =	vld [tilespmem:s16+$0x20C0];
	[tilespmem:s15+$0x21A0] =	vst v17;
	v19 =	vpop (erf);
	(pc) =	sbr.rel @p0 .LBB2_16-.Ltmp7, $4  }
0x2b7: {  	v9 =	vadd.f32 v10, v10;
	v10 =	vsub.f32 v15, v4;
	v14 =	vld [tilespmem:s16+$0x20D0];
	[tilespmem:s15+$0x21B0] =	vst v19;
	v22 =	vpop (erf);
	v5 =	vmov v16  }
0x2b8: {  	v24 =	vadd.f32 v12, v12;
	v21 =	vsub.f32 v11, v4;
	v15 =	vld [tilespmem:s16+$0x20E0];
	[tilespmem:s15+$0x21C0] =	vst v22;
	v23 =	vpop (erf)  }
0x2b9: {  	v18 =	vmul.f32 $1.442695020e+00, v9;
	v20 =	vadd.f32 v10, v10;
	v16 =	vld [tilespmem:s16+$0x20F0];
	[tilespmem:s15+$0x21D0] =	vst v23;
	v9 =	vadd.f32 v19, v17;
	v11 =	vpop (erf)  }
0x2ba: {  	s17 =	sadd.s32 $0x800, s17;
	v10 =	vadd.f32 v23, v22;
	v19 =	vmul.f32 $1.442695020e+00, v24;
	v21 =	vadd.f32 v21, v21;
	v17 =	vld [tilespmem:s16+$0x2180];
	[tilespmem:s15+$0x21E0] =	vst v11;
	v12 =	vpop (erf)  }
0x2bb: {  	v20 =	vmul.f32 $1.442695020e+00, v20;
	v13 =	vsub.f32 v13, v4;
	v22 =	vld [tilespmem:s16+$0x2190];
	(erf) = vpow2.f32 v18  }
0x2bc: {  	v18 =	vmul.f32 $1.442695020e+00, v21;
	v14 =	vsub.f32 v14, v4;
	(erf) = vpow2.f32 v19  }
0x2bd: {  	[tilespmem:s15+$0x21F0] =	vst v12;
	v13 =	vadd.f32 v13, v13;
	v15 =	vsub.f32 v15, v4;
	(erf) = vpow2.f32 v20  }
0x2be: {  	v19 =	vld [tilespmem:s16+$0x21A0];
	v14 =	vadd.f32 v14, v14;
	v16 =	vsub.f32 v16, v4;
	(erf) = vpow2.f32 v18  }
0x2bf: {  	v18 =	vld [tilespmem:s16+$0x21B0];
	v13 =	vmul.f32 $1.442695020e+00, v13;
	v15 =	vadd.f32 v15, v15;
	v17 =	vsub.f32 v17, v4  }
0x2c0: {  	v21 =	vld [tilespmem:s16+$0x21C0];
	v14 =	vmul.f32 $1.442695020e+00, v14;
	v16 =	vadd.f32 v16, v16;
	v20 =	vsub.f32 v22, v4  }
0x2c1: {  	v22 =	vld [tilespmem:s16+$0x21D0];
	v15 =	vmul.f32 $1.442695020e+00, v15;
	v17 =	vadd.f32 v17, v17;
	(erf) = vpow2.f32 v13  }
0x2c2: {  	v13 =	vmul.f32 $1.442695020e+00, v16;
	v16 =	vadd.f32 v20, v20;
	v20 =	vld [tilespmem:s16+$0x21E0];
	(erf) = vpow2.f32 v14  }
0x2c3: {  	v14 =	vmul.f32 $1.442695020e+00, v17;
	v17 =	vsub.f32 v19, v4;
	v19 =	vld [tilespmem:s16+$0x21F0];
	(erf) = vpow2.f32 v15  }
0x2c4: {  	v15 =	vmul.f32 $1.442695020e+00, v16;
	v16 =	vsub.f32 v18, v4;
	(erf) = vpow2.f32 v13  }
0x2c5: {  	v13 =	vadd.f32 v17, v17;
	v17 =	vsub.f32 v21, v4;
	(erf) = vpow2.f32 v14  }
0x2c6: {  	v14 =	vadd.f32 v16, v16;
	v16 =	vsub.f32 v22, v4;
	(erf) = vpow2.f32 v15  }
0x2c7: {  	v13 =	vmul.f32 $1.442695020e+00, v13;
	v15 =	vadd.f32 v17, v17;
	v17 =	vsub.f32 v20, v4  }
0x2c8: {  	v14 =	vmul.f32 $1.442695020e+00, v14;
	v16 =	vadd.f32 v16, v16;
	v4 =	vsub.f32 v19, v4  }
0x2c9: {  	v18 =	vpop (erf);
	v15 =	vmul.f32 $1.442695020e+00, v15;
	v17 =	vadd.f32 v17, v17  }
0x2ca: {  	v19 =	vpop (erf);
	(erf) = vpow2.f32 v13;
	v16 =	vmul.f32 $1.442695020e+00, v16;
	v4 =	vadd.f32 v4, v4  }
0x2cb: {  	(erf) = vpow2.f32 v14;
	v13 =	vpop (erf);
	v17 =	vmul.f32 $1.442695020e+00, v17  }
0x2cc: {  	(erf) = vpow2.f32 v15;
	v14 =	vpop (erf);
	v4 =	vmul.f32 $1.442695020e+00, v4  }
0x2cd: {  	(erf) = vpow2.f32 v16;
	v15 =	vpop (erf)  }
0x2ce: {  	(erf) = vpow2.f32 v17;
	v16 =	vpop (erf)  }
0x2cf: {  	(erf) = vpow2.f32 v4;
	v17 =	vpop (erf)  }
0x2d0: {  	v4 =	vpop (erf)  }
0x2d1: {  	v20 =	vpop (erf)  }
0x2d2: {  	v24 =	vadd.f32 v14, v13;
	v21 =	vpop (erf)  }
0x2d3: {  	v22 =	vpop (erf)  }
0x2d4: {  	v11 =	vadd.f32 v12, v11;
	v23 =	vadd.f32 v19, v18;
	v25 =	vpop (erf)  }
0x2d5: {  	v7 =	vadd.f32 v9, v7;
	v12 =	vpop (erf)  }
0x2d6: {  	v9 =	vadd.f32 v11, v10;
	v23 =	vadd.f32 v24, v23;
	v24 =	vpop (erf)  }
0x2d7: {  	v26 =	vadd.f32 v16, v15;
	v27 =	vadd.f32 v4, v17;
	v10 =	vpop (erf)  }
0x2d8: {  	v11 =	vadd.f32 v21, v20;
	v28 =	vadd.f32 v25, v22;
	v29 =	vpop (erf)  }
0x2d9: {  	v30 =	vadd.f32 v24, v12;
	v31 =	vadd.f32 v29, v10  }
0x2da: {  	v7 =	vadd.f32 v9, v7;
	v26 =	vadd.f32 v27, v26  }
0x2db: {  	v9 =	vadd.f32 v28, v11;
	v11 =	vadd.f32 v31, v30  }
0x2dc: {  	v6 =	vadd.f32 v8, v6;
	v5 =	vadd.f32 v7, v5  }
0x2dd: {  	v8 =	vadd.f32 v26, v23;
	v7 =	vadd.f32 v11, v9;
	_ =	sdelay $0x1  }
0x2de: {  	v5 =	vadd.f32 v5, v6;
	v6 =	vadd.f32 v7, v8;
	_ =	sdelay $0x1  }
0x2df: {  	v5 =	vadd.f32 v6, v5;
	_ =	sdelay $0x1  }
0x2e0: {  	v6 =	vperm.xlane v5, v0;
	_ =	sdelay $0x1  }
0x2e1: {  	[tilespmem:s16+$0x2080] =	vst v18;
	v5 =	vadd.f32 v6, v5  }
0x2e2: {  	[tilespmem:s16+$0x2090] =	vst v19  }
0x2e3: {  	[tilespmem:s16+$0x20A0] =	vst v13;
	v6 =	vperm.xlane v5, v1  }
0x2e4: {  	[tilespmem:s16+$0x20B0] =	vst v14  }
0x2e5: {  	[tilespmem:s16+$0x20F0] =	vst v4;
	v4 =	vadd.f32 v6, v5  }
0x2e6: {  	[tilespmem:s16+$0x20C0] =	vst v15  }
0x2e7: {  	[tilespmem:s16+$0x20D0] =	vst v16;
	v5 =	vperm.xlane v4, v2  }
0x2e8: {  	[tilespmem:s16+$0x20E0] =	vst v17  }
0x2e9: {  	[tilespmem:s16+$0x2180] =	vst v20;
	v4 =	vadd.f32 v5, v4  }
0x2ea: {  	[tilespmem:s16+$0x2190] =	vst v21  }
0x2eb: {  	[tilespmem:s16+$0x21A0] =	vst v22;
	v5 =	vperm.xlane v4, v3  }
0x2ec: {  	[tilespmem:s16+$0x21B0] =	vst v25  }
0x2ed: {  	[tilespmem:s16+$0x21C0] =	vst v12;
	v4 =	vadd.f32 v5, v4  }
0x2ee: {  	[tilespmem:s16+$0x21D0] =	vst v24  }
0x2ef: {  	[tilespmem:s16+$0x21E0] =	vst v10;
	(erf) = vrcp.f32 v4  }
0x2f0: {  	s15 =	simm.s32 $0x0;
	[tilespmem:s16+$0x21F0] =	vst v29  }
0x2f1: {  	v10 =	vld [tilespmem:s15+$0x21B0]  }
0x2f2: {  	v12 =	vld [tilespmem:s15+$0x21C0]  }
0x2f3: {  	v8 =	vld [tilespmem:s15+$0x2180]  }
0x2f4: {  	v6 =	vld [tilespmem:s15+$0x2190]  }
0x2f5: {  	v4 =	vld [tilespmem:s15+$0x2090]  }
0x2f6: {  	v7 =	vld [tilespmem:s15+$0x21F0]  }
0x2f7: {  	v11 =	vld [tilespmem:s15+$0x20D0]  }
0x2f8: {  	v9 =	vld [tilespmem:s15+$0x21E0];
	v5 =	vpop (erf)  }
0x2f9: {  	v16 =	vld [tilespmem:s15+$0x2080];
	v6 =	vmul.f32 v6, v5  }
0x2fa: {  	v13 =	vld [tilespmem:s15+$0x21D0];
	v17 =	vmul.f32 v4, v5;
	v19 =	vmul.f32 v8, v5  }
0x2fb: {  	v14 =	vld [tilespmem:s15+$0x20E0];
	v21 =	vmul.f32 v10, v5;
	v24 =	vmul.f32 v7, v5  }
0x2fc: {  	v15 =	vld [tilespmem:s15+$0x20B0];
	v7 =	vmul.f32 v12, v5;
	v20 =	vmul.f32 v11, v5  }
0x2fd: {  	v12 =	vld [tilespmem:s15+$0x21A0];
	v25 =	vmul.f32 v9, v5;
	[tilespmem:s15+$0x4190] =	vst v6;
	v4 =	vsub.f32 $1.000000000e+00, v17;
	v8 =	vsub.f32 $1.000000000e+00, v19  }
0x2fe: {  	v16 =	vmul.f32 v16, v5;
	[tilespmem:s15+$0x41B0] =	vst v21;
	v9 =	vsub.f32 $1.000000000e+00, v24;
	v27 =	vsub.f32 $1.000000000e+00, v21  }
0x2ff: {  	[tilespmem:s15+$0x41C0] =	vst v7;
	v10 =	vmax.f32 v4, $1.000000010e-07;
	v8 =	vmax.f32 v8, $1.000000010e-07;
	v4 =	vimm.f32 $0.0e+00  }
0x300: {  	[tilespmem:s15+$0x40D0] =	vst v20;
	v26 =	vmax.f32 v9, $1.000000010e-07;
	v22 =	vmul.f32 v10, v10;
	v11 =	vmul.f32 v8, v8  }
0x301: {  	v23 =	vld [tilespmem:s15+$0x20F0];
	[tilespmem:s15+$0x4180] =	vst v19;
	v27 =	vmax.f32 v27, $1.000000010e-07;
	v10 =	vmul.f32 v13, v5;
	v8 =	vmul.f32 v15, v5  }
0x302: {  	v18 =	vld [tilespmem:s15+$0x20C0];
	[tilespmem:s15+$0x41E0] =	vst v25;
	v15 =	vsub.f32 $1.000000000e+00, v20;
	v13 =	vmul.f32 v14, v5;
	v31 =	vmul.f32 v12, v5  }
0x303: {  	[tilespmem:s15+$0x4080] =	vst v16;
	v12 =	vsub.f32 $1.000000000e+00, v16;
	v26 =	vmul.f32 v26, v26;
	v9 =	vmul.f32 v11, v19  }
0x304: {  	[tilespmem:s15+$0x4090] =	vst v17;
	v19 =	vld [tilespmem:s15+$0x20A0];
	v11 =	vsub.f32 $1.000000000e+00, v25;
	v28 =	vsub.f32 $1.000000000e+00, v10;
	v14 =	vmax.f32 v15, $1.000000010e-07  }
0x305: {  	[tilespmem:s15+$0x41F0] =	vst v24;
	v30 =	vmax.f32 v12, $1.000000010e-07;
	v17 =	vmul.f32 v22, v17;
	v15 =	vmul.f32 v14, v14  }
0x306: {  	v32 =	vsub.f32 $1.000000000e+00, v13;
	[tilespmem:s15+$0x41A0] =	vst v31;
	v14 =	vmul.f32 v23, v5;
	v22 =	vmul.f32 v30, v30  }
0x307: {  	[tilespmem:s15+$0x40B0] =	vst v8;
	v29 =	vmax.f32 v11, $1.000000010e-07;
	v11 =	vmul.f32 v18, v5;
	v18 =	vsub.f32 $1.000000000e+00, v31  }
0x308: {  	[tilespmem:s15+$0x41D0] =	vst v10;
	v32 =	vmax.f32 v32, $1.000000010e-07;
	v29 =	vmul.f32 v29, v29;
	v15 =	vmul.f32 v15, v20  }
0x309: {  	[tilespmem:s15+$0x40E0] =	vst v13;
	v30 =	vmax.f32 v18, $1.000000010e-07;
	v12 =	vmul.f32 v19, v5;
	v19 =	vsub.f32 $1.000000000e+00, v6  }
0x30a: {  	[tilespmem:s15+$0x2180] =	vst v9;
	v28 =	vmax.f32 v28, $1.000000010e-07;
	v18 =	vmul.f32 v26, v24;
	v63 =	vmul.f32 v30, v30  }
0x30b: {  	[tilespmem:s15+$0x2090] =	vst v17;
	v33 =	vsub.f32 $1.000000000e+00, v12;
	v26 =	vmax.f32 v19, $1.000000010e-07;
	v19 =	vmul.f32 v29, v25  }
0x30c: {  	[tilespmem:s15+$0x20D0] =	vst v15;
	v29 =	vsub.f32 $1.000000000e+00, v14;
	v25 =	vmul.f32 v26, v26;
	v26 =	vmul.f32 v27, v27  }
0x30d: {  	v23 =	vsub.f32 $1.000000000e+00, v11;
	v30 =	vsub.f32 $1.000000000e+00, v7;
	[tilespmem:s15+$0x21F0] =	vst v18;
	v24 =	vmul.f32 v63, v31  }
0x30e: {  	[tilespmem:s15+$0x40A0] =	vst v12;
	v20 =	vmax.f32 v33, $1.000000010e-07;
	v27 =	vmax.f32 v29, $1.000000010e-07;
	v21 =	vmul.f32 v26, v21  }
0x30f: {  	s16 =	simm.s32 $0x800;
	[tilespmem:s15+$0x21E0] =	vst v19;
	v29 =	vsub.f32 $1.000000000e+00, v8;
	v26 =	vmul.f32 v28, v28;
	v28 =	vmul.f32 v32, v32  }
.LBB2_18:
0x310: {  	s17 =	sshra.s32 s16, $0x2;
	p0 =	sne.s32 s16, $0x7800;
	s16 =	sadd.s32 $0x800, s16;
	v16 =	vmul.f32 v22, v16;
	v22 =	vmax.f32 v23, $1.000000010e-07;
	[tilespmem:s15+$0x40F0] =	vst v14;
	v23 =	vmax.f32 v30, $1.000000010e-07  }
0x311: {  	v27 =	vmul.f32 v27, v27;
	v30 =	vld [tilespmem:s17+$0x21F0];
	v29 =	vmax.f32 v29, $1.000000010e-07;
	[tilespmem:s15+$0x21A0] =	vst v24;
	v23 =	vmul.f32 v23, v23  }
0x312: {  	v6 =	vmul.f32 v25, v6;
	v13 =	vmul.f32 v28, v13;
	v31 =	vld [tilespmem:s17+$0x2090];
	[tilespmem:s15+$0x40C0] =	vst v11;
	v17 =	vadd.f32 v17, v16  }
0x313: {  	v10 =	vmul.f32 v26, v10;
	v14 =	vmul.f32 v27, v14;
	v25 =	vld [tilespmem:s17+$0x2180];
	[tilespmem:s15+$0x21B0] =	vst v21;
	v21 =	vadd.f32 v21, v24  }
0x314: {  	v18 =	vadd.f32 v18, v19;
	v22 =	vmul.f32 v22, v22;
	v7 =	vmul.f32 v23, v7;
	v24 =	vld [tilespmem:s17+$0x21E0];
	[tilespmem:s15+$0x2190] =	vst v6  }
0x315: {  	v23 =	vmul.f32 v29, v29;
	v26 =	vadd.f32 v14, v13;
	v6 =	vadd.f32 v6, v9;
	v19 =	vld [tilespmem:s17+$0x21B0];
	[tilespmem:s15+$0x21D0] =	vst v10  }
0x316: {  	v20 =	vmul.f32 v20, v20;
	v11 =	vmul.f32 v22, v11;
	v10 =	vadd.f32 v10, v7;
	v9 =	vld [tilespmem:s17+$0x2190];
	[tilespmem:s15+$0x20E0] =	vst v13  }
0x317: {  	v28 =	vmul.f32 v30, v5;
	v21 =	vadd.f32 v21, v6;
	v22 =	vmul.f32 v31, v5;
	v13 =	vld [tilespmem:s17+$0x20D0];
	[tilespmem:s15+$0x21C0] =	vst v7  }
0x318: {  	v12 =	vmul.f32 v20, v12;
	v6 =	vmul.f32 v23, v8;
	v8 =	vadd.f32 v15, v11;
	v7 =	vld [tilespmem:s17+$0x21C0];
	[tilespmem:s15+$0x2080] =	vst v16  }
0x319: {  	v10 =	vadd.f32 v18, v10;
	v15 =	vsub.f32 $1.000000000e+00, v22;
	v16 =	vld [tilespmem:s17+$0x21D0];
	v20 =	vmul.f32 v24, v5;
	[tilespmem:s15+$0x20C0] =	vst v11  }
0x31a: {  	v18 =	vmul.f32 v25, v5;
	v23 =	vsub.f32 $1.000000000e+00, v28;
	v24 =	vadd.f32 v6, v12;
	v11 =	vld [tilespmem:s17+$0x20E0];
	[tilespmem:s15+$0x20B0] =	vst v6  }
0x31b: {  	v8 =	vadd.f32 v26, v8;
	v15 =	vmax.f32 v15, $1.000000010e-07;
	v25 =	vld [tilespmem:s17+$0x20B0];
	v6 =	vmul.f32 v9, v5;
	[tilespmem:s15+$0x20A0] =	vst v12  }
0x31c: {  	v26 =	vmul.f32 v19, v5;
	v9 =	vsub.f32 $1.000000000e+00, v18;
	v12 =	vld [tilespmem:s17+$0x2080];
	v15 =	vmul.f32 v15, v15;
	[tilespmem:s15+$0x20F0] =	vst v14;
	s15 =	smov.u32 s17  }
0x31d: {  	v19 =	vmax.f32 v23, $1.000000010e-07;
	v17 =	vadd.f32 v24, v17;
	v14 =	vld [tilespmem:s15+$0x20C0];
	[tilespmem:s15+$0x4190] =	vst v6;
	v7 =	vmul.f32 v7, v5  }
0x31e: {  	v24 =	vmul.f32 v13, v5;
	v13 =	vadd.f32 v10, v21;
	v9 =	vmax.f32 v9, $1.000000010e-07;
	v23 =	vld [tilespmem:s15+$0x21A0];
	[tilespmem:s15+$0x41B0] =	vst v26  }
0x31f: {  	v9 =	vmul.f32 v9, v9;
	v10 =	vmul.f32 v16, v5;
	v16 =	vadd.f32 v8, v17;
	[tilespmem:s15+$0x41C0] =	vst v7  }
0x320: {  	v21 =	vsub.f32 $1.000000000e+00, v26;
	v17 =	vsub.f32 $1.000000000e+00, v20;
	v8 =	vmul.f32 v25, v5;
	[tilespmem:s15+$0x40D0] =	vst v24  }
0x321: {  	v25 =	vsub.f32 $1.000000000e+00, v24;
	v9 =	vmul.f32 v9, v18;
	v27 =	vld [tilespmem:s15+$0x20F0];
	[tilespmem:s15+$0x4180] =	vst v18;
	v18 =	vadd.f32 v13, v16  }
0x322: {  	v29 =	vsub.f32 $1.000000000e+00, v10;
	v16 =	vmul.f32 v12, v5;
	v13 =	vmul.f32 v11, v5;
	v12 =	vld [tilespmem:s15+$0x20A0];
	[tilespmem:s15+$0x41E0] =	vst v20  }
0x323: {  	v11 =	vmax.f32 v25, $1.000000010e-07;
	[tilespmem:s15+$0x2180] =	vst v9;
	v31 =	vmul.f32 v23, v5;
	v4 =	vadd.f32 v18, v4  }
0x324: {  	v18 =	vsub.f32 $1.000000000e+00, v16;
	v25 =	vmul.f32 v11, v11;
	v23 =	vmax.f32 v17, $1.000000010e-07;
	[tilespmem:s15+$0x4080] =	vst v16  }
0x325: {  	v19 =	vmul.f32 v19, v19;
	v11 =	vmul.f32 v14, v5;
	[tilespmem:s15+$0x4090] =	vst v22;
	v30 =	vsub.f32 $1.000000000e+00, v31  }
0x326: {  	v17 =	vmul.f32 v15, v22;
	v32 =	vsub.f32 $1.000000000e+00, v13;
	v18 =	vmax.f32 v18, $1.000000010e-07;
	[tilespmem:s15+$0x41A0] =	vst v31  }
0x327: {  	v14 =	vmul.f32 v27, v5;
	v27 =	vsub.f32 $1.000000000e+00, v6;
	v12 =	vmul.f32 v12, v5;
	[tilespmem:s15+$0x40B0] =	vst v8  }
0x328: {  	v33 =	vmul.f32 v23, v23;
	v22 =	vmul.f32 v18, v18;
	v30 =	vmax.f32 v30, $1.000000010e-07;
	[tilespmem:s15+$0x2090] =	vst v17  }
0x329: {  	v23 =	vsub.f32 $1.000000000e+00, v11;
	v18 =	vmul.f32 v19, v28;
	[tilespmem:s15+$0x40A0] =	vst v12;
	v34 =	vsub.f32 $1.000000000e+00, v12  }
0x32a: {  	v15 =	vmul.f32 v25, v24;
	v19 =	vmul.f32 v33, v20;
	v24 =	vmax.f32 v27, $1.000000010e-07;
	[tilespmem:s15+$0x41D0] =	vst v10  }
.Ltmp8:
0x32b: {  	v21 =	vmax.f32 v21, $1.000000010e-07;
	v32 =	vmax.f32 v32, $1.000000010e-07;
	v27 =	vsub.f32 $1.000000000e+00, v14;
	[tilespmem:s15+$0x21F0] =	vst v18;
	(pc) =	sbr.rel @p0 .LBB2_18-.Ltmp8, $4  }
0x32c: {  	v21 =	vmul.f32 v21, v21;
	v25 =	vmul.f32 v24, v24;
	v20 =	vmax.f32 v34, $1.000000010e-07;
	[tilespmem:s15+$0x21E0] =	vst v19  }
0x32d: {  	v29 =	vmax.f32 v29, $1.000000010e-07;
	v24 =	vmul.f32 v30, v30;
	v27 =	vmax.f32 v27, $1.000000010e-07;
	[tilespmem:s15+$0x41F0] =	vst v28  }
0x32e: {  	v21 =	vmul.f32 v21, v26;
	v26 =	vmul.f32 v29, v29;
	v30 =	vsub.f32 $1.000000000e+00, v7;
	[tilespmem:s15+$0x20D0] =	vst v15  }
0x32f: {  	v29 =	vsub.f32 $1.000000000e+00, v8;
	v24 =	vmul.f32 v24, v31;
	v28 =	vmul.f32 v32, v32;
	[tilespmem:s15+$0x40E0] =	vst v13  }
0x330: {  	v5 =	vmul.f32 v22, v16;
	v54 =	vmax.f32 v30, $1.000000010e-07;
	v55 =	vmul.f32 v27, v27  }
0x331: {  	v23 =	vmax.f32 v23, $1.000000010e-07;
	v6 =	vmul.f32 v25, v6;
	v10 =	vmul.f32 v26, v10  }
0x332: {  	v20 =	vmul.f32 v20, v20;
	v59 =	vadd.f32 v18, v19;
	v16 =	vmul.f32 v54, v54  }
0x333: {  	v13 =	vmul.f32 v28, v13;
	v56 =	vmax.f32 v29, $1.000000010e-07;
	v23 =	vmul.f32 v23, v23  }
0x334: {  	v57 =	vadd.f32 v21, v24;
	v22 =	vmul.f32 v55, v14;
	v58 =	vmul.f32 v56, v56  }
0x335: {  	v17 =	vadd.f32 v17, v5;
	v12 =	vmul.f32 v20, v12;
	v7 =	vmul.f32 v16, v7  }
0x336: {  	v9 =	vadd.f32 v6, v9;
	v60 =	vmul.f32 v23, v11;
	v8 =	vmul.f32 v58, v8  }
0x337: {  	v61 =	vadd.f32 v22, v13;
	v62 =	vadd.f32 v10, v7  }
0x338: {  	v15 =	vadd.f32 v15, v60;
	v63 =	vadd.f32 v8, v12  }
0x339: {  	v9 =	vadd.f32 v57, v9;
	v16 =	vadd.f32 v59, v62  }
0x33a: {  	v15 =	vadd.f32 v61, v15;
	v17 =	vadd.f32 v63, v17;
	_ =	sdelay $0x1  }
0x33b: {  	v9 =	vadd.f32 v16, v9;
	v15 =	vadd.f32 v15, v17;
	_ =	sdelay $0x1  }
0x33c: {  	v9 =	vadd.f32 v9, v15;
	_ =	sdelay $0x1  }
0x33d: {  	v4 =	vadd.f32 v9, v4;
	_ =	sdelay $0x1  }
0x33e: {  	v9 =	vperm.xlane v4, v0;
	_ =	sdelay $0x1  }
0x33f: {  	[tilespmem:s15+$0x40F0] =	vst v14;
	v4 =	vadd.f32 v9, v4  }
0x340: {  	[tilespmem:s15+$0x40C0] =	vst v11  }
0x341: {  	[tilespmem:s15+$0x21B0] =	vst v21;
	v9 =	vperm.xlane v4, v1  }
0x342: {  	[tilespmem:s15+$0x21A0] =	vst v24  }
0x343: {  	[tilespmem:s15+$0x2190] =	vst v6;
	v4 =	vadd.f32 v9, v4  }
0x344: {  	[tilespmem:s15+$0x21D0] =	vst v10  }
0x345: {  	[tilespmem:s15+$0x2080] =	vst v5;
	v6 =	vperm.xlane v4, v2  }
0x346: {  	[tilespmem:s15+$0x20E0] =	vst v13  }
0x347: {  	[tilespmem:s15+$0x20A0] =	vst v12;
	v4 =	vadd.f32 v6, v4  }
0x348: {  	[tilespmem:s15+$0x20F0] =	vst v22  }
0x349: {  	[tilespmem:s15+$0x21C0] =	vst v7;
	v5 =	vperm.xlane v4, v3  }
0x34a: {  	[tilespmem:s15+$0x20C0] =	vst v60  }
0x34b: {  	[tilespmem:s15+$0x20B0] =	vst v8;
	s15 =	simm.s32 $0x0;
	v4 =	vadd.f32 v5, v4  }
.LBB2_20:
0x34c: {  	_ = 	snop  }
0x34d: {  	s16 =	simm.s32 $0x0;
	(erf) = vrcp.f32 v4  }
0x34e: {  	v4 =	vld [tilespmem:s16+$0x21F0]  }
0x34f: {  	v6 =	vld [tilespmem:s16+$0x21B0]  }
0x350: {  	v7 =	vld [tilespmem:s16+$0x2180]  }
0x351: {  	v9 =	vld [tilespmem:s16+$0x20F0]  }
0x352: {  	v8 =	vld [tilespmem:s16+$0x20E0]  }
0x353: {  	v10 =	vld [tilespmem:s16+$0x2190]  }
0x354: {  	v12 =	vld [tilespmem:s16+$0x21C0]  }
0x355: {  	v13 =	vld [tilespmem:s16+$0x20B0]  }
0x356: {  	v14 =	vld [tilespmem:s16+$0x21E0];
	v5 =	vpop (erf)  }
0x357: {  	v15 =	vld [tilespmem:s16+$0x20D0];
	v11 =	vmul.f32 v4, v5  }
0x358: {  	v18 =	vld [tilespmem:s16+$0x21D0]  }
0x359: {  	v19 =	vld [tilespmem:s16+$0x20A0];
	v16 =	vmul.f32 v6, v5;
	v29 =	vmul.f32 v7, v5;
	v4 =	vsub.f32 $1.000000000e+00, v11  }
0x35a: {  	v26 =	vld [tilespmem:s16+$0x21A0];
	v8 =	vmul.f32 v8, v5;
	v25 =	vmul.f32 v9, v5  }
0x35b: {  	v22 =	vld [tilespmem:s16+$0x2080];
	v6 =	vsub.f32 $1.000000000e+00, v16;
	v20 =	vsub.f32 $1.000000000e+00, v29;
	v4 =	vmax.f32 v4, $1.000000010e-07  }
0x35c: {  	[tilespmem:s16+$0x41F0] =	vst.add.f32.msk $0xffff, v11;
	v17 =	vsub.f32 $1.000000000e+00, v25;
	v23 =	vsub.f32 $1.000000000e+00, v8;
	v9 =	vmul.f32 v4, v4  }
0x35d: {  	[tilespmem:s16+$0x40E0] =	vst.add.f32.msk $0xffff, v8;
	v7 =	vmax.f32 v6, $1.000000010e-07;
	v24 =	vmax.f32 v20, $1.000000010e-07;
	v20 =	vmul.f32 v10, v5  }
0x35e: {  	[tilespmem:s16+$0x41B0] =	vst.add.f32.msk $0xffff, v16;
	v23 =	vmax.f32 v23, $1.000000010e-07;
	v30 =	vmul.f32 v24, v24;
	v6 =	vmul.f32 v9, v11  }
0x35f: {  	[tilespmem:s16+$0x40F0] =	vst.add.f32.msk $0xffff, v25;
	v9 =	vmul.f32 v7, v7;
	v11 =	vmul.f32 v13, v5;
	v7 =	vmax.f32 v17, $1.000000010e-07  }
0x360: {  	[tilespmem:s16+$0x4180] =	vst.add.f32.msk $0xffff, v29;
	v4 =	vimm.f32 $0.0e+00;
	v17 =	vmul.f32 v12, v5;
	v28 =	vmul.f32 v7, v7  }
0x361: {  	v27 =	vsub.f32 $1.000000000e+00, v20;
	[tilespmem:s16+$0x4190] =	vst.add.f32.msk $0xffff, v20;
	v7 =	vmul.f32 v18, v5;
	v18 =	vmul.f32 v15, v5  }
0x362: {  	v13 =	vmul.f32 v14, v5;
	v12 =	vmul.f32 v19, v5;
	v15 =	vld [tilespmem:s16+$0x20C0];
	v14 =	vsub.f32 $1.000000000e+00, v11  }
0x363: {  	v21 =	vld [tilespmem:s16+$0x2090];
	[tilespmem:s16+$0x21F0] =	vst v6;
	v9 =	vmul.f32 v9, v16;
	v10 =	vsub.f32 $1.000000000e+00, v7;
	v16 =	vsub.f32 $1.000000000e+00, v18  }
0x364: {  	v27 =	vmax.f32 v27, $1.000000010e-07;
	v31 =	vsub.f32 $1.000000000e+00, v13;
	[tilespmem:s16+$0x40A0] =	vst.add.f32.msk $0xffff, v12;
	v24 =	vsub.f32 $1.000000000e+00, v12  }
0x365: {  	[tilespmem:s16+$0x41C0] =	vst.add.f32.msk $0xffff, v17;
	v19 =	vmax.f32 v10, $1.000000010e-07;
	v10 =	vmul.f32 v22, v5;
	v32 =	vmax.f32 v16, $1.000000010e-07  }
0x366: {  	[tilespmem:s16+$0x41E0] =	vst.add.f32.msk $0xffff, v13;
	v22 =	vmax.f32 v31, $1.000000010e-07;
	v16 =	vmul.f32 v28, v25;
	v31 =	vsub.f32 $1.000000000e+00, v17  }
0x367: {  	[tilespmem:s16+$0x40D0] =	vst.add.f32.msk $0xffff, v18;
	v28 =	vmax.f32 v14, $1.000000010e-07;
	v25 =	vmul.f32 v30, v29;
	v14 =	vmul.f32 v15, v5  }
0x368: {  	s17 =	simm.s32 $0x800;
	[tilespmem:s16+$0x21B0] =	vst v9;
	v15 =	vmul.f32 v26, v5;
	v26 =	vmul.f32 v32, v32;
	v29 =	vmax.f32 v31, $1.000000010e-07  }
.LBB2_21:
0x369: {  	s18 =	sshra.s32 s17, $0x2;
	p0 =	sne.s32 s17, $0x7800;
	s17 =	sadd.s32 $0x800, s17;
	v30 =	vsub.f32 $1.000000000e+00, v10;
	[tilespmem:s16+$0x40B0] =	vst.add.f32.msk $0xffff, v11;
	v28 =	vmul.f32 v28, v28;
	v27 =	vmul.f32 v27, v27  }
0x36a: {  	v21 =	vmul.f32 v21, v5;
	v31 =	vsub.f32 $1.000000000e+00, v15;
	v29 =	vmul.f32 v29, v29;
	[tilespmem:s16+$0x41A0] =	vst.add.f32.msk $0xffff, v15  }
0x36b: {  	v32 =	vsub.f32 $1.000000000e+00, v14;
	v23 =	vmul.f32 v23, v23;
	[tilespmem:s16+$0x4080] =	vst.add.f32.msk $0xffff, v10;
	v20 =	vmul.f32 v27, v20  }
0x36c: {  	v11 =	vmul.f32 v28, v11;
	v28 =	vmax.f32 v31, $1.000000010e-07;
	v17 =	vmul.f32 v29, v17;
	v27 =	vld [tilespmem:s18+$0x21F0];
	[tilespmem:s16+$0x2180] =	vst v25  }
0x36d: {  	v18 =	vmul.f32 v26, v18;
	v8 =	vmul.f32 v23, v8;
	v29 =	vld [tilespmem:s18+$0x21B0];
	[tilespmem:s16+$0x20F0] =	vst v16;
	v23 =	vadd.f32 v20, v25  }
0x36e: {  	v24 =	vmax.f32 v24, $1.000000010e-07;
	v26 =	vmax.f32 v30, $1.000000010e-07;
	v30 =	vsub.f32 $1.000000000e+00, v21;
	v25 =	vld [tilespmem:s18+$0x2180];
	[tilespmem:s16+$0x20B0] =	vst v11  }
0x36f: {  	v19 =	vmul.f32 v19, v19;
	v24 =	vmul.f32 v24, v24;
	v31 =	vld [tilespmem:s18+$0x20F0];
	[tilespmem:s16+$0x20E0] =	vst v8  }
0x370: {  	v22 =	vmul.f32 v22, v22;
	v32 =	vmax.f32 v32, $1.000000010e-07;
	v33 =	vld [tilespmem:s18+$0x20E0];
	[tilespmem:s16+$0x2190] =	vst v20;
	v20 =	vmul.f32 v28, v28  }
0x371: {  	v32 =	vmul.f32 v32, v32;
	v30 =	vmax.f32 v30, $1.000000010e-07;
	v28 =	vld [tilespmem:s18+$0x2190];
	v27 =	vmul.f32 v27, v5;
	[tilespmem:s16+$0x21C0] =	vst v17  }
0x372: {  	v13 =	vmul.f32 v22, v13;
	v16 =	vadd.f32 v16, v8;
	v30 =	vmul.f32 v30, v30;
	v34 =	vld [tilespmem:s18+$0x21C0];
	[tilespmem:s16+$0x20D0] =	vst v18  }
0x373: {  	v26 =	vmul.f32 v26, v26;
	v22 =	vmul.f32 v29, v5;
	v29 =	vsub.f32 $1.000000000e+00, v27;
	[tilespmem:s16+$0x4090] =	vst.add.f32.msk $0xffff, v21  }
0x374: {  	v12 =	vmul.f32 v24, v12;
	v21 =	vmul.f32 v30, v21;
	[tilespmem:s16+$0x41D0] =	vst.add.f32.msk $0xffff, v7  }
0x375: {  	v24 =	vsub.f32 $1.000000000e+00, v22;
	v7 =	vmul.f32 v19, v7;
	v8 =	vmul.f32 v33, v5;
	[tilespmem:s16+$0x40C0] =	vst.add.f32.msk $0xffff, v14  }
0x376: {  	v15 =	vmul.f32 v20, v15;
	v20 =	vadd.f32 v11, v12;
	v19 =	vmax.f32 v29, $1.000000010e-07;
	[tilespmem:s18+$0x41F0] =	vst.add.f32.msk $0xffff, v27  }
0x377: {  	v14 =	vmul.f32 v32, v14;
	v19 =	vmul.f32 v19, v19;
	v11 =	vld [tilespmem:s18+$0x20B0];
	v29 =	vsub.f32 $1.000000000e+00, v8;
	[tilespmem:s16+$0x21E0] =	vst v13  }
0x378: {  	v30 =	vmul.f32 v31, v5;
	v24 =	vmax.f32 v24, $1.000000010e-07;
	v31 =	vld [tilespmem:s18+$0x21E0];
	[tilespmem:s16+$0x20A0] =	vst v12;
	v12 =	vadd.f32 v7, v17  }
0x379: {  	v10 =	vmul.f32 v26, v10;
	v17 =	vmul.f32 v19, v27;
	v32 =	vld [tilespmem:s18+$0x20D0];
	[tilespmem:s16+$0x21D0] =	vst v7;
	v7 =	vadd.f32 v9, v15  }
0x37a: {  	v25 =	vmul.f32 v25, v5;
	v13 =	vadd.f32 v6, v13;
	v9 =	vsub.f32 $1.000000000e+00, v30;
	v19 =	vld [tilespmem:s18+$0x21D0];
	[tilespmem:s16+$0x21A0] =	vst v15  }
0x37b: {  	v24 =	vmul.f32 v24, v24;
	v15 =	vld [tilespmem:s18+$0x20A0];
	[tilespmem:s16+$0x20C0] =	vst v14;
	v14 =	vadd.f32 v18, v14;
	v26 =	vadd.f32 v7, v23  }
0x37c: {  	v6 =	vmov v17;
	v7 =	vsub.f32 $1.000000000e+00, v25;
	v33 =	vld [tilespmem:s18+$0x21A0];
	[tilespmem:s16+$0x2080] =	vst v10;
	v10 =	vadd.f32 v21, v10  }
0x37d: {  	v35 =	vadd.f32 v13, v12;
	v9 =	vmax.f32 v9, $1.000000010e-07;
	v11 =	vmul.f32 v11, v5;
	v27 =	vld [tilespmem:s18+$0x2080];
	[tilespmem:s16+$0x2090] =	vst v21;
	s16 =	smov.u32 s18  }
0x37e: {  	v17 =	vmul.f32 v34, v5;
	v36 =	vmax.f32 v7, $1.000000010e-07;
	[tilespmem:s16+$0x40E0] =	vst.add.f32.msk $0xffff, v8;
	v10 =	vadd.f32 v20, v10  }
0x37f: {  	v34 =	vmul.f32 v9, v9;
	v9 =	vadd.f32 v16, v14;
	[tilespmem:s16+$0x41B0] =	vst.add.f32.msk $0xffff, v22;
	v7 =	vmul.f32 v19, v5  }
0x380: {  	v13 =	vmul.f32 v31, v5;
	v14 =	vsub.f32 $1.000000000e+00, v11;
	v18 =	vmul.f32 v32, v5;
	[tilespmem:s16+$0x40F0] =	vst.add.f32.msk $0xffff, v30  }
0x381: {  	v20 =	vmul.f32 v28, v5;
	v12 =	vmul.f32 v15, v5;
	v21 =	vld [tilespmem:s16+$0x2090];
	v15 =	vsub.f32 $1.000000000e+00, v7;
	[tilespmem:s16+$0x21F0] =	vst v6  }
0x382: {  	v23 =	vmax.f32 v29, $1.000000010e-07;
	v29 =	vmul.f32 v36, v36;
	v16 =	vadd.f32 v9, v10;
	v31 =	vld [tilespmem:s16+$0x20C0]  }
0x383: {  	v28 =	vsub.f32 $1.000000000e+00, v20;
	v9 =	vmul.f32 v24, v22;
	v22 =	vadd.f32 v35, v26;
	[tilespmem:s16+$0x4180] =	vst.add.f32.msk $0xffff, v25  }
0x384: {  	v26 =	vsub.f32 $1.000000000e+00, v18;
	v19 =	vmax.f32 v15, $1.000000010e-07;
	v15 =	vsub.f32 $1.000000000e+00, v13;
	[tilespmem:s16+$0x40D0] =	vst.add.f32.msk $0xffff, v18  }
.Ltmp9:
0x385: {  	v10 =	vmul.f32 v27, v5;
	v24 =	vsub.f32 $1.000000000e+00, v12;
	v32 =	vadd.f32 v22, v16;
	[tilespmem:s16+$0x40A0] =	vst.add.f32.msk $0xffff, v12;
	(pc) =	sbr.rel @p0 .LBB2_21-.Ltmp9, $4  }
0x386: {  	v26 =	vmax.f32 v26, $1.000000010e-07;
	v27 =	vmax.f32 v28, $1.000000010e-07;
	v22 =	vmax.f32 v15, $1.000000010e-07;
	[tilespmem:s16+$0x41C0] =	vst.add.f32.msk $0xffff, v17  }
0x387: {  	v16 =	vmul.f32 v34, v30;
	v30 =	vsub.f32 $1.000000000e+00, v17;
	v4 =	vadd.f32 v32, v4;
	[tilespmem:s16+$0x21B0] =	vst v9  }
0x388: {  	v28 =	vmax.f32 v14, $1.000000010e-07;
	v15 =	vmul.f32 v33, v5;
	v14 =	vmul.f32 v31, v5;
	[tilespmem:s16+$0x41E0] =	vst.add.f32.msk $0xffff, v13  }
0x389: {  	v26 =	vmul.f32 v26, v26;
	v25 =	vmul.f32 v29, v25;
	v29 =	vmax.f32 v30, $1.000000010e-07;
	[tilespmem:s16+$0x4190] =	vst.add.f32.msk $0xffff, v20  }
0x38a: {  	v28 =	vmul.f32 v28, v28  }
0x38b: {  	v30 =	vsub.f32 $1.000000000e+00, v10;
	v27 =	vmul.f32 v27, v27;
	v5 =	vmul.f32 v21, v5  }
0x38c: {  	v52 =	vsub.f32 $1.000000000e+00, v15;
	v29 =	vmul.f32 v29, v29;
	v23 =	vmul.f32 v23, v23  }
0x38d: {  	v24 =	vmax.f32 v24, $1.000000010e-07;
	v19 =	vmul.f32 v19, v19;
	v22 =	vmul.f32 v22, v22  }
0x38e: {  	v31 =	vsub.f32 $1.000000000e+00, v14;
	v18 =	vmul.f32 v26, v18;
	v24 =	vmul.f32 v24, v24  }
0x38f: {  	v20 =	vmul.f32 v27, v20;
	v53 =	vmul.f32 v28, v11;
	v21 =	vmax.f32 v52, $1.000000010e-07  }
0x390: {  	v17 =	vmul.f32 v29, v17;
	v8 =	vmul.f32 v23, v8;
	v54 =	vsub.f32 $1.000000000e+00, v5  }
0x391: {  	v55 =	vmax.f32 v31, $1.000000010e-07;
	v13 =	vmul.f32 v22, v13;
	v19 =	vmul.f32 v19, v7  }
0x392: {  	v57 =	vmax.f32 v30, $1.000000010e-07;
	v21 =	vmul.f32 v21, v21;
	v26 =	vmul.f32 v55, v55  }
0x393: {  	v12 =	vmul.f32 v24, v12;
	v59 =	vmul.f32 v57, v57;
	v23 =	vmax.f32 v54, $1.000000010e-07  }
0x394: {  	v56 =	vadd.f32 v20, v25;
	v58 =	vadd.f32 v16, v8;
	v23 =	vmul.f32 v23, v23  }
0x395: {  	v61 =	vadd.f32 v19, v17;
	v21 =	vmul.f32 v21, v15;
	v26 =	vmul.f32 v26, v14  }
0x396: {  	v6 =	vadd.f32 v6, v13;
	v24 =	vmul.f32 v59, v10;
	v23 =	vmul.f32 v23, v5  }
0x397: {  	v60 =	vadd.f32 v53, v12;
	v9 =	vadd.f32 v9, v21  }
0x398: {  	v62 =	vadd.f32 v18, v26;
	v32 =	vadd.f32 v23, v24  }
0x399: {  	v6 =	vadd.f32 v6, v61;
	v9 =	vadd.f32 v9, v56  }
0x39a: {  	v22 =	vadd.f32 v58, v62;
	v63 =	vadd.f32 v60, v32;
	_ =	sdelay $0x1  }
0x39b: {  	v6 =	vadd.f32 v6, v9;
	v22 =	vadd.f32 v22, v63  }
0x39c: {  	[tilespmem:s16+$0x40B0] =	vst.add.f32.msk $0xffff, v11  }
0x39d: {  	[tilespmem:s16+$0x41A0] =	vst.add.f32.msk $0xffff, v15;
	v6 =	vadd.f32 v6, v22  }
0x39e: {  	[tilespmem:s16+$0x4080] =	vst.add.f32.msk $0xffff, v10  }
0x39f: {  	[tilespmem:s16+$0x20F0] =	vst v16;
	v4 =	vadd.f32 v6, v4  }
0x3a0: {  	[tilespmem:s16+$0x41D0] =	vst.add.f32.msk $0xffff, v7  }
0x3a1: {  	[tilespmem:s16+$0x40C0] =	vst.add.f32.msk $0xffff, v14;
	v6 =	vperm.xlane v4, v0  }
0x3a2: {  	[tilespmem:s16+$0x2180] =	vst v25  }
0x3a3: {  	[tilespmem:s16+$0x4090] =	vst.add.f32.msk $0xffff, v5;
	v4 =	vadd.f32 v6, v4  }
0x3a4: {  	[tilespmem:s16+$0x20D0] =	vst v18  }
0x3a5: {  	[tilespmem:s16+$0x20B0] =	vst v53;
	v6 =	vperm.xlane v4, v1  }
0x3a6: {  	[tilespmem:s16+$0x20E0] =	vst v8  }
0x3a7: {  	[tilespmem:s16+$0x2190] =	vst v20;
	v4 =	vadd.f32 v6, v4  }
0x3a8: {  	[tilespmem:s16+$0x21C0] =	vst v17  }
0x3a9: {  	s15 =	sadd.s32 $0x1, s15;
	[tilespmem:s16+$0x21E0] =	vst v13;
	v5 =	vperm.xlane v4, v2  }
0x3aa: {  	p0 =	sne.s32 s15, $0x1E;
	[tilespmem:s16+$0x21D0] =	vst v19  }
.Ltmp10:
0x3ab: {  	[tilespmem:s16+$0x20A0] =	vst v12;
	v4 =	vadd.f32 v5, v4;
	(pc) =	sbr.rel @p0 .LBB2_20-.Ltmp10, $4  }
0x3ac: {  	[tilespmem:s16+$0x21A0] =	vst v21  }
0x3ad: {  	[tilespmem:s16+$0x20C0] =	vst v26;
	v5 =	vperm.xlane v4, v3  }
0x3ae: {  	[tilespmem:s16+$0x2080] =	vst v24  }
0x3af: {  	[tilespmem:s16+$0x2090] =	vst v23;
	v4 =	vadd.f32 v5, v4  }
0x3b0: {  	_ = 	snop  }
0x3b1: {  	(erf) = vrcp.f32 v4;
	_ =	sdelay $0x8  }
0x3b2: {  	s15 =	simm.s32 $0x0;
	s16 =	simm.s32 $0x800;
	v4 =	vpop (erf)  }
.LBB2_24:
0x3b3: {  	p0 =	sne.s32 s16, $0x7800;
	v5 =	vld [tilespmem:s15+$0x21F0]  }
0x3b4: {  	v6 =	vld [tilespmem:s15+$0x2080]  }
0x3b5: {  	v7 =	vld [tilespmem:s15+$0x2090]  }
0x3b6: {  	v8 =	vld [tilespmem:s15+$0x20A0]  }
0x3b7: {  	v9 =	vld [tilespmem:s15+$0x20B0]  }
0x3b8: {  	v10 =	vld [tilespmem:s15+$0x20C0];
	v5 =	vmul.f32 v5, v4  }
0x3b9: {  	v6 =	vmul.f32 v6, v4;
	v11 =	vld [tilespmem:s15+$0x20D0]  }
0x3ba: {  	v7 =	vmul.f32 v7, v4;
	[tilespmem:s15+$0x41F0] =	vst.add.f32.msk $0xffff, v5  }
0x3bb: {  	v5 =	vmul.f32 v8, v4;
	v8 =	vld [tilespmem:s15+$0x20E0]  }
0x3bc: {  	v9 =	vmul.f32 v9, v4;
	v12 =	vld [tilespmem:s15+$0x20F0]  }
0x3bd: {  	v10 =	vmul.f32 v10, v4;
	v13 =	vld [tilespmem:s15+$0x2180]  }
0x3be: {  	v11 =	vmul.f32 v11, v4;
	v14 =	vld [tilespmem:s15+$0x2190]  }
0x3bf: {  	v15 =	vld [tilespmem:s15+$0x21A0]  }
0x3c0: {  	v8 =	vmul.f32 v8, v4;
	v16 =	vld [tilespmem:s15+$0x21B0]  }
0x3c1: {  	v12 =	vmul.f32 v12, v4;
	v17 =	vld [tilespmem:s15+$0x21C0]  }
0x3c2: {  	v13 =	vmul.f32 v13, v4;
	v18 =	vld [tilespmem:s15+$0x21D0]  }
0x3c3: {  	v14 =	vmul.f32 v14, v4;
	v19 =	vld [tilespmem:s15+$0x21E0]  }
0x3c4: {  	[tilespmem:s15+$0x4080] =	vst.add.f32.msk $0xffff, v6;
	v6 =	vmul.f32 v15, v4  }
0x3c5: {  	[tilespmem:s15+$0x4090] =	vst.add.f32.msk $0xffff, v7;
	v7 =	vmul.f32 v16, v4  }
0x3c6: {  	[tilespmem:s15+$0x40A0] =	vst.add.f32.msk $0xffff, v5;
	v5 =	vmul.f32 v17, v4  }
0x3c7: {  	[tilespmem:s15+$0x40B0] =	vst.add.f32.msk $0xffff, v9;
	v9 =	vmul.f32 v18, v4  }
0x3c8: {  	[tilespmem:s15+$0x40C0] =	vst.add.f32.msk $0xffff, v10;
	v10 =	vmul.f32 v19, v4  }
0x3c9: {  	[tilespmem:s15+$0x40D0] =	vst.add.f32.msk $0xffff, v11  }
0x3ca: {  	[tilespmem:s15+$0x40E0] =	vst.add.f32.msk $0xffff, v8  }
0x3cb: {  	[tilespmem:s15+$0x40F0] =	vst.add.f32.msk $0xffff, v12  }
0x3cc: {  	[tilespmem:s15+$0x4180] =	vst.add.f32.msk $0xffff, v13  }
0x3cd: {  	[tilespmem:s15+$0x4190] =	vst.add.f32.msk $0xffff, v14  }
.Ltmp11:
0x3ce: {  	[tilespmem:s15+$0x41A0] =	vst.add.f32.msk $0xffff, v6;
	(pc) =	sbr.rel @p0 .LBB2_24-.Ltmp11, $4  }
0x3cf: {  	[tilespmem:s15+$0x41B0] =	vst.add.f32.msk $0xffff, v7  }
0x3d0: {  	[tilespmem:s15+$0x41C0] =	vst.add.f32.msk $0xffff, v5  }
0x3d1: {  	[tilespmem:s15+$0x41D0] =	vst.add.f32.msk $0xffff, v9  }
0x3d2: {  	[tilespmem:s15+$0x41E0] =	vst.add.f32.msk $0xffff, v10;
	s15 =	sshra.s32 s16, $0x2;
	s16 =	sadd.s32 $0x800, s16  }
0x3d3: {  	v5 =	vld [tilespmem:s15+$0x21F0]  }
0x3d4: {  	v6 =	vld [tilespmem:s15+$0x2080]  }
0x3d5: {  	v7 =	vld [tilespmem:s15+$0x2090]  }
0x3d6: {  	v8 =	vld [tilespmem:s15+$0x20A0]  }
0x3d7: {  	v9 =	vld [tilespmem:s15+$0x20B0]  }
0x3d8: {  	v10 =	vld [tilespmem:s15+$0x20C0]  }
0x3d9: {  	v11 =	vld [tilespmem:s15+$0x20D0]  }
0x3da: {  	v12 =	vld [tilespmem:s15+$0x20F0]  }
0x3db: {  	v13 =	vld [tilespmem:s15+$0x2180]  }
0x3dc: {  	v14 =	vld [tilespmem:s15+$0x2190]  }
0x3dd: {  	v15 =	vld [tilespmem:s15+$0x21A0]  }
0x3de: {  	v16 =	vld [tilespmem:s15+$0x21B0]  }
0x3df: {  	v17 =	vld [tilespmem:s15+$0x21C0]  }
0x3e0: {  	v18 =	vld [tilespmem:s15+$0x21D0];
	v5 =	vmul.f32 v5, v4  }
0x3e1: {  	v19 =	vld [tilespmem:s15+$0x21E0]  }
0x3e2: {  	v6 =	vmul.f32 v6, v4;
	[tilespmem:s15+$0x41F0] =	vst.add.f32.msk $0xffff, v5  }
0x3e3: {  	v7 =	vmul.f32 v7, v4;
	v5 =	vld [tilespmem:s15+$0x20E0]  }
0x3e4: {  	v8 =	vmul.f32 v8, v4;
	[tilespmem:s15+$0x4080] =	vst.add.f32.msk $0xffff, v6  }
0x3e5: {  	v56 =	vmul.f32 v9, v4;
	[tilespmem:s15+$0x4090] =	vst.add.f32.msk $0xffff, v7  }
0x3e6: {  	v57 =	vmul.f32 v10, v4;
	[tilespmem:s15+$0x40A0] =	vst.add.f32.msk $0xffff, v8  }
0x3e7: {  	v58 =	vmul.f32 v11, v4;
	[tilespmem:s15+$0x40B0] =	vst.add.f32.msk $0xffff, v56  }
0x3e8: {  	v59 =	vmul.f32 v12, v4;
	[tilespmem:s15+$0x40C0] =	vst.add.f32.msk $0xffff, v57  }
0x3e9: {  	v60 =	vmul.f32 v13, v4;
	[tilespmem:s15+$0x40D0] =	vst.add.f32.msk $0xffff, v58  }
0x3ea: {  	v61 =	vmul.f32 v15, v4;
	[tilespmem:s15+$0x40F0] =	vst.add.f32.msk $0xffff, v59  }
0x3eb: {  	[tilespmem:s15+$0x4180] =	vst.add.f32.msk $0xffff, v60;
	v5 =	vmul.f32 v5, v4  }
0x3ec: {  	v62 =	vmul.f32 v16, v4;
	[tilespmem:s15+$0x41A0] =	vst.add.f32.msk $0xffff, v61  }
0x3ed: {  	[tilespmem:s15+$0x40E0] =	vst.add.f32.msk $0xffff, v5;
	v5 =	vmul.f32 v14, v4  }
0x3ee: {  	v63 =	vmul.f32 v18, v4;
	[tilespmem:s15+$0x41B0] =	vst.add.f32.msk $0xffff, v62  }
0x3ef: {  	[tilespmem:s15+$0x4190] =	vst.add.f32.msk $0xffff, v5;
	v5 =	vmul.f32 v17, v4  }
0x3f0: {  	s14 =	sadd.s32 $0x1, s14;
	[tilespmem:s15+$0x41D0] =	vst.add.f32.msk $0xffff, v63;
	v4 =	vmul.f32 v19, v4  }
0x3f1: {  	p0 =	sne.s32 s14, s6;
	[tilespmem:s15+$0x41C0] =	vst.add.f32.msk $0xffff, v5  }
.Ltmp12:
0x3f2: {  	[tilespmem:s15+$0x41E0] =	vst.add.f32.msk $0xffff, v4;
	(pc) =	sbr.rel @p0 .LBB2_1-.Ltmp12, $4  }
0x3f3: {  	[hbm4b:s5+s7] =	stream.strided.scatter [tilespmem:s12], [sflag:$0x3], $0x2000, s8, s7, $0x38;
	[tilespmem:$0x6000] =	vst v63  }
0x3f4: {  	_ =	swait.ge [sflag:s13], $0x2000  }
0x3f5: {  	[sflag:s13] =	ssyncset.done $0x0  }
0x3f6: {  	[sflag:s13] =	ssyncadd.s32 $0xFFFFE000  }
0x3f7: {  	_ =	sfence.sel $0x180000  }
0x3f8: {  	[bflag:$0x0] =	sbarrier.arrive $0xFFFF  }
0x3f9: {  	p0 =	sne.s32 s1, $0x0;
	_ =	strace $0x90000047  }
0x3fa: {  	s0 =	sadd.s32 @!p0 $0x100000, s2;
	[bflag:$0x2] =	sbarrier.arrive $0xFFFF  }
0x3fb: {  	[sflag:s0] =	ssyncadd.tile.s32 @!p0 $0x1;
	_ =	shalt  }
.Lfunc_end2:
_tile_overlayer_lowered:
.L_overlay_start_2:
0x3fc: {  	(tag) =	ssettag $0x2  }
0x3fd: {  	s0 =	rddreg [dreg:$0x0];
	s2 =	stileid.u32  }
0x3fe: {  	s1 =	rddreg [dreg:$0x1];
	p0 =	sne.s32 s2, $0x0  }
0x3ff: {  	s3 =	rddreg [dreg:$0x2];
	[bflag:$0x3] =	sbarrier.arrive $0xFFFF;
	s2 =	simm.s32 @!p0 $0x1C03  }
0x400: {  	[timem:s3], [sflag:s2] =	dma.local @!p0 [hbm:s0], s1  }
0x401: {  	s0 =	simm.s32 @!p0 $0x3  }
0x402: {  	_ =	swait.ge @!p0 [sflag:s0], s1  }
0x403: {  	s1 =	ssub.s32 @!p0 $0x0, s1;
	[sflag:s0] =	ssyncset.done @!p0 $0x0  }
0x404: {  	[sflag:s0] =	ssyncadd.s32 @!p0 s1  }
0x405: {  	[bflag:$0x3] =	sbarrier.arrive $0xFFFF  }
0x406: {  	_ =	shalt  }

</sc_bundles>
